<compile_context>
chip_gen: v7x
topology: tpu7x:2x2x1
jax: 0.10.2.dev20260603
libtpu: 0.0.44.dev20260713+nightly
codegen_flags: <defaults>
</compile_context>

<pallas_src>
import jax
import jax.numpy as jnp
from jax import lax
from jax.experimental import pallas as pl
from jax.experimental.pallas import tpu as pltpu
from jax.experimental.pallas import tpu_sc as plsc

N_SPECIES = 4
ALPHA = 0.1
T = 2048
NW = 32
GC = 64
EC = 128


def _celu(x):
    return jnp.where(x > 0, x, ALPHA * (jnp.exp(x / ALPHA) - 1.0))


def _mlp_body(ts_ref, x_ref, w1, b1, w2, b2, w3, b3, w4, b4, out_ref):
    bf16 = jnp.bfloat16
    f32 = jnp.float32
    x = x_ref[...].astype(bf16)
    h = _celu((jnp.dot(x, w1[0], preferred_element_type=f32)
               + b1[0, 0]).astype(bf16))
    h = _celu((jnp.dot(h, w2[0], preferred_element_type=f32)
               + b2[0, 0]).astype(bf16))
    h = _celu((jnp.dot(h, w3[0], preferred_element_type=f32)
               + b3[0, 0]).astype(bf16))
    out_ref[...] = (jnp.dot(h, w4[0], preferred_element_type=f32)
                    + b4[0, 0])


def _sc_route_body(aev_hbm, pos_hbm, out_hbm,
                   idx0, idx1, idx2, idx3, rows0, rows1, rows2, rows3,
                   rsem0, rsem1, rsem2, rsem3, ssem0, ssem1, ssem2, ssem3):
    wid = lax.axis_index("s") * 2 + lax.axis_index("c")
    rows_pw = aev_hbm.shape[0] // NW
    base = wid * rows_pw
    bufs = ((idx0, rows0, rsem0, ssem0), (idx1, rows1, rsem1, ssem1),
            (idx2, rows2, rsem2, ssem2), (idx3, rows3, rsem3, ssem3))
    nb = len(bufs)
    nsteps = rows_pw // GC

    def start_read(j, iv, rv, rs):
        off = base + j * GC
        pltpu.async_copy(pos_hbm.at[pl.ds(off, GC)], iv, rs)
        pltpu.async_copy(aev_hbm.at[pl.ds(off, GC)], rv, rs)

    def wait_read(iv, rv, rs):
        pltpu.make_async_copy(pos_hbm.at[pl.ds(0, GC)], iv, rs).wait()
        pltpu.make_async_copy(aev_hbm.at[pl.ds(0, GC)], rv, rs).wait()

    def wait_scatter(iv, rv, ss):
        pltpu.make_async_copy(rv, out_hbm.at[iv], ss).wait()

    for k, (iv, rv, rs, ss) in enumerate(bufs):
        start_read(k, iv, rv, rs)

    def group(jj, carry):
        for k, (iv, rv, rs, ss) in enumerate(bufs):
            j = jj * nb + k
            wait_read(iv, rv, rs)
            pltpu.async_copy(rv, out_hbm.at[iv], ss)
            ivp, rvp, rsp, ssp = bufs[(k + 2) % nb]

            @pl.when(jnp.logical_and(j >= 2, j + 2 < nsteps))
            def _():
                wait_scatter(ivp, rvp, ssp)
                start_read(j + 2, ivp, rvp, rsp)

        return carry

    lax.fori_loop(0, nsteps // nb, group, 0)
    for iv, rv, rs, ss in bufs:
        wait_scatter(iv, rv, ss)


def _rowsum_body(x_ref, out_ref):
    out_ref[...] = jnp.sum(x_ref[...], axis=1, keepdims=True)


def _sc_combine_body(e_hbm, pos_hbm, out_hbm,
                     idx0, idx1, e0, e1, mol_v, sem0, sem1):
    wid = lax.axis_index("s") * 2 + lax.axis_index("c")
    mols_pw = out_hbm.shape[0] // NW
    atoms_per_mol = 64
    apw = mols_pw * atoms_per_mol
    base = wid * apw
    mpc = EC // atoms_per_mol
    nchunks = apw // EC
    bufs = ((idx0, e0, sem0), (idx1, e1, sem1))

    def start_gather(j):
        iv, ev, sm = bufs[j % 2]
        pltpu.sync_copy(pos_hbm.at[pl.ds(base + j * EC, EC)], iv)
        pltpu.async_copy(e_hbm.at[iv], ev, sm)

    start_gather(0)
    for j in range(nchunks):
        iv, ev, sm = bufs[j % 2]
        if j + 1 < nchunks:
            start_gather(j + 1)
        pltpu.make_async_copy(e_hbm.at[iv], ev, sm).wait()
        for m in range(mpc):
            mol_v[j * mpc + m, :] = (
                ev[pl.ds(m * 64, 16)] + ev[pl.ds(m * 64 + 16, 16)]
                + ev[pl.ds(m * 64 + 32, 16)] + ev[pl.ds(m * 64 + 48, 16)])
    pltpu.sync_copy(mol_v, out_hbm.at[pl.ds(wid * mols_pw, mols_pw)])


def kernel(species, aev, params):
    b, a = species.shape
    aev_dim = aev.shape[-1]
    n = b * a
    nt = n // T + N_SPECIES
    big_l = nt * T

    bf16 = jnp.bfloat16
    w1 = jnp.stack([params[s][0][0] for s in range(N_SPECIES)]).astype(bf16)
    b1 = jnp.stack([params[s][0][1] for s in range(N_SPECIES)])[:, None, :]
    w2 = jnp.stack([params[s][1][0] for s in range(N_SPECIES)]).astype(bf16)
    b2 = jnp.stack([params[s][1][1] for s in range(N_SPECIES)])[:, None, :]
    w3 = jnp.stack([params[s][2][0] for s in range(N_SPECIES)]).astype(bf16)
    b3 = jnp.stack([params[s][2][1] for s in range(N_SPECIES)])[:, None, :]
    w4 = jnp.stack([params[s][3][0] for s in range(N_SPECIES)]).astype(bf16)
    b4 = jnp.stack([params[s][3][1] for s in range(N_SPECIES)])[:, :, None]

    sp_flat = species.reshape(-1).astype(jnp.int32)
    oh_t = (sp_flat[None, :] == jnp.arange(N_SPECIES, dtype=jnp.int32)[:, None])
    csum_t = jnp.cumsum(oh_t.astype(jnp.int32), axis=1)
    counts = csum_t[:, -1]
    segp = ((counts + T - 1) // T) * T
    p = jnp.concatenate([jnp.zeros((1,), jnp.int32), jnp.cumsum(segp)])
    pos = -1 + sum(
        jnp.where(sp_flat == s, csum_t[s] + p[s], 0) for s in range(N_SPECIES))
    tile_start = jnp.arange(nt, dtype=jnp.int32) * T
    tile_sp = jnp.minimum(
        jnp.sum((tile_start[:, None] >= p[None, 1:]).astype(jnp.int32), axis=1),
        N_SPECIES - 1)

    x2 = aev.reshape(n, aev_dim)

    x_sorted = pl.kernel(
        _sc_route_body,
        out_type=jax.ShapeDtypeStruct((big_l, aev_dim), jnp.float32),
        mesh=plsc.VectorSubcoreMesh(core_axis_name="c", subcore_axis_name="s", num_cores=2, num_subcores=16),
        scratch_types=(
            [pltpu.VMEM((GC,), jnp.int32)] * 4
            + [pltpu.VMEM((GC, aev_dim), jnp.float32)] * 4
            + [pltpu.SemaphoreType.DMA] * 8
        ),
    )(x2, pos)

    f1, f2, f3 = w1.shape[2], w2.shape[2], w3.shape[2]
    grid_spec = pltpu.PrefetchScalarGridSpec(
        num_scalar_prefetch=1,
        grid=(nt,),
        in_specs=[
            pl.BlockSpec((T, aev_dim), lambda i, ts: (i, 0)),
            pl.BlockSpec((1, aev_dim, f1), lambda i, ts: (ts[i], 0, 0)),
            pl.BlockSpec((1, 1, f1), lambda i, ts: (ts[i], 0, 0)),
            pl.BlockSpec((1, f1, f2), lambda i, ts: (ts[i], 0, 0)),
            pl.BlockSpec((1, 1, f2), lambda i, ts: (ts[i], 0, 0)),
            pl.BlockSpec((1, f2, f3), lambda i, ts: (ts[i], 0, 0)),
            pl.BlockSpec((1, 1, f3), lambda i, ts: (ts[i], 0, 0)),
            pl.BlockSpec((1, f3, 1), lambda i, ts: (ts[i], 0, 0)),
            pl.BlockSpec((1, 1, 1), lambda i, ts: (ts[i], 0, 0)),
        ],
        out_specs=pl.BlockSpec((T, 1), lambda i, ts: (i, 0)),
    )
    e_pad = pl.pallas_call(
        _mlp_body,
        grid_spec=grid_spec,
        out_shape=jax.ShapeDtypeStruct((big_l, 1), jnp.float32),
    )(tile_sp, x_sorted, w1, b1, w2, b2, w3, b3, w4, b4)

    mol_part = pl.kernel(
        _sc_combine_body,
        out_type=jax.ShapeDtypeStruct((b, 16), jnp.float32),
        mesh=plsc.VectorSubcoreMesh(core_axis_name="c", subcore_axis_name="s", num_cores=2, num_subcores=16),
        scratch_types=[
            pltpu.VMEM((EC,), jnp.int32),
            pltpu.VMEM((EC,), jnp.int32),
            pltpu.VMEM((EC,), jnp.float32),
            pltpu.VMEM((EC,), jnp.float32),
            pltpu.VMEM((b // NW, 16), jnp.float32),
            pltpu.SemaphoreType.DMA,
            pltpu.SemaphoreType.DMA,
        ],
    )(e_pad.reshape(big_l), pos)

    energies = pl.pallas_call(
        _rowsum_body,
        grid=(1,),
        in_specs=[pl.BlockSpec((b, 16), lambda i: (0, 0))],
        out_specs=pl.BlockSpec((b, 1), lambda i: (0, 0)),
        out_shape=jax.ShapeDtypeStruct((b, 1), jnp.float32),
    )(mol_part)

    return (species, energies.reshape(b))

# --- scband reference (transcript-rebuilt; emitter-appended) ---
"""Pipeline reference for scband-atomic-ensemble-33981781246533 (READ-ONLY COPY).

The authoritative reference and input builder live on the scoring server;
editing this copy changes nothing except your own understanding.
"""

import jax, jax.numpy as jnp
import numpy as np

B = 2048          # molecules
A = 64            # padded atoms per molecule
AEV = 384         # AEV feature dim (ANI-1x)
N_SPECIES = 4     # H, C, N, O
FEATURES = [256, 192, 160, 1]


def _mlp(x, params):
    # AtomicMLP: Dense layers with CELU(alpha=0.1) between all but the last
    n = len(params)
    for i, (W, b) in enumerate(params):
        x = x @ W + b
        if i != n - 1:
            x = jax.nn.celu(x, alpha=0.1)
    return x


def setup_inputs(seed: int = 0) -> dict:
    key = jax.random.key(seed)
    k_sp, k_aev, k_w = jax.random.split(key, 3)
    species = jax.random.randint(k_sp, (B, A), 0, N_SPECIES)
    aev = jax.random.normal(k_aev, (B, A, AEV), dtype=jnp.float32)
    dims = [AEV] + FEATURES
    params = []
    for s in range(N_SPECIES):
        layers = []
        for li in range(len(dims) - 1):
            kk = jax.random.fold_in(k_w, s * 100 + li)
            kw, kb = jax.random.split(kk)
            fan_in = dims[li]
            W = jax.random.normal(kw, (dims[li], dims[li + 1]), dtype=jnp.float32) / np.sqrt(fan_in)
            bvec = jax.random.normal(kb, (dims[li + 1],), dtype=jnp.float32) * 0.01
            layers.append((W, bvec))
        params.append(layers)
    return {"species": species, "aev": aev, "params": params}


def reference(species, aev, params):
    # AtomicEnsemble.__call__((species, aev))
    assert species.shape == aev.shape[:-1]
    species_ = species.reshape(-1)                      # flatten
    aev_flat = aev.reshape(-1, aev.shape[-1])           # jax_flatten(aev, 0, 1)
    output = jnp.zeros(species_.shape, dtype=aev_flat.dtype)
    for i, p in enumerate(params):
        mask = species_ == i
        vals = _mlp(aev_flat, p).reshape(-1)
        output = jnp.where(mask, vals, output)
    atomic_energies = output.reshape(species.shape)
    energies = jnp.sum(atomic_energies, axis=1)
    return (species, energies)                          # SpeciesEnergies

if __name__ == "__main__":
    import jax
    _d = setup_inputs()
    print(jax.jit(kernel)(*tuple(_d.values())))

</pallas_src>

<mosaic_0001>
#map = affine_map<(d0, d1) -> (0)>
#map1 = affine_map<(d0, d1) -> (0, 0)>
module attributes {stable_mosaic.version = 14 : i64} {
  func.func @_sc_combine_body(%arg0: i32, %arg1: i32, %arg2: memref<139264xf32, #tpu.memory_space<hbm>>, %arg3: memref<131072xi32, #tpu.memory_space<hbm>>, %arg4: memref<2048x16xf32, #tpu.memory_space<hbm>>, %arg5: memref<128xi32, #tpu.memory_space<vmem>>, %arg6: memref<128xi32, #tpu.memory_space<vmem>>, %arg7: memref<128xf32, #tpu.memory_space<vmem>>, %arg8: memref<128xf32, #tpu.memory_space<vmem>>, %arg9: memref<64x16xf32, #tpu.memory_space<vmem>>, %arg10: memref<!tpu.dma_semaphore, #tpu.memory_space<semaphore_mem>>, %arg11: memref<!tpu.dma_semaphore, #tpu.memory_space<semaphore_mem>>) attributes {dimension_semantics = [#tpu.dimension_semantics<core_parallel>, #tpu.dimension_semantics<subcore_parallel>], iteration_bounds = array<i64: 2, 16>, scalar_prefetch = 0 : i64, scratch_operands = 7 : i64, tpu.core_type = #tpu.core_type<sc_vector_subcore>, window_params = [{transform_indices = #map}, {transform_indices = #map}, {transform_indices = #map1}]} {
    %mul3A = arith.constant 2 : i32
    %mul3A_0 = arith.muli %arg1, %mul3A : i32
    %add3A = arith.addi %mul3A_0, %arg0 : i32
    %mul3A_1 = arith.constant 4096 : i32
    %mul3A_2 = arith.muli %add3A, %mul3A_1 : i32
    %add3A_3 = arith.constant 0 : i32
    %add3A_4 = arith.addi %mul3A_2, %add3A_3 : i32
    "tpu.region"() ({
      %run_scoped3A = tpu.sem_alloc : memref<!tpu.dma_semaphore, #tpu.memory_space<semaphore_mem>>
      %dma_start3A_1537 = tpu.memref_slice %arg3[%add3A_4] : memref<131072xi32, #tpu.memory_space<hbm>> -> memref<128xi32, #tpu.memory_space<hbm>>
      %dma_start3A_1538 = tpu.memref_slice %arg3[%add3A_4] : memref<131072xi32, #tpu.memory_space<hbm>> -> memref<128xi32, #tpu.memory_space<hbm>>
      tpu.enqueue_dma source(%dma_start3A_1538 : memref<128xi32, #tpu.memory_space<hbm>>) target(%arg5 : memref<128xi32, #tpu.memory_space<vmem>>) target_semaphore(%run_scoped3A : memref<!tpu.dma_semaphore, #tpu.memory_space<semaphore_mem>>)
      %dma_wait3A_1539 = tpu.memref_slice %arg3[%add3A_4] : memref<131072xi32, #tpu.memory_space<hbm>> -> memref<128xi32, #tpu.memory_space<hbm>>
      %dma_wait3A_1540 = tpu.memref_slice %arg3[%add3A_4] : memref<131072xi32, #tpu.memory_space<hbm>> -> memref<128xi32, #tpu.memory_space<hbm>>
      tpu.wait_dma2 semaphore(%run_scoped3A : memref<!tpu.dma_semaphore, #tpu.memory_space<semaphore_mem>>) src(%dma_wait3A_1540 : memref<128xi32, #tpu.memory_space<hbm>>) dst(%arg5 : memref<128xi32, #tpu.memory_space<vmem>>)
      tpu.yield
    }) : () -> ()
    %dma_start3A = arith.constant 0 : i32
    %dma_start3A_5 = tpu.memref_slice %arg2[%dma_start3A] : memref<139264xf32, #tpu.memory_space<hbm>> -> memref<139264xf32, #tpu.memory_space<hbm>>
    tpu.enqueue_indirect_dma source(%dma_start3A_5 : memref<139264xf32, #tpu.memory_space<hbm>>) target(%arg7 : memref<128xf32, #tpu.memory_space<vmem>>) offsets(%arg5 : memref<128xi32, #tpu.memory_space<vmem>>) semaphore(%arg10 : memref<!tpu.dma_semaphore, #tpu.memory_space<semaphore_mem>>)
    %add3A_6 = arith.constant 128 : i32
    %add3A_7 = arith.addi %mul3A_2, %add3A_6 : i32
    "tpu.region"() ({
      %run_scoped3A = tpu.sem_alloc : memref<!tpu.dma_semaphore, #tpu.memory_space<semaphore_mem>>
      %dma_start3A_1537 = tpu.memref_slice %arg3[%add3A_7] : memref<131072xi32, #tpu.memory_space<hbm>> -> memref<128xi32, #tpu.memory_space<hbm>>
      %dma_start3A_1538 = tpu.memref_slice %arg3[%add3A_7] : memref<131072xi32, #tpu.memory_space<hbm>> -> memref<128xi32, #tpu.memory_space<hbm>>
      tpu.enqueue_dma source(%dma_start3A_1538 : memref<128xi32, #tpu.memory_space<hbm>>) target(%arg6 : memref<128xi32, #tpu.memory_space<vmem>>) target_semaphore(%run_scoped3A : memref<!tpu.dma_semaphore, #tpu.memory_space<semaphore_mem>>)
      %dma_wait3A_1539 = tpu.memref_slice %arg3[%add3A_7] : memref<131072xi32, #tpu.memory_space<hbm>> -> memref<128xi32, #tpu.memory_space<hbm>>
      %dma_wait3A_1540 = tpu.memref_slice %arg3[%add3A_7] : memref<131072xi32, #tpu.memory_space<hbm>> -> memref<128xi32, #tpu.memory_space<hbm>>
      tpu.wait_dma2 semaphore(%run_scoped3A : memref<!tpu.dma_semaphore, #tpu.memory_space<semaphore_mem>>) src(%dma_wait3A_1540 : memref<128xi32, #tpu.memory_space<hbm>>) dst(%arg6 : memref<128xi32, #tpu.memory_space<vmem>>)
      tpu.yield
    }) : () -> ()
    %dma_start3A_8 = arith.constant 0 : i32
    %dma_start3A_9 = tpu.memref_slice %arg2[%dma_start3A_8] : memref<139264xf32, #tpu.memory_space<hbm>> -> memref<139264xf32, #tpu.memory_space<hbm>>
    tpu.enqueue_indirect_dma source(%dma_start3A_9 : memref<139264xf32, #tpu.memory_space<hbm>>) target(%arg8 : memref<128xf32, #tpu.memory_space<vmem>>) offsets(%arg6 : memref<128xi32, #tpu.memory_space<vmem>>) semaphore(%arg11 : memref<!tpu.dma_semaphore, #tpu.memory_space<semaphore_mem>>)
    %dma_wait3A = arith.constant 0 : i32
    %dma_wait3A_10 = tpu.memref_slice %arg2[%dma_wait3A] : memref<139264xf32, #tpu.memory_space<hbm>> -> memref<139264xf32, #tpu.memory_space<hbm>>
    tpu.wait_indirect_dma semaphore(%arg10 : memref<!tpu.dma_semaphore, #tpu.memory_space<semaphore_mem>>) src(%dma_wait3A_10 : memref<139264xf32, #tpu.memory_space<hbm>>) dst(%arg7 : memref<128xf32, #tpu.memory_space<vmem>>)
    %get3A = arith.constant 0 : index
    %get3A_11 = tpu.vector_load %arg7[%get3A] {strides = array<i32>} : memref<128xf32, #tpu.memory_space<vmem>>, vector<16xf32>,
    %get3A_12 = vector.shape_cast %get3A_11 : vector<16xf32> to vector<16xf32>
    %get3A_13 = arith.constant 16 : index
    %get3A_14 = tpu.vector_load %arg7[%get3A_13] {strides = array<i32>} : memref<128xf32, #tpu.memory_space<vmem>>, vector<16xf32>,
    %get3A_15 = vector.shape_cast %get3A_14 : vector<16xf32> to vector<16xf32>
    %add3A_16 = arith.addf %get3A_12, %get3A_15 : vector<16xf32>
    %get3A_17 = arith.constant 32 : index
    %get3A_18 = tpu.vector_load %arg7[%get3A_17] {strides = array<i32>} : memref<128xf32, #tpu.memory_space<vmem>>, vector<16xf32>,
    %get3A_19 = vector.shape_cast %get3A_18 : vector<16xf32> to vector<16xf32>
    %add3A_20 = arith.addf %add3A_16, %get3A_19 : vector<16xf32>
    %get3A_21 = arith.constant 48 : index
    %get3A_22 = tpu.vector_load %arg7[%get3A_21] {strides = array<i32>} : memref<128xf32, #tpu.memory_space<vmem>>, vector<16xf32>,
    %get3A_23 = vector.shape_cast %get3A_22 : vector<16xf32> to vector<16xf32>
    %add3A_24 = arith.addf %add3A_20, %get3A_23 : vector<16xf32>
    %swap3A = arith.constant 0 : i32
    %swap3A_25 = arith.index_cast %swap3A : i32 to index
    %swap3A_26 = arith.constant 0 : index
    %swap3A_27 = tpu.vector_load %arg9[%swap3A_25, %swap3A_26] {strides = array<i32>} : memref<64x16xf32, #tpu.memory_space<vmem>>, vector<1x16xf32>,
    %swap3A_28 = vector.shape_cast %swap3A_27 : vector<1x16xf32> to vector<16xf32>
    %swap3A_29 = vector.shape_cast %add3A_24 : vector<16xf32> to vector<1x16xf32>
    tpu.vector_store %arg9[%swap3A_25, %swap3A_26], %swap3A_29 {strides = array<i32>} : memref<64x16xf32, #tpu.memory_space<vmem>>, vector<1x16xf32>,
    %get3A_30 = arith.constant 64 : index
    %get3A_31 = tpu.vector_load %arg7[%get3A_30] {strides = array<i32>} : memref<128xf32, #tpu.memory_space<vmem>>, vector<16xf32>,
    %get3A_32 = vector.shape_cast %get3A_31 : vector<16xf32> to vector<16xf32>
    %get3A_33 = arith.constant 80 : index
    %get3A_34 = tpu.vector_load %arg7[%get3A_33] {strides = array<i32>} : memref<128xf32, #tpu.memory_space<vmem>>, vector<16xf32>,
    %get3A_35 = vector.shape_cast %get3A_34 : vector<16xf32> to vector<16xf32>
    %add3A_36 = arith.addf %get3A_32, %get3A_35 : vector<16xf32>
    %get3A_37 = arith.constant 96 : index
    %get3A_38 = tpu.vector_load %arg7[%get3A_37] {strides = array<i32>} : memref<128xf32, #tpu.memory_space<vmem>>, vector<16xf32>,
    %get3A_39 = vector.shape_cast %get3A_38 : vector<16xf32> to vector<16xf32>
    %add3A_40 = arith.addf %add3A_36, %get3A_39 : vector<16xf32>
    %get3A_41 = arith.constant 112 : index
    %get3A_42 = tpu.vector_load %arg7[%get3A_41] {strides = array<i32>} : memref<128xf32, #tpu.memory_space<vmem>>, vector<16xf32>,
    %get3A_43 = vector.shape_cast %get3A_42 : vector<16xf32> to vector<16xf32>
    %add3A_44 = arith.addf %add3A_40, %get3A_43 : vector<16xf32>
    %swap3A_45 = arith.constant 1 : i32
    %swap3A_46 = arith.index_cast %swap3A_45 : i32 to index
    %swap3A_47 = arith.constant 0 : index
    %swap3A_48 = tpu.vector_load %arg9[%swap3A_46, %swap3A_47] {strides = array<i32>} : memref<64x16xf32, #tpu.memory_space<vmem>>, vector<1x16xf32>,
    %swap3A_49 = vector.shape_cast %swap3A_48 : vector<1x16xf32> to vector<16xf32>
    %swap3A_50 = vector.shape_cast %add3A_44 : vector<16xf32> to vector<1x16xf32>
    tpu.vector_store %arg9[%swap3A_46, %swap3A_47], %swap3A_50 {strides = array<i32>} : memref<64x16xf32, #tpu.memory_space<vmem>>, vector<1x16xf32>,
    %add3A_51 = arith.constant 256 : i32
    %add3A_52 = arith.addi %mul3A_2, %add3A_51 : i32
    "tpu.region"() ({
      %run_scoped3A = tpu.sem_alloc : memref<!tpu.dma_semaphore, #tpu.memory_space<semaphore_mem>>
      %dma_start3A_1537 = tpu.memref_slice %arg3[%add3A_52] : memref<131072xi32, #tpu.memory_space<hbm>> -> memref<128xi32, #tpu.memory_space<hbm>>
      %dma_start3A_1538 = tpu.memref_slice %arg3[%add3A_52] : memref<131072xi32, #tpu.memory_space<hbm>> -> memref<128xi32, #tpu.memory_space<hbm>>
      tpu.enqueue_dma source(%dma_start3A_1538 : memref<128xi32, #tpu.memory_space<hbm>>) target(%arg5 : memref<128xi32, #tpu.memory_space<vmem>>) target_semaphore(%run_scoped3A : memref<!tpu.dma_semaphore, #tpu.memory_space<semaphore_mem>>)
      %dma_wait3A_1539 = tpu.memref_slice %arg3[%add3A_52] : memref<131072xi32, #tpu.memory_space<hbm>> -> memref<128xi32, #tpu.memory_space<hbm>>
      %dma_wait3A_1540 = tpu.memref_slice %arg3[%add3A_52] : memref<131072xi32, #tpu.memory_space<hbm>> -> memref<128xi32, #tpu.memory_space<hbm>>
      tpu.wait_dma2 semaphore(%run_scoped3A : memref<!tpu.dma_semaphore, #tpu.memory_space<semaphore_mem>>) src(%dma_wait3A_1540 : memref<128xi32, #tpu.memory_space<hbm>>) dst(%arg5 : memref<128xi32, #tpu.memory_space<vmem>>)
      tpu.yield
    }) : () -> ()
    %dma_start3A_53 = arith.constant 0 : i32
    %dma_start3A_54 = tpu.memref_slice %arg2[%dma_start3A_53] : memref<139264xf32, #tpu.memory_space<hbm>> -> memref<139264xf32, #tpu.memory_space<hbm>>
    tpu.enqueue_indirect_dma source(%dma_start3A_54 : memref<139264xf32, #tpu.memory_space<hbm>>) target(%arg7 : memref<128xf32, #tpu.memory_space<vmem>>) offsets(%arg5 : memref<128xi32, #tpu.memory_space<vmem>>) semaphore(%arg10 : memref<!tpu.dma_semaphore, #tpu.memory_space<semaphore_mem>>)
    %dma_wait3A_55 = arith.constant 0 : i32
    %dma_wait3A_56 = tpu.memref_slice %arg2[%dma_wait3A_55] : memref<139264xf32, #tpu.memory_space<hbm>> -> memref<139264xf32, #tpu.memory_space<hbm>>
    tpu.wait_indirect_dma semaphore(%arg11 : memref<!tpu.dma_semaphore, #tpu.memory_space<semaphore_mem>>) src(%dma_wait3A_56 : memref<139264xf32, #tpu.memory_space<hbm>>) dst(%arg8 : memref<128xf32, #tpu.memory_space<vmem>>)
    %get3A_57 = arith.constant 0 : index
    %get3A_58 = tpu.vector_load %arg8[%get3A_57] {strides = array<i32>} : memref<128xf32, #tpu.memory_space<vmem>>, vector<16xf32>,
    %get3A_59 = vector.shape_cast %get3A_58 : vector<16xf32> to vector<16xf32>
    %get3A_60 = arith.constant 16 : index
    %get3A_61 = tpu.vector_load %arg8[%get3A_60] {strides = array<i32>} : memref<128xf32, #tpu.memory_space<vmem>>, vector<16xf32>,
    %get3A_62 = vector.shape_cast %get3A_61 : vector<16xf32> to vector<16xf32>
    %add3A_63 = arith.addf %get3A_59, %get3A_62 : vector<16xf32>
    %get3A_64 = arith.constant 32 : index
    %get3A_65 = tpu.vector_load %arg8[%get3A_64] {strides = array<i32>} : memref<128xf32, #tpu.memory_space<vmem>>, vector<16xf32>,
    %get3A_66 = vector.shape_cast %get3A_65 : vector<16xf32> to vector<16xf32>
    %add3A_67 = arith.addf %add3A_63, %get3A_66 : vector<16xf32>
    %get3A_68 = arith.constant 48 : index
    %get3A_69 = tpu.vector_load %arg8[%get3A_68] {strides = array<i32>} : memref<128xf32, #tpu.memory_space<vmem>>, vector<16xf32>,
    %get3A_70 = vector.shape_cast %get3A_69 : vector<16xf32> to vector<16xf32>
    %add3A_71 = arith.addf %add3A_67, %get3A_70 : vector<16xf32>
    %swap3A_72 = arith.constant 2 : i32
    %swap3A_73 = arith.index_cast %swap3A_72 : i32 to index
    %swap3A_74 = arith.constant 0 : index
    %swap3A_75 = tpu.vector_load %arg9[%swap3A_73, %swap3A_74] {strides = array<i32>} : memref<64x16xf32, #tpu.memory_space<vmem>>, vector<1x16xf32>,
    %swap3A_76 = vector.shape_cast %swap3A_75 : vector<1x16xf32> to vector<16xf32>
    %swap3A_77 = vector.shape_cast %add3A_71 : vector<16xf32> to vector<1x16xf32>
    tpu.vector_store %arg9[%swap3A_73, %swap3A_74], %swap3A_77 {strides = array<i32>} : memref<64x16xf32, #tpu.memory_space<vmem>>, vector<1x16xf32>,
    %get3A_78 = arith.constant 64 : index
    %get3A_79 = tpu.vector_load %arg8[%get3A_78] {strides = array<i32>} : memref<128xf32, #tpu.memory_space<vmem>>, vector<16xf32>,
    %get3A_80 = vector.shape_cast %get3A_79 : vector<16xf32> to vector<16xf32>
    %get3A_81 = arith.constant 80 : index
    %get3A_82 = tpu.vector_load %arg8[%get3A_81] {strides = array<i32>} : memref<128xf32, #tpu.memory_space<vmem>>, vector<16xf32>,
    %get3A_83 = vector.shape_cast %get3A_82 : vector<16xf32> to vector<16xf32>
    %add3A_84 = arith.addf %get3A_80, %get3A_83 : vector<16xf32>
    %get3A_85 = arith.constant 96 : index
    %get3A_86 = tpu.vector_load %arg8[%get3A_85] {strides = array<i32>} : memref<128xf32, #tpu.memory_space<vmem>>, vector<16xf32>,
    %get3A_87 = vector.shape_cast %get3A_86 : vector<16xf32> to vector<16xf32>
    %add3A_88 = arith.addf %add3A_84, %get3A_87 : vector<16xf32>
    %get3A_89 = arith.constant 112 : index
    %get3A_90 = tpu.vector_load %arg8[%get3A_89] {strides = array<i32>} : memref<128xf32, #tpu.memory_space<vmem>>, vector<16xf32>,
    %get3A_91 = vector.shape_cast %get3A_90 : vector<16xf32> to vector<16xf32>
    %add3A_92 = arith.addf %add3A_88, %get3A_91 : vector<16xf32>
    %swap3A_93 = arith.constant 3 : i32
    %swap3A_94 = arith.index_cast %swap3A_93 : i32 to index
    %swap3A_95 = arith.constant 0 : index
    %swap3A_96 = tpu.vector_load %arg9[%swap3A_94, %swap3A_95] {strides = array<i32>} : memref<64x16xf32, #tpu.memory_space<vmem>>, vector<1x16xf32>,
    %swap3A_97 = vector.shape_cast %swap3A_96 : vector<1x16xf32> to vector<16xf32>
    %swap3A_98 = vector.shape_cast %add3A_92 : vector<16xf32> to vector<1x16xf32>
    tpu.vector_store %arg9[%swap3A_94, %swap3A_95], %swap3A_98 {strides = array<i32>} : memref<64x16xf32, #tpu.memory_space<vmem>>, vector<1x16xf32>,
    %add3A_99 = arith.constant 384 : i32
    %add3A_100 = arith.addi %mul3A_2, %add3A_99 : i32
    "tpu.region"() ({
      %run_scoped3A = tpu.sem_alloc : memref<!tpu.dma_semaphore, #tpu.memory_space<semaphore_mem>>
      %dma_start3A_1537 = tpu.memref_slice %arg3[%add3A_100] : memref<131072xi32, #tpu.memory_space<hbm>> -> memref<128xi32, #tpu.memory_space<hbm>>
      %dma_start3A_1538 = tpu.memref_slice %arg3[%add3A_100] : memref<131072xi32, #tpu.memory_space<hbm>> -> memref<128xi32, #tpu.memory_space<hbm>>
      tpu.enqueue_dma source(%dma_start3A_1538 : memref<128xi32, #tpu.memory_space<hbm>>) target(%arg6 : memref<128xi32, #tpu.memory_space<vmem>>) target_semaphore(%run_scoped3A : memref<!tpu.dma_semaphore, #tpu.memory_space<semaphore_mem>>)
      %dma_wait3A_1539 = tpu.memref_slice %arg3[%add3A_100] : memref<131072xi32, #tpu.memory_space<hbm>> -> memref<128xi32, #tpu.memory_space<hbm>>
      %dma_wait3A_1540 = tpu.memref_slice %arg3[%add3A_100] : memref<131072xi32, #tpu.memory_space<hbm>> -> memref<128xi32, #tpu.memory_space<hbm>>
      tpu.wait_dma2 semaphore(%run_scoped3A : memref<!tpu.dma_semaphore, #tpu.memory_space<semaphore_mem>>) src(%dma_wait3A_1540 : memref<128xi32, #tpu.memory_space<hbm>>) dst(%arg6 : memref<128xi32, #tpu.memory_space<vmem>>)
      tpu.yield
    }) : () -> ()
    %dma_start3A_101 = arith.constant 0 : i32
    %dma_start3A_102 = tpu.memref_slice %arg2[%dma_start3A_101] : memref<139264xf32, #tpu.memory_space<hbm>> -> memref<139264xf32, #tpu.memory_space<hbm>>
    tpu.enqueue_indirect_dma source(%dma_start3A_102 : memref<139264xf32, #tpu.memory_space<hbm>>) target(%arg8 : memref<128xf32, #tpu.memory_space<vmem>>) offsets(%arg6 : memref<128xi32, #tpu.memory_space<vmem>>) semaphore(%arg11 : memref<!tpu.dma_semaphore, #tpu.memory_space<semaphore_mem>>)
    %dma_wait3A_103 = arith.constant 0 : i32
    %dma_wait3A_104 = tpu.memref_slice %arg2[%dma_wait3A_103] : memref<139264xf32, #tpu.memory_space<hbm>> -> memref<139264xf32, #tpu.memory_space<hbm>>
    tpu.wait_indirect_dma semaphore(%arg10 : memref<!tpu.dma_semaphore, #tpu.memory_space<semaphore_mem>>) src(%dma_wait3A_104 : memref<139264xf32, #tpu.memory_space<hbm>>) dst(%arg7 : memref<128xf32, #tpu.memory_space<vmem>>)
    %get3A_105 = arith.constant 0 : index
    %get3A_106 = tpu.vector_load %arg7[%get3A_105] {strides = array<i32>} : memref<128xf32, #tpu.memory_space<vmem>>, vector<16xf32>,
    %get3A_107 = vector.shape_cast %get3A_106 : vector<16xf32> to vector<16xf32>
    %get3A_108 = arith.constant 16 : index
    %get3A_109 = tpu.vector_load %arg7[%get3A_108] {strides = array<i32>} : memref<128xf32, #tpu.memory_space<vmem>>, vector<16xf32>,
    %get3A_110 = vector.shape_cast %get3A_109 : vector<16xf32> to vector<16xf32>
    %add3A_111 = arith.addf %get3A_107, %get3A_110 : vector<16xf32>
    %get3A_112 = arith.constant 32 : index
    %get3A_113 = tpu.vector_load %arg7[%get3A_112] {strides = array<i32>} : memref<128xf32, #tpu.memory_space<vmem>>, vector<16xf32>,
    %get3A_114 = vector.shape_cast %get3A_113 : vector<16xf32> to vector<16xf32>
    %add3A_115 = arith.addf %add3A_111, %get3A_114 : vector<16xf32>
    %get3A_116 = arith.constant 48 : index
    %get3A_117 = tpu.vector_load %arg7[%get3A_116] {strides = array<i32>} : memref<128xf32, #tpu.memory_space<vmem>>, vector<16xf32>,
    %get3A_118 = vector.shape_cast %get3A_117 : vector<16xf32> to vector<16xf32>
    %add3A_119 = arith.addf %add3A_115, %get3A_118 : vector<16xf32>
    %swap3A_120 = arith.constant 4 : i32
    %swap3A_121 = arith.index_cast %swap3A_120 : i32 to index
    %swap3A_122 = arith.constant 0 : index
    %swap3A_123 = tpu.vector_load %arg9[%swap3A_121, %swap3A_122] {strides = array<i32>} : memref<64x16xf32, #tpu.memory_space<vmem>>, vector<1x16xf32>,
    %swap3A_124 = vector.shape_cast %swap3A_123 : vector<1x16xf32> to vector<16xf32>
    %swap3A_125 = vector.shape_cast %add3A_119 : vector<16xf32> to vector<1x16xf32>
    tpu.vector_store %arg9[%swap3A_121, %swap3A_122], %swap3A_125 {strides = array<i32>} : memref<64x16xf32, #tpu.memory_space<vmem>>, vector<1x16xf32>,
    %get3A_126 = arith.constant 64 : index
    %get3A_127 = tpu.vector_load %arg7[%get3A_126] {strides = array<i32>} : memref<128xf32, #tpu.memory_space<vmem>>, vector<16xf32>,
    %get3A_128 = vector.shape_cast %get3A_127 : vector<16xf32> to vector<16xf32>
    %get3A_129 = arith.constant 80 : index
    %get3A_130 = tpu.vector_load %arg7[%get3A_129] {strides = array<i32>} : memref<128xf32, #tpu.memory_space<vmem>>, vector<16xf32>,
    %get3A_131 = vector.shape_cast %get3A_130 : vector<16xf32> to vector<16xf32>
    %add3A_132 = arith.addf %get3A_128, %get3A_131 : vector<16xf32>
    %get3A_133 = arith.constant 96 : index
    %get3A_134 = tpu.vector_load %arg7[%get3A_133] {strides = array<i32>} : memref<128xf32, #tpu.memory_space<vmem>>, vector<16xf32>,
    %get3A_135 = vector.shape_cast %get3A_134 : vector<16xf32> to vector<16xf32>
    %add3A_136 = arith.addf %add3A_132, %get3A_135 : vector<16xf32>
    %get3A_137 = arith.constant 112 : index
    %get3A_138 = tpu.vector_load %arg7[%get3A_137] {strides = array<i32>} : memref<128xf32, #tpu.memory_space<vmem>>, vector<16xf32>,
    %get3A_139 = vector.shape_cast %get3A_138 : vector<16xf32> to vector<16xf32>
    %add3A_140 = arith.addf %add3A_136, %get3A_139 : vector<16xf32>
    %swap3A_141 = arith.constant 5 : i32
    %swap3A_142 = arith.index_cast %swap3A_141 : i32 to index
    %swap3A_143 = arith.constant 0 : index
    %swap3A_144 = tpu.vector_load %arg9[%swap3A_142, %swap3A_143] {strides = array<i32>} : memref<64x16xf32, #tpu.memory_space<vmem>>, vector<1x16xf32>,
    %swap3A_145 = vector.shape_cast %swap3A_144 : vector<1x16xf32> to vector<16xf32>
    %swap3A_146 = vector.shape_cast %add3A_140 : vector<16xf32> to vector<1x16xf32>
    tpu.vector_store %arg9[%swap3A_142, %swap3A_143], %swap3A_146 {strides = array<i32>} : memref<64x16xf32, #tpu.memory_space<vmem>>, vector<1x16xf32>,
    %add3A_147 = arith.constant 512 : i32
    %add3A_148 = arith.addi %mul3A_2, %add3A_147 : i32
    "tpu.region"() ({
      %run_scoped3A = tpu.sem_alloc : memref<!tpu.dma_semaphore, #tpu.memory_space<semaphore_mem>>
      %dma_start3A_1537 = tpu.memref_slice %arg3[%add3A_148] : memref<131072xi32, #tpu.memory_space<hbm>> -> memref<128xi32, #tpu.memory_space<hbm>>
      %dma_start3A_1538 = tpu.memref_slice %arg3[%add3A_148] : memref<131072xi32, #tpu.memory_space<hbm>> -> memref<128xi32, #tpu.memory_space<hbm>>
      tpu.enqueue_dma source(%dma_start3A_1538 : memref<128xi32, #tpu.memory_space<hbm>>) target(%arg5 : memref<128xi32, #tpu.memory_space<vmem>>) target_semaphore(%run_scoped3A : memref<!tpu.dma_semaphore, #tpu.memory_space<semaphore_mem>>)
      %dma_wait3A_1539 = tpu.memref_slice %arg3[%add3A_148] : memref<131072xi32, #tpu.memory_space<hbm>> -> memref<128xi32, #tpu.memory_space<hbm>>
      %dma_wait3A_1540 = tpu.memref_slice %arg3[%add3A_148] : memref<131072xi32, #tpu.memory_space<hbm>> -> memref<128xi32, #tpu.memory_space<hbm>>
      tpu.wait_dma2 semaphore(%run_scoped3A : memref<!tpu.dma_semaphore, #tpu.memory_space<semaphore_mem>>) src(%dma_wait3A_1540 : memref<128xi32, #tpu.memory_space<hbm>>) dst(%arg5 : memref<128xi32, #tpu.memory_space<vmem>>)
      tpu.yield
    }) : () -> ()
    %dma_start3A_149 = arith.constant 0 : i32
    %dma_start3A_150 = tpu.memref_slice %arg2[%dma_start3A_149] : memref<139264xf32, #tpu.memory_space<hbm>> -> memref<139264xf32, #tpu.memory_space<hbm>>
    tpu.enqueue_indirect_dma source(%dma_start3A_150 : memref<139264xf32, #tpu.memory_space<hbm>>) target(%arg7 : memref<128xf32, #tpu.memory_space<vmem>>) offsets(%arg5 : memref<128xi32, #tpu.memory_space<vmem>>) semaphore(%arg10 : memref<!tpu.dma_semaphore, #tpu.memory_space<semaphore_mem>>)
    %dma_wait3A_151 = arith.constant 0 : i32
    %dma_wait3A_152 = tpu.memref_slice %arg2[%dma_wait3A_151] : memref<139264xf32, #tpu.memory_space<hbm>> -> memref<139264xf32, #tpu.memory_space<hbm>>
    tpu.wait_indirect_dma semaphore(%arg11 : memref<!tpu.dma_semaphore, #tpu.memory_space<semaphore_mem>>) src(%dma_wait3A_152 : memref<139264xf32, #tpu.memory_space<hbm>>) dst(%arg8 : memref<128xf32, #tpu.memory_space<vmem>>)
    %get3A_153 = arith.constant 0 : index
    %get3A_154 = tpu.vector_load %arg8[%get3A_153] {strides = array<i32>} : memref<128xf32, #tpu.memory_space<vmem>>, vector<16xf32>,
    %get3A_155 = vector.shape_cast %get3A_154 : vector<16xf32> to vector<16xf32>
    %get3A_156 = arith.constant 16 : index
    %get3A_157 = tpu.vector_load %arg8[%get3A_156] {strides = array<i32>} : memref<128xf32, #tpu.memory_space<vmem>>, vector<16xf32>,
    %get3A_158 = vector.shape_cast %get3A_157 : vector<16xf32> to vector<16xf32>
    %add3A_159 = arith.addf %get3A_155, %get3A_158 : vector<16xf32>
    %get3A_160 = arith.constant 32 : index
    %get3A_161 = tpu.vector_load %arg8[%get3A_160] {strides = array<i32>} : memref<128xf32, #tpu.memory_space<vmem>>, vector<16xf32>,
    %get3A_162 = vector.shape_cast %get3A_161 : vector<16xf32> to vector<16xf32>
    %add3A_163 = arith.addf %add3A_159, %get3A_162 : vector<16xf32>
    %get3A_164 = arith.constant 48 : index
    %get3A_165 = tpu.vector_load %arg8[%get3A_164] {strides = array<i32>} : memref<128xf32, #tpu.memory_space<vmem>>, vector<16xf32>,
    %get3A_166 = vector.shape_cast %get3A_165 : vector<16xf32> to vector<16xf32>
    %add3A_167 = arith.addf %add3A_163, %get3A_166 : vector<16xf32>
    %swap3A_168 = arith.constant 6 : i32
    %swap3A_169 = arith.index_cast %swap3A_168 : i32 to index
    %swap3A_170 = arith.constant 0 : index
    %swap3A_171 = tpu.vector_load %arg9[%swap3A_169, %swap3A_170] {strides = array<i32>} : memref<64x16xf32, #tpu.memory_space<vmem>>, vector<1x16xf32>,
    %swap3A_172 = vector.shape_cast %swap3A_171 : vector<1x16xf32> to vector<16xf32>
    %swap3A_173 = vector.shape_cast %add3A_167 : vector<16xf32> to vector<1x16xf32>
    tpu.vector_store %arg9[%swap3A_169, %swap3A_170], %swap3A_173 {strides = array<i32>} : memref<64x16xf32, #tpu.memory_space<vmem>>, vector<1x16xf32>,
    %get3A_174 = arith.constant 64 : index
    %get3A_175 = tpu.vector_load %arg8[%get3A_174] {strides = array<i32>} : memref<128xf32, #tpu.memory_space<vmem>>, vector<16xf32>,
    %get3A_176 = vector.shape_cast %get3A_175 : vector<16xf32> to vector<16xf32>
    %get3A_177 = arith.constant 80 : index
    %get3A_178 = tpu.vector_load %arg8[%get3A_177] {strides = array<i32>} : memref<128xf32, #tpu.memory_space<vmem>>, vector<16xf32>,
    %get3A_179 = vector.shape_cast %get3A_178 : vector<16xf32> to vector<16xf32>
    %add3A_180 = arith.addf %get3A_176, %get3A_179 : vector<16xf32>
    %get3A_181 = arith.constant 96 : index
    %get3A_182 = tpu.vector_load %arg8[%get3A_181] {strides = array<i32>} : memref<128xf32, #tpu.memory_space<vmem>>, vector<16xf32>,
    %get3A_183 = vector.shape_cast %get3A_182 : vector<16xf32> to vector<16xf32>
    %add3A_184 = arith.addf %add3A_180, %get3A_183 : vector<16xf32>
    %get3A_185 = arith.constant 112 : index
    %get3A_186 = tpu.vector_load %arg8[%get3A_185] {strides = array<i32>} : memref<128xf32, #tpu.memory_space<vmem>>, vector<16xf32>,
    %get3A_187 = vector.shape_cast %get3A_186 : vector<16xf32> to vector<16xf32>
    %add3A_188 = arith.addf %add3A_184, %get3A_187 : vector<16xf32>
    %swap3A_189 = arith.constant 7 : i32
    %swap3A_190 = arith.index_cast %swap3A_189 : i32 to index
    %swap3A_191 = arith.constant 0 : index
    %swap3A_192 = tpu.vector_load %arg9[%swap3A_190, %swap3A_191] {strides = array<i32>} : memref<64x16xf32, #tpu.memory_space<vmem>>, vector<1x16xf32>,
    %swap3A_193 = vector.shape_cast %swap3A_192 : vector<1x16xf32> to vector<16xf32>
    %swap3A_194 = vector.shape_cast %add3A_188 : vector<16xf32> to vector<1x16xf32>
    tpu.vector_store %arg9[%swap3A_190, %swap3A_191], %swap3A_194 {strides = array<i32>} : memref<64x16xf32, #tpu.memory_space<vmem>>, vector<1x16xf32>,
    %add3A_195 = arith.constant 640 : i32
    %add3A_196 = arith.addi %mul3A_2, %add3A_195 : i32
    "tpu.region"() ({
      %run_scoped3A = tpu.sem_alloc : memref<!tpu.dma_semaphore, #tpu.memory_space<semaphore_mem>>
      %dma_start3A_1537 = tpu.memref_slice %arg3[%add3A_196] : memref<131072xi32, #tpu.memory_space<hbm>> -> memref<128xi32, #tpu.memory_space<hbm>>
      %dma_start3A_1538 = tpu.memref_slice %arg3[%add3A_196] : memref<131072xi32, #tpu.memory_space<hbm>> -> memref<128xi32, #tpu.memory_space<hbm>>
      tpu.enqueue_dma source(%dma_start3A_1538 : memref<128xi32, #tpu.memory_space<hbm>>) target(%arg6 : memref<128xi32, #tpu.memory_space<vmem>>) target_semaphore(%run_scoped3A : memref<!tpu.dma_semaphore, #tpu.memory_space<semaphore_mem>>)
      %dma_wait3A_1539 = tpu.memref_slice %arg3[%add3A_196] : memref<131072xi32, #tpu.memory_space<hbm>> -> memref<128xi32, #tpu.memory_space<hbm>>
      %dma_wait3A_1540 = tpu.memref_slice %arg3[%add3A_196] : memref<131072xi32, #tpu.memory_space<hbm>> -> memref<128xi32, #tpu.memory_space<hbm>>
      tpu.wait_dma2 semaphore(%run_scoped3A : memref<!tpu.dma_semaphore, #tpu.memory_space<semaphore_mem>>) src(%dma_wait3A_1540 : memref<128xi32, #tpu.memory_space<hbm>>) dst(%arg6 : memref<128xi32, #tpu.memory_space<vmem>>)
      tpu.yield
    }) : () -> ()
    %dma_start3A_197 = arith.constant 0 : i32
    %dma_start3A_198 = tpu.memref_slice %arg2[%dma_start3A_197] : memref<139264xf32, #tpu.memory_space<hbm>> -> memref<139264xf32, #tpu.memory_space<hbm>>
    tpu.enqueue_indirect_dma source(%dma_start3A_198 : memref<139264xf32, #tpu.memory_space<hbm>>) target(%arg8 : memref<128xf32, #tpu.memory_space<vmem>>) offsets(%arg6 : memref<128xi32, #tpu.memory_space<vmem>>) semaphore(%arg11 : memref<!tpu.dma_semaphore, #tpu.memory_space<semaphore_mem>>)
    %dma_wait3A_199 = arith.constant 0 : i32
    %dma_wait3A_200 = tpu.memref_slice %arg2[%dma_wait3A_199] : memref<139264xf32, #tpu.memory_space<hbm>> -> memref<139264xf32, #tpu.memory_space<hbm>>
    tpu.wait_indirect_dma semaphore(%arg10 : memref<!tpu.dma_semaphore, #tpu.memory_space<semaphore_mem>>) src(%dma_wait3A_200 : memref<139264xf32, #tpu.memory_space<hbm>>) dst(%arg7 : memref<128xf32, #tpu.memory_space<vmem>>)
    %get3A_201 = arith.constant 0 : index
    %get3A_202 = tpu.vector_load %arg7[%get3A_201] {strides = array<i32>} : memref<128xf32, #tpu.memory_space<vmem>>, vector<16xf32>,
    %get3A_203 = vector.shape_cast %get3A_202 : vector<16xf32> to vector<16xf32>
    %get3A_204 = arith.constant 16 : index
    %get3A_205 = tpu.vector_load %arg7[%get3A_204] {strides = array<i32>} : memref<128xf32, #tpu.memory_space<vmem>>, vector<16xf32>,
    %get3A_206 = vector.shape_cast %get3A_205 : vector<16xf32> to vector<16xf32>
    %add3A_207 = arith.addf %get3A_203, %get3A_206 : vector<16xf32>
    %get3A_208 = arith.constant 32 : index
    %get3A_209 = tpu.vector_load %arg7[%get3A_208] {strides = array<i32>} : memref<128xf32, #tpu.memory_space<vmem>>, vector<16xf32>,
    %get3A_210 = vector.shape_cast %get3A_209 : vector<16xf32> to vector<16xf32>
    %add3A_211 = arith.addf %add3A_207, %get3A_210 : vector<16xf32>
    %get3A_212 = arith.constant 48 : index
    %get3A_213 = tpu.vector_load %arg7[%get3A_212] {strides = array<i32>} : memref<128xf32, #tpu.memory_space<vmem>>, vector<16xf32>,
    %get3A_214 = vector.shape_cast %get3A_213 : vector<16xf32> to vector<16xf32>
    %add3A_215 = arith.addf %add3A_211, %get3A_214 : vector<16xf32>
    %swap3A_216 = arith.constant 8 : i32
    %swap3A_217 = arith.index_cast %swap3A_216 : i32 to index
    %swap3A_218 = arith.constant 0 : index
    %swap3A_219 = tpu.vector_load %arg9[%swap3A_217, %swap3A_218] {strides = array<i32>} : memref<64x16xf32, #tpu.memory_space<vmem>>, vector<1x16xf32>,
    %swap3A_220 = vector.shape_cast %swap3A_219 : vector<1x16xf32> to vector<16xf32>
    %swap3A_221 = vector.shape_cast %add3A_215 : vector<16xf32> to vector<1x16xf32>
    tpu.vector_store %arg9[%swap3A_217, %swap3A_218], %swap3A_221 {strides = array<i32>} : memref<64x16xf32, #tpu.memory_space<vmem>>, vector<1x16xf32>,
    %get3A_222 = arith.constant 64 : index
    %get3A_223 = tpu.vector_load %arg7[%get3A_222] {strides = array<i32>} : memref<128xf32, #tpu.memory_space<vmem>>, vector<16xf32>,
    %get3A_224 = vector.shape_cast %get3A_223 : vector<16xf32> to vector<16xf32>
    %get3A_225 = arith.constant 80 : index
    %get3A_226 = tpu.vector_load %arg7[%get3A_225] {strides = array<i32>} : memref<128xf32, #tpu.memory_space<vmem>>, vector<16xf32>,
    %get3A_227 = vector.shape_cast %get3A_226 : vector<16xf32> to vector<16xf32>
    %add3A_228 = arith.addf %get3A_224, %get3A_227 : vector<16xf32>
    %get3A_229 = arith.constant 96 : index
    %get3A_230 = tpu.vector_load %arg7[%get3A_229] {strides = array<i32>} : memref<128xf32, #tpu.memory_space<vmem>>, vector<16xf32>,
    %get3A_231 = vector.shape_cast %get3A_230 : vector<16xf32> to vector<16xf32>
    %add3A_232 = arith.addf %add3A_228, %get3A_231 : vector<16xf32>
    %get3A_233 = arith.constant 112 : index
    %get3A_234 = tpu.vector_load %arg7[%get3A_233] {strides = array<i32>} : memref<128xf32, #tpu.memory_space<vmem>>, vector<16xf32>,
    %get3A_235 = vector.shape_cast %get3A_234 : vector<16xf32> to vector<16xf32>
    %add3A_236 = arith.addf %add3A_232, %get3A_235 : vector<16xf32>
    %swap3A_237 = arith.constant 9 : i32
    %swap3A_238 = arith.index_cast %swap3A_237 : i32 to index
    %swap3A_239 = arith.constant 0 : index
    %swap3A_240 = tpu.vector_load %arg9[%swap3A_238, %swap3A_239] {strides = array<i32>} : memref<64x16xf32, #tpu.memory_space<vmem>>, vector<1x16xf32>,
    %swap3A_241 = vector.shape_cast %swap3A_240 : vector<1x16xf32> to vector<16xf32>
    %swap3A_242 = vector.shape_cast %add3A_236 : vector<16xf32> to vector<1x16xf32>
    tpu.vector_store %arg9[%swap3A_238, %swap3A_239], %swap3A_242 {strides = array<i32>} : memref<64x16xf32, #tpu.memory_space<vmem>>, vector<1x16xf32>,
    %add3A_243 = arith.constant 768 : i32
    %add3A_244 = arith.addi %mul3A_2, %add3A_243 : i32
    "tpu.region"() ({
      %run_scoped3A = tpu.sem_alloc : memref<!tpu.dma_semaphore, #tpu.memory_space<semaphore_mem>>
      %dma_start3A_1537 = tpu.memref_slice %arg3[%add3A_244] : memref<131072xi32, #tpu.memory_space<hbm>> -> memref<128xi32, #tpu.memory_space<hbm>>
      %dma_start3A_1538 = tpu.memref_slice %arg3[%add3A_244] : memref<131072xi32, #tpu.memory_space<hbm>> -> memref<128xi32, #tpu.memory_space<hbm>>
      tpu.enqueue_dma source(%dma_start3A_1538 : memref<128xi32, #tpu.memory_space<hbm>>) target(%arg5 : memref<128xi32, #tpu.memory_space<vmem>>) target_semaphore(%run_scoped3A : memref<!tpu.dma_semaphore, #tpu.memory_space<semaphore_mem>>)
      %dma_wait3A_1539 = tpu.memref_slice %arg3[%add3A_244] : memref<131072xi32, #tpu.memory_space<hbm>> -> memref<128xi32, #tpu.memory_space<hbm>>
      %dma_wait3A_1540 = tpu.memref_slice %arg3[%add3A_244] : memref<131072xi32, #tpu.memory_space<hbm>> -> memref<128xi32, #tpu.memory_space<hbm>>
      tpu.wait_dma2 semaphore(%run_scoped3A : memref<!tpu.dma_semaphore, #tpu.memory_space<semaphore_mem>>) src(%dma_wait3A_1540 : memref<128xi32, #tpu.memory_space<hbm>>) dst(%arg5 : memref<128xi32, #tpu.memory_space<vmem>>)
      tpu.yield
    }) : () -> ()
    %dma_start3A_245 = arith.constant 0 : i32
    %dma_start3A_246 = tpu.memref_slice %arg2[%dma_start3A_245] : memref<139264xf32, #tpu.memory_space<hbm>> -> memref<139264xf32, #tpu.memory_space<hbm>>
    tpu.enqueue_indirect_dma source(%dma_start3A_246 : memref<139264xf32, #tpu.memory_space<hbm>>) target(%arg7 : memref<128xf32, #tpu.memory_space<vmem>>) offsets(%arg5 : memref<128xi32, #tpu.memory_space<vmem>>) semaphore(%arg10 : memref<!tpu.dma_semaphore, #tpu.memory_space<semaphore_mem>>)
    %dma_wait3A_247 = arith.constant 0 : i32
    %dma_wait3A_248 = tpu.memref_slice %arg2[%dma_wait3A_247] : memref<139264xf32, #tpu.memory_space<hbm>> -> memref<139264xf32, #tpu.memory_space<hbm>>
    tpu.wait_indirect_dma semaphore(%arg11 : memref<!tpu.dma_semaphore, #tpu.memory_space<semaphore_mem>>) src(%dma_wait3A_248 : memref<139264xf32, #tpu.memory_space<hbm>>) dst(%arg8 : memref<128xf32, #tpu.memory_space<vmem>>)
    %get3A_249 = arith.constant 0 : index
    %get3A_250 = tpu.vector_load %arg8[%get3A_249] {strides = array<i32>} : memref<128xf32, #tpu.memory_space<vmem>>, vector<16xf32>,
    %get3A_251 = vector.shape_cast %get3A_250 : vector<16xf32> to vector<16xf32>
    %get3A_252 = arith.constant 16 : index
    %get3A_253 = tpu.vector_load %arg8[%get3A_252] {strides = array<i32>} : memref<128xf32, #tpu.memory_space<vmem>>, vector<16xf32>,
    %get3A_254 = vector.shape_cast %get3A_253 : vector<16xf32> to vector<16xf32>
    %add3A_255 = arith.addf %get3A_251, %get3A_254 : vector<16xf32>
    %get3A_256 = arith.constant 32 : index
    %get3A_257 = tpu.vector_load %arg8[%get3A_256] {strides = array<i32>} : memref<128xf32, #tpu.memory_space<vmem>>, vector<16xf32>,
    %get3A_258 = vector.shape_cast %get3A_257 : vector<16xf32> to vector<16xf32>
    %add3A_259 = arith.addf %add3A_255, %get3A_258 : vector<16xf32>
    %get3A_260 = arith.constant 48 : index
    %get3A_261 = tpu.vector_load %arg8[%get3A_260] {strides = array<i32>} : memref<128xf32, #tpu.memory_space<vmem>>, vector<16xf32>,
    %get3A_262 = vector.shape_cast %get3A_261 : vector<16xf32> to vector<16xf32>
    %add3A_263 = arith.addf %add3A_259, %get3A_262 : vector<16xf32>
    %swap3A_264 = arith.constant 10 : i32
    %swap3A_265 = arith.index_cast %swap3A_264 : i32 to index
    %swap3A_266 = arith.constant 0 : index
    %swap3A_267 = tpu.vector_load %arg9[%swap3A_265, %swap3A_266] {strides = array<i32>} : memref<64x16xf32, #tpu.memory_space<vmem>>, vector<1x16xf32>,
    %swap3A_268 = vector.shape_cast %swap3A_267 : vector<1x16xf32> to vector<16xf32>
    %swap3A_269 = vector.shape_cast %add3A_263 : vector<16xf32> to vector<1x16xf32>
    tpu.vector_store %arg9[%swap3A_265, %swap3A_266], %swap3A_269 {strides = array<i32>} : memref<64x16xf32, #tpu.memory_space<vmem>>, vector<1x16xf32>,
    %get3A_270 = arith.constant 64 : index
    %get3A_271 = tpu.vector_load %arg8[%get3A_270] {strides = array<i32>} : memref<128xf32, #tpu.memory_space<vmem>>, vector<16xf32>,
    %get3A_272 = vector.shape_cast %get3A_271 : vector<16xf32> to vector<16xf32>
    %get3A_273 = arith.constant 80 : index
    %get3A_274 = tpu.vector_load %arg8[%get3A_273] {strides = array<i32>} : memref<128xf32, #tpu.memory_space<vmem>>, vector<16xf32>,
    %get3A_275 = vector.shape_cast %get3A_274 : vector<16xf32> to vector<16xf32>
    %add3A_276 = arith.addf %get3A_272, %get3A_275 : vector<16xf32>
    %get3A_277 = arith.constant 96 : index
    %get3A_278 = tpu.vector_load %arg8[%get3A_277] {strides = array<i32>} : memref<128xf32, #tpu.memory_space<vmem>>, vector<16xf32>,
    %get3A_279 = vector.shape_cast %get3A_278 : vector<16xf32> to vector<16xf32>
    %add3A_280 = arith.addf %add3A_276, %get3A_279 : vector<16xf32>
    %get3A_281 = arith.constant 112 : index
    %get3A_282 = tpu.vector_load %arg8[%get3A_281] {strides = array<i32>} : memref<128xf32, #tpu.memory_space<vmem>>, vector<16xf32>,
    %get3A_283 = vector.shape_cast %get3A_282 : vector<16xf32> to vector<16xf32>
    %add3A_284 = arith.addf %add3A_280, %get3A_283 : vector<16xf32>
    %swap3A_285 = arith.constant 11 : i32
    %swap3A_286 = arith.index_cast %swap3A_285 : i32 to index
    %swap3A_287 = arith.constant 0 : index
    %swap3A_288 = tpu.vector_load %arg9[%swap3A_286, %swap3A_287] {strides = array<i32>} : memref<64x16xf32, #tpu.memory_space<vmem>>, vector<1x16xf32>,
    %swap3A_289 = vector.shape_cast %swap3A_288 : vector<1x16xf32> to vector<16xf32>
    %swap3A_290 = vector.shape_cast %add3A_284 : vector<16xf32> to vector<1x16xf32>
    tpu.vector_store %arg9[%swap3A_286, %swap3A_287], %swap3A_290 {strides = array<i32>} : memref<64x16xf32, #tpu.memory_space<vmem>>, vector<1x16xf32>,
    %add3A_291 = arith.constant 896 : i32
    %add3A_292 = arith.addi %mul3A_2, %add3A_291 : i32
    "tpu.region"() ({
      %run_scoped3A = tpu.sem_alloc : memref<!tpu.dma_semaphore, #tpu.memory_space<semaphore_mem>>
      %dma_start3A_1537 = tpu.memref_slice %arg3[%add3A_292] : memref<131072xi32, #tpu.memory_space<hbm>> -> memref<128xi32, #tpu.memory_space<hbm>>
      %dma_start3A_1538 = tpu.memref_slice %arg3[%add3A_292] : memref<131072xi32, #tpu.memory_space<hbm>> -> memref<128xi32, #tpu.memory_space<hbm>>
      tpu.enqueue_dma source(%dma_start3A_1538 : memref<128xi32, #tpu.memory_space<hbm>>) target(%arg6 : memref<128xi32, #tpu.memory_space<vmem>>) target_semaphore(%run_scoped3A : memref<!tpu.dma_semaphore, #tpu.memory_space<semaphore_mem>>)
      %dma_wait3A_1539 = tpu.memref_slice %arg3[%add3A_292] : memref<131072xi32, #tpu.memory_space<hbm>> -> memref<128xi32, #tpu.memory_space<hbm>>
      %dma_wait3A_1540 = tpu.memref_slice %arg3[%add3A_292] : memref<131072xi32, #tpu.memory_space<hbm>> -> memref<128xi32, #tpu.memory_space<hbm>>
      tpu.wait_dma2 semaphore(%run_scoped3A : memref<!tpu.dma_semaphore, #tpu.memory_space<semaphore_mem>>) src(%dma_wait3A_1540 : memref<128xi32, #tpu.memory_space<hbm>>) dst(%arg6 : memref<128xi32, #tpu.memory_space<vmem>>)
      tpu.yield
    }) : () -> ()
    %dma_start3A_293 = arith.constant 0 : i32
    %dma_start3A_294 = tpu.memref_slice %arg2[%dma_start3A_293] : memref<139264xf32, #tpu.memory_space<hbm>> -> memref<139264xf32, #tpu.memory_space<hbm>>
    tpu.enqueue_indirect_dma source(%dma_start3A_294 : memref<139264xf32, #tpu.memory_space<hbm>>) target(%arg8 : memref<128xf32, #tpu.memory_space<vmem>>) offsets(%arg6 : memref<128xi32, #tpu.memory_space<vmem>>) semaphore(%arg11 : memref<!tpu.dma_semaphore, #tpu.memory_space<semaphore_mem>>)
    %dma_wait3A_295 = arith.constant 0 : i32
    %dma_wait3A_296 = tpu.memref_slice %arg2[%dma_wait3A_295] : memref<139264xf32, #tpu.memory_space<hbm>> -> memref<139264xf32, #tpu.memory_space<hbm>>
    tpu.wait_indirect_dma semaphore(%arg10 : memref<!tpu.dma_semaphore, #tpu.memory_space<semaphore_mem>>) src(%dma_wait3A_296 : memref<139264xf32, #tpu.memory_space<hbm>>) dst(%arg7 : memref<128xf32, #tpu.memory_space<vmem>>)
    %get3A_297 = arith.constant 0 : index
    %get3A_298 = tpu.vector_load %arg7[%get3A_297] {strides = array<i32>} : memref<128xf32, #tpu.memory_space<vmem>>, vector<16xf32>,
    %get3A_299 = vector.shape_cast %get3A_298 : vector<16xf32> to vector<16xf32>
    %get3A_300 = arith.constant 16 : index
    %get3A_301 = tpu.vector_load %arg7[%get3A_300] {strides = array<i32>} : memref<128xf32, #tpu.memory_space<vmem>>, vector<16xf32>,
    %get3A_302 = vector.shape_cast %get3A_301 : vector<16xf32> to vector<16xf32>
    %add3A_303 = arith.addf %get3A_299, %get3A_302 : vector<16xf32>
    %get3A_304 = arith.constant 32 : index
    %get3A_305 = tpu.vector_load %arg7[%get3A_304] {strides = array<i32>} : memref<128xf32, #tpu.memory_space<vmem>>, vector<16xf32>,
    %get3A_306 = vector.shape_cast %get3A_305 : vector<16xf32> to vector<16xf32>
    %add3A_307 = arith.addf %add3A_303, %get3A_306 : vector<16xf32>
    %get3A_308 = arith.constant 48 : index
    %get3A_309 = tpu.vector_load %arg7[%get3A_308] {strides = array<i32>} : memref<128xf32, #tpu.memory_space<vmem>>, vector<16xf32>,
    %get3A_310 = vector.shape_cast %get3A_309 : vector<16xf32> to vector<16xf32>
    %add3A_311 = arith.addf %add3A_307, %get3A_310 : vector<16xf32>
    %swap3A_312 = arith.constant 12 : i32
    %swap3A_313 = arith.index_cast %swap3A_312 : i32 to index
    %swap3A_314 = arith.constant 0 : index
    %swap3A_315 = tpu.vector_load %arg9[%swap3A_313, %swap3A_314] {strides = array<i32>} : memref<64x16xf32, #tpu.memory_space<vmem>>, vector<1x16xf32>,
    %swap3A_316 = vector.shape_cast %swap3A_315 : vector<1x16xf32> to vector<16xf32>
    %swap3A_317 = vector.shape_cast %add3A_311 : vector<16xf32> to vector<1x16xf32>
    tpu.vector_store %arg9[%swap3A_313, %swap3A_314], %swap3A_317 {strides = array<i32>} : memref<64x16xf32, #tpu.memory_space<vmem>>, vector<1x16xf32>,
    %get3A_318 = arith.constant 64 : index
    %get3A_319 = tpu.vector_load %arg7[%get3A_318] {strides = array<i32>} : memref<128xf32, #tpu.memory_space<vmem>>, vector<16xf32>,
    %get3A_320 = vector.shape_cast %get3A_319 : vector<16xf32> to vector<16xf32>
    %get3A_321 = arith.constant 80 : index
    %get3A_322 = tpu.vector_load %arg7[%get3A_321] {strides = array<i32>} : memref<128xf32, #tpu.memory_space<vmem>>, vector<16xf32>,
    %get3A_323 = vector.shape_cast %get3A_322 : vector<16xf32> to vector<16xf32>
    %add3A_324 = arith.addf %get3A_320, %get3A_323 : vector<16xf32>
    %get3A_325 = arith.constant 96 : index
    %get3A_326 = tpu.vector_load %arg7[%get3A_325] {strides = array<i32>} : memref<128xf32, #tpu.memory_space<vmem>>, vector<16xf32>,
    %get3A_327 = vector.shape_cast %get3A_326 : vector<16xf32> to vector<16xf32>
    %add3A_328 = arith.addf %add3A_324, %get3A_327 : vector<16xf32>
    %get3A_329 = arith.constant 112 : index
    %get3A_330 = tpu.vector_load %arg7[%get3A_329] {strides = array<i32>} : memref<128xf32, #tpu.memory_space<vmem>>, vector<16xf32>,
    %get3A_331 = vector.shape_cast %get3A_330 : vector<16xf32> to vector<16xf32>
    %add3A_332 = arith.addf %add3A_328, %get3A_331 : vector<16xf32>
    %swap3A_333 = arith.constant 13 : i32
    %swap3A_334 = arith.index_cast %swap3A_333 : i32 to index
    %swap3A_335 = arith.constant 0 : index
    %swap3A_336 = tpu.vector_load %arg9[%swap3A_334, %swap3A_335] {strides = array<i32>} : memref<64x16xf32, #tpu.memory_space<vmem>>, vector<1x16xf32>,
    %swap3A_337 = vector.shape_cast %swap3A_336 : vector<1x16xf32> to vector<16xf32>
    %swap3A_338 = vector.shape_cast %add3A_332 : vector<16xf32> to vector<1x16xf32>
    tpu.vector_store %arg9[%swap3A_334, %swap3A_335], %swap3A_338 {strides = array<i32>} : memref<64x16xf32, #tpu.memory_space<vmem>>, vector<1x16xf32>,
    %add3A_339 = arith.constant 1024 : i32
    %add3A_340 = arith.addi %mul3A_2, %add3A_339 : i32
    "tpu.region"() ({
      %run_scoped3A = tpu.sem_alloc : memref<!tpu.dma_semaphore, #tpu.memory_space<semaphore_mem>>
      %dma_start3A_1537 = tpu.memref_slice %arg3[%add3A_340] : memref<131072xi32, #tpu.memory_space<hbm>> -> memref<128xi32, #tpu.memory_space<hbm>>
      %dma_start3A_1538 = tpu.memref_slice %arg3[%add3A_340] : memref<131072xi32, #tpu.memory_space<hbm>> -> memref<128xi32, #tpu.memory_space<hbm>>
      tpu.enqueue_dma source(%dma_start3A_1538 : memref<128xi32, #tpu.memory_space<hbm>>) target(%arg5 : memref<128xi32, #tpu.memory_space<vmem>>) target_semaphore(%run_scoped3A : memref<!tpu.dma_semaphore, #tpu.memory_space<semaphore_mem>>)
      %dma_wait3A_1539 = tpu.memref_slice %arg3[%add3A_340] : memref<131072xi32, #tpu.memory_space<hbm>> -> memref<128xi32, #tpu.memory_space<hbm>>
      %dma_wait3A_1540 = tpu.memref_slice %arg3[%add3A_340] : memref<131072xi32, #tpu.memory_space<hbm>> -> memref<128xi32, #tpu.memory_space<hbm>>
      tpu.wait_dma2 semaphore(%run_scoped3A : memref<!tpu.dma_semaphore, #tpu.memory_space<semaphore_mem>>) src(%dma_wait3A_1540 : memref<128xi32, #tpu.memory_space<hbm>>) dst(%arg5 : memref<128xi32, #tpu.memory_space<vmem>>)
      tpu.yield
    }) : () -> ()
    %dma_start3A_341 = arith.constant 0 : i32
    %dma_start3A_342 = tpu.memref_slice %arg2[%dma_start3A_341] : memref<139264xf32, #tpu.memory_space<hbm>> -> memref<139264xf32, #tpu.memory_space<hbm>>
    tpu.enqueue_indirect_dma source(%dma_start3A_342 : memref<139264xf32, #tpu.memory_space<hbm>>) target(%arg7 : memref<128xf32, #tpu.memory_space<vmem>>) offsets(%arg5 : memref<128xi32, #tpu.memory_space<vmem>>) semaphore(%arg10 : memref<!tpu.dma_semaphore, #tpu.memory_space<semaphore_mem>>)
    %dma_wait3A_343 = arith.constant 0 : i32
    %dma_wait3A_344 = tpu.memref_slice %arg2[%dma_wait3A_343] : memref<139264xf32, #tpu.memory_space<hbm>> -> memref<139264xf32, #tpu.memory_space<hbm>>
    tpu.wait_indirect_dma semaphore(%arg11 : memref<!tpu.dma_semaphore, #tpu.memory_space<semaphore_mem>>) src(%dma_wait3A_344 : memref<139264xf32, #tpu.memory_space<hbm>>) dst(%arg8 : memref<128xf32, #tpu.memory_space<vmem>>)
    %get3A_345 = arith.constant 0 : index
    %get3A_346 = tpu.vector_load %arg8[%get3A_345] {strides = array<i32>} : memref<128xf32, #tpu.memory_space<vmem>>, vector<16xf32>,
    %get3A_347 = vector.shape_cast %get3A_346 : vector<16xf32> to vector<16xf32>
    %get3A_348 = arith.constant 16 : index
    %get3A_349 = tpu.vector_load %arg8[%get3A_348] {strides = array<i32>} : memref<128xf32, #tpu.memory_space<vmem>>, vector<16xf32>,
    %get3A_350 = vector.shape_cast %get3A_349 : vector<16xf32> to vector<16xf32>
    %add3A_351 = arith.addf %get3A_347, %get3A_350 : vector<16xf32>
    %get3A_352 = arith.constant 32 : index
    %get3A_353 = tpu.vector_load %arg8[%get3A_352] {strides = array<i32>} : memref<128xf32, #tpu.memory_space<vmem>>, vector<16xf32>,
    %get3A_354 = vector.shape_cast %get3A_353 : vector<16xf32> to vector<16xf32>
    %add3A_355 = arith.addf %add3A_351, %get3A_354 : vector<16xf32>
    %get3A_356 = arith.constant 48 : index
    %get3A_357 = tpu.vector_load %arg8[%get3A_356] {strides = array<i32>} : memref<128xf32, #tpu.memory_space<vmem>>, vector<16xf32>,
    %get3A_358 = vector.shape_cast %get3A_357 : vector<16xf32> to vector<16xf32>
    %add3A_359 = arith.addf %add3A_355, %get3A_358 : vector<16xf32>
    %swap3A_360 = arith.constant 14 : i32
    %swap3A_361 = arith.index_cast %swap3A_360 : i32 to index
    %swap3A_362 = arith.constant 0 : index
    %swap3A_363 = tpu.vector_load %arg9[%swap3A_361, %swap3A_362] {strides = array<i32>} : memref<64x16xf32, #tpu.memory_space<vmem>>, vector<1x16xf32>,
    %swap3A_364 = vector.shape_cast %swap3A_363 : vector<1x16xf32> to vector<16xf32>
    %swap3A_365 = vector.shape_cast %add3A_359 : vector<16xf32> to vector<1x16xf32>
    tpu.vector_store %arg9[%swap3A_361, %swap3A_362], %swap3A_365 {strides = array<i32>} : memref<64x16xf32, #tpu.memory_space<vmem>>, vector<1x16xf32>,
    %get3A_366 = arith.constant 64 : index
    %get3A_367 = tpu.vector_load %arg8[%get3A_366] {strides = array<i32>} : memref<128xf32, #tpu.memory_space<vmem>>, vector<16xf32>,
    %get3A_368 = vector.shape_cast %get3A_367 : vector<16xf32> to vector<16xf32>
    %get3A_369 = arith.constant 80 : index
    %get3A_370 = tpu.vector_load %arg8[%get3A_369] {strides = array<i32>} : memref<128xf32, #tpu.memory_space<vmem>>, vector<16xf32>,
    %get3A_371 = vector.shape_cast %get3A_370 : vector<16xf32> to vector<16xf32>
    %add3A_372 = arith.addf %get3A_368, %get3A_371 : vector<16xf32>
    %get3A_373 = arith.constant 96 : index
    %get3A_374 = tpu.vector_load %arg8[%get3A_373] {strides = array<i32>} : memref<128xf32, #tpu.memory_space<vmem>>, vector<16xf32>,
    %get3A_375 = vector.shape_cast %get3A_374 : vector<16xf32> to vector<16xf32>
    %add3A_376 = arith.addf %add3A_372, %get3A_375 : vector<16xf32>
    %get3A_377 = arith.constant 112 : index
    %get3A_378 = tpu.vector_load %arg8[%get3A_377] {strides = array<i32>} : memref<128xf32, #tpu.memory_space<vmem>>, vector<16xf32>,
    %get3A_379 = vector.shape_cast %get3A_378 : vector<16xf32> to vector<16xf32>
    %add3A_380 = arith.addf %add3A_376, %get3A_379 : vector<16xf32>
    %swap3A_381 = arith.constant 15 : i32
    %swap3A_382 = arith.index_cast %swap3A_381 : i32 to index
    %swap3A_383 = arith.constant 0 : index
    %swap3A_384 = tpu.vector_load %arg9[%swap3A_382, %swap3A_383] {strides = array<i32>} : memref<64x16xf32, #tpu.memory_space<vmem>>, vector<1x16xf32>,
    %swap3A_385 = vector.shape_cast %swap3A_384 : vector<1x16xf32> to vector<16xf32>
    %swap3A_386 = vector.shape_cast %add3A_380 : vector<16xf32> to vector<1x16xf32>
    tpu.vector_store %arg9[%swap3A_382, %swap3A_383], %swap3A_386 {strides = array<i32>} : memref<64x16xf32, #tpu.memory_space<vmem>>, vector<1x16xf32>,
    %add3A_387 = arith.constant 1152 : i32
    %add3A_388 = arith.addi %mul3A_2, %add3A_387 : i32
    "tpu.region"() ({
      %run_scoped3A = tpu.sem_alloc : memref<!tpu.dma_semaphore, #tpu.memory_space<semaphore_mem>>
      %dma_start3A_1537 = tpu.memref_slice %arg3[%add3A_388] : memref<131072xi32, #tpu.memory_space<hbm>> -> memref<128xi32, #tpu.memory_space<hbm>>
      %dma_start3A_1538 = tpu.memref_slice %arg3[%add3A_388] : memref<131072xi32, #tpu.memory_space<hbm>> -> memref<128xi32, #tpu.memory_space<hbm>>
      tpu.enqueue_dma source(%dma_start3A_1538 : memref<128xi32, #tpu.memory_space<hbm>>) target(%arg6 : memref<128xi32, #tpu.memory_space<vmem>>) target_semaphore(%run_scoped3A : memref<!tpu.dma_semaphore, #tpu.memory_space<semaphore_mem>>)
      %dma_wait3A_1539 = tpu.memref_slice %arg3[%add3A_388] : memref<131072xi32, #tpu.memory_space<hbm>> -> memref<128xi32, #tpu.memory_space<hbm>>
      %dma_wait3A_1540 = tpu.memref_slice %arg3[%add3A_388] : memref<131072xi32, #tpu.memory_space<hbm>> -> memref<128xi32, #tpu.memory_space<hbm>>
      tpu.wait_dma2 semaphore(%run_scoped3A : memref<!tpu.dma_semaphore, #tpu.memory_space<semaphore_mem>>) src(%dma_wait3A_1540 : memref<128xi32, #tpu.memory_space<hbm>>) dst(%arg6 : memref<128xi32, #tpu.memory_space<vmem>>)
      tpu.yield
    }) : () -> ()
    %dma_start3A_389 = arith.constant 0 : i32
    %dma_start3A_390 = tpu.memref_slice %arg2[%dma_start3A_389] : memref<139264xf32, #tpu.memory_space<hbm>> -> memref<139264xf32, #tpu.memory_space<hbm>>
    tpu.enqueue_indirect_dma source(%dma_start3A_390 : memref<139264xf32, #tpu.memory_space<hbm>>) target(%arg8 : memref<128xf32, #tpu.memory_space<vmem>>) offsets(%arg6 : memref<128xi32, #tpu.memory_space<vmem>>) semaphore(%arg11 : memref<!tpu.dma_semaphore, #tpu.memory_space<semaphore_mem>>)
    %dma_wait3A_391 = arith.constant 0 : i32
    %dma_wait3A_392 = tpu.memref_slice %arg2[%dma_wait3A_391] : memref<139264xf32, #tpu.memory_space<hbm>> -> memref<139264xf32, #tpu.memory_space<hbm>>
    tpu.wait_indirect_dma semaphore(%arg10 : memref<!tpu.dma_semaphore, #tpu.memory_space<semaphore_mem>>) src(%dma_wait3A_392 : memref<139264xf32, #tpu.memory_space<hbm>>) dst(%arg7 : memref<128xf32, #tpu.memory_space<vmem>>)
    %get3A_393 = arith.constant 0 : index
    %get3A_394 = tpu.vector_load %arg7[%get3A_393] {strides = array<i32>} : memref<128xf32, #tpu.memory_space<vmem>>, vector<16xf32>,
    %get3A_395 = vector.shape_cast %get3A_394 : vector<16xf32> to vector<16xf32>
    %get3A_396 = arith.constant 16 : index
    %get3A_397 = tpu.vector_load %arg7[%get3A_396] {strides = array<i32>} : memref<128xf32, #tpu.memory_space<vmem>>, vector<16xf32>,
    %get3A_398 = vector.shape_cast %get3A_397 : vector<16xf32> to vector<16xf32>
    %add3A_399 = arith.addf %get3A_395, %get3A_398 : vector<16xf32>
    %get3A_400 = arith.constant 32 : index
    %get3A_401 = tpu.vector_load %arg7[%get3A_400] {strides = array<i32>} : memref<128xf32, #tpu.memory_space<vmem>>, vector<16xf32>,
    %get3A_402 = vector.shape_cast %get3A_401 : vector<16xf32> to vector<16xf32>
    %add3A_403 = arith.addf %add3A_399, %get3A_402 : vector<16xf32>
    %get3A_404 = arith.constant 48 : index
    %get3A_405 = tpu.vector_load %arg7[%get3A_404] {strides = array<i32>} : memref<128xf32, #tpu.memory_space<vmem>>, vector<16xf32>,
    %get3A_406 = vector.shape_cast %get3A_405 : vector<16xf32> to vector<16xf32>
    %add3A_407 = arith.addf %add3A_403, %get3A_406 : vector<16xf32>
    %swap3A_408 = arith.constant 16 : i32
    %swap3A_409 = arith.index_cast %swap3A_408 : i32 to index
    %swap3A_410 = arith.constant 0 : index
    %swap3A_411 = tpu.vector_load %arg9[%swap3A_409, %swap3A_410] {strides = array<i32>} : memref<64x16xf32, #tpu.memory_space<vmem>>, vector<1x16xf32>,
    %swap3A_412 = vector.shape_cast %swap3A_411 : vector<1x16xf32> to vector<16xf32>
    %swap3A_413 = vector.shape_cast %add3A_407 : vector<16xf32> to vector<1x16xf32>
    tpu.vector_store %arg9[%swap3A_409, %swap3A_410], %swap3A_413 {strides = array<i32>} : memref<64x16xf32, #tpu.memory_space<vmem>>, vector<1x16xf32>,
    %get3A_414 = arith.constant 64 : index
    %get3A_415 = tpu.vector_load %arg7[%get3A_414] {strides = array<i32>} : memref<128xf32, #tpu.memory_space<vmem>>, vector<16xf32>,
    %get3A_416 = vector.shape_cast %get3A_415 : vector<16xf32> to vector<16xf32>
    %get3A_417 = arith.constant 80 : index
    %get3A_418 = tpu.vector_load %arg7[%get3A_417] {strides = array<i32>} : memref<128xf32, #tpu.memory_space<vmem>>, vector<16xf32>,
    %get3A_419 = vector.shape_cast %get3A_418 : vector<16xf32> to vector<16xf32>
    %add3A_420 = arith.addf %get3A_416, %get3A_419 : vector<16xf32>
    %get3A_421 = arith.constant 96 : index
    %get3A_422 = tpu.vector_load %arg7[%get3A_421] {strides = array<i32>} : memref<128xf32, #tpu.memory_space<vmem>>, vector<16xf32>,
    %get3A_423 = vector.shape_cast %get3A_422 : vector<16xf32> to vector<16xf32>
    %add3A_424 = arith.addf %add3A_420, %get3A_423 : vector<16xf32>
    %get3A_425 = arith.constant 112 : index
    %get3A_426 = tpu.vector_load %arg7[%get3A_425] {strides = array<i32>} : memref<128xf32, #tpu.memory_space<vmem>>, vector<16xf32>,
    %get3A_427 = vector.shape_cast %get3A_426 : vector<16xf32> to vector<16xf32>
    %add3A_428 = arith.addf %add3A_424, %get3A_427 : vector<16xf32>
    %swap3A_429 = arith.constant 17 : i32
    %swap3A_430 = arith.index_cast %swap3A_429 : i32 to index
    %swap3A_431 = arith.constant 0 : index
    %swap3A_432 = tpu.vector_load %arg9[%swap3A_430, %swap3A_431] {strides = array<i32>} : memref<64x16xf32, #tpu.memory_space<vmem>>, vector<1x16xf32>,
    %swap3A_433 = vector.shape_cast %swap3A_432 : vector<1x16xf32> to vector<16xf32>
    %swap3A_434 = vector.shape_cast %add3A_428 : vector<16xf32> to vector<1x16xf32>
    tpu.vector_store %arg9[%swap3A_430, %swap3A_431], %swap3A_434 {strides = array<i32>} : memref<64x16xf32, #tpu.memory_space<vmem>>, vector<1x16xf32>,
    %add3A_435 = arith.constant 1280 : i32
    %add3A_436 = arith.addi %mul3A_2, %add3A_435 : i32
    "tpu.region"() ({
      %run_scoped3A = tpu.sem_alloc : memref<!tpu.dma_semaphore, #tpu.memory_space<semaphore_mem>>
      %dma_start3A_1537 = tpu.memref_slice %arg3[%add3A_436] : memref<131072xi32, #tpu.memory_space<hbm>> -> memref<128xi32, #tpu.memory_space<hbm>>
      %dma_start3A_1538 = tpu.memref_slice %arg3[%add3A_436] : memref<131072xi32, #tpu.memory_space<hbm>> -> memref<128xi32, #tpu.memory_space<hbm>>
      tpu.enqueue_dma source(%dma_start3A_1538 : memref<128xi32, #tpu.memory_space<hbm>>) target(%arg5 : memref<128xi32, #tpu.memory_space<vmem>>) target_semaphore(%run_scoped3A : memref<!tpu.dma_semaphore, #tpu.memory_space<semaphore_mem>>)
      %dma_wait3A_1539 = tpu.memref_slice %arg3[%add3A_436] : memref<131072xi32, #tpu.memory_space<hbm>> -> memref<128xi32, #tpu.memory_space<hbm>>
      %dma_wait3A_1540 = tpu.memref_slice %arg3[%add3A_436] : memref<131072xi32, #tpu.memory_space<hbm>> -> memref<128xi32, #tpu.memory_space<hbm>>
      tpu.wait_dma2 semaphore(%run_scoped3A : memref<!tpu.dma_semaphore, #tpu.memory_space<semaphore_mem>>) src(%dma_wait3A_1540 : memref<128xi32, #tpu.memory_space<hbm>>) dst(%arg5 : memref<128xi32, #tpu.memory_space<vmem>>)
      tpu.yield
    }) : () -> ()
    %dma_start3A_437 = arith.constant 0 : i32
    %dma_start3A_438 = tpu.memref_slice %arg2[%dma_start3A_437] : memref<139264xf32, #tpu.memory_space<hbm>> -> memref<139264xf32, #tpu.memory_space<hbm>>
    tpu.enqueue_indirect_dma source(%dma_start3A_438 : memref<139264xf32, #tpu.memory_space<hbm>>) target(%arg7 : memref<128xf32, #tpu.memory_space<vmem>>) offsets(%arg5 : memref<128xi32, #tpu.memory_space<vmem>>) semaphore(%arg10 : memref<!tpu.dma_semaphore, #tpu.memory_space<semaphore_mem>>)
    %dma_wait3A_439 = arith.constant 0 : i32
    %dma_wait3A_440 = tpu.memref_slice %arg2[%dma_wait3A_439] : memref<139264xf32, #tpu.memory_space<hbm>> -> memref<139264xf32, #tpu.memory_space<hbm>>
    tpu.wait_indirect_dma semaphore(%arg11 : memref<!tpu.dma_semaphore, #tpu.memory_space<semaphore_mem>>) src(%dma_wait3A_440 : memref<139264xf32, #tpu.memory_space<hbm>>) dst(%arg8 : memref<128xf32, #tpu.memory_space<vmem>>)
    %get3A_441 = arith.constant 0 : index
    %get3A_442 = tpu.vector_load %arg8[%get3A_441] {strides = array<i32>} : memref<128xf32, #tpu.memory_space<vmem>>, vector<16xf32>,
    %get3A_443 = vector.shape_cast %get3A_442 : vector<16xf32> to vector<16xf32>
    %get3A_444 = arith.constant 16 : index
    %get3A_445 = tpu.vector_load %arg8[%get3A_444] {strides = array<i32>} : memref<128xf32, #tpu.memory_space<vmem>>, vector<16xf32>,
    %get3A_446 = vector.shape_cast %get3A_445 : vector<16xf32> to vector<16xf32>
    %add3A_447 = arith.addf %get3A_443, %get3A_446 : vector<16xf32>
    %get3A_448 = arith.constant 32 : index
    %get3A_449 = tpu.vector_load %arg8[%get3A_448] {strides = array<i32>} : memref<128xf32, #tpu.memory_space<vmem>>, vector<16xf32>,
    %get3A_450 = vector.shape_cast %get3A_449 : vector<16xf32> to vector<16xf32>
    %add3A_451 = arith.addf %add3A_447, %get3A_450 : vector<16xf32>
    %get3A_452 = arith.constant 48 : index
    %get3A_453 = tpu.vector_load %arg8[%get3A_452] {strides = array<i32>} : memref<128xf32, #tpu.memory_space<vmem>>, vector<16xf32>,
    %get3A_454 = vector.shape_cast %get3A_453 : vector<16xf32> to vector<16xf32>
    %add3A_455 = arith.addf %add3A_451, %get3A_454 : vector<16xf32>
    %swap3A_456 = arith.constant 18 : i32
    %swap3A_457 = arith.index_cast %swap3A_456 : i32 to index
    %swap3A_458 = arith.constant 0 : index
    %swap3A_459 = tpu.vector_load %arg9[%swap3A_457, %swap3A_458] {strides = array<i32>} : memref<64x16xf32, #tpu.memory_space<vmem>>, vector<1x16xf32>,
    %swap3A_460 = vector.shape_cast %swap3A_459 : vector<1x16xf32> to vector<16xf32>
    %swap3A_461 = vector.shape_cast %add3A_455 : vector<16xf32> to vector<1x16xf32>
    tpu.vector_store %arg9[%swap3A_457, %swap3A_458], %swap3A_461 {strides = array<i32>} : memref<64x16xf32, #tpu.memory_space<vmem>>, vector<1x16xf32>,
    %get3A_462 = arith.constant 64 : index
    %get3A_463 = tpu.vector_load %arg8[%get3A_462] {strides = array<i32>} : memref<128xf32, #tpu.memory_space<vmem>>, vector<16xf32>,
    %get3A_464 = vector.shape_cast %get3A_463 : vector<16xf32> to vector<16xf32>
    %get3A_465 = arith.constant 80 : index
    %get3A_466 = tpu.vector_load %arg8[%get3A_465] {strides = array<i32>} : memref<128xf32, #tpu.memory_space<vmem>>, vector<16xf32>,
    %get3A_467 = vector.shape_cast %get3A_466 : vector<16xf32> to vector<16xf32>
    %add3A_468 = arith.addf %get3A_464, %get3A_467 : vector<16xf32>
    %get3A_469 = arith.constant 96 : index
    %get3A_470 = tpu.vector_load %arg8[%get3A_469] {strides = array<i32>} : memref<128xf32, #tpu.memory_space<vmem>>, vector<16xf32>,
    %get3A_471 = vector.shape_cast %get3A_470 : vector<16xf32> to vector<16xf32>
    %add3A_472 = arith.addf %add3A_468, %get3A_471 : vector<16xf32>
    %get3A_473 = arith.constant 112 : index
    %get3A_474 = tpu.vector_load %arg8[%get3A_473] {strides = array<i32>} : memref<128xf32, #tpu.memory_space<vmem>>, vector<16xf32>,
    %get3A_475 = vector.shape_cast %get3A_474 : vector<16xf32> to vector<16xf32>
    %add3A_476 = arith.addf %add3A_472, %get3A_475 : vector<16xf32>
    %swap3A_477 = arith.constant 19 : i32
    %swap3A_478 = arith.index_cast %swap3A_477 : i32 to index
    %swap3A_479 = arith.constant 0 : index
    %swap3A_480 = tpu.vector_load %arg9[%swap3A_478, %swap3A_479] {strides = array<i32>} : memref<64x16xf32, #tpu.memory_space<vmem>>, vector<1x16xf32>,
    %swap3A_481 = vector.shape_cast %swap3A_480 : vector<1x16xf32> to vector<16xf32>
    %swap3A_482 = vector.shape_cast %add3A_476 : vector<16xf32> to vector<1x16xf32>
    tpu.vector_store %arg9[%swap3A_478, %swap3A_479], %swap3A_482 {strides = array<i32>} : memref<64x16xf32, #tpu.memory_space<vmem>>, vector<1x16xf32>,
    %add3A_483 = arith.constant 1408 : i32
    %add3A_484 = arith.addi %mul3A_2, %add3A_483 : i32
    "tpu.region"() ({
      %run_scoped3A = tpu.sem_alloc : memref<!tpu.dma_semaphore, #tpu.memory_space<semaphore_mem>>
      %dma_start3A_1537 = tpu.memref_slice %arg3[%add3A_484] : memref<131072xi32, #tpu.memory_space<hbm>> -> memref<128xi32, #tpu.memory_space<hbm>>
      %dma_start3A_1538 = tpu.memref_slice %arg3[%add3A_484] : memref<131072xi32, #tpu.memory_space<hbm>> -> memref<128xi32, #tpu.memory_space<hbm>>
      tpu.enqueue_dma source(%dma_start3A_1538 : memref<128xi32, #tpu.memory_space<hbm>>) target(%arg6 : memref<128xi32, #tpu.memory_space<vmem>>) target_semaphore(%run_scoped3A : memref<!tpu.dma_semaphore, #tpu.memory_space<semaphore_mem>>)
      %dma_wait3A_1539 = tpu.memref_slice %arg3[%add3A_484] : memref<131072xi32, #tpu.memory_space<hbm>> -> memref<128xi32, #tpu.memory_space<hbm>>
      %dma_wait3A_1540 = tpu.memref_slice %arg3[%add3A_484] : memref<131072xi32, #tpu.memory_space<hbm>> -> memref<128xi32, #tpu.memory_space<hbm>>
      tpu.wait_dma2 semaphore(%run_scoped3A : memref<!tpu.dma_semaphore, #tpu.memory_space<semaphore_mem>>) src(%dma_wait3A_1540 : memref<128xi32, #tpu.memory_space<hbm>>) dst(%arg6 : memref<128xi32, #tpu.memory_space<vmem>>)
      tpu.yield
    }) : () -> ()
    %dma_start3A_485 = arith.constant 0 : i32
    %dma_start3A_486 = tpu.memref_slice %arg2[%dma_start3A_485] : memref<139264xf32, #tpu.memory_space<hbm>> -> memref<139264xf32, #tpu.memory_space<hbm>>
    tpu.enqueue_indirect_dma source(%dma_start3A_486 : memref<139264xf32, #tpu.memory_space<hbm>>) target(%arg8 : memref<128xf32, #tpu.memory_space<vmem>>) offsets(%arg6 : memref<128xi32, #tpu.memory_space<vmem>>) semaphore(%arg11 : memref<!tpu.dma_semaphore, #tpu.memory_space<semaphore_mem>>)
    %dma_wait3A_487 = arith.constant 0 : i32
    %dma_wait3A_488 = tpu.memref_slice %arg2[%dma_wait3A_487] : memref<139264xf32, #tpu.memory_space<hbm>> -> memref<139264xf32, #tpu.memory_space<hbm>>
    tpu.wait_indirect_dma semaphore(%arg10 : memref<!tpu.dma_semaphore, #tpu.memory_space<semaphore_mem>>) src(%dma_wait3A_488 : memref<139264xf32, #tpu.memory_space<hbm>>) dst(%arg7 : memref<128xf32, #tpu.memory_space<vmem>>)
    %get3A_489 = arith.constant 0 : index
    %get3A_490 = tpu.vector_load %arg7[%get3A_489] {strides = array<i32>} : memref<128xf32, #tpu.memory_space<vmem>>, vector<16xf32>,
    %get3A_491 = vector.shape_cast %get3A_490 : vector<16xf32> to vector<16xf32>
    %get3A_492 = arith.constant 16 : index
    %get3A_493 = tpu.vector_load %arg7[%get3A_492] {strides = array<i32>} : memref<128xf32, #tpu.memory_space<vmem>>, vector<16xf32>,
    %get3A_494 = vector.shape_cast %get3A_493 : vector<16xf32> to vector<16xf32>
    %add3A_495 = arith.addf %get3A_491, %get3A_494 : vector<16xf32>
    %get3A_496 = arith.constant 32 : index
    %get3A_497 = tpu.vector_load %arg7[%get3A_496] {strides = array<i32>} : memref<128xf32, #tpu.memory_space<vmem>>, vector<16xf32>,
    %get3A_498 = vector.shape_cast %get3A_497 : vector<16xf32> to vector<16xf32>
    %add3A_499 = arith.addf %add3A_495, %get3A_498 : vector<16xf32>
    %get3A_500 = arith.constant 48 : index
    %get3A_501 = tpu.vector_load %arg7[%get3A_500] {strides = array<i32>} : memref<128xf32, #tpu.memory_space<vmem>>, vector<16xf32>,
    %get3A_502 = vector.shape_cast %get3A_501 : vector<16xf32> to vector<16xf32>
    %add3A_503 = arith.addf %add3A_499, %get3A_502 : vector<16xf32>
    %swap3A_504 = arith.constant 20 : i32
    %swap3A_505 = arith.index_cast %swap3A_504 : i32 to index
    %swap3A_506 = arith.constant 0 : index
    %swap3A_507 = tpu.vector_load %arg9[%swap3A_505, %swap3A_506] {strides = array<i32>} : memref<64x16xf32, #tpu.memory_space<vmem>>, vector<1x16xf32>,
    %swap3A_508 = vector.shape_cast %swap3A_507 : vector<1x16xf32> to vector<16xf32>
    %swap3A_509 = vector.shape_cast %add3A_503 : vector<16xf32> to vector<1x16xf32>
    tpu.vector_store %arg9[%swap3A_505, %swap3A_506], %swap3A_509 {strides = array<i32>} : memref<64x16xf32, #tpu.memory_space<vmem>>, vector<1x16xf32>,
    %get3A_510 = arith.constant 64 : index
    %get3A_511 = tpu.vector_load %arg7[%get3A_510] {strides = array<i32>} : memref<128xf32, #tpu.memory_space<vmem>>, vector<16xf32>,
    %get3A_512 = vector.shape_cast %get3A_511 : vector<16xf32> to vector<16xf32>
    %get3A_513 = arith.constant 80 : index
    %get3A_514 = tpu.vector_load %arg7[%get3A_513] {strides = array<i32>} : memref<128xf32, #tpu.memory_space<vmem>>, vector<16xf32>,
    %get3A_515 = vector.shape_cast %get3A_514 : vector<16xf32> to vector<16xf32>
    %add3A_516 = arith.addf %get3A_512, %get3A_515 : vector<16xf32>
    %get3A_517 = arith.constant 96 : index
    %get3A_518 = tpu.vector_load %arg7[%get3A_517] {strides = array<i32>} : memref<128xf32, #tpu.memory_space<vmem>>, vector<16xf32>,
    %get3A_519 = vector.shape_cast %get3A_518 : vector<16xf32> to vector<16xf32>
    %add3A_520 = arith.addf %add3A_516, %get3A_519 : vector<16xf32>
    %get3A_521 = arith.constant 112 : index
    %get3A_522 = tpu.vector_load %arg7[%get3A_521] {strides = array<i32>} : memref<128xf32, #tpu.memory_space<vmem>>, vector<16xf32>,
    %get3A_523 = vector.shape_cast %get3A_522 : vector<16xf32> to vector<16xf32>
    %add3A_524 = arith.addf %add3A_520, %get3A_523 : vector<16xf32>
    %swap3A_525 = arith.constant 21 : i32
    %swap3A_526 = arith.index_cast %swap3A_525 : i32 to index
    %swap3A_527 = arith.constant 0 : index
    %swap3A_528 = tpu.vector_load %arg9[%swap3A_526, %swap3A_527] {strides = array<i32>} : memref<64x16xf32, #tpu.memory_space<vmem>>, vector<1x16xf32>,
    %swap3A_529 = vector.shape_cast %swap3A_528 : vector<1x16xf32> to vector<16xf32>
    %swap3A_530 = vector.shape_cast %add3A_524 : vector<16xf32> to vector<1x16xf32>
    tpu.vector_store %arg9[%swap3A_526, %swap3A_527], %swap3A_530 {strides = array<i32>} : memref<64x16xf32, #tpu.memory_space<vmem>>, vector<1x16xf32>,
    %add3A_531 = arith.constant 1536 : i32
    %add3A_532 = arith.addi %mul3A_2, %add3A_531 : i32
    "tpu.region"() ({
      %run_scoped3A = tpu.sem_alloc : memref<!tpu.dma_semaphore, #tpu.memory_space<semaphore_mem>>
      %dma_start3A_1537 = tpu.memref_slice %arg3[%add3A_532] : memref<131072xi32, #tpu.memory_space<hbm>> -> memref<128xi32, #tpu.memory_space<hbm>>
      %dma_start3A_1538 = tpu.memref_slice %arg3[%add3A_532] : memref<131072xi32, #tpu.memory_space<hbm>> -> memref<128xi32, #tpu.memory_space<hbm>>
      tpu.enqueue_dma source(%dma_start3A_1538 : memref<128xi32, #tpu.memory_space<hbm>>) target(%arg5 : memref<128xi32, #tpu.memory_space<vmem>>) target_semaphore(%run_scoped3A : memref<!tpu.dma_semaphore, #tpu.memory_space<semaphore_mem>>)
      %dma_wait3A_1539 = tpu.memref_slice %arg3[%add3A_532] : memref<131072xi32, #tpu.memory_space<hbm>> -> memref<128xi32, #tpu.memory_space<hbm>>
      %dma_wait3A_1540 = tpu.memref_slice %arg3[%add3A_532] : memref<131072xi32, #tpu.memory_space<hbm>> -> memref<128xi32, #tpu.memory_space<hbm>>
      tpu.wait_dma2 semaphore(%run_scoped3A : memref<!tpu.dma_semaphore, #tpu.memory_space<semaphore_mem>>) src(%dma_wait3A_1540 : memref<128xi32, #tpu.memory_space<hbm>>) dst(%arg5 : memref<128xi32, #tpu.memory_space<vmem>>)
      tpu.yield
    }) : () -> ()
    %dma_start3A_533 = arith.constant 0 : i32
    %dma_start3A_534 = tpu.memref_slice %arg2[%dma_start3A_533] : memref<139264xf32, #tpu.memory_space<hbm>> -> memref<139264xf32, #tpu.memory_space<hbm>>
    tpu.enqueue_indirect_dma source(%dma_start3A_534 : memref<139264xf32, #tpu.memory_space<hbm>>) target(%arg7 : memref<128xf32, #tpu.memory_space<vmem>>) offsets(%arg5 : memref<128xi32, #tpu.memory_space<vmem>>) semaphore(%arg10 : memref<!tpu.dma_semaphore, #tpu.memory_space<semaphore_mem>>)
    %dma_wait3A_535 = arith.constant 0 : i32
    %dma_wait3A_536 = tpu.memref_slice %arg2[%dma_wait3A_535] : memref<139264xf32, #tpu.memory_space<hbm>> -> memref<139264xf32, #tpu.memory_space<hbm>>
    tpu.wait_indirect_dma semaphore(%arg11 : memref<!tpu.dma_semaphore, #tpu.memory_space<semaphore_mem>>) src(%dma_wait3A_536 : memref<139264xf32, #tpu.memory_space<hbm>>) dst(%arg8 : memref<128xf32, #tpu.memory_space<vmem>>)
    %get3A_537 = arith.constant 0 : index
    %get3A_538 = tpu.vector_load %arg8[%get3A_537] {strides = array<i32>} : memref<128xf32, #tpu.memory_space<vmem>>, vector<16xf32>,
    %get3A_539 = vector.shape_cast %get3A_538 : vector<16xf32> to vector<16xf32>
    %get3A_540 = arith.constant 16 : index
    %get3A_541 = tpu.vector_load %arg8[%get3A_540] {strides = array<i32>} : memref<128xf32, #tpu.memory_space<vmem>>, vector<16xf32>,
    %get3A_542 = vector.shape_cast %get3A_541 : vector<16xf32> to vector<16xf32>
    %add3A_543 = arith.addf %get3A_539, %get3A_542 : vector<16xf32>
    %get3A_544 = arith.constant 32 : index
    %get3A_545 = tpu.vector_load %arg8[%get3A_544] {strides = array<i32>} : memref<128xf32, #tpu.memory_space<vmem>>, vector<16xf32>,
    %get3A_546 = vector.shape_cast %get3A_545 : vector<16xf32> to vector<16xf32>
    %add3A_547 = arith.addf %add3A_543, %get3A_546 : vector<16xf32>
    %get3A_548 = arith.constant 48 : index
    %get3A_549 = tpu.vector_load %arg8[%get3A_548] {strides = array<i32>} : memref<128xf32, #tpu.memory_space<vmem>>, vector<16xf32>,
    %get3A_550 = vector.shape_cast %get3A_549 : vector<16xf32> to vector<16xf32>
    %add3A_551 = arith.addf %add3A_547, %get3A_550 : vector<16xf32>
    %swap3A_552 = arith.constant 22 : i32
    %swap3A_553 = arith.index_cast %swap3A_552 : i32 to index
    %swap3A_554 = arith.constant 0 : index
    %swap3A_555 = tpu.vector_load %arg9[%swap3A_553, %swap3A_554] {strides = array<i32>} : memref<64x16xf32, #tpu.memory_space<vmem>>, vector<1x16xf32>,
    %swap3A_556 = vector.shape_cast %swap3A_555 : vector<1x16xf32> to vector<16xf32>
    %swap3A_557 = vector.shape_cast %add3A_551 : vector<16xf32> to vector<1x16xf32>
    tpu.vector_store %arg9[%swap3A_553, %swap3A_554], %swap3A_557 {strides = array<i32>} : memref<64x16xf32, #tpu.memory_space<vmem>>, vector<1x16xf32>,
    %get3A_558 = arith.constant 64 : index
    %get3A_559 = tpu.vector_load %arg8[%get3A_558] {strides = array<i32>} : memref<128xf32, #tpu.memory_space<vmem>>, vector<16xf32>,
    %get3A_560 = vector.shape_cast %get3A_559 : vector<16xf32> to vector<16xf32>
    %get3A_561 = arith.constant 80 : index
    %get3A_562 = tpu.vector_load %arg8[%get3A_561] {strides = array<i32>} : memref<128xf32, #tpu.memory_space<vmem>>, vector<16xf32>,
    %get3A_563 = vector.shape_cast %get3A_562 : vector<16xf32> to vector<16xf32>
    %add3A_564 = arith.addf %get3A_560, %get3A_563 : vector<16xf32>
    %get3A_565 = arith.constant 96 : index
    %get3A_566 = tpu.vector_load %arg8[%get3A_565] {strides = array<i32>} : memref<128xf32, #tpu.memory_space<vmem>>, vector<16xf32>,
    %get3A_567 = vector.shape_cast %get3A_566 : vector<16xf32> to vector<16xf32>
    %add3A_568 = arith.addf %add3A_564, %get3A_567 : vector<16xf32>
    %get3A_569 = arith.constant 112 : index
    %get3A_570 = tpu.vector_load %arg8[%get3A_569] {strides = array<i32>} : memref<128xf32, #tpu.memory_space<vmem>>, vector<16xf32>,
    %get3A_571 = vector.shape_cast %get3A_570 : vector<16xf32> to vector<16xf32>
    %add3A_572 = arith.addf %add3A_568, %get3A_571 : vector<16xf32>
    %swap3A_573 = arith.constant 23 : i32
    %swap3A_574 = arith.index_cast %swap3A_573 : i32 to index
    %swap3A_575 = arith.constant 0 : index
    %swap3A_576 = tpu.vector_load %arg9[%swap3A_574, %swap3A_575] {strides = array<i32>} : memref<64x16xf32, #tpu.memory_space<vmem>>, vector<1x16xf32>,
    %swap3A_577 = vector.shape_cast %swap3A_576 : vector<1x16xf32> to vector<16xf32>
    %swap3A_578 = vector.shape_cast %add3A_572 : vector<16xf32> to vector<1x16xf32>
    tpu.vector_store %arg9[%swap3A_574, %swap3A_575], %swap3A_578 {strides = array<i32>} : memref<64x16xf32, #tpu.memory_space<vmem>>, vector<1x16xf32>,
    %add3A_579 = arith.constant 1664 : i32
    %add3A_580 = arith.addi %mul3A_2, %add3A_579 : i32
    "tpu.region"() ({
      %run_scoped3A = tpu.sem_alloc : memref<!tpu.dma_semaphore, #tpu.memory_space<semaphore_mem>>
      %dma_start3A_1537 = tpu.memref_slice %arg3[%add3A_580] : memref<131072xi32, #tpu.memory_space<hbm>> -> memref<128xi32, #tpu.memory_space<hbm>>
      %dma_start3A_1538 = tpu.memref_slice %arg3[%add3A_580] : memref<131072xi32, #tpu.memory_space<hbm>> -> memref<128xi32, #tpu.memory_space<hbm>>
      tpu.enqueue_dma source(%dma_start3A_1538 : memref<128xi32, #tpu.memory_space<hbm>>) target(%arg6 : memref<128xi32, #tpu.memory_space<vmem>>) target_semaphore(%run_scoped3A : memref<!tpu.dma_semaphore, #tpu.memory_space<semaphore_mem>>)
      %dma_wait3A_1539 = tpu.memref_slice %arg3[%add3A_580] : memref<131072xi32, #tpu.memory_space<hbm>> -> memref<128xi32, #tpu.memory_space<hbm>>
      %dma_wait3A_1540 = tpu.memref_slice %arg3[%add3A_580] : memref<131072xi32, #tpu.memory_space<hbm>> -> memref<128xi32, #tpu.memory_space<hbm>>
      tpu.wait_dma2 semaphore(%run_scoped3A : memref<!tpu.dma_semaphore, #tpu.memory_space<semaphore_mem>>) src(%dma_wait3A_1540 : memref<128xi32, #tpu.memory_space<hbm>>) dst(%arg6 : memref<128xi32, #tpu.memory_space<vmem>>)
      tpu.yield
    }) : () -> ()
    %dma_start3A_581 = arith.constant 0 : i32
    %dma_start3A_582 = tpu.memref_slice %arg2[%dma_start3A_581] : memref<139264xf32, #tpu.memory_space<hbm>> -> memref<139264xf32, #tpu.memory_space<hbm>>
    tpu.enqueue_indirect_dma source(%dma_start3A_582 : memref<139264xf32, #tpu.memory_space<hbm>>) target(%arg8 : memref<128xf32, #tpu.memory_space<vmem>>) offsets(%arg6 : memref<128xi32, #tpu.memory_space<vmem>>) semaphore(%arg11 : memref<!tpu.dma_semaphore, #tpu.memory_space<semaphore_mem>>)
    %dma_wait3A_583 = arith.constant 0 : i32
    %dma_wait3A_584 = tpu.memref_slice %arg2[%dma_wait3A_583] : memref<139264xf32, #tpu.memory_space<hbm>> -> memref<139264xf32, #tpu.memory_space<hbm>>
    tpu.wait_indirect_dma semaphore(%arg10 : memref<!tpu.dma_semaphore, #tpu.memory_space<semaphore_mem>>) src(%dma_wait3A_584 : memref<139264xf32, #tpu.memory_space<hbm>>) dst(%arg7 : memref<128xf32, #tpu.memory_space<vmem>>)
    %get3A_585 = arith.constant 0 : index
    %get3A_586 = tpu.vector_load %arg7[%get3A_585] {strides = array<i32>} : memref<128xf32, #tpu.memory_space<vmem>>, vector<16xf32>,
    %get3A_587 = vector.shape_cast %get3A_586 : vector<16xf32> to vector<16xf32>
    %get3A_588 = arith.constant 16 : index
    %get3A_589 = tpu.vector_load %arg7[%get3A_588] {strides = array<i32>} : memref<128xf32, #tpu.memory_space<vmem>>, vector<16xf32>,
    %get3A_590 = vector.shape_cast %get3A_589 : vector<16xf32> to vector<16xf32>
    %add3A_591 = arith.addf %get3A_587, %get3A_590 : vector<16xf32>
    %get3A_592 = arith.constant 32 : index
    %get3A_593 = tpu.vector_load %arg7[%get3A_592] {strides = array<i32>} : memref<128xf32, #tpu.memory_space<vmem>>, vector<16xf32>,
    %get3A_594 = vector.shape_cast %get3A_593 : vector<16xf32> to vector<16xf32>
    %add3A_595 = arith.addf %add3A_591, %get3A_594 : vector<16xf32>
    %get3A_596 = arith.constant 48 : index
    %get3A_597 = tpu.vector_load %arg7[%get3A_596] {strides = array<i32>} : memref<128xf32, #tpu.memory_space<vmem>>, vector<16xf32>,
    %get3A_598 = vector.shape_cast %get3A_597 : vector<16xf32> to vector<16xf32>
    %add3A_599 = arith.addf %add3A_595, %get3A_598 : vector<16xf32>
    %swap3A_600 = arith.constant 24 : i32
    %swap3A_601 = arith.index_cast %swap3A_600 : i32 to index
    %swap3A_602 = arith.constant 0 : index
    %swap3A_603 = tpu.vector_load %arg9[%swap3A_601, %swap3A_602] {strides = array<i32>} : memref<64x16xf32, #tpu.memory_space<vmem>>, vector<1x16xf32>,
    %swap3A_604 = vector.shape_cast %swap3A_603 : vector<1x16xf32> to vector<16xf32>
    %swap3A_605 = vector.shape_cast %add3A_599 : vector<16xf32> to vector<1x16xf32>
    tpu.vector_store %arg9[%swap3A_601, %swap3A_602], %swap3A_605 {strides = array<i32>} : memref<64x16xf32, #tpu.memory_space<vmem>>, vector<1x16xf32>,
    %get3A_606 = arith.constant 64 : index
    %get3A_607 = tpu.vector_load %arg7[%get3A_606] {strides = array<i32>} : memref<128xf32, #tpu.memory_space<vmem>>, vector<16xf32>,
    %get3A_608 = vector.shape_cast %get3A_607 : vector<16xf32> to vector<16xf32>
    %get3A_609 = arith.constant 80 : index
    %get3A_610 = tpu.vector_load %arg7[%get3A_609] {strides = array<i32>} : memref<128xf32, #tpu.memory_space<vmem>>, vector<16xf32>,
    %get3A_611 = vector.shape_cast %get3A_610 : vector<16xf32> to vector<16xf32>
    %add3A_612 = arith.addf %get3A_608, %get3A_611 : vector<16xf32>
    %get3A_613 = arith.constant 96 : index
    %get3A_614 = tpu.vector_load %arg7[%get3A_613] {strides = array<i32>} : memref<128xf32, #tpu.memory_space<vmem>>, vector<16xf32>,
    %get3A_615 = vector.shape_cast %get3A_614 : vector<16xf32> to vector<16xf32>
    %add3A_616 = arith.addf %add3A_612, %get3A_615 : vector<16xf32>
    %get3A_617 = arith.constant 112 : index
    %get3A_618 = tpu.vector_load %arg7[%get3A_617] {strides = array<i32>} : memref<128xf32, #tpu.memory_space<vmem>>, vector<16xf32>,
    %get3A_619 = vector.shape_cast %get3A_618 : vector<16xf32> to vector<16xf32>
    %add3A_620 = arith.addf %add3A_616, %get3A_619 : vector<16xf32>
    %swap3A_621 = arith.constant 25 : i32
    %swap3A_622 = arith.index_cast %swap3A_621 : i32 to index
    %swap3A_623 = arith.constant 0 : index
    %swap3A_624 = tpu.vector_load %arg9[%swap3A_622, %swap3A_623] {strides = array<i32>} : memref<64x16xf32, #tpu.memory_space<vmem>>, vector<1x16xf32>,
    %swap3A_625 = vector.shape_cast %swap3A_624 : vector<1x16xf32> to vector<16xf32>
    %swap3A_626 = vector.shape_cast %add3A_620 : vector<16xf32> to vector<1x16xf32>
    tpu.vector_store %arg9[%swap3A_622, %swap3A_623], %swap3A_626 {strides = array<i32>} : memref<64x16xf32, #tpu.memory_space<vmem>>, vector<1x16xf32>,
    %add3A_627 = arith.constant 1792 : i32
    %add3A_628 = arith.addi %mul3A_2, %add3A_627 : i32
    "tpu.region"() ({
      %run_scoped3A = tpu.sem_alloc : memref<!tpu.dma_semaphore, #tpu.memory_space<semaphore_mem>>
      %dma_start3A_1537 = tpu.memref_slice %arg3[%add3A_628] : memref<131072xi32, #tpu.memory_space<hbm>> -> memref<128xi32, #tpu.memory_space<hbm>>
      %dma_start3A_1538 = tpu.memref_slice %arg3[%add3A_628] : memref<131072xi32, #tpu.memory_space<hbm>> -> memref<128xi32, #tpu.memory_space<hbm>>
      tpu.enqueue_dma source(%dma_start3A_1538 : memref<128xi32, #tpu.memory_space<hbm>>) target(%arg5 : memref<128xi32, #tpu.memory_space<vmem>>) target_semaphore(%run_scoped3A : memref<!tpu.dma_semaphore, #tpu.memory_space<semaphore_mem>>)
      %dma_wait3A_1539 = tpu.memref_slice %arg3[%add3A_628] : memref<131072xi32, #tpu.memory_space<hbm>> -> memref<128xi32, #tpu.memory_space<hbm>>
      %dma_wait3A_1540 = tpu.memref_slice %arg3[%add3A_628] : memref<131072xi32, #tpu.memory_space<hbm>> -> memref<128xi32, #tpu.memory_space<hbm>>
      tpu.wait_dma2 semaphore(%run_scoped3A : memref<!tpu.dma_semaphore, #tpu.memory_space<semaphore_mem>>) src(%dma_wait3A_1540 : memref<128xi32, #tpu.memory_space<hbm>>) dst(%arg5 : memref<128xi32, #tpu.memory_space<vmem>>)
      tpu.yield
    }) : () -> ()
    %dma_start3A_629 = arith.constant 0 : i32
    %dma_start3A_630 = tpu.memref_slice %arg2[%dma_start3A_629] : memref<139264xf32, #tpu.memory_space<hbm>> -> memref<139264xf32, #tpu.memory_space<hbm>>
    tpu.enqueue_indirect_dma source(%dma_start3A_630 : memref<139264xf32, #tpu.memory_space<hbm>>) target(%arg7 : memref<128xf32, #tpu.memory_space<vmem>>) offsets(%arg5 : memref<128xi32, #tpu.memory_space<vmem>>) semaphore(%arg10 : memref<!tpu.dma_semaphore, #tpu.memory_space<semaphore_mem>>)
    %dma_wait3A_631 = arith.constant 0 : i32
    %dma_wait3A_632 = tpu.memref_slice %arg2[%dma_wait3A_631] : memref<139264xf32, #tpu.memory_space<hbm>> -> memref<139264xf32, #tpu.memory_space<hbm>>
    tpu.wait_indirect_dma semaphore(%arg11 : memref<!tpu.dma_semaphore, #tpu.memory_space<semaphore_mem>>) src(%dma_wait3A_632 : memref<139264xf32, #tpu.memory_space<hbm>>) dst(%arg8 : memref<128xf32, #tpu.memory_space<vmem>>)
    %get3A_633 = arith.constant 0 : index
    %get3A_634 = tpu.vector_load %arg8[%get3A_633] {strides = array<i32>} : memref<128xf32, #tpu.memory_space<vmem>>, vector<16xf32>,
    %get3A_635 = vector.shape_cast %get3A_634 : vector<16xf32> to vector<16xf32>
    %get3A_636 = arith.constant 16 : index
    %get3A_637 = tpu.vector_load %arg8[%get3A_636] {strides = array<i32>} : memref<128xf32, #tpu.memory_space<vmem>>, vector<16xf32>,
    %get3A_638 = vector.shape_cast %get3A_637 : vector<16xf32> to vector<16xf32>
    %add3A_639 = arith.addf %get3A_635, %get3A_638 : vector<16xf32>
    %get3A_640 = arith.constant 32 : index
    %get3A_641 = tpu.vector_load %arg8[%get3A_640] {strides = array<i32>} : memref<128xf32, #tpu.memory_space<vmem>>, vector<16xf32>,
    %get3A_642 = vector.shape_cast %get3A_641 : vector<16xf32> to vector<16xf32>
    %add3A_643 = arith.addf %add3A_639, %get3A_642 : vector<16xf32>
    %get3A_644 = arith.constant 48 : index
    %get3A_645 = tpu.vector_load %arg8[%get3A_644] {strides = array<i32>} : memref<128xf32, #tpu.memory_space<vmem>>, vector<16xf32>,
    %get3A_646 = vector.shape_cast %get3A_645 : vector<16xf32> to vector<16xf32>
    %add3A_647 = arith.addf %add3A_643, %get3A_646 : vector<16xf32>
    %swap3A_648 = arith.constant 26 : i32
    %swap3A_649 = arith.index_cast %swap3A_648 : i32 to index
    %swap3A_650 = arith.constant 0 : index
    %swap3A_651 = tpu.vector_load %arg9[%swap3A_649, %swap3A_650] {strides = array<i32>} : memref<64x16xf32, #tpu.memory_space<vmem>>, vector<1x16xf32>,
    %swap3A_652 = vector.shape_cast %swap3A_651 : vector<1x16xf32> to vector<16xf32>
    %swap3A_653 = vector.shape_cast %add3A_647 : vector<16xf32> to vector<1x16xf32>
    tpu.vector_store %arg9[%swap3A_649, %swap3A_650], %swap3A_653 {strides = array<i32>} : memref<64x16xf32, #tpu.memory_space<vmem>>, vector<1x16xf32>,
    %get3A_654 = arith.constant 64 : index
    %get3A_655 = tpu.vector_load %arg8[%get3A_654] {strides = array<i32>} : memref<128xf32, #tpu.memory_space<vmem>>, vector<16xf32>,
    %get3A_656 = vector.shape_cast %get3A_655 : vector<16xf32> to vector<16xf32>
    %get3A_657 = arith.constant 80 : index
    %get3A_658 = tpu.vector_load %arg8[%get3A_657] {strides = array<i32>} : memref<128xf32, #tpu.memory_space<vmem>>, vector<16xf32>,
    %get3A_659 = vector.shape_cast %get3A_658 : vector<16xf32> to vector<16xf32>
    %add3A_660 = arith.addf %get3A_656, %get3A_659 : vector<16xf32>
    %get3A_661 = arith.constant 96 : index
    %get3A_662 = tpu.vector_load %arg8[%get3A_661] {strides = array<i32>} : memref<128xf32, #tpu.memory_space<vmem>>, vector<16xf32>,
    %get3A_663 = vector.shape_cast %get3A_662 : vector<16xf32> to vector<16xf32>
    %add3A_664 = arith.addf %add3A_660, %get3A_663 : vector<16xf32>
    %get3A_665 = arith.constant 112 : index
    %get3A_666 = tpu.vector_load %arg8[%get3A_665] {strides = array<i32>} : memref<128xf32, #tpu.memory_space<vmem>>, vector<16xf32>,
    %get3A_667 = vector.shape_cast %get3A_666 : vector<16xf32> to vector<16xf32>
    %add3A_668 = arith.addf %add3A_664, %get3A_667 : vector<16xf32>
    %swap3A_669 = arith.constant 27 : i32
    %swap3A_670 = arith.index_cast %swap3A_669 : i32 to index
    %swap3A_671 = arith.constant 0 : index
    %swap3A_672 = tpu.vector_load %arg9[%swap3A_670, %swap3A_671] {strides = array<i32>} : memref<64x16xf32, #tpu.memory_space<vmem>>, vector<1x16xf32>,
    %swap3A_673 = vector.shape_cast %swap3A_672 : vector<1x16xf32> to vector<16xf32>
    %swap3A_674 = vector.shape_cast %add3A_668 : vector<16xf32> to vector<1x16xf32>
    tpu.vector_store %arg9[%swap3A_670, %swap3A_671], %swap3A_674 {strides = array<i32>} : memref<64x16xf32, #tpu.memory_space<vmem>>, vector<1x16xf32>,
    %add3A_675 = arith.constant 1920 : i32
    %add3A_676 = arith.addi %mul3A_2, %add3A_675 : i32
    "tpu.region"() ({
      %run_scoped3A = tpu.sem_alloc : memref<!tpu.dma_semaphore, #tpu.memory_space<semaphore_mem>>
      %dma_start3A_1537 = tpu.memref_slice %arg3[%add3A_676] : memref<131072xi32, #tpu.memory_space<hbm>> -> memref<128xi32, #tpu.memory_space<hbm>>
      %dma_start3A_1538 = tpu.memref_slice %arg3[%add3A_676] : memref<131072xi32, #tpu.memory_space<hbm>> -> memref<128xi32, #tpu.memory_space<hbm>>
      tpu.enqueue_dma source(%dma_start3A_1538 : memref<128xi32, #tpu.memory_space<hbm>>) target(%arg6 : memref<128xi32, #tpu.memory_space<vmem>>) target_semaphore(%run_scoped3A : memref<!tpu.dma_semaphore, #tpu.memory_space<semaphore_mem>>)
      %dma_wait3A_1539 = tpu.memref_slice %arg3[%add3A_676] : memref<131072xi32, #tpu.memory_space<hbm>> -> memref<128xi32, #tpu.memory_space<hbm>>
      %dma_wait3A_1540 = tpu.memref_slice %arg3[%add3A_676] : memref<131072xi32, #tpu.memory_space<hbm>> -> memref<128xi32, #tpu.memory_space<hbm>>
      tpu.wait_dma2 semaphore(%run_scoped3A : memref<!tpu.dma_semaphore, #tpu.memory_space<semaphore_mem>>) src(%dma_wait3A_1540 : memref<128xi32, #tpu.memory_space<hbm>>) dst(%arg6 : memref<128xi32, #tpu.memory_space<vmem>>)
      tpu.yield
    }) : () -> ()
    %dma_start3A_677 = arith.constant 0 : i32
    %dma_start3A_678 = tpu.memref_slice %arg2[%dma_start3A_677] : memref<139264xf32, #tpu.memory_space<hbm>> -> memref<139264xf32, #tpu.memory_space<hbm>>
    tpu.enqueue_indirect_dma source(%dma_start3A_678 : memref<139264xf32, #tpu.memory_space<hbm>>) target(%arg8 : memref<128xf32, #tpu.memory_space<vmem>>) offsets(%arg6 : memref<128xi32, #tpu.memory_space<vmem>>) semaphore(%arg11 : memref<!tpu.dma_semaphore, #tpu.memory_space<semaphore_mem>>)
    %dma_wait3A_679 = arith.constant 0 : i32
    %dma_wait3A_680 = tpu.memref_slice %arg2[%dma_wait3A_679] : memref<139264xf32, #tpu.memory_space<hbm>> -> memref<139264xf32, #tpu.memory_space<hbm>>
    tpu.wait_indirect_dma semaphore(%arg10 : memref<!tpu.dma_semaphore, #tpu.memory_space<semaphore_mem>>) src(%dma_wait3A_680 : memref<139264xf32, #tpu.memory_space<hbm>>) dst(%arg7 : memref<128xf32, #tpu.memory_space<vmem>>)
    %get3A_681 = arith.constant 0 : index
    %get3A_682 = tpu.vector_load %arg7[%get3A_681] {strides = array<i32>} : memref<128xf32, #tpu.memory_space<vmem>>, vector<16xf32>,
    %get3A_683 = vector.shape_cast %get3A_682 : vector<16xf32> to vector<16xf32>
    %get3A_684 = arith.constant 16 : index
    %get3A_685 = tpu.vector_load %arg7[%get3A_684] {strides = array<i32>} : memref<128xf32, #tpu.memory_space<vmem>>, vector<16xf32>,
    %get3A_686 = vector.shape_cast %get3A_685 : vector<16xf32> to vector<16xf32>
    %add3A_687 = arith.addf %get3A_683, %get3A_686 : vector<16xf32>
    %get3A_688 = arith.constant 32 : index
    %get3A_689 = tpu.vector_load %arg7[%get3A_688] {strides = array<i32>} : memref<128xf32, #tpu.memory_space<vmem>>, vector<16xf32>,
    %get3A_690 = vector.shape_cast %get3A_689 : vector<16xf32> to vector<16xf32>
    %add3A_691 = arith.addf %add3A_687, %get3A_690 : vector<16xf32>
    %get3A_692 = arith.constant 48 : index
    %get3A_693 = tpu.vector_load %arg7[%get3A_692] {strides = array<i32>} : memref<128xf32, #tpu.memory_space<vmem>>, vector<16xf32>,
    %get3A_694 = vector.shape_cast %get3A_693 : vector<16xf32> to vector<16xf32>
    %add3A_695 = arith.addf %add3A_691, %get3A_694 : vector<16xf32>
    %swap3A_696 = arith.constant 28 : i32
    %swap3A_697 = arith.index_cast %swap3A_696 : i32 to index
    %swap3A_698 = arith.constant 0 : index
    %swap3A_699 = tpu.vector_load %arg9[%swap3A_697, %swap3A_698] {strides = array<i32>} : memref<64x16xf32, #tpu.memory_space<vmem>>, vector<1x16xf32>,
    %swap3A_700 = vector.shape_cast %swap3A_699 : vector<1x16xf32> to vector<16xf32>
    %swap3A_701 = vector.shape_cast %add3A_695 : vector<16xf32> to vector<1x16xf32>
    tpu.vector_store %arg9[%swap3A_697, %swap3A_698], %swap3A_701 {strides = array<i32>} : memref<64x16xf32, #tpu.memory_space<vmem>>, vector<1x16xf32>,
    %get3A_702 = arith.constant 64 : index
    %get3A_703 = tpu.vector_load %arg7[%get3A_702] {strides = array<i32>} : memref<128xf32, #tpu.memory_space<vmem>>, vector<16xf32>,
    %get3A_704 = vector.shape_cast %get3A_703 : vector<16xf32> to vector<16xf32>
    %get3A_705 = arith.constant 80 : index
    %get3A_706 = tpu.vector_load %arg7[%get3A_705] {strides = array<i32>} : memref<128xf32, #tpu.memory_space<vmem>>, vector<16xf32>,
    %get3A_707 = vector.shape_cast %get3A_706 : vector<16xf32> to vector<16xf32>
    %add3A_708 = arith.addf %get3A_704, %get3A_707 : vector<16xf32>
    %get3A_709 = arith.constant 96 : index
    %get3A_710 = tpu.vector_load %arg7[%get3A_709] {strides = array<i32>} : memref<128xf32, #tpu.memory_space<vmem>>, vector<16xf32>,
    %get3A_711 = vector.shape_cast %get3A_710 : vector<16xf32> to vector<16xf32>
    %add3A_712 = arith.addf %add3A_708, %get3A_711 : vector<16xf32>
    %get3A_713 = arith.constant 112 : index
    %get3A_714 = tpu.vector_load %arg7[%get3A_713] {strides = array<i32>} : memref<128xf32, #tpu.memory_space<vmem>>, vector<16xf32>,
    %get3A_715 = vector.shape_cast %get3A_714 : vector<16xf32> to vector<16xf32>
    %add3A_716 = arith.addf %add3A_712, %get3A_715 : vector<16xf32>
    %swap3A_717 = arith.constant 29 : i32
    %swap3A_718 = arith.index_cast %swap3A_717 : i32 to index
    %swap3A_719 = arith.constant 0 : index
    %swap3A_720 = tpu.vector_load %arg9[%swap3A_718, %swap3A_719] {strides = array<i32>} : memref<64x16xf32, #tpu.memory_space<vmem>>, vector<1x16xf32>,
    %swap3A_721 = vector.shape_cast %swap3A_720 : vector<1x16xf32> to vector<16xf32>
    %swap3A_722 = vector.shape_cast %add3A_716 : vector<16xf32> to vector<1x16xf32>
    tpu.vector_store %arg9[%swap3A_718, %swap3A_719], %swap3A_722 {strides = array<i32>} : memref<64x16xf32, #tpu.memory_space<vmem>>, vector<1x16xf32>,
    %add3A_723 = arith.constant 2048 : i32
    %add3A_724 = arith.addi %mul3A_2, %add3A_723 : i32
    "tpu.region"() ({
      %run_scoped3A = tpu.sem_alloc : memref<!tpu.dma_semaphore, #tpu.memory_space<semaphore_mem>>
      %dma_start3A_1537 = tpu.memref_slice %arg3[%add3A_724] : memref<131072xi32, #tpu.memory_space<hbm>> -> memref<128xi32, #tpu.memory_space<hbm>>
      %dma_start3A_1538 = tpu.memref_slice %arg3[%add3A_724] : memref<131072xi32, #tpu.memory_space<hbm>> -> memref<128xi32, #tpu.memory_space<hbm>>
      tpu.enqueue_dma source(%dma_start3A_1538 : memref<128xi32, #tpu.memory_space<hbm>>) target(%arg5 : memref<128xi32, #tpu.memory_space<vmem>>) target_semaphore(%run_scoped3A : memref<!tpu.dma_semaphore, #tpu.memory_space<semaphore_mem>>)
      %dma_wait3A_1539 = tpu.memref_slice %arg3[%add3A_724] : memref<131072xi32, #tpu.memory_space<hbm>> -> memref<128xi32, #tpu.memory_space<hbm>>
      %dma_wait3A_1540 = tpu.memref_slice %arg3[%add3A_724] : memref<131072xi32, #tpu.memory_space<hbm>> -> memref<128xi32, #tpu.memory_space<hbm>>
      tpu.wait_dma2 semaphore(%run_scoped3A : memref<!tpu.dma_semaphore, #tpu.memory_space<semaphore_mem>>) src(%dma_wait3A_1540 : memref<128xi32, #tpu.memory_space<hbm>>) dst(%arg5 : memref<128xi32, #tpu.memory_space<vmem>>)
      tpu.yield
    }) : () -> ()
    %dma_start3A_725 = arith.constant 0 : i32
    %dma_start3A_726 = tpu.memref_slice %arg2[%dma_start3A_725] : memref<139264xf32, #tpu.memory_space<hbm>> -> memref<139264xf32, #tpu.memory_space<hbm>>
    tpu.enqueue_indirect_dma source(%dma_start3A_726 : memref<139264xf32, #tpu.memory_space<hbm>>) target(%arg7 : memref<128xf32, #tpu.memory_space<vmem>>) offsets(%arg5 : memref<128xi32, #tpu.memory_space<vmem>>) semaphore(%arg10 : memref<!tpu.dma_semaphore, #tpu.memory_space<semaphore_mem>>)
    %dma_wait3A_727 = arith.constant 0 : i32
    %dma_wait3A_728 = tpu.memref_slice %arg2[%dma_wait3A_727] : memref<139264xf32, #tpu.memory_space<hbm>> -> memref<139264xf32, #tpu.memory_space<hbm>>
    tpu.wait_indirect_dma semaphore(%arg11 : memref<!tpu.dma_semaphore, #tpu.memory_space<semaphore_mem>>) src(%dma_wait3A_728 : memref<139264xf32, #tpu.memory_space<hbm>>) dst(%arg8 : memref<128xf32, #tpu.memory_space<vmem>>)
    %get3A_729 = arith.constant 0 : index
    %get3A_730 = tpu.vector_load %arg8[%get3A_729] {strides = array<i32>} : memref<128xf32, #tpu.memory_space<vmem>>, vector<16xf32>,
    %get3A_731 = vector.shape_cast %get3A_730 : vector<16xf32> to vector<16xf32>
    %get3A_732 = arith.constant 16 : index
    %get3A_733 = tpu.vector_load %arg8[%get3A_732] {strides = array<i32>} : memref<128xf32, #tpu.memory_space<vmem>>, vector<16xf32>,
    %get3A_734 = vector.shape_cast %get3A_733 : vector<16xf32> to vector<16xf32>
    %add3A_735 = arith.addf %get3A_731, %get3A_734 : vector<16xf32>
    %get3A_736 = arith.constant 32 : index
    %get3A_737 = tpu.vector_load %arg8[%get3A_736] {strides = array<i32>} : memref<128xf32, #tpu.memory_space<vmem>>, vector<16xf32>,
    %get3A_738 = vector.shape_cast %get3A_737 : vector<16xf32> to vector<16xf32>
    %add3A_739 = arith.addf %add3A_735, %get3A_738 : vector<16xf32>
    %get3A_740 = arith.constant 48 : index
    %get3A_741 = tpu.vector_load %arg8[%get3A_740] {strides = array<i32>} : memref<128xf32, #tpu.memory_space<vmem>>, vector<16xf32>,
    %get3A_742 = vector.shape_cast %get3A_741 : vector<16xf32> to vector<16xf32>
    %add3A_743 = arith.addf %add3A_739, %get3A_742 : vector<16xf32>
    %swap3A_744 = arith.constant 30 : i32
    %swap3A_745 = arith.index_cast %swap3A_744 : i32 to index
    %swap3A_746 = arith.constant 0 : index
    %swap3A_747 = tpu.vector_load %arg9[%swap3A_745, %swap3A_746] {strides = array<i32>} : memref<64x16xf32, #tpu.memory_space<vmem>>, vector<1x16xf32>,
    %swap3A_748 = vector.shape_cast %swap3A_747 : vector<1x16xf32> to vector<16xf32>
    %swap3A_749 = vector.shape_cast %add3A_743 : vector<16xf32> to vector<1x16xf32>
    tpu.vector_store %arg9[%swap3A_745, %swap3A_746], %swap3A_749 {strides = array<i32>} : memref<64x16xf32, #tpu.memory_space<vmem>>, vector<1x16xf32>,
    %get3A_750 = arith.constant 64 : index
    %get3A_751 = tpu.vector_load %arg8[%get3A_750] {strides = array<i32>} : memref<128xf32, #tpu.memory_space<vmem>>, vector<16xf32>,
    %get3A_752 = vector.shape_cast %get3A_751 : vector<16xf32> to vector<16xf32>
    %get3A_753 = arith.constant 80 : index
    %get3A_754 = tpu.vector_load %arg8[%get3A_753] {strides = array<i32>} : memref<128xf32, #tpu.memory_space<vmem>>, vector<16xf32>,
    %get3A_755 = vector.shape_cast %get3A_754 : vector<16xf32> to vector<16xf32>
    %add3A_756 = arith.addf %get3A_752, %get3A_755 : vector<16xf32>
    %get3A_757 = arith.constant 96 : index
    %get3A_758 = tpu.vector_load %arg8[%get3A_757] {strides = array<i32>} : memref<128xf32, #tpu.memory_space<vmem>>, vector<16xf32>,
    %get3A_759 = vector.shape_cast %get3A_758 : vector<16xf32> to vector<16xf32>
    %add3A_760 = arith.addf %add3A_756, %get3A_759 : vector<16xf32>
    %get3A_761 = arith.constant 112 : index
    %get3A_762 = tpu.vector_load %arg8[%get3A_761] {strides = array<i32>} : memref<128xf32, #tpu.memory_space<vmem>>, vector<16xf32>,
    %get3A_763 = vector.shape_cast %get3A_762 : vector<16xf32> to vector<16xf32>
    %add3A_764 = arith.addf %add3A_760, %get3A_763 : vector<16xf32>
    %swap3A_765 = arith.constant 31 : i32
    %swap3A_766 = arith.index_cast %swap3A_765 : i32 to index
    %swap3A_767 = arith.constant 0 : index
    %swap3A_768 = tpu.vector_load %arg9[%swap3A_766, %swap3A_767] {strides = array<i32>} : memref<64x16xf32, #tpu.memory_space<vmem>>, vector<1x16xf32>,
    %swap3A_769 = vector.shape_cast %swap3A_768 : vector<1x16xf32> to vector<16xf32>
    %swap3A_770 = vector.shape_cast %add3A_764 : vector<16xf32> to vector<1x16xf32>
    tpu.vector_store %arg9[%swap3A_766, %swap3A_767], %swap3A_770 {strides = array<i32>} : memref<64x16xf32, #tpu.memory_space<vmem>>, vector<1x16xf32>,
    %add3A_771 = arith.constant 2176 : i32
    %add3A_772 = arith.addi %mul3A_2, %add3A_771 : i32
    "tpu.region"() ({
      %run_scoped3A = tpu.sem_alloc : memref<!tpu.dma_semaphore, #tpu.memory_space<semaphore_mem>>
      %dma_start3A_1537 = tpu.memref_slice %arg3[%add3A_772] : memref<131072xi32, #tpu.memory_space<hbm>> -> memref<128xi32, #tpu.memory_space<hbm>>
      %dma_start3A_1538 = tpu.memref_slice %arg3[%add3A_772] : memref<131072xi32, #tpu.memory_space<hbm>> -> memref<128xi32, #tpu.memory_space<hbm>>
      tpu.enqueue_dma source(%dma_start3A_1538 : memref<128xi32, #tpu.memory_space<hbm>>) target(%arg6 : memref<128xi32, #tpu.memory_space<vmem>>) target_semaphore(%run_scoped3A : memref<!tpu.dma_semaphore, #tpu.memory_space<semaphore_mem>>)
      %dma_wait3A_1539 = tpu.memref_slice %arg3[%add3A_772] : memref<131072xi32, #tpu.memory_space<hbm>> -> memref<128xi32, #tpu.memory_space<hbm>>
      %dma_wait3A_1540 = tpu.memref_slice %arg3[%add3A_772] : memref<131072xi32, #tpu.memory_space<hbm>> -> memref<128xi32, #tpu.memory_space<hbm>>
      tpu.wait_dma2 semaphore(%run_scoped3A : memref<!tpu.dma_semaphore, #tpu.memory_space<semaphore_mem>>) src(%dma_wait3A_1540 : memref<128xi32, #tpu.memory_space<hbm>>) dst(%arg6 : memref<128xi32, #tpu.memory_space<vmem>>)
      tpu.yield
    }) : () -> ()
    %dma_start3A_773 = arith.constant 0 : i32
    %dma_start3A_774 = tpu.memref_slice %arg2[%dma_start3A_773] : memref<139264xf32, #tpu.memory_space<hbm>> -> memref<139264xf32, #tpu.memory_space<hbm>>
    tpu.enqueue_indirect_dma source(%dma_start3A_774 : memref<139264xf32, #tpu.memory_space<hbm>>) target(%arg8 : memref<128xf32, #tpu.memory_space<vmem>>) offsets(%arg6 : memref<128xi32, #tpu.memory_space<vmem>>) semaphore(%arg11 : memref<!tpu.dma_semaphore, #tpu.memory_space<semaphore_mem>>)
    %dma_wait3A_775 = arith.constant 0 : i32
    %dma_wait3A_776 = tpu.memref_slice %arg2[%dma_wait3A_775] : memref<139264xf32, #tpu.memory_space<hbm>> -> memref<139264xf32, #tpu.memory_space<hbm>>
    tpu.wait_indirect_dma semaphore(%arg10 : memref<!tpu.dma_semaphore, #tpu.memory_space<semaphore_mem>>) src(%dma_wait3A_776 : memref<139264xf32, #tpu.memory_space<hbm>>) dst(%arg7 : memref<128xf32, #tpu.memory_space<vmem>>)
    %get3A_777 = arith.constant 0 : index
    %get3A_778 = tpu.vector_load %arg7[%get3A_777] {strides = array<i32>} : memref<128xf32, #tpu.memory_space<vmem>>, vector<16xf32>,
    %get3A_779 = vector.shape_cast %get3A_778 : vector<16xf32> to vector<16xf32>
    %get3A_780 = arith.constant 16 : index
    %get3A_781 = tpu.vector_load %arg7[%get3A_780] {strides = array<i32>} : memref<128xf32, #tpu.memory_space<vmem>>, vector<16xf32>,
    %get3A_782 = vector.shape_cast %get3A_781 : vector<16xf32> to vector<16xf32>
    %add3A_783 = arith.addf %get3A_779, %get3A_782 : vector<16xf32>
    %get3A_784 = arith.constant 32 : index
    %get3A_785 = tpu.vector_load %arg7[%get3A_784] {strides = array<i32>} : memref<128xf32, #tpu.memory_space<vmem>>, vector<16xf32>,
    %get3A_786 = vector.shape_cast %get3A_785 : vector<16xf32> to vector<16xf32>
    %add3A_787 = arith.addf %add3A_783, %get3A_786 : vector<16xf32>
    %get3A_788 = arith.constant 48 : index
    %get3A_789 = tpu.vector_load %arg7[%get3A_788] {strides = array<i32>} : memref<128xf32, #tpu.memory_space<vmem>>, vector<16xf32>,
    %get3A_790 = vector.shape_cast %get3A_789 : vector<16xf32> to vector<16xf32>
    %add3A_791 = arith.addf %add3A_787, %get3A_790 : vector<16xf32>
    %swap3A_792 = arith.constant 32 : i32
    %swap3A_793 = arith.index_cast %swap3A_792 : i32 to index
    %swap3A_794 = arith.constant 0 : index
    %swap3A_795 = tpu.vector_load %arg9[%swap3A_793, %swap3A_794] {strides = array<i32>} : memref<64x16xf32, #tpu.memory_space<vmem>>, vector<1x16xf32>,
    %swap3A_796 = vector.shape_cast %swap3A_795 : vector<1x16xf32> to vector<16xf32>
    %swap3A_797 = vector.shape_cast %add3A_791 : vector<16xf32> to vector<1x16xf32>
    tpu.vector_store %arg9[%swap3A_793, %swap3A_794], %swap3A_797 {strides = array<i32>} : memref<64x16xf32, #tpu.memory_space<vmem>>, vector<1x16xf32>,
    %get3A_798 = arith.constant 64 : index
    %get3A_799 = tpu.vector_load %arg7[%get3A_798] {strides = array<i32>} : memref<128xf32, #tpu.memory_space<vmem>>, vector<16xf32>,
    %get3A_800 = vector.shape_cast %get3A_799 : vector<16xf32> to vector<16xf32>
    %get3A_801 = arith.constant 80 : index
    %get3A_802 = tpu.vector_load %arg7[%get3A_801] {strides = array<i32>} : memref<128xf32, #tpu.memory_space<vmem>>, vector<16xf32>,
    %get3A_803 = vector.shape_cast %get3A_802 : vector<16xf32> to vector<16xf32>
    %add3A_804 = arith.addf %get3A_800, %get3A_803 : vector<16xf32>
    %get3A_805 = arith.constant 96 : index
    %get3A_806 = tpu.vector_load %arg7[%get3A_805] {strides = array<i32>} : memref<128xf32, #tpu.memory_space<vmem>>, vector<16xf32>,
    %get3A_807 = vector.shape_cast %get3A_806 : vector<16xf32> to vector<16xf32>
    %add3A_808 = arith.addf %add3A_804, %get3A_807 : vector<16xf32>
    %get3A_809 = arith.constant 112 : index
    %get3A_810 = tpu.vector_load %arg7[%get3A_809] {strides = array<i32>} : memref<128xf32, #tpu.memory_space<vmem>>, vector<16xf32>,
    %get3A_811 = vector.shape_cast %get3A_810 : vector<16xf32> to vector<16xf32>
    %add3A_812 = arith.addf %add3A_808, %get3A_811 : vector<16xf32>
    %swap3A_813 = arith.constant 33 : i32
    %swap3A_814 = arith.index_cast %swap3A_813 : i32 to index
    %swap3A_815 = arith.constant 0 : index
    %swap3A_816 = tpu.vector_load %arg9[%swap3A_814, %swap3A_815] {strides = array<i32>} : memref<64x16xf32, #tpu.memory_space<vmem>>, vector<1x16xf32>,
    %swap3A_817 = vector.shape_cast %swap3A_816 : vector<1x16xf32> to vector<16xf32>
    %swap3A_818 = vector.shape_cast %add3A_812 : vector<16xf32> to vector<1x16xf32>
    tpu.vector_store %arg9[%swap3A_814, %swap3A_815], %swap3A_818 {strides = array<i32>} : memref<64x16xf32, #tpu.memory_space<vmem>>, vector<1x16xf32>,
    %add3A_819 = arith.constant 2304 : i32
    %add3A_820 = arith.addi %mul3A_2, %add3A_819 : i32
    "tpu.region"() ({
      %run_scoped3A = tpu.sem_alloc : memref<!tpu.dma_semaphore, #tpu.memory_space<semaphore_mem>>
      %dma_start3A_1537 = tpu.memref_slice %arg3[%add3A_820] : memref<131072xi32, #tpu.memory_space<hbm>> -> memref<128xi32, #tpu.memory_space<hbm>>
      %dma_start3A_1538 = tpu.memref_slice %arg3[%add3A_820] : memref<131072xi32, #tpu.memory_space<hbm>> -> memref<128xi32, #tpu.memory_space<hbm>>
      tpu.enqueue_dma source(%dma_start3A_1538 : memref<128xi32, #tpu.memory_space<hbm>>) target(%arg5 : memref<128xi32, #tpu.memory_space<vmem>>) target_semaphore(%run_scoped3A : memref<!tpu.dma_semaphore, #tpu.memory_space<semaphore_mem>>)
      %dma_wait3A_1539 = tpu.memref_slice %arg3[%add3A_820] : memref<131072xi32, #tpu.memory_space<hbm>> -> memref<128xi32, #tpu.memory_space<hbm>>
      %dma_wait3A_1540 = tpu.memref_slice %arg3[%add3A_820] : memref<131072xi32, #tpu.memory_space<hbm>> -> memref<128xi32, #tpu.memory_space<hbm>>
      tpu.wait_dma2 semaphore(%run_scoped3A : memref<!tpu.dma_semaphore, #tpu.memory_space<semaphore_mem>>) src(%dma_wait3A_1540 : memref<128xi32, #tpu.memory_space<hbm>>) dst(%arg5 : memref<128xi32, #tpu.memory_space<vmem>>)
      tpu.yield
    }) : () -> ()
    %dma_start3A_821 = arith.constant 0 : i32
    %dma_start3A_822 = tpu.memref_slice %arg2[%dma_start3A_821] : memref<139264xf32, #tpu.memory_space<hbm>> -> memref<139264xf32, #tpu.memory_space<hbm>>
    tpu.enqueue_indirect_dma source(%dma_start3A_822 : memref<139264xf32, #tpu.memory_space<hbm>>) target(%arg7 : memref<128xf32, #tpu.memory_space<vmem>>) offsets(%arg5 : memref<128xi32, #tpu.memory_space<vmem>>) semaphore(%arg10 : memref<!tpu.dma_semaphore, #tpu.memory_space<semaphore_mem>>)
    %dma_wait3A_823 = arith.constant 0 : i32
    %dma_wait3A_824 = tpu.memref_slice %arg2[%dma_wait3A_823] : memref<139264xf32, #tpu.memory_space<hbm>> -> memref<139264xf32, #tpu.memory_space<hbm>>
    tpu.wait_indirect_dma semaphore(%arg11 : memref<!tpu.dma_semaphore, #tpu.memory_space<semaphore_mem>>) src(%dma_wait3A_824 : memref<139264xf32, #tpu.memory_space<hbm>>) dst(%arg8 : memref<128xf32, #tpu.memory_space<vmem>>)
    %get3A_825 = arith.constant 0 : index
    %get3A_826 = tpu.vector_load %arg8[%get3A_825] {strides = array<i32>} : memref<128xf32, #tpu.memory_space<vmem>>, vector<16xf32>,
    %get3A_827 = vector.shape_cast %get3A_826 : vector<16xf32> to vector<16xf32>
    %get3A_828 = arith.constant 16 : index
    %get3A_829 = tpu.vector_load %arg8[%get3A_828] {strides = array<i32>} : memref<128xf32, #tpu.memory_space<vmem>>, vector<16xf32>,
    %get3A_830 = vector.shape_cast %get3A_829 : vector<16xf32> to vector<16xf32>
    %add3A_831 = arith.addf %get3A_827, %get3A_830 : vector<16xf32>
    %get3A_832 = arith.constant 32 : index
    %get3A_833 = tpu.vector_load %arg8[%get3A_832] {strides = array<i32>} : memref<128xf32, #tpu.memory_space<vmem>>, vector<16xf32>,
    %get3A_834 = vector.shape_cast %get3A_833 : vector<16xf32> to vector<16xf32>
    %add3A_835 = arith.addf %add3A_831, %get3A_834 : vector<16xf32>
    %get3A_836 = arith.constant 48 : index
    %get3A_837 = tpu.vector_load %arg8[%get3A_836] {strides = array<i32>} : memref<128xf32, #tpu.memory_space<vmem>>, vector<16xf32>,
    %get3A_838 = vector.shape_cast %get3A_837 : vector<16xf32> to vector<16xf32>
    %add3A_839 = arith.addf %add3A_835, %get3A_838 : vector<16xf32>
    %swap3A_840 = arith.constant 34 : i32
    %swap3A_841 = arith.index_cast %swap3A_840 : i32 to index
    %swap3A_842 = arith.constant 0 : index
    %swap3A_843 = tpu.vector_load %arg9[%swap3A_841, %swap3A_842] {strides = array<i32>} : memref<64x16xf32, #tpu.memory_space<vmem>>, vector<1x16xf32>,
    %swap3A_844 = vector.shape_cast %swap3A_843 : vector<1x16xf32> to vector<16xf32>
    %swap3A_845 = vector.shape_cast %add3A_839 : vector<16xf32> to vector<1x16xf32>
    tpu.vector_store %arg9[%swap3A_841, %swap3A_842], %swap3A_845 {strides = array<i32>} : memref<64x16xf32, #tpu.memory_space<vmem>>, vector<1x16xf32>,
    %get3A_846 = arith.constant 64 : index
    %get3A_847 = tpu.vector_load %arg8[%get3A_846] {strides = array<i32>} : memref<128xf32, #tpu.memory_space<vmem>>, vector<16xf32>,
    %get3A_848 = vector.shape_cast %get3A_847 : vector<16xf32> to vector<16xf32>
    %get3A_849 = arith.constant 80 : index
    %get3A_850 = tpu.vector_load %arg8[%get3A_849] {strides = array<i32>} : memref<128xf32, #tpu.memory_space<vmem>>, vector<16xf32>,
    %get3A_851 = vector.shape_cast %get3A_850 : vector<16xf32> to vector<16xf32>
    %add3A_852 = arith.addf %get3A_848, %get3A_851 : vector<16xf32>
    %get3A_853 = arith.constant 96 : index
    %get3A_854 = tpu.vector_load %arg8[%get3A_853] {strides = array<i32>} : memref<128xf32, #tpu.memory_space<vmem>>, vector<16xf32>,
    %get3A_855 = vector.shape_cast %get3A_854 : vector<16xf32> to vector<16xf32>
    %add3A_856 = arith.addf %add3A_852, %get3A_855 : vector<16xf32>
    %get3A_857 = arith.constant 112 : index
    %get3A_858 = tpu.vector_load %arg8[%get3A_857] {strides = array<i32>} : memref<128xf32, #tpu.memory_space<vmem>>, vector<16xf32>,
    %get3A_859 = vector.shape_cast %get3A_858 : vector<16xf32> to vector<16xf32>
    %add3A_860 = arith.addf %add3A_856, %get3A_859 : vector<16xf32>
    %swap3A_861 = arith.constant 35 : i32
    %swap3A_862 = arith.index_cast %swap3A_861 : i32 to index
    %swap3A_863 = arith.constant 0 : index
    %swap3A_864 = tpu.vector_load %arg9[%swap3A_862, %swap3A_863] {strides = array<i32>} : memref<64x16xf32, #tpu.memory_space<vmem>>, vector<1x16xf32>,
    %swap3A_865 = vector.shape_cast %swap3A_864 : vector<1x16xf32> to vector<16xf32>
    %swap3A_866 = vector.shape_cast %add3A_860 : vector<16xf32> to vector<1x16xf32>
    tpu.vector_store %arg9[%swap3A_862, %swap3A_863], %swap3A_866 {strides = array<i32>} : memref<64x16xf32, #tpu.memory_space<vmem>>, vector<1x16xf32>,
    %add3A_867 = arith.constant 2432 : i32
    %add3A_868 = arith.addi %mul3A_2, %add3A_867 : i32
    "tpu.region"() ({
      %run_scoped3A = tpu.sem_alloc : memref<!tpu.dma_semaphore, #tpu.memory_space<semaphore_mem>>
      %dma_start3A_1537 = tpu.memref_slice %arg3[%add3A_868] : memref<131072xi32, #tpu.memory_space<hbm>> -> memref<128xi32, #tpu.memory_space<hbm>>
      %dma_start3A_1538 = tpu.memref_slice %arg3[%add3A_868] : memref<131072xi32, #tpu.memory_space<hbm>> -> memref<128xi32, #tpu.memory_space<hbm>>
      tpu.enqueue_dma source(%dma_start3A_1538 : memref<128xi32, #tpu.memory_space<hbm>>) target(%arg6 : memref<128xi32, #tpu.memory_space<vmem>>) target_semaphore(%run_scoped3A : memref<!tpu.dma_semaphore, #tpu.memory_space<semaphore_mem>>)
      %dma_wait3A_1539 = tpu.memref_slice %arg3[%add3A_868] : memref<131072xi32, #tpu.memory_space<hbm>> -> memref<128xi32, #tpu.memory_space<hbm>>
      %dma_wait3A_1540 = tpu.memref_slice %arg3[%add3A_868] : memref<131072xi32, #tpu.memory_space<hbm>> -> memref<128xi32, #tpu.memory_space<hbm>>
      tpu.wait_dma2 semaphore(%run_scoped3A : memref<!tpu.dma_semaphore, #tpu.memory_space<semaphore_mem>>) src(%dma_wait3A_1540 : memref<128xi32, #tpu.memory_space<hbm>>) dst(%arg6 : memref<128xi32, #tpu.memory_space<vmem>>)
      tpu.yield
    }) : () -> ()
    %dma_start3A_869 = arith.constant 0 : i32
    %dma_start3A_870 = tpu.memref_slice %arg2[%dma_start3A_869] : memref<139264xf32, #tpu.memory_space<hbm>> -> memref<139264xf32, #tpu.memory_space<hbm>>
    tpu.enqueue_indirect_dma source(%dma_start3A_870 : memref<139264xf32, #tpu.memory_space<hbm>>) target(%arg8 : memref<128xf32, #tpu.memory_space<vmem>>) offsets(%arg6 : memref<128xi32, #tpu.memory_space<vmem>>) semaphore(%arg11 : memref<!tpu.dma_semaphore, #tpu.memory_space<semaphore_mem>>)
    %dma_wait3A_871 = arith.constant 0 : i32
    %dma_wait3A_872 = tpu.memref_slice %arg2[%dma_wait3A_871] : memref<139264xf32, #tpu.memory_space<hbm>> -> memref<139264xf32, #tpu.memory_space<hbm>>
    tpu.wait_indirect_dma semaphore(%arg10 : memref<!tpu.dma_semaphore, #tpu.memory_space<semaphore_mem>>) src(%dma_wait3A_872 : memref<139264xf32, #tpu.memory_space<hbm>>) dst(%arg7 : memref<128xf32, #tpu.memory_space<vmem>>)
    %get3A_873 = arith.constant 0 : index
    %get3A_874 = tpu.vector_load %arg7[%get3A_873] {strides = array<i32>} : memref<128xf32, #tpu.memory_space<vmem>>, vector<16xf32>,
    %get3A_875 = vector.shape_cast %get3A_874 : vector<16xf32> to vector<16xf32>
    %get3A_876 = arith.constant 16 : index
    %get3A_877 = tpu.vector_load %arg7[%get3A_876] {strides = array<i32>} : memref<128xf32, #tpu.memory_space<vmem>>, vector<16xf32>,
    %get3A_878 = vector.shape_cast %get3A_877 : vector<16xf32> to vector<16xf32>
    %add3A_879 = arith.addf %get3A_875, %get3A_878 : vector<16xf32>
    %get3A_880 = arith.constant 32 : index
    %get3A_881 = tpu.vector_load %arg7[%get3A_880] {strides = array<i32>} : memref<128xf32, #tpu.memory_space<vmem>>, vector<16xf32>,
    %get3A_882 = vector.shape_cast %get3A_881 : vector<16xf32> to vector<16xf32>
    %add3A_883 = arith.addf %add3A_879, %get3A_882 : vector<16xf32>
    %get3A_884 = arith.constant 48 : index
    %get3A_885 = tpu.vector_load %arg7[%get3A_884] {strides = array<i32>} : memref<128xf32, #tpu.memory_space<vmem>>, vector<16xf32>,
    %get3A_886 = vector.shape_cast %get3A_885 : vector<16xf32> to vector<16xf32>
    %add3A_887 = arith.addf %add3A_883, %get3A_886 : vector<16xf32>
    %swap3A_888 = arith.constant 36 : i32
    %swap3A_889 = arith.index_cast %swap3A_888 : i32 to index
    %swap3A_890 = arith.constant 0 : index
    %swap3A_891 = tpu.vector_load %arg9[%swap3A_889, %swap3A_890] {strides = array<i32>} : memref<64x16xf32, #tpu.memory_space<vmem>>, vector<1x16xf32>,
    %swap3A_892 = vector.shape_cast %swap3A_891 : vector<1x16xf32> to vector<16xf32>
    %swap3A_893 = vector.shape_cast %add3A_887 : vector<16xf32> to vector<1x16xf32>
    tpu.vector_store %arg9[%swap3A_889, %swap3A_890], %swap3A_893 {strides = array<i32>} : memref<64x16xf32, #tpu.memory_space<vmem>>, vector<1x16xf32>,
    %get3A_894 = arith.constant 64 : index
    %get3A_895 = tpu.vector_load %arg7[%get3A_894] {strides = array<i32>} : memref<128xf32, #tpu.memory_space<vmem>>, vector<16xf32>,
    %get3A_896 = vector.shape_cast %get3A_895 : vector<16xf32> to vector<16xf32>
    %get3A_897 = arith.constant 80 : index
    %get3A_898 = tpu.vector_load %arg7[%get3A_897] {strides = array<i32>} : memref<128xf32, #tpu.memory_space<vmem>>, vector<16xf32>,
    %get3A_899 = vector.shape_cast %get3A_898 : vector<16xf32> to vector<16xf32>
    %add3A_900 = arith.addf %get3A_896, %get3A_899 : vector<16xf32>
    %get3A_901 = arith.constant 96 : index
    %get3A_902 = tpu.vector_load %arg7[%get3A_901] {strides = array<i32>} : memref<128xf32, #tpu.memory_space<vmem>>, vector<16xf32>,
    %get3A_903 = vector.shape_cast %get3A_902 : vector<16xf32> to vector<16xf32>
    %add3A_904 = arith.addf %add3A_900, %get3A_903 : vector<16xf32>
    %get3A_905 = arith.constant 112 : index
    %get3A_906 = tpu.vector_load %arg7[%get3A_905] {strides = array<i32>} : memref<128xf32, #tpu.memory_space<vmem>>, vector<16xf32>,
    %get3A_907 = vector.shape_cast %get3A_906 : vector<16xf32> to vector<16xf32>
    %add3A_908 = arith.addf %add3A_904, %get3A_907 : vector<16xf32>
    %swap3A_909 = arith.constant 37 : i32
    %swap3A_910 = arith.index_cast %swap3A_909 : i32 to index
    %swap3A_911 = arith.constant 0 : index
    %swap3A_912 = tpu.vector_load %arg9[%swap3A_910, %swap3A_911] {strides = array<i32>} : memref<64x16xf32, #tpu.memory_space<vmem>>, vector<1x16xf32>,
    %swap3A_913 = vector.shape_cast %swap3A_912 : vector<1x16xf32> to vector<16xf32>
    %swap3A_914 = vector.shape_cast %add3A_908 : vector<16xf32> to vector<1x16xf32>
    tpu.vector_store %arg9[%swap3A_910, %swap3A_911], %swap3A_914 {strides = array<i32>} : memref<64x16xf32, #tpu.memory_space<vmem>>, vector<1x16xf32>,
    %add3A_915 = arith.constant 2560 : i32
    %add3A_916 = arith.addi %mul3A_2, %add3A_915 : i32
    "tpu.region"() ({
      %run_scoped3A = tpu.sem_alloc : memref<!tpu.dma_semaphore, #tpu.memory_space<semaphore_mem>>
      %dma_start3A_1537 = tpu.memref_slice %arg3[%add3A_916] : memref<131072xi32, #tpu.memory_space<hbm>> -> memref<128xi32, #tpu.memory_space<hbm>>
      %dma_start3A_1538 = tpu.memref_slice %arg3[%add3A_916] : memref<131072xi32, #tpu.memory_space<hbm>> -> memref<128xi32, #tpu.memory_space<hbm>>
      tpu.enqueue_dma source(%dma_start3A_1538 : memref<128xi32, #tpu.memory_space<hbm>>) target(%arg5 : memref<128xi32, #tpu.memory_space<vmem>>) target_semaphore(%run_scoped3A : memref<!tpu.dma_semaphore, #tpu.memory_space<semaphore_mem>>)
      %dma_wait3A_1539 = tpu.memref_slice %arg3[%add3A_916] : memref<131072xi32, #tpu.memory_space<hbm>> -> memref<128xi32, #tpu.memory_space<hbm>>
      %dma_wait3A_1540 = tpu.memref_slice %arg3[%add3A_916] : memref<131072xi32, #tpu.memory_space<hbm>> -> memref<128xi32, #tpu.memory_space<hbm>>
      tpu.wait_dma2 semaphore(%run_scoped3A : memref<!tpu.dma_semaphore, #tpu.memory_space<semaphore_mem>>) src(%dma_wait3A_1540 : memref<128xi32, #tpu.memory_space<hbm>>) dst(%arg5 : memref<128xi32, #tpu.memory_space<vmem>>)
      tpu.yield
    }) : () -> ()
    %dma_start3A_917 = arith.constant 0 : i32
    %dma_start3A_918 = tpu.memref_slice %arg2[%dma_start3A_917] : memref<139264xf32, #tpu.memory_space<hbm>> -> memref<139264xf32, #tpu.memory_space<hbm>>
    tpu.enqueue_indirect_dma source(%dma_start3A_918 : memref<139264xf32, #tpu.memory_space<hbm>>) target(%arg7 : memref<128xf32, #tpu.memory_space<vmem>>) offsets(%arg5 : memref<128xi32, #tpu.memory_space<vmem>>) semaphore(%arg10 : memref<!tpu.dma_semaphore, #tpu.memory_space<semaphore_mem>>)
    %dma_wait3A_919 = arith.constant 0 : i32
    %dma_wait3A_920 = tpu.memref_slice %arg2[%dma_wait3A_919] : memref<139264xf32, #tpu.memory_space<hbm>> -> memref<139264xf32, #tpu.memory_space<hbm>>
    tpu.wait_indirect_dma semaphore(%arg11 : memref<!tpu.dma_semaphore, #tpu.memory_space<semaphore_mem>>) src(%dma_wait3A_920 : memref<139264xf32, #tpu.memory_space<hbm>>) dst(%arg8 : memref<128xf32, #tpu.memory_space<vmem>>)
    %get3A_921 = arith.constant 0 : index
    %get3A_922 = tpu.vector_load %arg8[%get3A_921] {strides = array<i32>} : memref<128xf32, #tpu.memory_space<vmem>>, vector<16xf32>,
    %get3A_923 = vector.shape_cast %get3A_922 : vector<16xf32> to vector<16xf32>
    %get3A_924 = arith.constant 16 : index
    %get3A_925 = tpu.vector_load %arg8[%get3A_924] {strides = array<i32>} : memref<128xf32, #tpu.memory_space<vmem>>, vector<16xf32>,
    %get3A_926 = vector.shape_cast %get3A_925 : vector<16xf32> to vector<16xf32>
    %add3A_927 = arith.addf %get3A_923, %get3A_926 : vector<16xf32>
    %get3A_928 = arith.constant 32 : index
    %get3A_929 = tpu.vector_load %arg8[%get3A_928] {strides = array<i32>} : memref<128xf32, #tpu.memory_space<vmem>>, vector<16xf32>,
    %get3A_930 = vector.shape_cast %get3A_929 : vector<16xf32> to vector<16xf32>
    %add3A_931 = arith.addf %add3A_927, %get3A_930 : vector<16xf32>
    %get3A_932 = arith.constant 48 : index
    %get3A_933 = tpu.vector_load %arg8[%get3A_932] {strides = array<i32>} : memref<128xf32, #tpu.memory_space<vmem>>, vector<16xf32>,
    %get3A_934 = vector.shape_cast %get3A_933 : vector<16xf32> to vector<16xf32>
    %add3A_935 = arith.addf %add3A_931, %get3A_934 : vector<16xf32>
    %swap3A_936 = arith.constant 38 : i32
    %swap3A_937 = arith.index_cast %swap3A_936 : i32 to index
    %swap3A_938 = arith.constant 0 : index
    %swap3A_939 = tpu.vector_load %arg9[%swap3A_937, %swap3A_938] {strides = array<i32>} : memref<64x16xf32, #tpu.memory_space<vmem>>, vector<1x16xf32>,
    %swap3A_940 = vector.shape_cast %swap3A_939 : vector<1x16xf32> to vector<16xf32>
    %swap3A_941 = vector.shape_cast %add3A_935 : vector<16xf32> to vector<1x16xf32>
    tpu.vector_store %arg9[%swap3A_937, %swap3A_938], %swap3A_941 {strides = array<i32>} : memref<64x16xf32, #tpu.memory_space<vmem>>, vector<1x16xf32>,
    %get3A_942 = arith.constant 64 : index
    %get3A_943 = tpu.vector_load %arg8[%get3A_942] {strides = array<i32>} : memref<128xf32, #tpu.memory_space<vmem>>, vector<16xf32>,
    %get3A_944 = vector.shape_cast %get3A_943 : vector<16xf32> to vector<16xf32>
    %get3A_945 = arith.constant 80 : index
    %get3A_946 = tpu.vector_load %arg8[%get3A_945] {strides = array<i32>} : memref<128xf32, #tpu.memory_space<vmem>>, vector<16xf32>,
    %get3A_947 = vector.shape_cast %get3A_946 : vector<16xf32> to vector<16xf32>
    %add3A_948 = arith.addf %get3A_944, %get3A_947 : vector<16xf32>
    %get3A_949 = arith.constant 96 : index
    %get3A_950 = tpu.vector_load %arg8[%get3A_949] {strides = array<i32>} : memref<128xf32, #tpu.memory_space<vmem>>, vector<16xf32>,
    %get3A_951 = vector.shape_cast %get3A_950 : vector<16xf32> to vector<16xf32>
    %add3A_952 = arith.addf %add3A_948, %get3A_951 : vector<16xf32>
    %get3A_953 = arith.constant 112 : index
    %get3A_954 = tpu.vector_load %arg8[%get3A_953] {strides = array<i32>} : memref<128xf32, #tpu.memory_space<vmem>>, vector<16xf32>,
    %get3A_955 = vector.shape_cast %get3A_954 : vector<16xf32> to vector<16xf32>
    %add3A_956 = arith.addf %add3A_952, %get3A_955 : vector<16xf32>
    %swap3A_957 = arith.constant 39 : i32
    %swap3A_958 = arith.index_cast %swap3A_957 : i32 to index
    %swap3A_959 = arith.constant 0 : index
    %swap3A_960 = tpu.vector_load %arg9[%swap3A_958, %swap3A_959] {strides = array<i32>} : memref<64x16xf32, #tpu.memory_space<vmem>>, vector<1x16xf32>,
    %swap3A_961 = vector.shape_cast %swap3A_960 : vector<1x16xf32> to vector<16xf32>
    %swap3A_962 = vector.shape_cast %add3A_956 : vector<16xf32> to vector<1x16xf32>
    tpu.vector_store %arg9[%swap3A_958, %swap3A_959], %swap3A_962 {strides = array<i32>} : memref<64x16xf32, #tpu.memory_space<vmem>>, vector<1x16xf32>,
    %add3A_963 = arith.constant 2688 : i32
    %add3A_964 = arith.addi %mul3A_2, %add3A_963 : i32
    "tpu.region"() ({
      %run_scoped3A = tpu.sem_alloc : memref<!tpu.dma_semaphore, #tpu.memory_space<semaphore_mem>>
      %dma_start3A_1537 = tpu.memref_slice %arg3[%add3A_964] : memref<131072xi32, #tpu.memory_space<hbm>> -> memref<128xi32, #tpu.memory_space<hbm>>
      %dma_start3A_1538 = tpu.memref_slice %arg3[%add3A_964] : memref<131072xi32, #tpu.memory_space<hbm>> -> memref<128xi32, #tpu.memory_space<hbm>>
      tpu.enqueue_dma source(%dma_start3A_1538 : memref<128xi32, #tpu.memory_space<hbm>>) target(%arg6 : memref<128xi32, #tpu.memory_space<vmem>>) target_semaphore(%run_scoped3A : memref<!tpu.dma_semaphore, #tpu.memory_space<semaphore_mem>>)
      %dma_wait3A_1539 = tpu.memref_slice %arg3[%add3A_964] : memref<131072xi32, #tpu.memory_space<hbm>> -> memref<128xi32, #tpu.memory_space<hbm>>
      %dma_wait3A_1540 = tpu.memref_slice %arg3[%add3A_964] : memref<131072xi32, #tpu.memory_space<hbm>> -> memref<128xi32, #tpu.memory_space<hbm>>
      tpu.wait_dma2 semaphore(%run_scoped3A : memref<!tpu.dma_semaphore, #tpu.memory_space<semaphore_mem>>) src(%dma_wait3A_1540 : memref<128xi32, #tpu.memory_space<hbm>>) dst(%arg6 : memref<128xi32, #tpu.memory_space<vmem>>)
      tpu.yield
    }) : () -> ()
    %dma_start3A_965 = arith.constant 0 : i32
    %dma_start3A_966 = tpu.memref_slice %arg2[%dma_start3A_965] : memref<139264xf32, #tpu.memory_space<hbm>> -> memref<139264xf32, #tpu.memory_space<hbm>>
    tpu.enqueue_indirect_dma source(%dma_start3A_966 : memref<139264xf32, #tpu.memory_space<hbm>>) target(%arg8 : memref<128xf32, #tpu.memory_space<vmem>>) offsets(%arg6 : memref<128xi32, #tpu.memory_space<vmem>>) semaphore(%arg11 : memref<!tpu.dma_semaphore, #tpu.memory_space<semaphore_mem>>)
    %dma_wait3A_967 = arith.constant 0 : i32
    %dma_wait3A_968 = tpu.memref_slice %arg2[%dma_wait3A_967] : memref<139264xf32, #tpu.memory_space<hbm>> -> memref<139264xf32, #tpu.memory_space<hbm>>
    tpu.wait_indirect_dma semaphore(%arg10 : memref<!tpu.dma_semaphore, #tpu.memory_space<semaphore_mem>>) src(%dma_wait3A_968 : memref<139264xf32, #tpu.memory_space<hbm>>) dst(%arg7 : memref<128xf32, #tpu.memory_space<vmem>>)
    %get3A_969 = arith.constant 0 : index
    %get3A_970 = tpu.vector_load %arg7[%get3A_969] {strides = array<i32>} : memref<128xf32, #tpu.memory_space<vmem>>, vector<16xf32>,
    %get3A_971 = vector.shape_cast %get3A_970 : vector<16xf32> to vector<16xf32>
    %get3A_972 = arith.constant 16 : index
    %get3A_973 = tpu.vector_load %arg7[%get3A_972] {strides = array<i32>} : memref<128xf32, #tpu.memory_space<vmem>>, vector<16xf32>,
    %get3A_974 = vector.shape_cast %get3A_973 : vector<16xf32> to vector<16xf32>
    %add3A_975 = arith.addf %get3A_971, %get3A_974 : vector<16xf32>
    %get3A_976 = arith.constant 32 : index
    %get3A_977 = tpu.vector_load %arg7[%get3A_976] {strides = array<i32>} : memref<128xf32, #tpu.memory_space<vmem>>, vector<16xf32>,
    %get3A_978 = vector.shape_cast %get3A_977 : vector<16xf32> to vector<16xf32>
    %add3A_979 = arith.addf %add3A_975, %get3A_978 : vector<16xf32>
    %get3A_980 = arith.constant 48 : index
    %get3A_981 = tpu.vector_load %arg7[%get3A_980] {strides = array<i32>} : memref<128xf32, #tpu.memory_space<vmem>>, vector<16xf32>,
    %get3A_982 = vector.shape_cast %get3A_981 : vector<16xf32> to vector<16xf32>
    %add3A_983 = arith.addf %add3A_979, %get3A_982 : vector<16xf32>
    %swap3A_984 = arith.constant 40 : i32
    %swap3A_985 = arith.index_cast %swap3A_984 : i32 to index
    %swap3A_986 = arith.constant 0 : index
    %swap3A_987 = tpu.vector_load %arg9[%swap3A_985, %swap3A_986] {strides = array<i32>} : memref<64x16xf32, #tpu.memory_space<vmem>>, vector<1x16xf32>,
    %swap3A_988 = vector.shape_cast %swap3A_987 : vector<1x16xf32> to vector<16xf32>
    %swap3A_989 = vector.shape_cast %add3A_983 : vector<16xf32> to vector<1x16xf32>
    tpu.vector_store %arg9[%swap3A_985, %swap3A_986], %swap3A_989 {strides = array<i32>} : memref<64x16xf32, #tpu.memory_space<vmem>>, vector<1x16xf32>,
    %get3A_990 = arith.constant 64 : index
    %get3A_991 = tpu.vector_load %arg7[%get3A_990] {strides = array<i32>} : memref<128xf32, #tpu.memory_space<vmem>>, vector<16xf32>,
    %get3A_992 = vector.shape_cast %get3A_991 : vector<16xf32> to vector<16xf32>
    %get3A_993 = arith.constant 80 : index
    %get3A_994 = tpu.vector_load %arg7[%get3A_993] {strides = array<i32>} : memref<128xf32, #tpu.memory_space<vmem>>, vector<16xf32>,
    %get3A_995 = vector.shape_cast %get3A_994 : vector<16xf32> to vector<16xf32>
    %add3A_996 = arith.addf %get3A_992, %get3A_995 : vector<16xf32>
    %get3A_997 = arith.constant 96 : index
    %get3A_998 = tpu.vector_load %arg7[%get3A_997] {strides = array<i32>} : memref<128xf32, #tpu.memory_space<vmem>>, vector<16xf32>,
    %get3A_999 = vector.shape_cast %get3A_998 : vector<16xf32> to vector<16xf32>
    %add3A_1000 = arith.addf %add3A_996, %get3A_999 : vector<16xf32>
    %get3A_1001 = arith.constant 112 : index
    %get3A_1002 = tpu.vector_load %arg7[%get3A_1001] {strides = array<i32>} : memref<128xf32, #tpu.memory_space<vmem>>, vector<16xf32>,
    %get3A_1003 = vector.shape_cast %get3A_1002 : vector<16xf32> to vector<16xf32>
    %add3A_1004 = arith.addf %add3A_1000, %get3A_1003 : vector<16xf32>
    %swap3A_1005 = arith.constant 41 : i32
    %swap3A_1006 = arith.index_cast %swap3A_1005 : i32 to index
    %swap3A_1007 = arith.constant 0 : index
    %swap3A_1008 = tpu.vector_load %arg9[%swap3A_1006, %swap3A_1007] {strides = array<i32>} : memref<64x16xf32, #tpu.memory_space<vmem>>, vector<1x16xf32>,
    %swap3A_1009 = vector.shape_cast %swap3A_1008 : vector<1x16xf32> to vector<16xf32>
    %swap3A_1010 = vector.shape_cast %add3A_1004 : vector<16xf32> to vector<1x16xf32>
    tpu.vector_store %arg9[%swap3A_1006, %swap3A_1007], %swap3A_1010 {strides = array<i32>} : memref<64x16xf32, #tpu.memory_space<vmem>>, vector<1x16xf32>,
    %add3A_1011 = arith.constant 2816 : i32
    %add3A_1012 = arith.addi %mul3A_2, %add3A_1011 : i32
    "tpu.region"() ({
      %run_scoped3A = tpu.sem_alloc : memref<!tpu.dma_semaphore, #tpu.memory_space<semaphore_mem>>
      %dma_start3A_1537 = tpu.memref_slice %arg3[%add3A_1012] : memref<131072xi32, #tpu.memory_space<hbm>> -> memref<128xi32, #tpu.memory_space<hbm>>
      %dma_start3A_1538 = tpu.memref_slice %arg3[%add3A_1012] : memref<131072xi32, #tpu.memory_space<hbm>> -> memref<128xi32, #tpu.memory_space<hbm>>
      tpu.enqueue_dma source(%dma_start3A_1538 : memref<128xi32, #tpu.memory_space<hbm>>) target(%arg5 : memref<128xi32, #tpu.memory_space<vmem>>) target_semaphore(%run_scoped3A : memref<!tpu.dma_semaphore, #tpu.memory_space<semaphore_mem>>)
      %dma_wait3A_1539 = tpu.memref_slice %arg3[%add3A_1012] : memref<131072xi32, #tpu.memory_space<hbm>> -> memref<128xi32, #tpu.memory_space<hbm>>
      %dma_wait3A_1540 = tpu.memref_slice %arg3[%add3A_1012] : memref<131072xi32, #tpu.memory_space<hbm>> -> memref<128xi32, #tpu.memory_space<hbm>>
      tpu.wait_dma2 semaphore(%run_scoped3A : memref<!tpu.dma_semaphore, #tpu.memory_space<semaphore_mem>>) src(%dma_wait3A_1540 : memref<128xi32, #tpu.memory_space<hbm>>) dst(%arg5 : memref<128xi32, #tpu.memory_space<vmem>>)
      tpu.yield
    }) : () -> ()
    %dma_start3A_1013 = arith.constant 0 : i32
    %dma_start3A_1014 = tpu.memref_slice %arg2[%dma_start3A_1013] : memref<139264xf32, #tpu.memory_space<hbm>> -> memref<139264xf32, #tpu.memory_space<hbm>>
    tpu.enqueue_indirect_dma source(%dma_start3A_1014 : memref<139264xf32, #tpu.memory_space<hbm>>) target(%arg7 : memref<128xf32, #tpu.memory_space<vmem>>) offsets(%arg5 : memref<128xi32, #tpu.memory_space<vmem>>) semaphore(%arg10 : memref<!tpu.dma_semaphore, #tpu.memory_space<semaphore_mem>>)
    %dma_wait3A_1015 = arith.constant 0 : i32
    %dma_wait3A_1016 = tpu.memref_slice %arg2[%dma_wait3A_1015] : memref<139264xf32, #tpu.memory_space<hbm>> -> memref<139264xf32, #tpu.memory_space<hbm>>
    tpu.wait_indirect_dma semaphore(%arg11 : memref<!tpu.dma_semaphore, #tpu.memory_space<semaphore_mem>>) src(%dma_wait3A_1016 : memref<139264xf32, #tpu.memory_space<hbm>>) dst(%arg8 : memref<128xf32, #tpu.memory_space<vmem>>)
    %get3A_1017 = arith.constant 0 : index
    %get3A_1018 = tpu.vector_load %arg8[%get3A_1017] {strides = array<i32>} : memref<128xf32, #tpu.memory_space<vmem>>, vector<16xf32>,
    %get3A_1019 = vector.shape_cast %get3A_1018 : vector<16xf32> to vector<16xf32>
    %get3A_1020 = arith.constant 16 : index
    %get3A_1021 = tpu.vector_load %arg8[%get3A_1020] {strides = array<i32>} : memref<128xf32, #tpu.memory_space<vmem>>, vector<16xf32>,
    %get3A_1022 = vector.shape_cast %get3A_1021 : vector<16xf32> to vector<16xf32>
    %add3A_1023 = arith.addf %get3A_1019, %get3A_1022 : vector<16xf32>
    %get3A_1024 = arith.constant 32 : index
    %get3A_1025 = tpu.vector_load %arg8[%get3A_1024] {strides = array<i32>} : memref<128xf32, #tpu.memory_space<vmem>>, vector<16xf32>,
    %get3A_1026 = vector.shape_cast %get3A_1025 : vector<16xf32> to vector<16xf32>
    %add3A_1027 = arith.addf %add3A_1023, %get3A_1026 : vector<16xf32>
    %get3A_1028 = arith.constant 48 : index
    %get3A_1029 = tpu.vector_load %arg8[%get3A_1028] {strides = array<i32>} : memref<128xf32, #tpu.memory_space<vmem>>, vector<16xf32>,
    %get3A_1030 = vector.shape_cast %get3A_1029 : vector<16xf32> to vector<16xf32>
    %add3A_1031 = arith.addf %add3A_1027, %get3A_1030 : vector<16xf32>
    %swap3A_1032 = arith.constant 42 : i32
    %swap3A_1033 = arith.index_cast %swap3A_1032 : i32 to index
    %swap3A_1034 = arith.constant 0 : index
    %swap3A_1035 = tpu.vector_load %arg9[%swap3A_1033, %swap3A_1034] {strides = array<i32>} : memref<64x16xf32, #tpu.memory_space<vmem>>, vector<1x16xf32>,
    %swap3A_1036 = vector.shape_cast %swap3A_1035 : vector<1x16xf32> to vector<16xf32>
    %swap3A_1037 = vector.shape_cast %add3A_1031 : vector<16xf32> to vector<1x16xf32>
    tpu.vector_store %arg9[%swap3A_1033, %swap3A_1034], %swap3A_1037 {strides = array<i32>} : memref<64x16xf32, #tpu.memory_space<vmem>>, vector<1x16xf32>,
    %get3A_1038 = arith.constant 64 : index
    %get3A_1039 = tpu.vector_load %arg8[%get3A_1038] {strides = array<i32>} : memref<128xf32, #tpu.memory_space<vmem>>, vector<16xf32>,
    %get3A_1040 = vector.shape_cast %get3A_1039 : vector<16xf32> to vector<16xf32>
    %get3A_1041 = arith.constant 80 : index
    %get3A_1042 = tpu.vector_load %arg8[%get3A_1041] {strides = array<i32>} : memref<128xf32, #tpu.memory_space<vmem>>, vector<16xf32>,
    %get3A_1043 = vector.shape_cast %get3A_1042 : vector<16xf32> to vector<16xf32>
    %add3A_1044 = arith.addf %get3A_1040, %get3A_1043 : vector<16xf32>
    %get3A_1045 = arith.constant 96 : index
    %get3A_1046 = tpu.vector_load %arg8[%get3A_1045] {strides = array<i32>} : memref<128xf32, #tpu.memory_space<vmem>>, vector<16xf32>,
    %get3A_1047 = vector.shape_cast %get3A_1046 : vector<16xf32> to vector<16xf32>
    %add3A_1048 = arith.addf %add3A_1044, %get3A_1047 : vector<16xf32>
    %get3A_1049 = arith.constant 112 : index
    %get3A_1050 = tpu.vector_load %arg8[%get3A_1049] {strides = array<i32>} : memref<128xf32, #tpu.memory_space<vmem>>, vector<16xf32>,
    %get3A_1051 = vector.shape_cast %get3A_1050 : vector<16xf32> to vector<16xf32>
    %add3A_1052 = arith.addf %add3A_1048, %get3A_1051 : vector<16xf32>
    %swap3A_1053 = arith.constant 43 : i32
    %swap3A_1054 = arith.index_cast %swap3A_1053 : i32 to index
    %swap3A_1055 = arith.constant 0 : index
    %swap3A_1056 = tpu.vector_load %arg9[%swap3A_1054, %swap3A_1055] {strides = array<i32>} : memref<64x16xf32, #tpu.memory_space<vmem>>, vector<1x16xf32>,
    %swap3A_1057 = vector.shape_cast %swap3A_1056 : vector<1x16xf32> to vector<16xf32>
    %swap3A_1058 = vector.shape_cast %add3A_1052 : vector<16xf32> to vector<1x16xf32>
    tpu.vector_store %arg9[%swap3A_1054, %swap3A_1055], %swap3A_1058 {strides = array<i32>} : memref<64x16xf32, #tpu.memory_space<vmem>>, vector<1x16xf32>,
    %add3A_1059 = arith.constant 2944 : i32
    %add3A_1060 = arith.addi %mul3A_2, %add3A_1059 : i32
    "tpu.region"() ({
      %run_scoped3A = tpu.sem_alloc : memref<!tpu.dma_semaphore, #tpu.memory_space<semaphore_mem>>
      %dma_start3A_1537 = tpu.memref_slice %arg3[%add3A_1060] : memref<131072xi32, #tpu.memory_space<hbm>> -> memref<128xi32, #tpu.memory_space<hbm>>
      %dma_start3A_1538 = tpu.memref_slice %arg3[%add3A_1060] : memref<131072xi32, #tpu.memory_space<hbm>> -> memref<128xi32, #tpu.memory_space<hbm>>
      tpu.enqueue_dma source(%dma_start3A_1538 : memref<128xi32, #tpu.memory_space<hbm>>) target(%arg6 : memref<128xi32, #tpu.memory_space<vmem>>) target_semaphore(%run_scoped3A : memref<!tpu.dma_semaphore, #tpu.memory_space<semaphore_mem>>)
      %dma_wait3A_1539 = tpu.memref_slice %arg3[%add3A_1060] : memref<131072xi32, #tpu.memory_space<hbm>> -> memref<128xi32, #tpu.memory_space<hbm>>
      %dma_wait3A_1540 = tpu.memref_slice %arg3[%add3A_1060] : memref<131072xi32, #tpu.memory_space<hbm>> -> memref<128xi32, #tpu.memory_space<hbm>>
      tpu.wait_dma2 semaphore(%run_scoped3A : memref<!tpu.dma_semaphore, #tpu.memory_space<semaphore_mem>>) src(%dma_wait3A_1540 : memref<128xi32, #tpu.memory_space<hbm>>) dst(%arg6 : memref<128xi32, #tpu.memory_space<vmem>>)
      tpu.yield
    }) : () -> ()
    %dma_start3A_1061 = arith.constant 0 : i32
    %dma_start3A_1062 = tpu.memref_slice %arg2[%dma_start3A_1061] : memref<139264xf32, #tpu.memory_space<hbm>> -> memref<139264xf32, #tpu.memory_space<hbm>>
    tpu.enqueue_indirect_dma source(%dma_start3A_1062 : memref<139264xf32, #tpu.memory_space<hbm>>) target(%arg8 : memref<128xf32, #tpu.memory_space<vmem>>) offsets(%arg6 : memref<128xi32, #tpu.memory_space<vmem>>) semaphore(%arg11 : memref<!tpu.dma_semaphore, #tpu.memory_space<semaphore_mem>>)
    %dma_wait3A_1063 = arith.constant 0 : i32
    %dma_wait3A_1064 = tpu.memref_slice %arg2[%dma_wait3A_1063] : memref<139264xf32, #tpu.memory_space<hbm>> -> memref<139264xf32, #tpu.memory_space<hbm>>
    tpu.wait_indirect_dma semaphore(%arg10 : memref<!tpu.dma_semaphore, #tpu.memory_space<semaphore_mem>>) src(%dma_wait3A_1064 : memref<139264xf32, #tpu.memory_space<hbm>>) dst(%arg7 : memref<128xf32, #tpu.memory_space<vmem>>)
    %get3A_1065 = arith.constant 0 : index
    %get3A_1066 = tpu.vector_load %arg7[%get3A_1065] {strides = array<i32>} : memref<128xf32, #tpu.memory_space<vmem>>, vector<16xf32>,
    %get3A_1067 = vector.shape_cast %get3A_1066 : vector<16xf32> to vector<16xf32>
    %get3A_1068 = arith.constant 16 : index
    %get3A_1069 = tpu.vector_load %arg7[%get3A_1068] {strides = array<i32>} : memref<128xf32, #tpu.memory_space<vmem>>, vector<16xf32>,
    %get3A_1070 = vector.shape_cast %get3A_1069 : vector<16xf32> to vector<16xf32>
    %add3A_1071 = arith.addf %get3A_1067, %get3A_1070 : vector<16xf32>
    %get3A_1072 = arith.constant 32 : index
    %get3A_1073 = tpu.vector_load %arg7[%get3A_1072] {strides = array<i32>} : memref<128xf32, #tpu.memory_space<vmem>>, vector<16xf32>,
    %get3A_1074 = vector.shape_cast %get3A_1073 : vector<16xf32> to vector<16xf32>
    %add3A_1075 = arith.addf %add3A_1071, %get3A_1074 : vector<16xf32>
    %get3A_1076 = arith.constant 48 : index
    %get3A_1077 = tpu.vector_load %arg7[%get3A_1076] {strides = array<i32>} : memref<128xf32, #tpu.memory_space<vmem>>, vector<16xf32>,
    %get3A_1078 = vector.shape_cast %get3A_1077 : vector<16xf32> to vector<16xf32>
    %add3A_1079 = arith.addf %add3A_1075, %get3A_1078 : vector<16xf32>
    %swap3A_1080 = arith.constant 44 : i32
    %swap3A_1081 = arith.index_cast %swap3A_1080 : i32 to index
    %swap3A_1082 = arith.constant 0 : index
    %swap3A_1083 = tpu.vector_load %arg9[%swap3A_1081, %swap3A_1082] {strides = array<i32>} : memref<64x16xf32, #tpu.memory_space<vmem>>, vector<1x16xf32>,
    %swap3A_1084 = vector.shape_cast %swap3A_1083 : vector<1x16xf32> to vector<16xf32>
    %swap3A_1085 = vector.shape_cast %add3A_1079 : vector<16xf32> to vector<1x16xf32>
    tpu.vector_store %arg9[%swap3A_1081, %swap3A_1082], %swap3A_1085 {strides = array<i32>} : memref<64x16xf32, #tpu.memory_space<vmem>>, vector<1x16xf32>,
    %get3A_1086 = arith.constant 64 : index
    %get3A_1087 = tpu.vector_load %arg7[%get3A_1086] {strides = array<i32>} : memref<128xf32, #tpu.memory_space<vmem>>, vector<16xf32>,
    %get3A_1088 = vector.shape_cast %get3A_1087 : vector<16xf32> to vector<16xf32>
    %get3A_1089 = arith.constant 80 : index
    %get3A_1090 = tpu.vector_load %arg7[%get3A_1089] {strides = array<i32>} : memref<128xf32, #tpu.memory_space<vmem>>, vector<16xf32>,
    %get3A_1091 = vector.shape_cast %get3A_1090 : vector<16xf32> to vector<16xf32>
    %add3A_1092 = arith.addf %get3A_1088, %get3A_1091 : vector<16xf32>
    %get3A_1093 = arith.constant 96 : index
    %get3A_1094 = tpu.vector_load %arg7[%get3A_1093] {strides = array<i32>} : memref<128xf32, #tpu.memory_space<vmem>>, vector<16xf32>,
    %get3A_1095 = vector.shape_cast %get3A_1094 : vector<16xf32> to vector<16xf32>
    %add3A_1096 = arith.addf %add3A_1092, %get3A_1095 : vector<16xf32>
    %get3A_1097 = arith.constant 112 : index
    %get3A_1098 = tpu.vector_load %arg7[%get3A_1097] {strides = array<i32>} : memref<128xf32, #tpu.memory_space<vmem>>, vector<16xf32>,
    %get3A_1099 = vector.shape_cast %get3A_1098 : vector<16xf32> to vector<16xf32>
    %add3A_1100 = arith.addf %add3A_1096, %get3A_1099 : vector<16xf32>
    %swap3A_1101 = arith.constant 45 : i32
    %swap3A_1102 = arith.index_cast %swap3A_1101 : i32 to index
    %swap3A_1103 = arith.constant 0 : index
    %swap3A_1104 = tpu.vector_load %arg9[%swap3A_1102, %swap3A_1103] {strides = array<i32>} : memref<64x16xf32, #tpu.memory_space<vmem>>, vector<1x16xf32>,
    %swap3A_1105 = vector.shape_cast %swap3A_1104 : vector<1x16xf32> to vector<16xf32>
    %swap3A_1106 = vector.shape_cast %add3A_1100 : vector<16xf32> to vector<1x16xf32>
    tpu.vector_store %arg9[%swap3A_1102, %swap3A_1103], %swap3A_1106 {strides = array<i32>} : memref<64x16xf32, #tpu.memory_space<vmem>>, vector<1x16xf32>,
    %add3A_1107 = arith.constant 3072 : i32
    %add3A_1108 = arith.addi %mul3A_2, %add3A_1107 : i32
    "tpu.region"() ({
      %run_scoped3A = tpu.sem_alloc : memref<!tpu.dma_semaphore, #tpu.memory_space<semaphore_mem>>
      %dma_start3A_1537 = tpu.memref_slice %arg3[%add3A_1108] : memref<131072xi32, #tpu.memory_space<hbm>> -> memref<128xi32, #tpu.memory_space<hbm>>
      %dma_start3A_1538 = tpu.memref_slice %arg3[%add3A_1108] : memref<131072xi32, #tpu.memory_space<hbm>> -> memref<128xi32, #tpu.memory_space<hbm>>
      tpu.enqueue_dma source(%dma_start3A_1538 : memref<128xi32, #tpu.memory_space<hbm>>) target(%arg5 : memref<128xi32, #tpu.memory_space<vmem>>) target_semaphore(%run_scoped3A : memref<!tpu.dma_semaphore, #tpu.memory_space<semaphore_mem>>)
      %dma_wait3A_1539 = tpu.memref_slice %arg3[%add3A_1108] : memref<131072xi32, #tpu.memory_space<hbm>> -> memref<128xi32, #tpu.memory_space<hbm>>
      %dma_wait3A_1540 = tpu.memref_slice %arg3[%add3A_1108] : memref<131072xi32, #tpu.memory_space<hbm>> -> memref<128xi32, #tpu.memory_space<hbm>>
      tpu.wait_dma2 semaphore(%run_scoped3A : memref<!tpu.dma_semaphore, #tpu.memory_space<semaphore_mem>>) src(%dma_wait3A_1540 : memref<128xi32, #tpu.memory_space<hbm>>) dst(%arg5 : memref<128xi32, #tpu.memory_space<vmem>>)
      tpu.yield
    }) : () -> ()
    %dma_start3A_1109 = arith.constant 0 : i32
    %dma_start3A_1110 = tpu.memref_slice %arg2[%dma_start3A_1109] : memref<139264xf32, #tpu.memory_space<hbm>> -> memref<139264xf32, #tpu.memory_space<hbm>>
    tpu.enqueue_indirect_dma source(%dma_start3A_1110 : memref<139264xf32, #tpu.memory_space<hbm>>) target(%arg7 : memref<128xf32, #tpu.memory_space<vmem>>) offsets(%arg5 : memref<128xi32, #tpu.memory_space<vmem>>) semaphore(%arg10 : memref<!tpu.dma_semaphore, #tpu.memory_space<semaphore_mem>>)
    %dma_wait3A_1111 = arith.constant 0 : i32
    %dma_wait3A_1112 = tpu.memref_slice %arg2[%dma_wait3A_1111] : memref<139264xf32, #tpu.memory_space<hbm>> -> memref<139264xf32, #tpu.memory_space<hbm>>
    tpu.wait_indirect_dma semaphore(%arg11 : memref<!tpu.dma_semaphore, #tpu.memory_space<semaphore_mem>>) src(%dma_wait3A_1112 : memref<139264xf32, #tpu.memory_space<hbm>>) dst(%arg8 : memref<128xf32, #tpu.memory_space<vmem>>)
    %get3A_1113 = arith.constant 0 : index
    %get3A_1114 = tpu.vector_load %arg8[%get3A_1113] {strides = array<i32>} : memref<128xf32, #tpu.memory_space<vmem>>, vector<16xf32>,
    %get3A_1115 = vector.shape_cast %get3A_1114 : vector<16xf32> to vector<16xf32>
    %get3A_1116 = arith.constant 16 : index
    %get3A_1117 = tpu.vector_load %arg8[%get3A_1116] {strides = array<i32>} : memref<128xf32, #tpu.memory_space<vmem>>, vector<16xf32>,
    %get3A_1118 = vector.shape_cast %get3A_1117 : vector<16xf32> to vector<16xf32>
    %add3A_1119 = arith.addf %get3A_1115, %get3A_1118 : vector<16xf32>
    %get3A_1120 = arith.constant 32 : index
    %get3A_1121 = tpu.vector_load %arg8[%get3A_1120] {strides = array<i32>} : memref<128xf32, #tpu.memory_space<vmem>>, vector<16xf32>,
    %get3A_1122 = vector.shape_cast %get3A_1121 : vector<16xf32> to vector<16xf32>
    %add3A_1123 = arith.addf %add3A_1119, %get3A_1122 : vector<16xf32>
    %get3A_1124 = arith.constant 48 : index
    %get3A_1125 = tpu.vector_load %arg8[%get3A_1124] {strides = array<i32>} : memref<128xf32, #tpu.memory_space<vmem>>, vector<16xf32>,
    %get3A_1126 = vector.shape_cast %get3A_1125 : vector<16xf32> to vector<16xf32>
    %add3A_1127 = arith.addf %add3A_1123, %get3A_1126 : vector<16xf32>
    %swap3A_1128 = arith.constant 46 : i32
    %swap3A_1129 = arith.index_cast %swap3A_1128 : i32 to index
    %swap3A_1130 = arith.constant 0 : index
    %swap3A_1131 = tpu.vector_load %arg9[%swap3A_1129, %swap3A_1130] {strides = array<i32>} : memref<64x16xf32, #tpu.memory_space<vmem>>, vector<1x16xf32>,
    %swap3A_1132 = vector.shape_cast %swap3A_1131 : vector<1x16xf32> to vector<16xf32>
    %swap3A_1133 = vector.shape_cast %add3A_1127 : vector<16xf32> to vector<1x16xf32>
    tpu.vector_store %arg9[%swap3A_1129, %swap3A_1130], %swap3A_1133 {strides = array<i32>} : memref<64x16xf32, #tpu.memory_space<vmem>>, vector<1x16xf32>,
    %get3A_1134 = arith.constant 64 : index
    %get3A_1135 = tpu.vector_load %arg8[%get3A_1134] {strides = array<i32>} : memref<128xf32, #tpu.memory_space<vmem>>, vector<16xf32>,
    %get3A_1136 = vector.shape_cast %get3A_1135 : vector<16xf32> to vector<16xf32>
    %get3A_1137 = arith.constant 80 : index
    %get3A_1138 = tpu.vector_load %arg8[%get3A_1137] {strides = array<i32>} : memref<128xf32, #tpu.memory_space<vmem>>, vector<16xf32>,
    %get3A_1139 = vector.shape_cast %get3A_1138 : vector<16xf32> to vector<16xf32>
    %add3A_1140 = arith.addf %get3A_1136, %get3A_1139 : vector<16xf32>
    %get3A_1141 = arith.constant 96 : index
    %get3A_1142 = tpu.vector_load %arg8[%get3A_1141] {strides = array<i32>} : memref<128xf32, #tpu.memory_space<vmem>>, vector<16xf32>,
    %get3A_1143 = vector.shape_cast %get3A_1142 : vector<16xf32> to vector<16xf32>
    %add3A_1144 = arith.addf %add3A_1140, %get3A_1143 : vector<16xf32>
    %get3A_1145 = arith.constant 112 : index
    %get3A_1146 = tpu.vector_load %arg8[%get3A_1145] {strides = array<i32>} : memref<128xf32, #tpu.memory_space<vmem>>, vector<16xf32>,
    %get3A_1147 = vector.shape_cast %get3A_1146 : vector<16xf32> to vector<16xf32>
    %add3A_1148 = arith.addf %add3A_1144, %get3A_1147 : vector<16xf32>
    %swap3A_1149 = arith.constant 47 : i32
    %swap3A_1150 = arith.index_cast %swap3A_1149 : i32 to index
    %swap3A_1151 = arith.constant 0 : index
    %swap3A_1152 = tpu.vector_load %arg9[%swap3A_1150, %swap3A_1151] {strides = array<i32>} : memref<64x16xf32, #tpu.memory_space<vmem>>, vector<1x16xf32>,
    %swap3A_1153 = vector.shape_cast %swap3A_1152 : vector<1x16xf32> to vector<16xf32>
    %swap3A_1154 = vector.shape_cast %add3A_1148 : vector<16xf32> to vector<1x16xf32>
    tpu.vector_store %arg9[%swap3A_1150, %swap3A_1151], %swap3A_1154 {strides = array<i32>} : memref<64x16xf32, #tpu.memory_space<vmem>>, vector<1x16xf32>,
    %add3A_1155 = arith.constant 3200 : i32
    %add3A_1156 = arith.addi %mul3A_2, %add3A_1155 : i32
    "tpu.region"() ({
      %run_scoped3A = tpu.sem_alloc : memref<!tpu.dma_semaphore, #tpu.memory_space<semaphore_mem>>
      %dma_start3A_1537 = tpu.memref_slice %arg3[%add3A_1156] : memref<131072xi32, #tpu.memory_space<hbm>> -> memref<128xi32, #tpu.memory_space<hbm>>
      %dma_start3A_1538 = tpu.memref_slice %arg3[%add3A_1156] : memref<131072xi32, #tpu.memory_space<hbm>> -> memref<128xi32, #tpu.memory_space<hbm>>
      tpu.enqueue_dma source(%dma_start3A_1538 : memref<128xi32, #tpu.memory_space<hbm>>) target(%arg6 : memref<128xi32, #tpu.memory_space<vmem>>) target_semaphore(%run_scoped3A : memref<!tpu.dma_semaphore, #tpu.memory_space<semaphore_mem>>)
      %dma_wait3A_1539 = tpu.memref_slice %arg3[%add3A_1156] : memref<131072xi32, #tpu.memory_space<hbm>> -> memref<128xi32, #tpu.memory_space<hbm>>
      %dma_wait3A_1540 = tpu.memref_slice %arg3[%add3A_1156] : memref<131072xi32, #tpu.memory_space<hbm>> -> memref<128xi32, #tpu.memory_space<hbm>>
      tpu.wait_dma2 semaphore(%run_scoped3A : memref<!tpu.dma_semaphore, #tpu.memory_space<semaphore_mem>>) src(%dma_wait3A_1540 : memref<128xi32, #tpu.memory_space<hbm>>) dst(%arg6 : memref<128xi32, #tpu.memory_space<vmem>>)
      tpu.yield
    }) : () -> ()
    %dma_start3A_1157 = arith.constant 0 : i32
    %dma_start3A_1158 = tpu.memref_slice %arg2[%dma_start3A_1157] : memref<139264xf32, #tpu.memory_space<hbm>> -> memref<139264xf32, #tpu.memory_space<hbm>>
    tpu.enqueue_indirect_dma source(%dma_start3A_1158 : memref<139264xf32, #tpu.memory_space<hbm>>) target(%arg8 : memref<128xf32, #tpu.memory_space<vmem>>) offsets(%arg6 : memref<128xi32, #tpu.memory_space<vmem>>) semaphore(%arg11 : memref<!tpu.dma_semaphore, #tpu.memory_space<semaphore_mem>>)
    %dma_wait3A_1159 = arith.constant 0 : i32
    %dma_wait3A_1160 = tpu.memref_slice %arg2[%dma_wait3A_1159] : memref<139264xf32, #tpu.memory_space<hbm>> -> memref<139264xf32, #tpu.memory_space<hbm>>
    tpu.wait_indirect_dma semaphore(%arg10 : memref<!tpu.dma_semaphore, #tpu.memory_space<semaphore_mem>>) src(%dma_wait3A_1160 : memref<139264xf32, #tpu.memory_space<hbm>>) dst(%arg7 : memref<128xf32, #tpu.memory_space<vmem>>)
    %get3A_1161 = arith.constant 0 : index
    %get3A_1162 = tpu.vector_load %arg7[%get3A_1161] {strides = array<i32>} : memref<128xf32, #tpu.memory_space<vmem>>, vector<16xf32>,
    %get3A_1163 = vector.shape_cast %get3A_1162 : vector<16xf32> to vector<16xf32>
    %get3A_1164 = arith.constant 16 : index
    %get3A_1165 = tpu.vector_load %arg7[%get3A_1164] {strides = array<i32>} : memref<128xf32, #tpu.memory_space<vmem>>, vector<16xf32>,
    %get3A_1166 = vector.shape_cast %get3A_1165 : vector<16xf32> to vector<16xf32>
    %add3A_1167 = arith.addf %get3A_1163, %get3A_1166 : vector<16xf32>
    %get3A_1168 = arith.constant 32 : index
    %get3A_1169 = tpu.vector_load %arg7[%get3A_1168] {strides = array<i32>} : memref<128xf32, #tpu.memory_space<vmem>>, vector<16xf32>,
    %get3A_1170 = vector.shape_cast %get3A_1169 : vector<16xf32> to vector<16xf32>
    %add3A_1171 = arith.addf %add3A_1167, %get3A_1170 : vector<16xf32>
    %get3A_1172 = arith.constant 48 : index
    %get3A_1173 = tpu.vector_load %arg7[%get3A_1172] {strides = array<i32>} : memref<128xf32, #tpu.memory_space<vmem>>, vector<16xf32>,
    %get3A_1174 = vector.shape_cast %get3A_1173 : vector<16xf32> to vector<16xf32>
    %add3A_1175 = arith.addf %add3A_1171, %get3A_1174 : vector<16xf32>
    %swap3A_1176 = arith.constant 48 : i32
    %swap3A_1177 = arith.index_cast %swap3A_1176 : i32 to index
    %swap3A_1178 = arith.constant 0 : index
    %swap3A_1179 = tpu.vector_load %arg9[%swap3A_1177, %swap3A_1178] {strides = array<i32>} : memref<64x16xf32, #tpu.memory_space<vmem>>, vector<1x16xf32>,
    %swap3A_1180 = vector.shape_cast %swap3A_1179 : vector<1x16xf32> to vector<16xf32>
    %swap3A_1181 = vector.shape_cast %add3A_1175 : vector<16xf32> to vector<1x16xf32>
    tpu.vector_store %arg9[%swap3A_1177, %swap3A_1178], %swap3A_1181 {strides = array<i32>} : memref<64x16xf32, #tpu.memory_space<vmem>>, vector<1x16xf32>,
    %get3A_1182 = arith.constant 64 : index
    %get3A_1183 = tpu.vector_load %arg7[%get3A_1182] {strides = array<i32>} : memref<128xf32, #tpu.memory_space<vmem>>, vector<16xf32>,
    %get3A_1184 = vector.shape_cast %get3A_1183 : vector<16xf32> to vector<16xf32>
    %get3A_1185 = arith.constant 80 : index
    %get3A_1186 = tpu.vector_load %arg7[%get3A_1185] {strides = array<i32>} : memref<128xf32, #tpu.memory_space<vmem>>, vector<16xf32>,
    %get3A_1187 = vector.shape_cast %get3A_1186 : vector<16xf32> to vector<16xf32>
    %add3A_1188 = arith.addf %get3A_1184, %get3A_1187 : vector<16xf32>
    %get3A_1189 = arith.constant 96 : index
    %get3A_1190 = tpu.vector_load %arg7[%get3A_1189] {strides = array<i32>} : memref<128xf32, #tpu.memory_space<vmem>>, vector<16xf32>,
    %get3A_1191 = vector.shape_cast %get3A_1190 : vector<16xf32> to vector<16xf32>
    %add3A_1192 = arith.addf %add3A_1188, %get3A_1191 : vector<16xf32>
    %get3A_1193 = arith.constant 112 : index
    %get3A_1194 = tpu.vector_load %arg7[%get3A_1193] {strides = array<i32>} : memref<128xf32, #tpu.memory_space<vmem>>, vector<16xf32>,
    %get3A_1195 = vector.shape_cast %get3A_1194 : vector<16xf32> to vector<16xf32>
    %add3A_1196 = arith.addf %add3A_1192, %get3A_1195 : vector<16xf32>
    %swap3A_1197 = arith.constant 49 : i32
    %swap3A_1198 = arith.index_cast %swap3A_1197 : i32 to index
    %swap3A_1199 = arith.constant 0 : index
    %swap3A_1200 = tpu.vector_load %arg9[%swap3A_1198, %swap3A_1199] {strides = array<i32>} : memref<64x16xf32, #tpu.memory_space<vmem>>, vector<1x16xf32>,
    %swap3A_1201 = vector.shape_cast %swap3A_1200 : vector<1x16xf32> to vector<16xf32>
    %swap3A_1202 = vector.shape_cast %add3A_1196 : vector<16xf32> to vector<1x16xf32>
    tpu.vector_store %arg9[%swap3A_1198, %swap3A_1199], %swap3A_1202 {strides = array<i32>} : memref<64x16xf32, #tpu.memory_space<vmem>>, vector<1x16xf32>,
    %add3A_1203 = arith.constant 3328 : i32
    %add3A_1204 = arith.addi %mul3A_2, %add3A_1203 : i32
    "tpu.region"() ({
      %run_scoped3A = tpu.sem_alloc : memref<!tpu.dma_semaphore, #tpu.memory_space<semaphore_mem>>
      %dma_start3A_1537 = tpu.memref_slice %arg3[%add3A_1204] : memref<131072xi32, #tpu.memory_space<hbm>> -> memref<128xi32, #tpu.memory_space<hbm>>
      %dma_start3A_1538 = tpu.memref_slice %arg3[%add3A_1204] : memref<131072xi32, #tpu.memory_space<hbm>> -> memref<128xi32, #tpu.memory_space<hbm>>
      tpu.enqueue_dma source(%dma_start3A_1538 : memref<128xi32, #tpu.memory_space<hbm>>) target(%arg5 : memref<128xi32, #tpu.memory_space<vmem>>) target_semaphore(%run_scoped3A : memref<!tpu.dma_semaphore, #tpu.memory_space<semaphore_mem>>)
      %dma_wait3A_1539 = tpu.memref_slice %arg3[%add3A_1204] : memref<131072xi32, #tpu.memory_space<hbm>> -> memref<128xi32, #tpu.memory_space<hbm>>
      %dma_wait3A_1540 = tpu.memref_slice %arg3[%add3A_1204] : memref<131072xi32, #tpu.memory_space<hbm>> -> memref<128xi32, #tpu.memory_space<hbm>>
      tpu.wait_dma2 semaphore(%run_scoped3A : memref<!tpu.dma_semaphore, #tpu.memory_space<semaphore_mem>>) src(%dma_wait3A_1540 : memref<128xi32, #tpu.memory_space<hbm>>) dst(%arg5 : memref<128xi32, #tpu.memory_space<vmem>>)
      tpu.yield
    }) : () -> ()
    %dma_start3A_1205 = arith.constant 0 : i32
    %dma_start3A_1206 = tpu.memref_slice %arg2[%dma_start3A_1205] : memref<139264xf32, #tpu.memory_space<hbm>> -> memref<139264xf32, #tpu.memory_space<hbm>>
    tpu.enqueue_indirect_dma source(%dma_start3A_1206 : memref<139264xf32, #tpu.memory_space<hbm>>) target(%arg7 : memref<128xf32, #tpu.memory_space<vmem>>) offsets(%arg5 : memref<128xi32, #tpu.memory_space<vmem>>) semaphore(%arg10 : memref<!tpu.dma_semaphore, #tpu.memory_space<semaphore_mem>>)
    %dma_wait3A_1207 = arith.constant 0 : i32
    %dma_wait3A_1208 = tpu.memref_slice %arg2[%dma_wait3A_1207] : memref<139264xf32, #tpu.memory_space<hbm>> -> memref<139264xf32, #tpu.memory_space<hbm>>
    tpu.wait_indirect_dma semaphore(%arg11 : memref<!tpu.dma_semaphore, #tpu.memory_space<semaphore_mem>>) src(%dma_wait3A_1208 : memref<139264xf32, #tpu.memory_space<hbm>>) dst(%arg8 : memref<128xf32, #tpu.memory_space<vmem>>)
    %get3A_1209 = arith.constant 0 : index
    %get3A_1210 = tpu.vector_load %arg8[%get3A_1209] {strides = array<i32>} : memref<128xf32, #tpu.memory_space<vmem>>, vector<16xf32>,
    %get3A_1211 = vector.shape_cast %get3A_1210 : vector<16xf32> to vector<16xf32>
    %get3A_1212 = arith.constant 16 : index
    %get3A_1213 = tpu.vector_load %arg8[%get3A_1212] {strides = array<i32>} : memref<128xf32, #tpu.memory_space<vmem>>, vector<16xf32>,
    %get3A_1214 = vector.shape_cast %get3A_1213 : vector<16xf32> to vector<16xf32>
    %add3A_1215 = arith.addf %get3A_1211, %get3A_1214 : vector<16xf32>
    %get3A_1216 = arith.constant 32 : index
    %get3A_1217 = tpu.vector_load %arg8[%get3A_1216] {strides = array<i32>} : memref<128xf32, #tpu.memory_space<vmem>>, vector<16xf32>,
    %get3A_1218 = vector.shape_cast %get3A_1217 : vector<16xf32> to vector<16xf32>
    %add3A_1219 = arith.addf %add3A_1215, %get3A_1218 : vector<16xf32>
    %get3A_1220 = arith.constant 48 : index
    %get3A_1221 = tpu.vector_load %arg8[%get3A_1220] {strides = array<i32>} : memref<128xf32, #tpu.memory_space<vmem>>, vector<16xf32>,
    %get3A_1222 = vector.shape_cast %get3A_1221 : vector<16xf32> to vector<16xf32>
    %add3A_1223 = arith.addf %add3A_1219, %get3A_1222 : vector<16xf32>
    %swap3A_1224 = arith.constant 50 : i32
    %swap3A_1225 = arith.index_cast %swap3A_1224 : i32 to index
    %swap3A_1226 = arith.constant 0 : index
    %swap3A_1227 = tpu.vector_load %arg9[%swap3A_1225, %swap3A_1226] {strides = array<i32>} : memref<64x16xf32, #tpu.memory_space<vmem>>, vector<1x16xf32>,
    %swap3A_1228 = vector.shape_cast %swap3A_1227 : vector<1x16xf32> to vector<16xf32>
    %swap3A_1229 = vector.shape_cast %add3A_1223 : vector<16xf32> to vector<1x16xf32>
    tpu.vector_store %arg9[%swap3A_1225, %swap3A_1226], %swap3A_1229 {strides = array<i32>} : memref<64x16xf32, #tpu.memory_space<vmem>>, vector<1x16xf32>,
    %get3A_1230 = arith.constant 64 : index
    %get3A_1231 = tpu.vector_load %arg8[%get3A_1230] {strides = array<i32>} : memref<128xf32, #tpu.memory_space<vmem>>, vector<16xf32>,
    %get3A_1232 = vector.shape_cast %get3A_1231 : vector<16xf32> to vector<16xf32>
    %get3A_1233 = arith.constant 80 : index
    %get3A_1234 = tpu.vector_load %arg8[%get3A_1233] {strides = array<i32>} : memref<128xf32, #tpu.memory_space<vmem>>, vector<16xf32>,
    %get3A_1235 = vector.shape_cast %get3A_1234 : vector<16xf32> to vector<16xf32>
    %add3A_1236 = arith.addf %get3A_1232, %get3A_1235 : vector<16xf32>
    %get3A_1237 = arith.constant 96 : index
    %get3A_1238 = tpu.vector_load %arg8[%get3A_1237] {strides = array<i32>} : memref<128xf32, #tpu.memory_space<vmem>>, vector<16xf32>,
    %get3A_1239 = vector.shape_cast %get3A_1238 : vector<16xf32> to vector<16xf32>
    %add3A_1240 = arith.addf %add3A_1236, %get3A_1239 : vector<16xf32>
    %get3A_1241 = arith.constant 112 : index
    %get3A_1242 = tpu.vector_load %arg8[%get3A_1241] {strides = array<i32>} : memref<128xf32, #tpu.memory_space<vmem>>, vector<16xf32>,
    %get3A_1243 = vector.shape_cast %get3A_1242 : vector<16xf32> to vector<16xf32>
    %add3A_1244 = arith.addf %add3A_1240, %get3A_1243 : vector<16xf32>
    %swap3A_1245 = arith.constant 51 : i32
    %swap3A_1246 = arith.index_cast %swap3A_1245 : i32 to index
    %swap3A_1247 = arith.constant 0 : index
    %swap3A_1248 = tpu.vector_load %arg9[%swap3A_1246, %swap3A_1247] {strides = array<i32>} : memref<64x16xf32, #tpu.memory_space<vmem>>, vector<1x16xf32>,
    %swap3A_1249 = vector.shape_cast %swap3A_1248 : vector<1x16xf32> to vector<16xf32>
    %swap3A_1250 = vector.shape_cast %add3A_1244 : vector<16xf32> to vector<1x16xf32>
    tpu.vector_store %arg9[%swap3A_1246, %swap3A_1247], %swap3A_1250 {strides = array<i32>} : memref<64x16xf32, #tpu.memory_space<vmem>>, vector<1x16xf32>,
    %add3A_1251 = arith.constant 3456 : i32
    %add3A_1252 = arith.addi %mul3A_2, %add3A_1251 : i32
    "tpu.region"() ({
      %run_scoped3A = tpu.sem_alloc : memref<!tpu.dma_semaphore, #tpu.memory_space<semaphore_mem>>
      %dma_start3A_1537 = tpu.memref_slice %arg3[%add3A_1252] : memref<131072xi32, #tpu.memory_space<hbm>> -> memref<128xi32, #tpu.memory_space<hbm>>
      %dma_start3A_1538 = tpu.memref_slice %arg3[%add3A_1252] : memref<131072xi32, #tpu.memory_space<hbm>> -> memref<128xi32, #tpu.memory_space<hbm>>
      tpu.enqueue_dma source(%dma_start3A_1538 : memref<128xi32, #tpu.memory_space<hbm>>) target(%arg6 : memref<128xi32, #tpu.memory_space<vmem>>) target_semaphore(%run_scoped3A : memref<!tpu.dma_semaphore, #tpu.memory_space<semaphore_mem>>)
      %dma_wait3A_1539 = tpu.memref_slice %arg3[%add3A_1252] : memref<131072xi32, #tpu.memory_space<hbm>> -> memref<128xi32, #tpu.memory_space<hbm>>
      %dma_wait3A_1540 = tpu.memref_slice %arg3[%add3A_1252] : memref<131072xi32, #tpu.memory_space<hbm>> -> memref<128xi32, #tpu.memory_space<hbm>>
      tpu.wait_dma2 semaphore(%run_scoped3A : memref<!tpu.dma_semaphore, #tpu.memory_space<semaphore_mem>>) src(%dma_wait3A_1540 : memref<128xi32, #tpu.memory_space<hbm>>) dst(%arg6 : memref<128xi32, #tpu.memory_space<vmem>>)
      tpu.yield
    }) : () -> ()
    %dma_start3A_1253 = arith.constant 0 : i32
    %dma_start3A_1254 = tpu.memref_slice %arg2[%dma_start3A_1253] : memref<139264xf32, #tpu.memory_space<hbm>> -> memref<139264xf32, #tpu.memory_space<hbm>>
    tpu.enqueue_indirect_dma source(%dma_start3A_1254 : memref<139264xf32, #tpu.memory_space<hbm>>) target(%arg8 : memref<128xf32, #tpu.memory_space<vmem>>) offsets(%arg6 : memref<128xi32, #tpu.memory_space<vmem>>) semaphore(%arg11 : memref<!tpu.dma_semaphore, #tpu.memory_space<semaphore_mem>>)
    %dma_wait3A_1255 = arith.constant 0 : i32
    %dma_wait3A_1256 = tpu.memref_slice %arg2[%dma_wait3A_1255] : memref<139264xf32, #tpu.memory_space<hbm>> -> memref<139264xf32, #tpu.memory_space<hbm>>
    tpu.wait_indirect_dma semaphore(%arg10 : memref<!tpu.dma_semaphore, #tpu.memory_space<semaphore_mem>>) src(%dma_wait3A_1256 : memref<139264xf32, #tpu.memory_space<hbm>>) dst(%arg7 : memref<128xf32, #tpu.memory_space<vmem>>)
    %get3A_1257 = arith.constant 0 : index
    %get3A_1258 = tpu.vector_load %arg7[%get3A_1257] {strides = array<i32>} : memref<128xf32, #tpu.memory_space<vmem>>, vector<16xf32>,
    %get3A_1259 = vector.shape_cast %get3A_1258 : vector<16xf32> to vector<16xf32>
    %get3A_1260 = arith.constant 16 : index
    %get3A_1261 = tpu.vector_load %arg7[%get3A_1260] {strides = array<i32>} : memref<128xf32, #tpu.memory_space<vmem>>, vector<16xf32>,
    %get3A_1262 = vector.shape_cast %get3A_1261 : vector<16xf32> to vector<16xf32>
    %add3A_1263 = arith.addf %get3A_1259, %get3A_1262 : vector<16xf32>
    %get3A_1264 = arith.constant 32 : index
    %get3A_1265 = tpu.vector_load %arg7[%get3A_1264] {strides = array<i32>} : memref<128xf32, #tpu.memory_space<vmem>>, vector<16xf32>,
    %get3A_1266 = vector.shape_cast %get3A_1265 : vector<16xf32> to vector<16xf32>
    %add3A_1267 = arith.addf %add3A_1263, %get3A_1266 : vector<16xf32>
    %get3A_1268 = arith.constant 48 : index
    %get3A_1269 = tpu.vector_load %arg7[%get3A_1268] {strides = array<i32>} : memref<128xf32, #tpu.memory_space<vmem>>, vector<16xf32>,
    %get3A_1270 = vector.shape_cast %get3A_1269 : vector<16xf32> to vector<16xf32>
    %add3A_1271 = arith.addf %add3A_1267, %get3A_1270 : vector<16xf32>
    %swap3A_1272 = arith.constant 52 : i32
    %swap3A_1273 = arith.index_cast %swap3A_1272 : i32 to index
    %swap3A_1274 = arith.constant 0 : index
    %swap3A_1275 = tpu.vector_load %arg9[%swap3A_1273, %swap3A_1274] {strides = array<i32>} : memref<64x16xf32, #tpu.memory_space<vmem>>, vector<1x16xf32>,
    %swap3A_1276 = vector.shape_cast %swap3A_1275 : vector<1x16xf32> to vector<16xf32>
    %swap3A_1277 = vector.shape_cast %add3A_1271 : vector<16xf32> to vector<1x16xf32>
    tpu.vector_store %arg9[%swap3A_1273, %swap3A_1274], %swap3A_1277 {strides = array<i32>} : memref<64x16xf32, #tpu.memory_space<vmem>>, vector<1x16xf32>,
    %get3A_1278 = arith.constant 64 : index
    %get3A_1279 = tpu.vector_load %arg7[%get3A_1278] {strides = array<i32>} : memref<128xf32, #tpu.memory_space<vmem>>, vector<16xf32>,
    %get3A_1280 = vector.shape_cast %get3A_1279 : vector<16xf32> to vector<16xf32>
    %get3A_1281 = arith.constant 80 : index
    %get3A_1282 = tpu.vector_load %arg7[%get3A_1281] {strides = array<i32>} : memref<128xf32, #tpu.memory_space<vmem>>, vector<16xf32>,
    %get3A_1283 = vector.shape_cast %get3A_1282 : vector<16xf32> to vector<16xf32>
    %add3A_1284 = arith.addf %get3A_1280, %get3A_1283 : vector<16xf32>
    %get3A_1285 = arith.constant 96 : index
    %get3A_1286 = tpu.vector_load %arg7[%get3A_1285] {strides = array<i32>} : memref<128xf32, #tpu.memory_space<vmem>>, vector<16xf32>,
    %get3A_1287 = vector.shape_cast %get3A_1286 : vector<16xf32> to vector<16xf32>
    %add3A_1288 = arith.addf %add3A_1284, %get3A_1287 : vector<16xf32>
    %get3A_1289 = arith.constant 112 : index
    %get3A_1290 = tpu.vector_load %arg7[%get3A_1289] {strides = array<i32>} : memref<128xf32, #tpu.memory_space<vmem>>, vector<16xf32>,
    %get3A_1291 = vector.shape_cast %get3A_1290 : vector<16xf32> to vector<16xf32>
    %add3A_1292 = arith.addf %add3A_1288, %get3A_1291 : vector<16xf32>
    %swap3A_1293 = arith.constant 53 : i32
    %swap3A_1294 = arith.index_cast %swap3A_1293 : i32 to index
    %swap3A_1295 = arith.constant 0 : index
    %swap3A_1296 = tpu.vector_load %arg9[%swap3A_1294, %swap3A_1295] {strides = array<i32>} : memref<64x16xf32, #tpu.memory_space<vmem>>, vector<1x16xf32>,
    %swap3A_1297 = vector.shape_cast %swap3A_1296 : vector<1x16xf32> to vector<16xf32>
    %swap3A_1298 = vector.shape_cast %add3A_1292 : vector<16xf32> to vector<1x16xf32>
    tpu.vector_store %arg9[%swap3A_1294, %swap3A_1295], %swap3A_1298 {strides = array<i32>} : memref<64x16xf32, #tpu.memory_space<vmem>>, vector<1x16xf32>,
    %add3A_1299 = arith.constant 3584 : i32
    %add3A_1300 = arith.addi %mul3A_2, %add3A_1299 : i32
    "tpu.region"() ({
      %run_scoped3A = tpu.sem_alloc : memref<!tpu.dma_semaphore, #tpu.memory_space<semaphore_mem>>
      %dma_start3A_1537 = tpu.memref_slice %arg3[%add3A_1300] : memref<131072xi32, #tpu.memory_space<hbm>> -> memref<128xi32, #tpu.memory_space<hbm>>
      %dma_start3A_1538 = tpu.memref_slice %arg3[%add3A_1300] : memref<131072xi32, #tpu.memory_space<hbm>> -> memref<128xi32, #tpu.memory_space<hbm>>
      tpu.enqueue_dma source(%dma_start3A_1538 : memref<128xi32, #tpu.memory_space<hbm>>) target(%arg5 : memref<128xi32, #tpu.memory_space<vmem>>) target_semaphore(%run_scoped3A : memref<!tpu.dma_semaphore, #tpu.memory_space<semaphore_mem>>)
      %dma_wait3A_1539 = tpu.memref_slice %arg3[%add3A_1300] : memref<131072xi32, #tpu.memory_space<hbm>> -> memref<128xi32, #tpu.memory_space<hbm>>
      %dma_wait3A_1540 = tpu.memref_slice %arg3[%add3A_1300] : memref<131072xi32, #tpu.memory_space<hbm>> -> memref<128xi32, #tpu.memory_space<hbm>>
      tpu.wait_dma2 semaphore(%run_scoped3A : memref<!tpu.dma_semaphore, #tpu.memory_space<semaphore_mem>>) src(%dma_wait3A_1540 : memref<128xi32, #tpu.memory_space<hbm>>) dst(%arg5 : memref<128xi32, #tpu.memory_space<vmem>>)
      tpu.yield
    }) : () -> ()
    %dma_start3A_1301 = arith.constant 0 : i32
    %dma_start3A_1302 = tpu.memref_slice %arg2[%dma_start3A_1301] : memref<139264xf32, #tpu.memory_space<hbm>> -> memref<139264xf32, #tpu.memory_space<hbm>>
    tpu.enqueue_indirect_dma source(%dma_start3A_1302 : memref<139264xf32, #tpu.memory_space<hbm>>) target(%arg7 : memref<128xf32, #tpu.memory_space<vmem>>) offsets(%arg5 : memref<128xi32, #tpu.memory_space<vmem>>) semaphore(%arg10 : memref<!tpu.dma_semaphore, #tpu.memory_space<semaphore_mem>>)
    %dma_wait3A_1303 = arith.constant 0 : i32
    %dma_wait3A_1304 = tpu.memref_slice %arg2[%dma_wait3A_1303] : memref<139264xf32, #tpu.memory_space<hbm>> -> memref<139264xf32, #tpu.memory_space<hbm>>
    tpu.wait_indirect_dma semaphore(%arg11 : memref<!tpu.dma_semaphore, #tpu.memory_space<semaphore_mem>>) src(%dma_wait3A_1304 : memref<139264xf32, #tpu.memory_space<hbm>>) dst(%arg8 : memref<128xf32, #tpu.memory_space<vmem>>)
    %get3A_1305 = arith.constant 0 : index
    %get3A_1306 = tpu.vector_load %arg8[%get3A_1305] {strides = array<i32>} : memref<128xf32, #tpu.memory_space<vmem>>, vector<16xf32>,
    %get3A_1307 = vector.shape_cast %get3A_1306 : vector<16xf32> to vector<16xf32>
    %get3A_1308 = arith.constant 16 : index
    %get3A_1309 = tpu.vector_load %arg8[%get3A_1308] {strides = array<i32>} : memref<128xf32, #tpu.memory_space<vmem>>, vector<16xf32>,
    %get3A_1310 = vector.shape_cast %get3A_1309 : vector<16xf32> to vector<16xf32>
    %add3A_1311 = arith.addf %get3A_1307, %get3A_1310 : vector<16xf32>
    %get3A_1312 = arith.constant 32 : index
    %get3A_1313 = tpu.vector_load %arg8[%get3A_1312] {strides = array<i32>} : memref<128xf32, #tpu.memory_space<vmem>>, vector<16xf32>,
    %get3A_1314 = vector.shape_cast %get3A_1313 : vector<16xf32> to vector<16xf32>
    %add3A_1315 = arith.addf %add3A_1311, %get3A_1314 : vector<16xf32>
    %get3A_1316 = arith.constant 48 : index
    %get3A_1317 = tpu.vector_load %arg8[%get3A_1316] {strides = array<i32>} : memref<128xf32, #tpu.memory_space<vmem>>, vector<16xf32>,
    %get3A_1318 = vector.shape_cast %get3A_1317 : vector<16xf32> to vector<16xf32>
    %add3A_1319 = arith.addf %add3A_1315, %get3A_1318 : vector<16xf32>
    %swap3A_1320 = arith.constant 54 : i32
    %swap3A_1321 = arith.index_cast %swap3A_1320 : i32 to index
    %swap3A_1322 = arith.constant 0 : index
    %swap3A_1323 = tpu.vector_load %arg9[%swap3A_1321, %swap3A_1322] {strides = array<i32>} : memref<64x16xf32, #tpu.memory_space<vmem>>, vector<1x16xf32>,
    %swap3A_1324 = vector.shape_cast %swap3A_1323 : vector<1x16xf32> to vector<16xf32>
    %swap3A_1325 = vector.shape_cast %add3A_1319 : vector<16xf32> to vector<1x16xf32>
    tpu.vector_store %arg9[%swap3A_1321, %swap3A_1322], %swap3A_1325 {strides = array<i32>} : memref<64x16xf32, #tpu.memory_space<vmem>>, vector<1x16xf32>,
    %get3A_1326 = arith.constant 64 : index
    %get3A_1327 = tpu.vector_load %arg8[%get3A_1326] {strides = array<i32>} : memref<128xf32, #tpu.memory_space<vmem>>, vector<16xf32>,
    %get3A_1328 = vector.shape_cast %get3A_1327 : vector<16xf32> to vector<16xf32>
    %get3A_1329 = arith.constant 80 : index
    %get3A_1330 = tpu.vector_load %arg8[%get3A_1329] {strides = array<i32>} : memref<128xf32, #tpu.memory_space<vmem>>, vector<16xf32>,
    %get3A_1331 = vector.shape_cast %get3A_1330 : vector<16xf32> to vector<16xf32>
    %add3A_1332 = arith.addf %get3A_1328, %get3A_1331 : vector<16xf32>
    %get3A_1333 = arith.constant 96 : index
    %get3A_1334 = tpu.vector_load %arg8[%get3A_1333] {strides = array<i32>} : memref<128xf32, #tpu.memory_space<vmem>>, vector<16xf32>,
    %get3A_1335 = vector.shape_cast %get3A_1334 : vector<16xf32> to vector<16xf32>
    %add3A_1336 = arith.addf %add3A_1332, %get3A_1335 : vector<16xf32>
    %get3A_1337 = arith.constant 112 : index
    %get3A_1338 = tpu.vector_load %arg8[%get3A_1337] {strides = array<i32>} : memref<128xf32, #tpu.memory_space<vmem>>, vector<16xf32>,
    %get3A_1339 = vector.shape_cast %get3A_1338 : vector<16xf32> to vector<16xf32>
    %add3A_1340 = arith.addf %add3A_1336, %get3A_1339 : vector<16xf32>
    %swap3A_1341 = arith.constant 55 : i32
    %swap3A_1342 = arith.index_cast %swap3A_1341 : i32 to index
    %swap3A_1343 = arith.constant 0 : index
    %swap3A_1344 = tpu.vector_load %arg9[%swap3A_1342, %swap3A_1343] {strides = array<i32>} : memref<64x16xf32, #tpu.memory_space<vmem>>, vector<1x16xf32>,
    %swap3A_1345 = vector.shape_cast %swap3A_1344 : vector<1x16xf32> to vector<16xf32>
    %swap3A_1346 = vector.shape_cast %add3A_1340 : vector<16xf32> to vector<1x16xf32>
    tpu.vector_store %arg9[%swap3A_1342, %swap3A_1343], %swap3A_1346 {strides = array<i32>} : memref<64x16xf32, #tpu.memory_space<vmem>>, vector<1x16xf32>,
    %add3A_1347 = arith.constant 3712 : i32
    %add3A_1348 = arith.addi %mul3A_2, %add3A_1347 : i32
    "tpu.region"() ({
      %run_scoped3A = tpu.sem_alloc : memref<!tpu.dma_semaphore, #tpu.memory_space<semaphore_mem>>
      %dma_start3A_1537 = tpu.memref_slice %arg3[%add3A_1348] : memref<131072xi32, #tpu.memory_space<hbm>> -> memref<128xi32, #tpu.memory_space<hbm>>
      %dma_start3A_1538 = tpu.memref_slice %arg3[%add3A_1348] : memref<131072xi32, #tpu.memory_space<hbm>> -> memref<128xi32, #tpu.memory_space<hbm>>
      tpu.enqueue_dma source(%dma_start3A_1538 : memref<128xi32, #tpu.memory_space<hbm>>) target(%arg6 : memref<128xi32, #tpu.memory_space<vmem>>) target_semaphore(%run_scoped3A : memref<!tpu.dma_semaphore, #tpu.memory_space<semaphore_mem>>)
      %dma_wait3A_1539 = tpu.memref_slice %arg3[%add3A_1348] : memref<131072xi32, #tpu.memory_space<hbm>> -> memref<128xi32, #tpu.memory_space<hbm>>
      %dma_wait3A_1540 = tpu.memref_slice %arg3[%add3A_1348] : memref<131072xi32, #tpu.memory_space<hbm>> -> memref<128xi32, #tpu.memory_space<hbm>>
      tpu.wait_dma2 semaphore(%run_scoped3A : memref<!tpu.dma_semaphore, #tpu.memory_space<semaphore_mem>>) src(%dma_wait3A_1540 : memref<128xi32, #tpu.memory_space<hbm>>) dst(%arg6 : memref<128xi32, #tpu.memory_space<vmem>>)
      tpu.yield
    }) : () -> ()
    %dma_start3A_1349 = arith.constant 0 : i32
    %dma_start3A_1350 = tpu.memref_slice %arg2[%dma_start3A_1349] : memref<139264xf32, #tpu.memory_space<hbm>> -> memref<139264xf32, #tpu.memory_space<hbm>>
    tpu.enqueue_indirect_dma source(%dma_start3A_1350 : memref<139264xf32, #tpu.memory_space<hbm>>) target(%arg8 : memref<128xf32, #tpu.memory_space<vmem>>) offsets(%arg6 : memref<128xi32, #tpu.memory_space<vmem>>) semaphore(%arg11 : memref<!tpu.dma_semaphore, #tpu.memory_space<semaphore_mem>>)
    %dma_wait3A_1351 = arith.constant 0 : i32
    %dma_wait3A_1352 = tpu.memref_slice %arg2[%dma_wait3A_1351] : memref<139264xf32, #tpu.memory_space<hbm>> -> memref<139264xf32, #tpu.memory_space<hbm>>
    tpu.wait_indirect_dma semaphore(%arg10 : memref<!tpu.dma_semaphore, #tpu.memory_space<semaphore_mem>>) src(%dma_wait3A_1352 : memref<139264xf32, #tpu.memory_space<hbm>>) dst(%arg7 : memref<128xf32, #tpu.memory_space<vmem>>)
    %get3A_1353 = arith.constant 0 : index
    %get3A_1354 = tpu.vector_load %arg7[%get3A_1353] {strides = array<i32>} : memref<128xf32, #tpu.memory_space<vmem>>, vector<16xf32>,
    %get3A_1355 = vector.shape_cast %get3A_1354 : vector<16xf32> to vector<16xf32>
    %get3A_1356 = arith.constant 16 : index
    %get3A_1357 = tpu.vector_load %arg7[%get3A_1356] {strides = array<i32>} : memref<128xf32, #tpu.memory_space<vmem>>, vector<16xf32>,
    %get3A_1358 = vector.shape_cast %get3A_1357 : vector<16xf32> to vector<16xf32>
    %add3A_1359 = arith.addf %get3A_1355, %get3A_1358 : vector<16xf32>
    %get3A_1360 = arith.constant 32 : index
    %get3A_1361 = tpu.vector_load %arg7[%get3A_1360] {strides = array<i32>} : memref<128xf32, #tpu.memory_space<vmem>>, vector<16xf32>,
    %get3A_1362 = vector.shape_cast %get3A_1361 : vector<16xf32> to vector<16xf32>
    %add3A_1363 = arith.addf %add3A_1359, %get3A_1362 : vector<16xf32>
    %get3A_1364 = arith.constant 48 : index
    %get3A_1365 = tpu.vector_load %arg7[%get3A_1364] {strides = array<i32>} : memref<128xf32, #tpu.memory_space<vmem>>, vector<16xf32>,
    %get3A_1366 = vector.shape_cast %get3A_1365 : vector<16xf32> to vector<16xf32>
    %add3A_1367 = arith.addf %add3A_1363, %get3A_1366 : vector<16xf32>
    %swap3A_1368 = arith.constant 56 : i32
    %swap3A_1369 = arith.index_cast %swap3A_1368 : i32 to index
    %swap3A_1370 = arith.constant 0 : index
    %swap3A_1371 = tpu.vector_load %arg9[%swap3A_1369, %swap3A_1370] {strides = array<i32>} : memref<64x16xf32, #tpu.memory_space<vmem>>, vector<1x16xf32>,
    %swap3A_1372 = vector.shape_cast %swap3A_1371 : vector<1x16xf32> to vector<16xf32>
    %swap3A_1373 = vector.shape_cast %add3A_1367 : vector<16xf32> to vector<1x16xf32>
    tpu.vector_store %arg9[%swap3A_1369, %swap3A_1370], %swap3A_1373 {strides = array<i32>} : memref<64x16xf32, #tpu.memory_space<vmem>>, vector<1x16xf32>,
    %get3A_1374 = arith.constant 64 : index
    %get3A_1375 = tpu.vector_load %arg7[%get3A_1374] {strides = array<i32>} : memref<128xf32, #tpu.memory_space<vmem>>, vector<16xf32>,
    %get3A_1376 = vector.shape_cast %get3A_1375 : vector<16xf32> to vector<16xf32>
    %get3A_1377 = arith.constant 80 : index
    %get3A_1378 = tpu.vector_load %arg7[%get3A_1377] {strides = array<i32>} : memref<128xf32, #tpu.memory_space<vmem>>, vector<16xf32>,
    %get3A_1379 = vector.shape_cast %get3A_1378 : vector<16xf32> to vector<16xf32>
    %add3A_1380 = arith.addf %get3A_1376, %get3A_1379 : vector<16xf32>
    %get3A_1381 = arith.constant 96 : index
    %get3A_1382 = tpu.vector_load %arg7[%get3A_1381] {strides = array<i32>} : memref<128xf32, #tpu.memory_space<vmem>>, vector<16xf32>,
    %get3A_1383 = vector.shape_cast %get3A_1382 : vector<16xf32> to vector<16xf32>
    %add3A_1384 = arith.addf %add3A_1380, %get3A_1383 : vector<16xf32>
    %get3A_1385 = arith.constant 112 : index
    %get3A_1386 = tpu.vector_load %arg7[%get3A_1385] {strides = array<i32>} : memref<128xf32, #tpu.memory_space<vmem>>, vector<16xf32>,
    %get3A_1387 = vector.shape_cast %get3A_1386 : vector<16xf32> to vector<16xf32>
    %add3A_1388 = arith.addf %add3A_1384, %get3A_1387 : vector<16xf32>
    %swap3A_1389 = arith.constant 57 : i32
    %swap3A_1390 = arith.index_cast %swap3A_1389 : i32 to index
    %swap3A_1391 = arith.constant 0 : index
    %swap3A_1392 = tpu.vector_load %arg9[%swap3A_1390, %swap3A_1391] {strides = array<i32>} : memref<64x16xf32, #tpu.memory_space<vmem>>, vector<1x16xf32>,
    %swap3A_1393 = vector.shape_cast %swap3A_1392 : vector<1x16xf32> to vector<16xf32>
    %swap3A_1394 = vector.shape_cast %add3A_1388 : vector<16xf32> to vector<1x16xf32>
    tpu.vector_store %arg9[%swap3A_1390, %swap3A_1391], %swap3A_1394 {strides = array<i32>} : memref<64x16xf32, #tpu.memory_space<vmem>>, vector<1x16xf32>,
    %add3A_1395 = arith.constant 3840 : i32
    %add3A_1396 = arith.addi %mul3A_2, %add3A_1395 : i32
    "tpu.region"() ({
      %run_scoped3A = tpu.sem_alloc : memref<!tpu.dma_semaphore, #tpu.memory_space<semaphore_mem>>
      %dma_start3A_1537 = tpu.memref_slice %arg3[%add3A_1396] : memref<131072xi32, #tpu.memory_space<hbm>> -> memref<128xi32, #tpu.memory_space<hbm>>
      %dma_start3A_1538 = tpu.memref_slice %arg3[%add3A_1396] : memref<131072xi32, #tpu.memory_space<hbm>> -> memref<128xi32, #tpu.memory_space<hbm>>
      tpu.enqueue_dma source(%dma_start3A_1538 : memref<128xi32, #tpu.memory_space<hbm>>) target(%arg5 : memref<128xi32, #tpu.memory_space<vmem>>) target_semaphore(%run_scoped3A : memref<!tpu.dma_semaphore, #tpu.memory_space<semaphore_mem>>)
      %dma_wait3A_1539 = tpu.memref_slice %arg3[%add3A_1396] : memref<131072xi32, #tpu.memory_space<hbm>> -> memref<128xi32, #tpu.memory_space<hbm>>
      %dma_wait3A_1540 = tpu.memref_slice %arg3[%add3A_1396] : memref<131072xi32, #tpu.memory_space<hbm>> -> memref<128xi32, #tpu.memory_space<hbm>>
      tpu.wait_dma2 semaphore(%run_scoped3A : memref<!tpu.dma_semaphore, #tpu.memory_space<semaphore_mem>>) src(%dma_wait3A_1540 : memref<128xi32, #tpu.memory_space<hbm>>) dst(%arg5 : memref<128xi32, #tpu.memory_space<vmem>>)
      tpu.yield
    }) : () -> ()
    %dma_start3A_1397 = arith.constant 0 : i32
    %dma_start3A_1398 = tpu.memref_slice %arg2[%dma_start3A_1397] : memref<139264xf32, #tpu.memory_space<hbm>> -> memref<139264xf32, #tpu.memory_space<hbm>>
    tpu.enqueue_indirect_dma source(%dma_start3A_1398 : memref<139264xf32, #tpu.memory_space<hbm>>) target(%arg7 : memref<128xf32, #tpu.memory_space<vmem>>) offsets(%arg5 : memref<128xi32, #tpu.memory_space<vmem>>) semaphore(%arg10 : memref<!tpu.dma_semaphore, #tpu.memory_space<semaphore_mem>>)
    %dma_wait3A_1399 = arith.constant 0 : i32
    %dma_wait3A_1400 = tpu.memref_slice %arg2[%dma_wait3A_1399] : memref<139264xf32, #tpu.memory_space<hbm>> -> memref<139264xf32, #tpu.memory_space<hbm>>
    tpu.wait_indirect_dma semaphore(%arg11 : memref<!tpu.dma_semaphore, #tpu.memory_space<semaphore_mem>>) src(%dma_wait3A_1400 : memref<139264xf32, #tpu.memory_space<hbm>>) dst(%arg8 : memref<128xf32, #tpu.memory_space<vmem>>)
    %get3A_1401 = arith.constant 0 : index
    %get3A_1402 = tpu.vector_load %arg8[%get3A_1401] {strides = array<i32>} : memref<128xf32, #tpu.memory_space<vmem>>, vector<16xf32>,
    %get3A_1403 = vector.shape_cast %get3A_1402 : vector<16xf32> to vector<16xf32>
    %get3A_1404 = arith.constant 16 : index
    %get3A_1405 = tpu.vector_load %arg8[%get3A_1404] {strides = array<i32>} : memref<128xf32, #tpu.memory_space<vmem>>, vector<16xf32>,
    %get3A_1406 = vector.shape_cast %get3A_1405 : vector<16xf32> to vector<16xf32>
    %add3A_1407 = arith.addf %get3A_1403, %get3A_1406 : vector<16xf32>
    %get3A_1408 = arith.constant 32 : index
    %get3A_1409 = tpu.vector_load %arg8[%get3A_1408] {strides = array<i32>} : memref<128xf32, #tpu.memory_space<vmem>>, vector<16xf32>,
    %get3A_1410 = vector.shape_cast %get3A_1409 : vector<16xf32> to vector<16xf32>
    %add3A_1411 = arith.addf %add3A_1407, %get3A_1410 : vector<16xf32>
    %get3A_1412 = arith.constant 48 : index
    %get3A_1413 = tpu.vector_load %arg8[%get3A_1412] {strides = array<i32>} : memref<128xf32, #tpu.memory_space<vmem>>, vector<16xf32>,
    %get3A_1414 = vector.shape_cast %get3A_1413 : vector<16xf32> to vector<16xf32>
    %add3A_1415 = arith.addf %add3A_1411, %get3A_1414 : vector<16xf32>
    %swap3A_1416 = arith.constant 58 : i32
    %swap3A_1417 = arith.index_cast %swap3A_1416 : i32 to index
    %swap3A_1418 = arith.constant 0 : index
    %swap3A_1419 = tpu.vector_load %arg9[%swap3A_1417, %swap3A_1418] {strides = array<i32>} : memref<64x16xf32, #tpu.memory_space<vmem>>, vector<1x16xf32>,
    %swap3A_1420 = vector.shape_cast %swap3A_1419 : vector<1x16xf32> to vector<16xf32>
    %swap3A_1421 = vector.shape_cast %add3A_1415 : vector<16xf32> to vector<1x16xf32>
    tpu.vector_store %arg9[%swap3A_1417, %swap3A_1418], %swap3A_1421 {strides = array<i32>} : memref<64x16xf32, #tpu.memory_space<vmem>>, vector<1x16xf32>,
    %get3A_1422 = arith.constant 64 : index
    %get3A_1423 = tpu.vector_load %arg8[%get3A_1422] {strides = array<i32>} : memref<128xf32, #tpu.memory_space<vmem>>, vector<16xf32>,
    %get3A_1424 = vector.shape_cast %get3A_1423 : vector<16xf32> to vector<16xf32>
    %get3A_1425 = arith.constant 80 : index
    %get3A_1426 = tpu.vector_load %arg8[%get3A_1425] {strides = array<i32>} : memref<128xf32, #tpu.memory_space<vmem>>, vector<16xf32>,
    %get3A_1427 = vector.shape_cast %get3A_1426 : vector<16xf32> to vector<16xf32>
    %add3A_1428 = arith.addf %get3A_1424, %get3A_1427 : vector<16xf32>
    %get3A_1429 = arith.constant 96 : index
    %get3A_1430 = tpu.vector_load %arg8[%get3A_1429] {strides = array<i32>} : memref<128xf32, #tpu.memory_space<vmem>>, vector<16xf32>,
    %get3A_1431 = vector.shape_cast %get3A_1430 : vector<16xf32> to vector<16xf32>
    %add3A_1432 = arith.addf %add3A_1428, %get3A_1431 : vector<16xf32>
    %get3A_1433 = arith.constant 112 : index
    %get3A_1434 = tpu.vector_load %arg8[%get3A_1433] {strides = array<i32>} : memref<128xf32, #tpu.memory_space<vmem>>, vector<16xf32>,
    %get3A_1435 = vector.shape_cast %get3A_1434 : vector<16xf32> to vector<16xf32>
    %add3A_1436 = arith.addf %add3A_1432, %get3A_1435 : vector<16xf32>
    %swap3A_1437 = arith.constant 59 : i32
    %swap3A_1438 = arith.index_cast %swap3A_1437 : i32 to index
    %swap3A_1439 = arith.constant 0 : index
    %swap3A_1440 = tpu.vector_load %arg9[%swap3A_1438, %swap3A_1439] {strides = array<i32>} : memref<64x16xf32, #tpu.memory_space<vmem>>, vector<1x16xf32>,
    %swap3A_1441 = vector.shape_cast %swap3A_1440 : vector<1x16xf32> to vector<16xf32>
    %swap3A_1442 = vector.shape_cast %add3A_1436 : vector<16xf32> to vector<1x16xf32>
    tpu.vector_store %arg9[%swap3A_1438, %swap3A_1439], %swap3A_1442 {strides = array<i32>} : memref<64x16xf32, #tpu.memory_space<vmem>>, vector<1x16xf32>,
    %add3A_1443 = arith.constant 3968 : i32
    %add3A_1444 = arith.addi %mul3A_2, %add3A_1443 : i32
    "tpu.region"() ({
      %run_scoped3A = tpu.sem_alloc : memref<!tpu.dma_semaphore, #tpu.memory_space<semaphore_mem>>
      %dma_start3A_1537 = tpu.memref_slice %arg3[%add3A_1444] : memref<131072xi32, #tpu.memory_space<hbm>> -> memref<128xi32, #tpu.memory_space<hbm>>
      %dma_start3A_1538 = tpu.memref_slice %arg3[%add3A_1444] : memref<131072xi32, #tpu.memory_space<hbm>> -> memref<128xi32, #tpu.memory_space<hbm>>
      tpu.enqueue_dma source(%dma_start3A_1538 : memref<128xi32, #tpu.memory_space<hbm>>) target(%arg6 : memref<128xi32, #tpu.memory_space<vmem>>) target_semaphore(%run_scoped3A : memref<!tpu.dma_semaphore, #tpu.memory_space<semaphore_mem>>)
      %dma_wait3A_1539 = tpu.memref_slice %arg3[%add3A_1444] : memref<131072xi32, #tpu.memory_space<hbm>> -> memref<128xi32, #tpu.memory_space<hbm>>
      %dma_wait3A_1540 = tpu.memref_slice %arg3[%add3A_1444] : memref<131072xi32, #tpu.memory_space<hbm>> -> memref<128xi32, #tpu.memory_space<hbm>>
      tpu.wait_dma2 semaphore(%run_scoped3A : memref<!tpu.dma_semaphore, #tpu.memory_space<semaphore_mem>>) src(%dma_wait3A_1540 : memref<128xi32, #tpu.memory_space<hbm>>) dst(%arg6 : memref<128xi32, #tpu.memory_space<vmem>>)
      tpu.yield
    }) : () -> ()
    %dma_start3A_1445 = arith.constant 0 : i32
    %dma_start3A_1446 = tpu.memref_slice %arg2[%dma_start3A_1445] : memref<139264xf32, #tpu.memory_space<hbm>> -> memref<139264xf32, #tpu.memory_space<hbm>>
    tpu.enqueue_indirect_dma source(%dma_start3A_1446 : memref<139264xf32, #tpu.memory_space<hbm>>) target(%arg8 : memref<128xf32, #tpu.memory_space<vmem>>) offsets(%arg6 : memref<128xi32, #tpu.memory_space<vmem>>) semaphore(%arg11 : memref<!tpu.dma_semaphore, #tpu.memory_space<semaphore_mem>>)
    %dma_wait3A_1447 = arith.constant 0 : i32
    %dma_wait3A_1448 = tpu.memref_slice %arg2[%dma_wait3A_1447] : memref<139264xf32, #tpu.memory_space<hbm>> -> memref<139264xf32, #tpu.memory_space<hbm>>
    tpu.wait_indirect_dma semaphore(%arg10 : memref<!tpu.dma_semaphore, #tpu.memory_space<semaphore_mem>>) src(%dma_wait3A_1448 : memref<139264xf32, #tpu.memory_space<hbm>>) dst(%arg7 : memref<128xf32, #tpu.memory_space<vmem>>)
    %get3A_1449 = arith.constant 0 : index
    %get3A_1450 = tpu.vector_load %arg7[%get3A_1449] {strides = array<i32>} : memref<128xf32, #tpu.memory_space<vmem>>, vector<16xf32>,
    %get3A_1451 = vector.shape_cast %get3A_1450 : vector<16xf32> to vector<16xf32>
    %get3A_1452 = arith.constant 16 : index
    %get3A_1453 = tpu.vector_load %arg7[%get3A_1452] {strides = array<i32>} : memref<128xf32, #tpu.memory_space<vmem>>, vector<16xf32>,
    %get3A_1454 = vector.shape_cast %get3A_1453 : vector<16xf32> to vector<16xf32>
    %add3A_1455 = arith.addf %get3A_1451, %get3A_1454 : vector<16xf32>
    %get3A_1456 = arith.constant 32 : index
    %get3A_1457 = tpu.vector_load %arg7[%get3A_1456] {strides = array<i32>} : memref<128xf32, #tpu.memory_space<vmem>>, vector<16xf32>,
    %get3A_1458 = vector.shape_cast %get3A_1457 : vector<16xf32> to vector<16xf32>
    %add3A_1459 = arith.addf %add3A_1455, %get3A_1458 : vector<16xf32>
    %get3A_1460 = arith.constant 48 : index
    %get3A_1461 = tpu.vector_load %arg7[%get3A_1460] {strides = array<i32>} : memref<128xf32, #tpu.memory_space<vmem>>, vector<16xf32>,
    %get3A_1462 = vector.shape_cast %get3A_1461 : vector<16xf32> to vector<16xf32>
    %add3A_1463 = arith.addf %add3A_1459, %get3A_1462 : vector<16xf32>
    %swap3A_1464 = arith.constant 60 : i32
    %swap3A_1465 = arith.index_cast %swap3A_1464 : i32 to index
    %swap3A_1466 = arith.constant 0 : index
    %swap3A_1467 = tpu.vector_load %arg9[%swap3A_1465, %swap3A_1466] {strides = array<i32>} : memref<64x16xf32, #tpu.memory_space<vmem>>, vector<1x16xf32>,
    %swap3A_1468 = vector.shape_cast %swap3A_1467 : vector<1x16xf32> to vector<16xf32>
    %swap3A_1469 = vector.shape_cast %add3A_1463 : vector<16xf32> to vector<1x16xf32>
    tpu.vector_store %arg9[%swap3A_1465, %swap3A_1466], %swap3A_1469 {strides = array<i32>} : memref<64x16xf32, #tpu.memory_space<vmem>>, vector<1x16xf32>,
    %get3A_1470 = arith.constant 64 : index
    %get3A_1471 = tpu.vector_load %arg7[%get3A_1470] {strides = array<i32>} : memref<128xf32, #tpu.memory_space<vmem>>, vector<16xf32>,
    %get3A_1472 = vector.shape_cast %get3A_1471 : vector<16xf32> to vector<16xf32>
    %get3A_1473 = arith.constant 80 : index
    %get3A_1474 = tpu.vector_load %arg7[%get3A_1473] {strides = array<i32>} : memref<128xf32, #tpu.memory_space<vmem>>, vector<16xf32>,
    %get3A_1475 = vector.shape_cast %get3A_1474 : vector<16xf32> to vector<16xf32>
    %add3A_1476 = arith.addf %get3A_1472, %get3A_1475 : vector<16xf32>
    %get3A_1477 = arith.constant 96 : index
    %get3A_1478 = tpu.vector_load %arg7[%get3A_1477] {strides = array<i32>} : memref<128xf32, #tpu.memory_space<vmem>>, vector<16xf32>,
    %get3A_1479 = vector.shape_cast %get3A_1478 : vector<16xf32> to vector<16xf32>
    %add3A_1480 = arith.addf %add3A_1476, %get3A_1479 : vector<16xf32>
    %get3A_1481 = arith.constant 112 : index
    %get3A_1482 = tpu.vector_load %arg7[%get3A_1481] {strides = array<i32>} : memref<128xf32, #tpu.memory_space<vmem>>, vector<16xf32>,
    %get3A_1483 = vector.shape_cast %get3A_1482 : vector<16xf32> to vector<16xf32>
    %add3A_1484 = arith.addf %add3A_1480, %get3A_1483 : vector<16xf32>
    %swap3A_1485 = arith.constant 61 : i32
    %swap3A_1486 = arith.index_cast %swap3A_1485 : i32 to index
    %swap3A_1487 = arith.constant 0 : index
    %swap3A_1488 = tpu.vector_load %arg9[%swap3A_1486, %swap3A_1487] {strides = array<i32>} : memref<64x16xf32, #tpu.memory_space<vmem>>, vector<1x16xf32>,
    %swap3A_1489 = vector.shape_cast %swap3A_1488 : vector<1x16xf32> to vector<16xf32>
    %swap3A_1490 = vector.shape_cast %add3A_1484 : vector<16xf32> to vector<1x16xf32>
    tpu.vector_store %arg9[%swap3A_1486, %swap3A_1487], %swap3A_1490 {strides = array<i32>} : memref<64x16xf32, #tpu.memory_space<vmem>>, vector<1x16xf32>,
    %dma_wait3A_1491 = arith.constant 0 : i32
    %dma_wait3A_1492 = tpu.memref_slice %arg2[%dma_wait3A_1491] : memref<139264xf32, #tpu.memory_space<hbm>> -> memref<139264xf32, #tpu.memory_space<hbm>>
    tpu.wait_indirect_dma semaphore(%arg11 : memref<!tpu.dma_semaphore, #tpu.memory_space<semaphore_mem>>) src(%dma_wait3A_1492 : memref<139264xf32, #tpu.memory_space<hbm>>) dst(%arg8 : memref<128xf32, #tpu.memory_space<vmem>>)
    %get3A_1493 = arith.constant 0 : index
    %get3A_1494 = tpu.vector_load %arg8[%get3A_1493] {strides = array<i32>} : memref<128xf32, #tpu.memory_space<vmem>>, vector<16xf32>,
    %get3A_1495 = vector.shape_cast %get3A_1494 : vector<16xf32> to vector<16xf32>
    %get3A_1496 = arith.constant 16 : index
    %get3A_1497 = tpu.vector_load %arg8[%get3A_1496] {strides = array<i32>} : memref<128xf32, #tpu.memory_space<vmem>>, vector<16xf32>,
    %get3A_1498 = vector.shape_cast %get3A_1497 : vector<16xf32> to vector<16xf32>
    %add3A_1499 = arith.addf %get3A_1495, %get3A_1498 : vector<16xf32>
    %get3A_1500 = arith.constant 32 : index
    %get3A_1501 = tpu.vector_load %arg8[%get3A_1500] {strides = array<i32>} : memref<128xf32, #tpu.memory_space<vmem>>, vector<16xf32>,
    %get3A_1502 = vector.shape_cast %get3A_1501 : vector<16xf32> to vector<16xf32>
    %add3A_1503 = arith.addf %add3A_1499, %get3A_1502 : vector<16xf32>
    %get3A_1504 = arith.constant 48 : index
    %get3A_1505 = tpu.vector_load %arg8[%get3A_1504] {strides = array<i32>} : memref<128xf32, #tpu.memory_space<vmem>>, vector<16xf32>,
    %get3A_1506 = vector.shape_cast %get3A_1505 : vector<16xf32> to vector<16xf32>
    %add3A_1507 = arith.addf %add3A_1503, %get3A_1506 : vector<16xf32>
    %swap3A_1508 = arith.constant 62 : i32
    %swap3A_1509 = arith.index_cast %swap3A_1508 : i32 to index
    %swap3A_1510 = arith.constant 0 : index
    %swap3A_1511 = tpu.vector_load %arg9[%swap3A_1509, %swap3A_1510] {strides = array<i32>} : memref<64x16xf32, #tpu.memory_space<vmem>>, vector<1x16xf32>,
    %swap3A_1512 = vector.shape_cast %swap3A_1511 : vector<1x16xf32> to vector<16xf32>
    %swap3A_1513 = vector.shape_cast %add3A_1507 : vector<16xf32> to vector<1x16xf32>
    tpu.vector_store %arg9[%swap3A_1509, %swap3A_1510], %swap3A_1513 {strides = array<i32>} : memref<64x16xf32, #tpu.memory_space<vmem>>, vector<1x16xf32>,
    %get3A_1514 = arith.constant 64 : index
    %get3A_1515 = tpu.vector_load %arg8[%get3A_1514] {strides = array<i32>} : memref<128xf32, #tpu.memory_space<vmem>>, vector<16xf32>,
    %get3A_1516 = vector.shape_cast %get3A_1515 : vector<16xf32> to vector<16xf32>
    %get3A_1517 = arith.constant 80 : index
    %get3A_1518 = tpu.vector_load %arg8[%get3A_1517] {strides = array<i32>} : memref<128xf32, #tpu.memory_space<vmem>>, vector<16xf32>,
    %get3A_1519 = vector.shape_cast %get3A_1518 : vector<16xf32> to vector<16xf32>
    %add3A_1520 = arith.addf %get3A_1516, %get3A_1519 : vector<16xf32>
    %get3A_1521 = arith.constant 96 : index
    %get3A_1522 = tpu.vector_load %arg8[%get3A_1521] {strides = array<i32>} : memref<128xf32, #tpu.memory_space<vmem>>, vector<16xf32>,
    %get3A_1523 = vector.shape_cast %get3A_1522 : vector<16xf32> to vector<16xf32>
    %add3A_1524 = arith.addf %add3A_1520, %get3A_1523 : vector<16xf32>
    %get3A_1525 = arith.constant 112 : index
    %get3A_1526 = tpu.vector_load %arg8[%get3A_1525] {strides = array<i32>} : memref<128xf32, #tpu.memory_space<vmem>>, vector<16xf32>,
    %get3A_1527 = vector.shape_cast %get3A_1526 : vector<16xf32> to vector<16xf32>
    %add3A_1528 = arith.addf %add3A_1524, %get3A_1527 : vector<16xf32>
    %swap3A_1529 = arith.constant 63 : i32
    %swap3A_1530 = arith.index_cast %swap3A_1529 : i32 to index
    %swap3A_1531 = arith.constant 0 : index
    %swap3A_1532 = tpu.vector_load %arg9[%swap3A_1530, %swap3A_1531] {strides = array<i32>} : memref<64x16xf32, #tpu.memory_space<vmem>>, vector<1x16xf32>,
    %swap3A_1533 = vector.shape_cast %swap3A_1532 : vector<1x16xf32> to vector<16xf32>
    %swap3A_1534 = vector.shape_cast %add3A_1528 : vector<16xf32> to vector<1x16xf32>
    tpu.vector_store %arg9[%swap3A_1530, %swap3A_1531], %swap3A_1534 {strides = array<i32>} : memref<64x16xf32, #tpu.memory_space<vmem>>, vector<1x16xf32>,
    %mul3A_1535 = arith.constant 64 : i32
    %mul3A_1536 = arith.muli %add3A, %mul3A_1535 : i32
    "tpu.region"() ({
      %run_scoped3A = tpu.sem_alloc : memref<!tpu.dma_semaphore, #tpu.memory_space<semaphore_mem>>
      %dma_start3A_1537 = arith.constant 0 : i32
      %dma_start3A_1538 = tpu.memref_slice %arg4[%mul3A_1536, %dma_start3A_1537] : memref<2048x16xf32, #tpu.memory_space<hbm>> -> memref<64x16xf32, #tpu.memory_space<hbm>>
      %dma_start3A_1539 = arith.constant 0 : i32
      %dma_start3A_1540 = tpu.memref_slice %arg4[%mul3A_1536, %dma_start3A_1539] : memref<2048x16xf32, #tpu.memory_space<hbm>> -> memref<64x16xf32, #tpu.memory_space<hbm>>
      tpu.enqueue_dma source(%arg9 : memref<64x16xf32, #tpu.memory_space<vmem>>) target(%dma_start3A_1540 : memref<64x16xf32, #tpu.memory_space<hbm>>) target_semaphore(%run_scoped3A : memref<!tpu.dma_semaphore, #tpu.memory_space<semaphore_mem>>)
      %dma_wait3A_1541 = arith.constant 0 : i32
      %dma_wait3A_1542 = tpu.memref_slice %arg4[%mul3A_1536, %dma_wait3A_1541] : memref<2048x16xf32, #tpu.memory_space<hbm>> -> memref<64x16xf32, #tpu.memory_space<hbm>>
      %dma_wait3A_1543 = arith.constant 0 : i32
      %dma_wait3A_1544 = tpu.memref_slice %arg4[%mul3A_1536, %dma_wait3A_1543] : memref<2048x16xf32, #tpu.memory_space<hbm>> -> memref<64x16xf32, #tpu.memory_space<hbm>>
      tpu.wait_dma2 semaphore(%run_scoped3A : memref<!tpu.dma_semaphore, #tpu.memory_space<semaphore_mem>>) src(%arg9 : memref<64x16xf32, #tpu.memory_space<vmem>>) dst(%dma_wait3A_1544 : memref<64x16xf32, #tpu.memory_space<hbm>>)
      tpu.yield
    }) : () -> ()
    return
  }
}

#map = affine_map<(d0, d1) -> (0, 0)>
#map1 = affine_map<(d0, d1) -> (0)>
module attributes {stable_mosaic.version = 14 : i64} {
  func.func @_sc_route_body(%arg0: i32, %arg1: i32, %arg2: memref<131072x384xf32, #tpu.memory_space<hbm>>, %arg3: memref<131072xi32, #tpu.memory_space<hbm>>, %arg4: memref<139264x384xf32, #tpu.memory_space<hbm>>, %arg5: memref<64xi32, #tpu.memory_space<vmem>>, %arg6: memref<64xi32, #tpu.memory_space<vmem>>, %arg7: memref<64xi32, #tpu.memory_space<vmem>>, %arg8: memref<64xi32, #tpu.memory_space<vmem>>, %arg9: memref<64x384xf32, #tpu.memory_space<vmem>>, %arg10: memref<64x384xf32, #tpu.memory_space<vmem>>, %arg11: memref<64x384xf32, #tpu.memory_space<vmem>>, %arg12: memref<64x384xf32, #tpu.memory_space<vmem>>, %arg13: memref<!tpu.dma_semaphore, #tpu.memory_space<semaphore_mem>>, %arg14: memref<!tpu.dma_semaphore, #tpu.memory_space<semaphore_mem>>, %arg15: memref<!tpu.dma_semaphore, #tpu.memory_space<semaphore_mem>>, %arg16: memref<!tpu.dma_semaphore, #tpu.memory_space<semaphore_mem>>, %arg17: memref<!tpu.dma_semaphore, #tpu.memory_space<semaphore_mem>>, %arg18: memref<!tpu.dma_semaphore, #tpu.memory_space<semaphore_mem>>, %arg19: memref<!tpu.dma_semaphore, #tpu.memory_space<semaphore_mem>>, %arg20: memref<!tpu.dma_semaphore, #tpu.memory_space<semaphore_mem>>) attributes {dimension_semantics = [#tpu.dimension_semantics<core_parallel>, #tpu.dimension_semantics<subcore_parallel>], iteration_bounds = array<i64: 2, 16>, scalar_prefetch = 0 : i64, scratch_operands = 16 : i64, tpu.core_type = #tpu.core_type<sc_vector_subcore>, window_params = [{transform_indices = #map}, {transform_indices = #map1}, {transform_indices = #map}]} {
    %mul3A = arith.constant 2 : i32
    %mul3A_0 = arith.muli %arg1, %mul3A : i32
    %add3A = arith.addi %mul3A_0, %arg0 : i32
    %mul3A_1 = arith.constant 4096 : i32
    %mul3A_2 = arith.muli %add3A, %mul3A_1 : i32
    %add3A_3 = arith.constant 0 : i32
    %add3A_4 = arith.addi %mul3A_2, %add3A_3 : i32
    %dma_start3A = tpu.memref_slice %arg3[%add3A_4] : memref<131072xi32, #tpu.memory_space<hbm>> -> memref<64xi32, #tpu.memory_space<hbm>>
    %dma_start3A_5 = tpu.memref_slice %arg3[%add3A_4] : memref<131072xi32, #tpu.memory_space<hbm>> -> memref<64xi32, #tpu.memory_space<hbm>>
    tpu.enqueue_dma source(%dma_start3A_5 : memref<64xi32, #tpu.memory_space<hbm>>) target(%arg5 : memref<64xi32, #tpu.memory_space<vmem>>) target_semaphore(%arg13 : memref<!tpu.dma_semaphore, #tpu.memory_space<semaphore_mem>>)
    %dma_start3A_6 = arith.constant 0 : i32
    %dma_start3A_7 = tpu.memref_slice %arg2[%add3A_4, %dma_start3A_6] : memref<131072x384xf32, #tpu.memory_space<hbm>> -> memref<64x384xf32, #tpu.memory_space<hbm>>
    %dma_start3A_8 = arith.constant 0 : i32
    %dma_start3A_9 = tpu.memref_slice %arg2[%add3A_4, %dma_start3A_8] : memref<131072x384xf32, #tpu.memory_space<hbm>> -> memref<64x384xf32, #tpu.memory_space<hbm>>
    tpu.enqueue_dma source(%dma_start3A_9 : memref<64x384xf32, #tpu.memory_space<hbm>>) target(%arg9 : memref<64x384xf32, #tpu.memory_space<vmem>>) target_semaphore(%arg13 : memref<!tpu.dma_semaphore, #tpu.memory_space<semaphore_mem>>)
    %add3A_10 = arith.constant 64 : i32
    %add3A_11 = arith.addi %mul3A_2, %add3A_10 : i32
    %dma_start3A_12 = tpu.memref_slice %arg3[%add3A_11] : memref<131072xi32, #tpu.memory_space<hbm>> -> memref<64xi32, #tpu.memory_space<hbm>>
    %dma_start3A_13 = tpu.memref_slice %arg3[%add3A_11] : memref<131072xi32, #tpu.memory_space<hbm>> -> memref<64xi32, #tpu.memory_space<hbm>>
    tpu.enqueue_dma source(%dma_start3A_13 : memref<64xi32, #tpu.memory_space<hbm>>) target(%arg6 : memref<64xi32, #tpu.memory_space<vmem>>) target_semaphore(%arg14 : memref<!tpu.dma_semaphore, #tpu.memory_space<semaphore_mem>>)
    %dma_start3A_14 = arith.constant 0 : i32
    %dma_start3A_15 = tpu.memref_slice %arg2[%add3A_11, %dma_start3A_14] : memref<131072x384xf32, #tpu.memory_space<hbm>> -> memref<64x384xf32, #tpu.memory_space<hbm>>
    %dma_start3A_16 = arith.constant 0 : i32
    %dma_start3A_17 = tpu.memref_slice %arg2[%add3A_11, %dma_start3A_16] : memref<131072x384xf32, #tpu.memory_space<hbm>> -> memref<64x384xf32, #tpu.memory_space<hbm>>
    tpu.enqueue_dma source(%dma_start3A_17 : memref<64x384xf32, #tpu.memory_space<hbm>>) target(%arg10 : memref<64x384xf32, #tpu.memory_space<vmem>>) target_semaphore(%arg14 : memref<!tpu.dma_semaphore, #tpu.memory_space<semaphore_mem>>)
    %add3A_18 = arith.constant 128 : i32
    %add3A_19 = arith.addi %mul3A_2, %add3A_18 : i32
    %dma_start3A_20 = tpu.memref_slice %arg3[%add3A_19] : memref<131072xi32, #tpu.memory_space<hbm>> -> memref<64xi32, #tpu.memory_space<hbm>>
    %dma_start3A_21 = tpu.memref_slice %arg3[%add3A_19] : memref<131072xi32, #tpu.memory_space<hbm>> -> memref<64xi32, #tpu.memory_space<hbm>>
    tpu.enqueue_dma source(%dma_start3A_21 : memref<64xi32, #tpu.memory_space<hbm>>) target(%arg7 : memref<64xi32, #tpu.memory_space<vmem>>) target_semaphore(%arg15 : memref<!tpu.dma_semaphore, #tpu.memory_space<semaphore_mem>>)
    %dma_start3A_22 = arith.constant 0 : i32
    %dma_start3A_23 = tpu.memref_slice %arg2[%add3A_19, %dma_start3A_22] : memref<131072x384xf32, #tpu.memory_space<hbm>> -> memref<64x384xf32, #tpu.memory_space<hbm>>
    %dma_start3A_24 = arith.constant 0 : i32
    %dma_start3A_25 = tpu.memref_slice %arg2[%add3A_19, %dma_start3A_24] : memref<131072x384xf32, #tpu.memory_space<hbm>> -> memref<64x384xf32, #tpu.memory_space<hbm>>
    tpu.enqueue_dma source(%dma_start3A_25 : memref<64x384xf32, #tpu.memory_space<hbm>>) target(%arg11 : memref<64x384xf32, #tpu.memory_space<vmem>>) target_semaphore(%arg15 : memref<!tpu.dma_semaphore, #tpu.memory_space<semaphore_mem>>)
    %add3A_26 = arith.constant 192 : i32
    %add3A_27 = arith.addi %mul3A_2, %add3A_26 : i32
    %dma_start3A_28 = tpu.memref_slice %arg3[%add3A_27] : memref<131072xi32, #tpu.memory_space<hbm>> -> memref<64xi32, #tpu.memory_space<hbm>>
    %dma_start3A_29 = tpu.memref_slice %arg3[%add3A_27] : memref<131072xi32, #tpu.memory_space<hbm>> -> memref<64xi32, #tpu.memory_space<hbm>>
    tpu.enqueue_dma source(%dma_start3A_29 : memref<64xi32, #tpu.memory_space<hbm>>) target(%arg8 : memref<64xi32, #tpu.memory_space<vmem>>) target_semaphore(%arg16 : memref<!tpu.dma_semaphore, #tpu.memory_space<semaphore_mem>>)
    %dma_start3A_30 = arith.constant 0 : i32
    %dma_start3A_31 = tpu.memref_slice %arg2[%add3A_27, %dma_start3A_30] : memref<131072x384xf32, #tpu.memory_space<hbm>> -> memref<64x384xf32, #tpu.memory_space<hbm>>
    %dma_start3A_32 = arith.constant 0 : i32
    %dma_start3A_33 = tpu.memref_slice %arg2[%add3A_27, %dma_start3A_32] : memref<131072x384xf32, #tpu.memory_space<hbm>> -> memref<64x384xf32, #tpu.memory_space<hbm>>
    tpu.enqueue_dma source(%dma_start3A_33 : memref<64x384xf32, #tpu.memory_space<hbm>>) target(%arg12 : memref<64x384xf32, #tpu.memory_space<vmem>>) target_semaphore(%arg16 : memref<!tpu.dma_semaphore, #tpu.memory_space<semaphore_mem>>)
    %scan3A = arith.constant 0 : i32
    %scan3A_34 = arith.constant 0 : i32
    %scan3A_35 = arith.constant 16 : i32
    %scan3A_36 = arith.addi %scan3A_34, %scan3A_35 : i32
    %scan3A_37 = arith.constant 1 : i32
    scf.for %scan3A_50 = %scan3A_34 to %scan3A_36 step %scan3A_37  : i32 {
      %mul3A_51 = arith.constant 4 : i32
      %mul3A_52 = arith.muli %scan3A_50, %mul3A_51 : i32
      %add3A_53 = arith.constant 0 : i32
      %add3A_54 = arith.addi %mul3A_52, %add3A_53 : i32
      %dma_wait3A_55 = arith.constant 0 : i32
      %dma_wait3A_56 = tpu.memref_slice %arg3[%dma_wait3A_55] : memref<131072xi32, #tpu.memory_space<hbm>> -> memref<64xi32, #tpu.memory_space<hbm>>
      %dma_wait3A_57 = arith.constant 0 : i32
      %dma_wait3A_58 = tpu.memref_slice %arg3[%dma_wait3A_57] : memref<131072xi32, #tpu.memory_space<hbm>> -> memref<64xi32, #tpu.memory_space<hbm>>
      tpu.wait_dma2 semaphore(%arg13 : memref<!tpu.dma_semaphore, #tpu.memory_space<semaphore_mem>>) src(%dma_wait3A_58 : memref<64xi32, #tpu.memory_space<hbm>>) dst(%arg5 : memref<64xi32, #tpu.memory_space<vmem>>)
      %dma_wait3A_59 = arith.constant 0 : i32
      %dma_wait3A_60 = arith.constant 0 : i32
      %dma_wait3A_61 = tpu.memref_slice %arg2[%dma_wait3A_59, %dma_wait3A_60] : memref<131072x384xf32, #tpu.memory_space<hbm>> -> memref<64x384xf32, #tpu.memory_space<hbm>>
      %dma_wait3A_62 = arith.constant 0 : i32
      %dma_wait3A_63 = arith.constant 0 : i32
      %dma_wait3A_64 = tpu.memref_slice %arg2[%dma_wait3A_62, %dma_wait3A_63] : memref<131072x384xf32, #tpu.memory_space<hbm>> -> memref<64x384xf32, #tpu.memory_space<hbm>>
      tpu.wait_dma2 semaphore(%arg13 : memref<!tpu.dma_semaphore, #tpu.memory_space<semaphore_mem>>) src(%dma_wait3A_64 : memref<64x384xf32, #tpu.memory_space<hbm>>) dst(%arg9 : memref<64x384xf32, #tpu.memory_space<vmem>>)
      %dma_start3A_65 = arith.constant 0 : i32
      %dma_start3A_66 = arith.constant 0 : i32
      %dma_start3A_67 = tpu.memref_slice %arg4[%dma_start3A_65, %dma_start3A_66] : memref<139264x384xf32, #tpu.memory_space<hbm>> -> memref<139264x384xf32, #tpu.memory_space<hbm>>
      tpu.enqueue_indirect_dma source(%arg9 : memref<64x384xf32, #tpu.memory_space<vmem>>) target(%dma_start3A_67 : memref<139264x384xf32, #tpu.memory_space<hbm>>) offsets(%arg5 : memref<64xi32, #tpu.memory_space<vmem>>) semaphore(%arg17 : memref<!tpu.dma_semaphore, #tpu.memory_space<semaphore_mem>>)
      %ge3A = arith.constant 2 : i32
      %ge3A_68 = arith.cmpi sge, %add3A_54, %ge3A : i32
      %add3A_69 = arith.constant 2 : i32
      %add3A_70 = arith.addi %add3A_54, %add3A_69 : i32
      %lt3A = arith.constant 64 : i32
      %lt3A_71 = arith.cmpi slt, %add3A_70, %lt3A : i32
      %and3A = arith.andi %ge3A_68, %lt3A_71 : i1
      %convert_element_type3A = arith.extui %and3A : i1 to i32
      %cond3A = arith.constant 0 : i32
      %cond3A_72 = arith.cmpi ne, %convert_element_type3A, %cond3A : i32
      scf.if %cond3A_72 {
        %dma_wait3A_154 = arith.constant 0 : i32
        %dma_wait3A_155 = arith.constant 0 : i32
        %dma_wait3A_156 = tpu.memref_slice %arg4[%dma_wait3A_154, %dma_wait3A_155] : memref<139264x384xf32, #tpu.memory_space<hbm>> -> memref<139264x384xf32, #tpu.memory_space<hbm>>
        tpu.wait_indirect_dma semaphore(%arg19 : memref<!tpu.dma_semaphore, #tpu.memory_space<semaphore_mem>>) src(%arg11 : memref<64x384xf32, #tpu.memory_space<vmem>>) dst(%dma_wait3A_156 : memref<139264x384xf32, #tpu.memory_space<hbm>>)
        %add3A_157 = arith.constant 2 : i32
        %add3A_158 = arith.addi %add3A_54, %add3A_157 : i32
        %mul3A_159 = arith.constant 64 : i32
        %mul3A_160 = arith.muli %add3A_158, %mul3A_159 : i32
        %add3A_161 = arith.addi %mul3A_2, %mul3A_160 : i32
        %dma_start3A_162 = tpu.memref_slice %arg3[%add3A_161] : memref<131072xi32, #tpu.memory_space<hbm>> -> memref<64xi32, #tpu.memory_space<hbm>>
        %dma_start3A_163 = tpu.memref_slice %arg3[%add3A_161] : memref<131072xi32, #tpu.memory_space<hbm>> -> memref<64xi32, #tpu.memory_space<hbm>>
        tpu.enqueue_dma source(%dma_start3A_163 : memref<64xi32, #tpu.memory_space<hbm>>) target(%arg7 : memref<64xi32, #tpu.memory_space<vmem>>) target_semaphore(%arg15 : memref<!tpu.dma_semaphore, #tpu.memory_space<semaphore_mem>>)
        %dma_start3A_164 = arith.constant 0 : i32
        %dma_start3A_165 = tpu.memref_slice %arg2[%add3A_161, %dma_start3A_164] : memref<131072x384xf32, #tpu.memory_space<hbm>> -> memref<64x384xf32, #tpu.memory_space<hbm>>
        %dma_start3A_166 = arith.constant 0 : i32
        %dma_start3A_167 = tpu.memref_slice %arg2[%add3A_161, %dma_start3A_166] : memref<131072x384xf32, #tpu.memory_space<hbm>> -> memref<64x384xf32, #tpu.memory_space<hbm>>
        tpu.enqueue_dma source(%dma_start3A_167 : memref<64x384xf32, #tpu.memory_space<hbm>>) target(%arg11 : memref<64x384xf32, #tpu.memory_space<vmem>>) target_semaphore(%arg15 : memref<!tpu.dma_semaphore, #tpu.memory_space<semaphore_mem>>)
      } else {
      }
      %mul3A_73 = arith.constant 4 : i32
      %mul3A_74 = arith.muli %scan3A_50, %mul3A_73 : i32
      %add3A_75 = arith.constant 1 : i32
      %add3A_76 = arith.addi %mul3A_74, %add3A_75 : i32
      %dma_wait3A_77 = arith.constant 0 : i32
      %dma_wait3A_78 = tpu.memref_slice %arg3[%dma_wait3A_77] : memref<131072xi32, #tpu.memory_space<hbm>> -> memref<64xi32, #tpu.memory_space<hbm>>
      %dma_wait3A_79 = arith.constant 0 : i32
      %dma_wait3A_80 = tpu.memref_slice %arg3[%dma_wait3A_79] : memref<131072xi32, #tpu.memory_space<hbm>> -> memref<64xi32, #tpu.memory_space<hbm>>
      tpu.wait_dma2 semaphore(%arg14 : memref<!tpu.dma_semaphore, #tpu.memory_space<semaphore_mem>>) src(%dma_wait3A_80 : memref<64xi32, #tpu.memory_space<hbm>>) dst(%arg6 : memref<64xi32, #tpu.memory_space<vmem>>)
      %dma_wait3A_81 = arith.constant 0 : i32
      %dma_wait3A_82 = arith.constant 0 : i32
      %dma_wait3A_83 = tpu.memref_slice %arg2[%dma_wait3A_81, %dma_wait3A_82] : memref<131072x384xf32, #tpu.memory_space<hbm>> -> memref<64x384xf32, #tpu.memory_space<hbm>>
      %dma_wait3A_84 = arith.constant 0 : i32
      %dma_wait3A_85 = arith.constant 0 : i32
      %dma_wait3A_86 = tpu.memref_slice %arg2[%dma_wait3A_84, %dma_wait3A_85] : memref<131072x384xf32, #tpu.memory_space<hbm>> -> memref<64x384xf32, #tpu.memory_space<hbm>>
      tpu.wait_dma2 semaphore(%arg14 : memref<!tpu.dma_semaphore, #tpu.memory_space<semaphore_mem>>) src(%dma_wait3A_86 : memref<64x384xf32, #tpu.memory_space<hbm>>) dst(%arg10 : memref<64x384xf32, #tpu.memory_space<vmem>>)
      %dma_start3A_87 = arith.constant 0 : i32
      %dma_start3A_88 = arith.constant 0 : i32
      %dma_start3A_89 = tpu.memref_slice %arg4[%dma_start3A_87, %dma_start3A_88] : memref<139264x384xf32, #tpu.memory_space<hbm>> -> memref<139264x384xf32, #tpu.memory_space<hbm>>
      tpu.enqueue_indirect_dma source(%arg10 : memref<64x384xf32, #tpu.memory_space<vmem>>) target(%dma_start3A_89 : memref<139264x384xf32, #tpu.memory_space<hbm>>) offsets(%arg6 : memref<64xi32, #tpu.memory_space<vmem>>) semaphore(%arg18 : memref<!tpu.dma_semaphore, #tpu.memory_space<semaphore_mem>>)
      %ge3A_90 = arith.constant 2 : i32
      %ge3A_91 = arith.cmpi sge, %add3A_76, %ge3A_90 : i32
      %add3A_92 = arith.constant 2 : i32
      %add3A_93 = arith.addi %add3A_76, %add3A_92 : i32
      %lt3A_94 = arith.constant 64 : i32
      %lt3A_95 = arith.cmpi slt, %add3A_93, %lt3A_94 : i32
      %and3A_96 = arith.andi %ge3A_91, %lt3A_95 : i1
      %convert_element_type3A_97 = arith.extui %and3A_96 : i1 to i32
      %cond3A_98 = arith.constant 0 : i32
      %cond3A_99 = arith.cmpi ne, %convert_element_type3A_97, %cond3A_98 : i32
      scf.if %cond3A_99 {
        %dma_wait3A_154 = arith.constant 0 : i32
        %dma_wait3A_155 = arith.constant 0 : i32
        %dma_wait3A_156 = tpu.memref_slice %arg4[%dma_wait3A_154, %dma_wait3A_155] : memref<139264x384xf32, #tpu.memory_space<hbm>> -> memref<139264x384xf32, #tpu.memory_space<hbm>>
        tpu.wait_indirect_dma semaphore(%arg20 : memref<!tpu.dma_semaphore, #tpu.memory_space<semaphore_mem>>) src(%arg12 : memref<64x384xf32, #tpu.memory_space<vmem>>) dst(%dma_wait3A_156 : memref<139264x384xf32, #tpu.memory_space<hbm>>)
        %add3A_157 = arith.constant 2 : i32
        %add3A_158 = arith.addi %add3A_76, %add3A_157 : i32
        %mul3A_159 = arith.constant 64 : i32
        %mul3A_160 = arith.muli %add3A_158, %mul3A_159 : i32
        %add3A_161 = arith.addi %mul3A_2, %mul3A_160 : i32
        %dma_start3A_162 = tpu.memref_slice %arg3[%add3A_161] : memref<131072xi32, #tpu.memory_space<hbm>> -> memref<64xi32, #tpu.memory_space<hbm>>
        %dma_start3A_163 = tpu.memref_slice %arg3[%add3A_161] : memref<131072xi32, #tpu.memory_space<hbm>> -> memref<64xi32, #tpu.memory_space<hbm>>
        tpu.enqueue_dma source(%dma_start3A_163 : memref<64xi32, #tpu.memory_space<hbm>>) target(%arg8 : memref<64xi32, #tpu.memory_space<vmem>>) target_semaphore(%arg16 : memref<!tpu.dma_semaphore, #tpu.memory_space<semaphore_mem>>)
        %dma_start3A_164 = arith.constant 0 : i32
        %dma_start3A_165 = tpu.memref_slice %arg2[%add3A_161, %dma_start3A_164] : memref<131072x384xf32, #tpu.memory_space<hbm>> -> memref<64x384xf32, #tpu.memory_space<hbm>>
        %dma_start3A_166 = arith.constant 0 : i32
        %dma_start3A_167 = tpu.memref_slice %arg2[%add3A_161, %dma_start3A_166] : memref<131072x384xf32, #tpu.memory_space<hbm>> -> memref<64x384xf32, #tpu.memory_space<hbm>>
        tpu.enqueue_dma source(%dma_start3A_167 : memref<64x384xf32, #tpu.memory_space<hbm>>) target(%arg12 : memref<64x384xf32, #tpu.memory_space<vmem>>) target_semaphore(%arg16 : memref<!tpu.dma_semaphore, #tpu.memory_space<semaphore_mem>>)
      } else {
      }
      %mul3A_100 = arith.constant 4 : i32
      %mul3A_101 = arith.muli %scan3A_50, %mul3A_100 : i32
      %add3A_102 = arith.constant 2 : i32
      %add3A_103 = arith.addi %mul3A_101, %add3A_102 : i32
      %dma_wait3A_104 = arith.constant 0 : i32
      %dma_wait3A_105 = tpu.memref_slice %arg3[%dma_wait3A_104] : memref<131072xi32, #tpu.memory_space<hbm>> -> memref<64xi32, #tpu.memory_space<hbm>>
      %dma_wait3A_106 = arith.constant 0 : i32
      %dma_wait3A_107 = tpu.memref_slice %arg3[%dma_wait3A_106] : memref<131072xi32, #tpu.memory_space<hbm>> -> memref<64xi32, #tpu.memory_space<hbm>>
      tpu.wait_dma2 semaphore(%arg15 : memref<!tpu.dma_semaphore, #tpu.memory_space<semaphore_mem>>) src(%dma_wait3A_107 : memref<64xi32, #tpu.memory_space<hbm>>) dst(%arg7 : memref<64xi32, #tpu.memory_space<vmem>>)
      %dma_wait3A_108 = arith.constant 0 : i32
      %dma_wait3A_109 = arith.constant 0 : i32
      %dma_wait3A_110 = tpu.memref_slice %arg2[%dma_wait3A_108, %dma_wait3A_109] : memref<131072x384xf32, #tpu.memory_space<hbm>> -> memref<64x384xf32, #tpu.memory_space<hbm>>
      %dma_wait3A_111 = arith.constant 0 : i32
      %dma_wait3A_112 = arith.constant 0 : i32
      %dma_wait3A_113 = tpu.memref_slice %arg2[%dma_wait3A_111, %dma_wait3A_112] : memref<131072x384xf32, #tpu.memory_space<hbm>> -> memref<64x384xf32, #tpu.memory_space<hbm>>
      tpu.wait_dma2 semaphore(%arg15 : memref<!tpu.dma_semaphore, #tpu.memory_space<semaphore_mem>>) src(%dma_wait3A_113 : memref<64x384xf32, #tpu.memory_space<hbm>>) dst(%arg11 : memref<64x384xf32, #tpu.memory_space<vmem>>)
      %dma_start3A_114 = arith.constant 0 : i32
      %dma_start3A_115 = arith.constant 0 : i32
      %dma_start3A_116 = tpu.memref_slice %arg4[%dma_start3A_114, %dma_start3A_115] : memref<139264x384xf32, #tpu.memory_space<hbm>> -> memref<139264x384xf32, #tpu.memory_space<hbm>>
      tpu.enqueue_indirect_dma source(%arg11 : memref<64x384xf32, #tpu.memory_space<vmem>>) target(%dma_start3A_116 : memref<139264x384xf32, #tpu.memory_space<hbm>>) offsets(%arg7 : memref<64xi32, #tpu.memory_space<vmem>>) semaphore(%arg19 : memref<!tpu.dma_semaphore, #tpu.memory_space<semaphore_mem>>)
      %ge3A_117 = arith.constant 2 : i32
      %ge3A_118 = arith.cmpi sge, %add3A_103, %ge3A_117 : i32
      %add3A_119 = arith.constant 2 : i32
      %add3A_120 = arith.addi %add3A_103, %add3A_119 : i32
      %lt3A_121 = arith.constant 64 : i32
      %lt3A_122 = arith.cmpi slt, %add3A_120, %lt3A_121 : i32
      %and3A_123 = arith.andi %ge3A_118, %lt3A_122 : i1
      %convert_element_type3A_124 = arith.extui %and3A_123 : i1 to i32
      %cond3A_125 = arith.constant 0 : i32
      %cond3A_126 = arith.cmpi ne, %convert_element_type3A_124, %cond3A_125 : i32
      scf.if %cond3A_126 {
        %dma_wait3A_154 = arith.constant 0 : i32
        %dma_wait3A_155 = arith.constant 0 : i32
        %dma_wait3A_156 = tpu.memref_slice %arg4[%dma_wait3A_154, %dma_wait3A_155] : memref<139264x384xf32, #tpu.memory_space<hbm>> -> memref<139264x384xf32, #tpu.memory_space<hbm>>
        tpu.wait_indirect_dma semaphore(%arg17 : memref<!tpu.dma_semaphore, #tpu.memory_space<semaphore_mem>>) src(%arg9 : memref<64x384xf32, #tpu.memory_space<vmem>>) dst(%dma_wait3A_156 : memref<139264x384xf32, #tpu.memory_space<hbm>>)
        %add3A_157 = arith.constant 2 : i32
        %add3A_158 = arith.addi %add3A_103, %add3A_157 : i32
        %mul3A_159 = arith.constant 64 : i32
        %mul3A_160 = arith.muli %add3A_158, %mul3A_159 : i32
        %add3A_161 = arith.addi %mul3A_2, %mul3A_160 : i32
        %dma_start3A_162 = tpu.memref_slice %arg3[%add3A_161] : memref<131072xi32, #tpu.memory_space<hbm>> -> memref<64xi32, #tpu.memory_space<hbm>>
        %dma_start3A_163 = tpu.memref_slice %arg3[%add3A_161] : memref<131072xi32, #tpu.memory_space<hbm>> -> memref<64xi32, #tpu.memory_space<hbm>>
        tpu.enqueue_dma source(%dma_start3A_163 : memref<64xi32, #tpu.memory_space<hbm>>) target(%arg5 : memref<64xi32, #tpu.memory_space<vmem>>) target_semaphore(%arg13 : memref<!tpu.dma_semaphore, #tpu.memory_space<semaphore_mem>>)
        %dma_start3A_164 = arith.constant 0 : i32
        %dma_start3A_165 = tpu.memref_slice %arg2[%add3A_161, %dma_start3A_164] : memref<131072x384xf32, #tpu.memory_space<hbm>> -> memref<64x384xf32, #tpu.memory_space<hbm>>
        %dma_start3A_166 = arith.constant 0 : i32
        %dma_start3A_167 = tpu.memref_slice %arg2[%add3A_161, %dma_start3A_166] : memref<131072x384xf32, #tpu.memory_space<hbm>> -> memref<64x384xf32, #tpu.memory_space<hbm>>
        tpu.enqueue_dma source(%dma_start3A_167 : memref<64x384xf32, #tpu.memory_space<hbm>>) target(%arg9 : memref<64x384xf32, #tpu.memory_space<vmem>>) target_semaphore(%arg13 : memref<!tpu.dma_semaphore, #tpu.memory_space<semaphore_mem>>)
      } else {
      }
      %mul3A_127 = arith.constant 4 : i32
      %mul3A_128 = arith.muli %scan3A_50, %mul3A_127 : i32
      %add3A_129 = arith.constant 3 : i32
      %add3A_130 = arith.addi %mul3A_128, %add3A_129 : i32
      %dma_wait3A_131 = arith.constant 0 : i32
      %dma_wait3A_132 = tpu.memref_slice %arg3[%dma_wait3A_131] : memref<131072xi32, #tpu.memory_space<hbm>> -> memref<64xi32, #tpu.memory_space<hbm>>
      %dma_wait3A_133 = arith.constant 0 : i32
      %dma_wait3A_134 = tpu.memref_slice %arg3[%dma_wait3A_133] : memref<131072xi32, #tpu.memory_space<hbm>> -> memref<64xi32, #tpu.memory_space<hbm>>
      tpu.wait_dma2 semaphore(%arg16 : memref<!tpu.dma_semaphore, #tpu.memory_space<semaphore_mem>>) src(%dma_wait3A_134 : memref<64xi32, #tpu.memory_space<hbm>>) dst(%arg8 : memref<64xi32, #tpu.memory_space<vmem>>)
      %dma_wait3A_135 = arith.constant 0 : i32
      %dma_wait3A_136 = arith.constant 0 : i32
      %dma_wait3A_137 = tpu.memref_slice %arg2[%dma_wait3A_135, %dma_wait3A_136] : memref<131072x384xf32, #tpu.memory_space<hbm>> -> memref<64x384xf32, #tpu.memory_space<hbm>>
      %dma_wait3A_138 = arith.constant 0 : i32
      %dma_wait3A_139 = arith.constant 0 : i32
      %dma_wait3A_140 = tpu.memref_slice %arg2[%dma_wait3A_138, %dma_wait3A_139] : memref<131072x384xf32, #tpu.memory_space<hbm>> -> memref<64x384xf32, #tpu.memory_space<hbm>>
      tpu.wait_dma2 semaphore(%arg16 : memref<!tpu.dma_semaphore, #tpu.memory_space<semaphore_mem>>) src(%dma_wait3A_140 : memref<64x384xf32, #tpu.memory_space<hbm>>) dst(%arg12 : memref<64x384xf32, #tpu.memory_space<vmem>>)
      %dma_start3A_141 = arith.constant 0 : i32
      %dma_start3A_142 = arith.constant 0 : i32
      %dma_start3A_143 = tpu.memref_slice %arg4[%dma_start3A_141, %dma_start3A_142] : memref<139264x384xf32, #tpu.memory_space<hbm>> -> memref<139264x384xf32, #tpu.memory_space<hbm>>
      tpu.enqueue_indirect_dma source(%arg12 : memref<64x384xf32, #tpu.memory_space<vmem>>) target(%dma_start3A_143 : memref<139264x384xf32, #tpu.memory_space<hbm>>) offsets(%arg8 : memref<64xi32, #tpu.memory_space<vmem>>) semaphore(%arg20 : memref<!tpu.dma_semaphore, #tpu.memory_space<semaphore_mem>>)
      %ge3A_144 = arith.constant 2 : i32
      %ge3A_145 = arith.cmpi sge, %add3A_130, %ge3A_144 : i32
      %add3A_146 = arith.constant 2 : i32
      %add3A_147 = arith.addi %add3A_130, %add3A_146 : i32
      %lt3A_148 = arith.constant 64 : i32
      %lt3A_149 = arith.cmpi slt, %add3A_147, %lt3A_148 : i32
      %and3A_150 = arith.andi %ge3A_145, %lt3A_149 : i1
      %convert_element_type3A_151 = arith.extui %and3A_150 : i1 to i32
      %cond3A_152 = arith.constant 0 : i32
      %cond3A_153 = arith.cmpi ne, %convert_element_type3A_151, %cond3A_152 : i32
      scf.if %cond3A_153 {
        %dma_wait3A_154 = arith.constant 0 : i32
        %dma_wait3A_155 = arith.constant 0 : i32
        %dma_wait3A_156 = tpu.memref_slice %arg4[%dma_wait3A_154, %dma_wait3A_155] : memref<139264x384xf32, #tpu.memory_space<hbm>> -> memref<139264x384xf32, #tpu.memory_space<hbm>>
        tpu.wait_indirect_dma semaphore(%arg18 : memref<!tpu.dma_semaphore, #tpu.memory_space<semaphore_mem>>) src(%arg10 : memref<64x384xf32, #tpu.memory_space<vmem>>) dst(%dma_wait3A_156 : memref<139264x384xf32, #tpu.memory_space<hbm>>)
        %add3A_157 = arith.constant 2 : i32
        %add3A_158 = arith.addi %add3A_130, %add3A_157 : i32
        %mul3A_159 = arith.constant 64 : i32
        %mul3A_160 = arith.muli %add3A_158, %mul3A_159 : i32
        %add3A_161 = arith.addi %mul3A_2, %mul3A_160 : i32
        %dma_start3A_162 = tpu.memref_slice %arg3[%add3A_161] : memref<131072xi32, #tpu.memory_space<hbm>> -> memref<64xi32, #tpu.memory_space<hbm>>
        %dma_start3A_163 = tpu.memref_slice %arg3[%add3A_161] : memref<131072xi32, #tpu.memory_space<hbm>> -> memref<64xi32, #tpu.memory_space<hbm>>
        tpu.enqueue_dma source(%dma_start3A_163 : memref<64xi32, #tpu.memory_space<hbm>>) target(%arg6 : memref<64xi32, #tpu.memory_space<vmem>>) target_semaphore(%arg14 : memref<!tpu.dma_semaphore, #tpu.memory_space<semaphore_mem>>)
        %dma_start3A_164 = arith.constant 0 : i32
        %dma_start3A_165 = tpu.memref_slice %arg2[%add3A_161, %dma_start3A_164] : memref<131072x384xf32, #tpu.memory_space<hbm>> -> memref<64x384xf32, #tpu.memory_space<hbm>>
        %dma_start3A_166 = arith.constant 0 : i32
        %dma_start3A_167 = tpu.memref_slice %arg2[%add3A_161, %dma_start3A_166] : memref<131072x384xf32, #tpu.memory_space<hbm>> -> memref<64x384xf32, #tpu.memory_space<hbm>>
        tpu.enqueue_dma source(%dma_start3A_167 : memref<64x384xf32, #tpu.memory_space<hbm>>) target(%arg10 : memref<64x384xf32, #tpu.memory_space<vmem>>) target_semaphore(%arg14 : memref<!tpu.dma_semaphore, #tpu.memory_space<semaphore_mem>>)
      } else {
      }
    }
    %scan3A_38 = arith.constant 16 : i32
    %dma_wait3A = arith.constant 0 : i32
    %dma_wait3A_39 = arith.constant 0 : i32
    %dma_wait3A_40 = tpu.memref_slice %arg4[%dma_wait3A, %dma_wait3A_39] : memref<139264x384xf32, #tpu.memory_space<hbm>> -> memref<139264x384xf32, #tpu.memory_space<hbm>>
    tpu.wait_indirect_dma semaphore(%arg17 : memref<!tpu.dma_semaphore, #tpu.memory_space<semaphore_mem>>) src(%arg9 : memref<64x384xf32, #tpu.memory_space<vmem>>) dst(%dma_wait3A_40 : memref<139264x384xf32, #tpu.memory_space<hbm>>)
    %dma_wait3A_41 = arith.constant 0 : i32
    %dma_wait3A_42 = arith.constant 0 : i32
    %dma_wait3A_43 = tpu.memref_slice %arg4[%dma_wait3A_41, %dma_wait3A_42] : memref<139264x384xf32, #tpu.memory_space<hbm>> -> memref<139264x384xf32, #tpu.memory_space<hbm>>
    tpu.wait_indirect_dma semaphore(%arg18 : memref<!tpu.dma_semaphore, #tpu.memory_space<semaphore_mem>>) src(%arg10 : memref<64x384xf32, #tpu.memory_space<vmem>>) dst(%dma_wait3A_43 : memref<139264x384xf32, #tpu.memory_space<hbm>>)
    %dma_wait3A_44 = arith.constant 0 : i32
    %dma_wait3A_45 = arith.constant 0 : i32
    %dma_wait3A_46 = tpu.memref_slice %arg4[%dma_wait3A_44, %dma_wait3A_45] : memref<139264x384xf32, #tpu.memory_space<hbm>> -> memref<139264x384xf32, #tpu.memory_space<hbm>>
    tpu.wait_indirect_dma semaphore(%arg19 : memref<!tpu.dma_semaphore, #tpu.memory_space<semaphore_mem>>) src(%arg11 : memref<64x384xf32, #tpu.memory_space<vmem>>) dst(%dma_wait3A_46 : memref<139264x384xf32, #tpu.memory_space<hbm>>)
    %dma_wait3A_47 = arith.constant 0 : i32
    %dma_wait3A_48 = arith.constant 0 : i32
    %dma_wait3A_49 = tpu.memref_slice %arg4[%dma_wait3A_47, %dma_wait3A_48] : memref<139264x384xf32, #tpu.memory_space<hbm>> -> memref<139264x384xf32, #tpu.memory_space<hbm>>
    tpu.wait_indirect_dma semaphore(%arg20 : memref<!tpu.dma_semaphore, #tpu.memory_space<semaphore_mem>>) src(%arg12 : memref<64x384xf32, #tpu.memory_space<vmem>>) dst(%dma_wait3A_49 : memref<139264x384xf32, #tpu.memory_space<hbm>>)
    return
  }
}

module attributes {stable_mosaic.version = 14 : i64} {
  func.func @_mlp_body(%arg0: i32, %arg1: memref<68xi32, #tpu.memory_space<smem>>, %arg2: memref<2048x384xf32, #tpu.memory_space<vmem>>, %arg3: memref<1x384x256xbf16, #tpu.memory_space<vmem>>, %arg4: memref<1x1x256xf32, #tpu.memory_space<vmem>>, %arg5: memref<1x256x192xbf16, #tpu.memory_space<vmem>>, %arg6: memref<1x1x192xf32, #tpu.memory_space<vmem>>, %arg7: memref<1x192x160xbf16, #tpu.memory_space<vmem>>, %arg8: memref<1x1x160xf32, #tpu.memory_space<vmem>>, %arg9: memref<1x160x1xbf16, #tpu.memory_space<vmem>>, %arg10: memref<1x1x1xf32, #tpu.memory_space<vmem>>, %arg11: memref<2048x1xf32, #tpu.memory_space<vmem>>) attributes {dimension_semantics = [#tpu.dimension_semantics<arbitrary>], iteration_bounds = array<i64: 68>, scalar_prefetch = 1 : i64, scratch_operands = 0 : i64, tpu.core_type = #tpu.core_type<tc>, window_params = [{transform_indices = @transform_0, window_bounds = array<i64: 2048, 384>}, {transform_indices = @transform_1, window_bounds = array<i64: 1, 384, 256>}, {transform_indices = @transform_2, window_bounds = array<i64: 1, 1, 256>}, {transform_indices = @transform_3, window_bounds = array<i64: 1, 256, 192>}, {transform_indices = @transform_4, window_bounds = array<i64: 1, 1, 192>}, {transform_indices = @transform_5, window_bounds = array<i64: 1, 192, 160>}, {transform_indices = @transform_6, window_bounds = array<i64: 1, 1, 160>}, {transform_indices = @transform_7, window_bounds = array<i64: 1, 160, 1>}, {transform_indices = @transform_8, window_bounds = array<i64: 1, 1, 1>}, {transform_indices = @transform_9, window_bounds = array<i64: 2048, 1>}]} {
    %get3A = arith.constant 0 : index
    %get3A_0 = arith.constant 0 : index
    %get3A_1 = vector.load %arg2[%get3A, %get3A_0] : memref<2048x384xf32, #tpu.memory_space<vmem>>, vector<2048x384xf32>
    %convert_element_type3A = arith.truncf %get3A_1 : vector<2048x384xf32> to vector<2048x384xbf16>
    %get3A_2 = arith.constant 0 : index
    %get3A_3 = arith.constant 0 : index
    %get3A_4 = arith.constant 0 : index
    %get3A_5 = vector.load %arg3[%get3A_2, %get3A_3, %get3A_4] : memref<1x384x256xbf16, #tpu.memory_space<vmem>>, vector<1x384x256xbf16>
    %get3A_6 = vector.shape_cast %get3A_5 : vector<1x384x256xbf16> to vector<384x256xbf16>
    %dot_general3A = arith.constant dense<0.000000e+00> : vector<2048x256xf32>
    %dot_general3A_7 = tpu.matmul %convert_element_type3A, %get3A_6, %dot_general3A {dimension_numbers = #tpu.dot_dimension_numbers<[1], [0], [0], [1], [0, 0, 1, 1], [], []>, transpose_lhs_hint = false} : vector<2048x384xbf16>, vector<384x256xbf16>, vector<2048x256xf32> -> vector<2048x256xf32>
    %get3A_8 = arith.constant 0 : index
    %get3A_9 = arith.constant 0 : index
    %get3A_10 = arith.constant 0 : index
    %get3A_11 = vector.load %arg4[%get3A_8, %get3A_9, %get3A_10] : memref<1x1x256xf32, #tpu.memory_space<vmem>>, vector<1x1x256xf32>
    %get3A_12 = vector.shape_cast %get3A_11 : vector<1x1x256xf32> to vector<256xf32>
    %broadcast_in_dim3A = vector.shape_cast %get3A_12 : vector<256xf32> to vector<1x256xf32>
    %add3A = vector.broadcast %broadcast_in_dim3A : vector<1x256xf32> to vector<2048x256xf32>
    %add3A_13 = arith.addf %dot_general3A_7, %add3A : vector<2048x256xf32>
    %convert_element_type3A_14 = arith.truncf %add3A_13 : vector<2048x256xf32> to vector<2048x256xbf16>
    %gt3A = arith.constant 0.000000e+00 : bf16
    %gt3A_15 = vector.broadcast %gt3A : bf16 to vector<2048x256xbf16>
    %gt3A_16 = arith.cmpf ogt, %convert_element_type3A_14, %gt3A_15 : vector<2048x256xbf16>
    %div3A = arith.constant 1.000980e-01 : bf16
    %div3A_17 = vector.broadcast %div3A : bf16 to vector<2048x256xbf16>
    %div3A_18 = arith.divf %convert_element_type3A_14, %div3A_17 : vector<2048x256xbf16>
    %exp3A = math.exp %div3A_18 : vector<2048x256xbf16>
    %sub3A = arith.constant 1.000000e+00 : bf16
    %sub3A_19 = vector.broadcast %sub3A : bf16 to vector<2048x256xbf16>
    %sub3A_20 = arith.subf %exp3A, %sub3A_19 : vector<2048x256xbf16>
    %mul3A = arith.constant 1.000980e-01 : bf16
    %mul3A_21 = vector.broadcast %mul3A : bf16 to vector<2048x256xbf16>
    %mul3A_22 = arith.mulf %mul3A_21, %sub3A_20 : vector<2048x256xbf16>
    %select_n3A = arith.select %gt3A_16, %convert_element_type3A_14, %mul3A_22 : vector<2048x256xi1>, vector<2048x256xbf16>
    %get3A_23 = arith.constant 0 : index
    %get3A_24 = arith.constant 0 : index
    %get3A_25 = arith.constant 0 : index
    %get3A_26 = vector.load %arg5[%get3A_23, %get3A_24, %get3A_25] : memref<1x256x192xbf16, #tpu.memory_space<vmem>>, vector<1x256x192xbf16>
    %get3A_27 = vector.shape_cast %get3A_26 : vector<1x256x192xbf16> to vector<256x192xbf16>
    %dot_general3A_28 = arith.constant dense<0.000000e+00> : vector<2048x192xf32>
    %dot_general3A_29 = tpu.matmul %select_n3A, %get3A_27, %dot_general3A_28 {dimension_numbers = #tpu.dot_dimension_numbers<[1], [0], [0], [1], [0, 0, 1, 1], [], []>, transpose_lhs_hint = false} : vector<2048x256xbf16>, vector<256x192xbf16>, vector<2048x192xf32> -> vector<2048x192xf32>
    %get3A_30 = arith.constant 0 : index
    %get3A_31 = arith.constant 0 : index
    %get3A_32 = arith.constant 0 : index
    %get3A_33 = vector.load %arg6[%get3A_30, %get3A_31, %get3A_32] : memref<1x1x192xf32, #tpu.memory_space<vmem>>, vector<1x1x192xf32>
    %get3A_34 = vector.shape_cast %get3A_33 : vector<1x1x192xf32> to vector<192xf32>
    %broadcast_in_dim3A_35 = vector.shape_cast %get3A_34 : vector<192xf32> to vector<1x192xf32>
    %add3A_36 = vector.broadcast %broadcast_in_dim3A_35 : vector<1x192xf32> to vector<2048x192xf32>
    %add3A_37 = arith.addf %dot_general3A_29, %add3A_36 : vector<2048x192xf32>
    %convert_element_type3A_38 = arith.truncf %add3A_37 : vector<2048x192xf32> to vector<2048x192xbf16>
    %gt3A_39 = arith.constant 0.000000e+00 : bf16
    %gt3A_40 = vector.broadcast %gt3A_39 : bf16 to vector<2048x192xbf16>
    %gt3A_41 = arith.cmpf ogt, %convert_element_type3A_38, %gt3A_40 : vector<2048x192xbf16>
    %div3A_42 = arith.constant 1.000980e-01 : bf16
    %div3A_43 = vector.broadcast %div3A_42 : bf16 to vector<2048x192xbf16>
    %div3A_44 = arith.divf %convert_element_type3A_38, %div3A_43 : vector<2048x192xbf16>
    %exp3A_45 = math.exp %div3A_44 : vector<2048x192xbf16>
    %sub3A_46 = arith.constant 1.000000e+00 : bf16
    %sub3A_47 = vector.broadcast %sub3A_46 : bf16 to vector<2048x192xbf16>
    %sub3A_48 = arith.subf %exp3A_45, %sub3A_47 : vector<2048x192xbf16>
    %mul3A_49 = arith.constant 1.000980e-01 : bf16
    %mul3A_50 = vector.broadcast %mul3A_49 : bf16 to vector<2048x192xbf16>
    %mul3A_51 = arith.mulf %mul3A_50, %sub3A_48 : vector<2048x192xbf16>
    %select_n3A_52 = arith.select %gt3A_41, %convert_element_type3A_38, %mul3A_51 : vector<2048x192xi1>, vector<2048x192xbf16>
    %get3A_53 = arith.constant 0 : index
    %get3A_54 = arith.constant 0 : index
    %get3A_55 = arith.constant 0 : index
    %get3A_56 = vector.load %arg7[%get3A_53, %get3A_54, %get3A_55] : memref<1x192x160xbf16, #tpu.memory_space<vmem>>, vector<1x192x160xbf16>
    %get3A_57 = vector.shape_cast %get3A_56 : vector<1x192x160xbf16> to vector<192x160xbf16>
    %dot_general3A_58 = arith.constant dense<0.000000e+00> : vector<2048x160xf32>
    %dot_general3A_59 = tpu.matmul %select_n3A_52, %get3A_57, %dot_general3A_58 {dimension_numbers = #tpu.dot_dimension_numbers<[1], [0], [0], [1], [0, 0, 1, 1], [], []>, transpose_lhs_hint = false} : vector<2048x192xbf16>, vector<192x160xbf16>, vector<2048x160xf32> -> vector<2048x160xf32>
    %get3A_60 = arith.constant 0 : index
    %get3A_61 = arith.constant 0 : index
    %get3A_62 = arith.constant 0 : index
    %get3A_63 = vector.load %arg8[%get3A_60, %get3A_61, %get3A_62] : memref<1x1x160xf32, #tpu.memory_space<vmem>>, vector<1x1x160xf32>
    %get3A_64 = vector.shape_cast %get3A_63 : vector<1x1x160xf32> to vector<160xf32>
    %broadcast_in_dim3A_65 = vector.shape_cast %get3A_64 : vector<160xf32> to vector<1x160xf32>
    %add3A_66 = vector.broadcast %broadcast_in_dim3A_65 : vector<1x160xf32> to vector<2048x160xf32>
    %add3A_67 = arith.addf %dot_general3A_59, %add3A_66 : vector<2048x160xf32>
    %convert_element_type3A_68 = arith.truncf %add3A_67 : vector<2048x160xf32> to vector<2048x160xbf16>
    %gt3A_69 = arith.constant 0.000000e+00 : bf16
    %gt3A_70 = vector.broadcast %gt3A_69 : bf16 to vector<2048x160xbf16>
    %gt3A_71 = arith.cmpf ogt, %convert_element_type3A_68, %gt3A_70 : vector<2048x160xbf16>
    %div3A_72 = arith.constant 1.000980e-01 : bf16
    %div3A_73 = vector.broadcast %div3A_72 : bf16 to vector<2048x160xbf16>
    %div3A_74 = arith.divf %convert_element_type3A_68, %div3A_73 : vector<2048x160xbf16>
    %exp3A_75 = math.exp %div3A_74 : vector<2048x160xbf16>
    %sub3A_76 = arith.constant 1.000000e+00 : bf16
    %sub3A_77 = vector.broadcast %sub3A_76 : bf16 to vector<2048x160xbf16>
    %sub3A_78 = arith.subf %exp3A_75, %sub3A_77 : vector<2048x160xbf16>
    %mul3A_79 = arith.constant 1.000980e-01 : bf16
    %mul3A_80 = vector.broadcast %mul3A_79 : bf16 to vector<2048x160xbf16>
    %mul3A_81 = arith.mulf %mul3A_80, %sub3A_78 : vector<2048x160xbf16>
    %select_n3A_82 = arith.select %gt3A_71, %convert_element_type3A_68, %mul3A_81 : vector<2048x160xi1>, vector<2048x160xbf16>
    %get3A_83 = arith.constant 0 : index
    %get3A_84 = arith.constant 0 : index
    %get3A_85 = arith.constant 0 : index
    %get3A_86 = vector.load %arg9[%get3A_83, %get3A_84, %get3A_85] : memref<1x160x1xbf16, #tpu.memory_space<vmem>>, vector<1x160x1xbf16>
    %get3A_87 = vector.shape_cast %get3A_86 : vector<1x160x1xbf16> to vector<160x1xbf16>
    %dot_general3A_88 = arith.constant dense<0.000000e+00> : vector<2048x1xf32>
    %dot_general3A_89 = tpu.matmul %select_n3A_82, %get3A_87, %dot_general3A_88 {dimension_numbers = #tpu.dot_dimension_numbers<[1], [0], [0], [1], [0, 0, 1, 1], [], []>, transpose_lhs_hint = false} : vector<2048x160xbf16>, vector<160x1xbf16>, vector<2048x1xf32> -> vector<2048x1xf32>
    %get3A_90 = arith.constant 0 : index
    %get3A_91 = arith.constant 0 : index
    %get3A_92 = arith.constant 0 : index
    %get3A_93 = vector.load %arg10[%get3A_90, %get3A_91, %get3A_92] : memref<1x1x1xf32, #tpu.memory_space<vmem>>, vector<1x1x1xf32>
    %get3A_94 = vector.shape_cast %get3A_93 : vector<1x1x1xf32> to vector<1xf32>
    %broadcast_in_dim3A_95 = vector.shape_cast %get3A_94 : vector<1xf32> to vector<1x1xf32>
    %add3A_96 = vector.broadcast %broadcast_in_dim3A_95 : vector<1x1xf32> to vector<2048x1xf32>
    %add3A_97 = arith.addf %dot_general3A_89, %add3A_96 : vector<2048x1xf32>
    %swap3A = arith.constant 0 : index
    %swap3A_98 = arith.constant 0 : index
    %swap3A_99 = vector.load %arg11[%swap3A, %swap3A_98] : memref<2048x1xf32, #tpu.memory_space<vmem>>, vector<2048x1xf32>
    tpu.vector_store %arg11[%swap3A, %swap3A_98], %add3A_97 {strides = array<i32>} : memref<2048x1xf32, #tpu.memory_space<vmem>>, vector<2048x1xf32>,
    return
  }
  func.func @transform_0(%arg0: i32, %arg1: memref<68xi32, #tpu.memory_space<smem>>) -> (i32, i32) {
    %c0_i32 = arith.constant 0 : i32
    %c0_i32_0 = arith.constant 0 : i32
    return %arg0, %c0_i32 : i32, i32
  }
  func.func @transform_1(%arg0: i32, %arg1: memref<68xi32, #tpu.memory_space<smem>>) -> (i32, i32, i32) {
    %get3A = arith.index_cast %arg0 : i32 to index
    %get3A_0 = memref.load %arg1[%get3A] : memref<68xi32, #tpu.memory_space<smem>>
    %c0_i32 = arith.constant 0 : i32
    %c0_i32_1 = arith.constant 0 : i32
    %c0_i32_2 = arith.constant 0 : i32
    return %get3A_0, %c0_i32, %c0_i32_1 : i32, i32, i32
  }
  func.func @transform_2(%arg0: i32, %arg1: memref<68xi32, #tpu.memory_space<smem>>) -> (i32, i32, i32) {
    %get3A = arith.index_cast %arg0 : i32 to index
    %get3A_0 = memref.load %arg1[%get3A] : memref<68xi32, #tpu.memory_space<smem>>
    %c0_i32 = arith.constant 0 : i32
    %c0_i32_1 = arith.constant 0 : i32
    %c0_i32_2 = arith.constant 0 : i32
    return %get3A_0, %c0_i32, %c0_i32_1 : i32, i32, i32
  }
  func.func @transform_3(%arg0: i32, %arg1: memref<68xi32, #tpu.memory_space<smem>>) -> (i32, i32, i32) {
    %get3A = arith.index_cast %arg0 : i32 to index
    %get3A_0 = memref.load %arg1[%get3A] : memref<68xi32, #tpu.memory_space<smem>>
    %c0_i32 = arith.constant 0 : i32
    %c0_i32_1 = arith.constant 0 : i32
    %c0_i32_2 = arith.constant 0 : i32
    return %get3A_0, %c0_i32, %c0_i32_1 : i32, i32, i32
  }
  func.func @transform_4(%arg0: i32, %arg1: memref<68xi32, #tpu.memory_space<smem>>) -> (i32, i32, i32) {
    %get3A = arith.index_cast %arg0 : i32 to index
    %get3A_0 = memref.load %arg1[%get3A] : memref<68xi32, #tpu.memory_space<smem>>
    %c0_i32 = arith.constant 0 : i32
    %c0_i32_1 = arith.constant 0 : i32
    %c0_i32_2 = arith.constant 0 : i32
    return %get3A_0, %c0_i32, %c0_i32_1 : i32, i32, i32
  }
  func.func @transform_5(%arg0: i32, %arg1: memref<68xi32, #tpu.memory_space<smem>>) -> (i32, i32, i32) {
    %get3A = arith.index_cast %arg0 : i32 to index
    %get3A_0 = memref.load %arg1[%get3A] : memref<68xi32, #tpu.memory_space<smem>>
    %c0_i32 = arith.constant 0 : i32
    %c0_i32_1 = arith.constant 0 : i32
    %c0_i32_2 = arith.constant 0 : i32
    return %get3A_0, %c0_i32, %c0_i32_1 : i32, i32, i32
  }
  func.func @transform_6(%arg0: i32, %arg1: memref<68xi32, #tpu.memory_space<smem>>) -> (i32, i32, i32) {
    %get3A = arith.index_cast %arg0 : i32 to index
    %get3A_0 = memref.load %arg1[%get3A] : memref<68xi32, #tpu.memory_space<smem>>
    %c0_i32 = arith.constant 0 : i32
    %c0_i32_1 = arith.constant 0 : i32
    %c0_i32_2 = arith.constant 0 : i32
    return %get3A_0, %c0_i32, %c0_i32_1 : i32, i32, i32
  }
  func.func @transform_7(%arg0: i32, %arg1: memref<68xi32, #tpu.memory_space<smem>>) -> (i32, i32, i32) {
    %get3A = arith.index_cast %arg0 : i32 to index
    %get3A_0 = memref.load %arg1[%get3A] : memref<68xi32, #tpu.memory_space<smem>>
    %c0_i32 = arith.constant 0 : i32
    %c0_i32_1 = arith.constant 0 : i32
    %c0_i32_2 = arith.constant 0 : i32
    return %get3A_0, %c0_i32, %c0_i32_1 : i32, i32, i32
  }
  func.func @transform_8(%arg0: i32, %arg1: memref<68xi32, #tpu.memory_space<smem>>) -> (i32, i32, i32) {
    %get3A = arith.index_cast %arg0 : i32 to index
    %get3A_0 = memref.load %arg1[%get3A] : memref<68xi32, #tpu.memory_space<smem>>
    %c0_i32 = arith.constant 0 : i32
    %c0_i32_1 = arith.constant 0 : i32
    %c0_i32_2 = arith.constant 0 : i32
    return %get3A_0, %c0_i32, %c0_i32_1 : i32, i32, i32
  }
  func.func @transform_9(%arg0: i32, %arg1: memref<68xi32, #tpu.memory_space<smem>>) -> (i32, i32) {
    %c0_i32 = arith.constant 0 : i32
    %c0_i32_0 = arith.constant 0 : i32
    return %arg0, %c0_i32 : i32, i32
  }
}

module attributes {stable_mosaic.version = 14 : i64} {
  func.func @_rowsum_body(%arg0: i32, %arg1: memref<2048x16xf32, #tpu.memory_space<vmem>>, %arg2: memref<2048x1xf32, #tpu.memory_space<vmem>>) attributes {dimension_semantics = [#tpu.dimension_semantics<arbitrary>], iteration_bounds = array<i64: 1>, scalar_prefetch = 0 : i64, scratch_operands = 0 : i64, tpu.core_type = #tpu.core_type<tc>, window_params = [{pipeline_mode = #tpu.pipeline_mode<synchronous>, transform_indices = @transform_0, window_bounds = array<i64: 2048, 16>}, {pipeline_mode = #tpu.pipeline_mode<synchronous>, transform_indices = @transform_1, window_bounds = array<i64: 2048, 1>}]} {
    %get3A = arith.constant 0 : index
    %get3A_0 = arith.constant 0 : index
    %get3A_1 = vector.load %arg1[%get3A, %get3A_0] : memref<2048x16xf32, #tpu.memory_space<vmem>>, vector<2048x16xf32>
    %reduce_sum3A = arith.constant dense<0.000000e+00> : vector<2048xf32>
    %reduce_sum3A_2 = vector.multi_reduction <add>, %get3A_1, %reduce_sum3A [1] : vector<2048x16xf32> to vector<2048xf32>
    %broadcast_in_dim3A = vector.shape_cast %reduce_sum3A_2 : vector<2048xf32> to vector<2048x1xf32>
    %swap3A = arith.constant 0 : index
    %swap3A_3 = arith.constant 0 : index
    %swap3A_4 = vector.load %arg2[%swap3A, %swap3A_3] : memref<2048x1xf32, #tpu.memory_space<vmem>>, vector<2048x1xf32>
    tpu.vector_store %arg2[%swap3A, %swap3A_3], %broadcast_in_dim3A {strides = array<i32>} : memref<2048x1xf32, #tpu.memory_space<vmem>>, vector<2048x1xf32>,
    return
  }
  func.func @transform_0(%arg0: i32) -> (i32, i32) {
    %c0_i32 = arith.constant 0 : i32
    %c0_i32_0 = arith.constant 0 : i32
    %c0_i32_1 = arith.constant 0 : i32
    return %c0_i32, %c0_i32_0 : i32, i32
  }
  func.func @transform_1(%arg0: i32) -> (i32, i32) {
    %c0_i32 = arith.constant 0 : i32
    %c0_i32_0 = arith.constant 0 : i32
    %c0_i32_1 = arith.constant 0 : i32
    return %c0_i32, %c0_i32_0 : i32, i32
  }
}

</mosaic_0001>

<sc_bundles>
// kernel: kernel.6.cloned.1.call-start
scs
__scs_entry_jumppad:
0x0: {  	(pc) =	sbr.rel $0x88, $3  }
0x1: {  	(tag) =	ssettag $0x0;
	lr =	simm.s32 $0x1  }
0x2: {  	[smem:$0x3F7F] =	sst lr;
	_ =	strace $0xD0000000  }
0x3: {  	_ = 	snop  }
0x4: {  	_ = 	snop  }
0x5: {  	_ = 	snop  }
0x6: {  	_ = 	snop  }
0x7: {  	_ = 	snop  }
__scs_overlays_trampoline_lowered:
0x8: {  	[smem:$0x3F8E] =	sst s0  }
0x9: {  	[smem:$0x3F8F] =	sst s1  }
0xa: {  	[smem:$0x3F90] =	sst s2  }
0xb: {  	[smem:$0x3F91] =	sst s3  }
0xc: {  	[smem:$0x3F92] =	sst s4  }
0xd: {  	[smem:$0x3F93] =	sst s5  }
0xe: {  	[smem:$0x3F94] =	sst s6  }
0xf: {  	[smem:$0x3F95] =	sst s7  }
0x10: {  	[smem:$0x3F96] =	sst s8  }
0x11: {  	[smem:$0x3F97] =	sst s9;
	s0 =	simm.s32 @!p0 $0x0  }
0x12: {  	s1 =	sld [smem:$0x3F7D];
	s0 =	simm.s32 @p0 $0x1  }
0x13: {  	[smem:$0x3F98] =	sst s0;
	s0 =	simm.s32 @!p1 $0x0  }
0x14: {  	s2 =	sld [smem:$0x3F7C];
	s0 =	simm.s32 @p1 $0x1  }
0x15: {  	[smem:$0x3F99] =	sst s0;
	s0 =	simm.s32 @!p2 $0x0  }
0x16: {  	s3 =	sld [smem:$0x3FDB];
	s0 =	simm.s32 @p2 $0x1  }
0x17: {  	s4 =	simm.s32 $0x1BF5;
	[smem:$0x3F9B] =	sst s0  }
0x18: {  	s0 =	sld [smem:$0x3F7E];
	_ =	swait.ge [sflag:s4], $0x0  }
0x19: {  	s7 =	sld [smem:$0x3F7F]  }
0x1a: {  	s8 =	sadd.s32 $0xFFFFE003, lr  }
0x1b: {  	s9 =	sadd.s32 $0xFFFFFEF7, lr;
	s5 =	simm.s32 $0xFFFFFFFF;
	p2 =	slt.u32 s8, $0xFFFFF086  }
0x1c: {  	p1 =	slt.u32 s9, $0xF7A;
	s5 =	simm.s32 @!p2 $0x0  }
0x1d: {  	s5 =	simm.s32 @p1 $0x1;
	p0 =	seq.s32 s7, s2  }
0x1e: {  	s7 =	smul.u32 @!p0 $0xF7A, s2;
	p2 =	seq.s32 @!p0 s5, $0x0  }
0x1f: {  	s9 =	smul.u32 $0xF7A, s1;
	s8 =	simm.s32 @!p0 $0x1BF5;
	p2 =	por !p2, p0  }
0x20: {  	[sflag:s8] =	ssyncset.s32 @!p0 $0xFFFFF086;
	s6 =	sadd.s32 @!p0 s3, s7;
	s7 =	simm.s32 @!p0 $0x108  }
0x21: {  	s3 =	sadd.s32 s3, s9;
	s6 =	sadd.s32 @!p0 $0x88, s6;
	s7 =	simm.s32 @p2 $0x1082  }
0x22: {  	[simem:s7], [sflag:s8] =	dma.local @!p0 [hbm:s6], $0xF7A  }
0x23: {  	s9 =	sor.u32 $0xD0000000, s2;
	s6 =	simm.s32 $0x108;
	_ =	swait.ge @!p0 [sflag:s8], $0x0  }
0x24: {  	s3 =	sadd.s32 $0x88, s3;
	s6 =	simm.s32 @!p1 $0x1082;
	[sflag:s4] =	ssyncset.s32 $0xFFFFF086  }
0x25: {  	[simem:s6], [sflag:s4] =	dma.local [hbm:s3], $0xF7A  }
0x26: {  	[smem:$0x3F7F] =	sst s1;
	(tag) =	ssettag s2;
	_ =	strace s9  }
0x27: {  	s1 =	sld [smem:$0x3F8F]  }
0x28: {  	s2 =	sld [smem:$0x3F90]  }
0x29: {  	s4 =	sld [smem:$0x3F92]  }
0x2a: {  	p0 =	seq.s32 s5, $0x0;
	s5 =	sld [smem:$0x3F93]  }
0x2b: {  	s6 =	sld [smem:$0x3F94]  }
0x2c: {  	s7 =	sld [smem:$0x3F95]  }
0x2d: {  	s3 =	simm.s32 $0x108;
	s8 =	sld [smem:$0x3F96]  }
0x2e: {  	s3 =	simm.s32 @!p0 $0x1082;
	s9 =	sld [smem:$0x3F97]  }
0x2f: {  	lr =	sadd.s32 s0, s3;
	s0 =	sld [smem:$0x3F8E]  }
0x30: {  	s3 =	sld [smem:$0x3F91]  }
0x31: {  	[smem:$0x3F9A] =	sst s10  }
0x32: {  	s10 =	sld [smem:$0x3F98];
	_ =	sdelay $0x3  }
0x33: {  	p0 =	seq.s32 s10, $0x1;
	s10 =	sld [smem:$0x3F9A];
	_ =	sdelay $0x3  }
0x34: {  	[smem:$0x3F9A] =	sst s10  }
0x35: {  	s10 =	sld [smem:$0x3F99];
	_ =	sdelay $0x3  }
0x36: {  	p1 =	seq.s32 s10, $0x1;
	s10 =	sld [smem:$0x3F9A];
	_ =	sdelay $0x3  }
0x37: {  	[smem:$0x3F9A] =	sst s10  }
0x38: {  	s10 =	sld [smem:$0x3F9B]  }
0x39: {  	_ = 	snop;
	(pc) =	sbr.ind lr, $3  }
0x3a: {  	_ = 	snop  }
0x3b: {  	_ = 	snop  }
0x3c: {  	p2 =	seq.s32 s10, $0x1;
	s10 =	sld [smem:$0x3F9A]  }
0x3d: {  	_ =	shalt  }
0x3e: {  	_ =	shalt  }
0x3f: {  	_ =	shalt  }
0x40: {  	_ =	shalt  }
0x41: {  	_ =	shalt  }
0x42: {  	_ =	shalt  }
0x43: {  	_ =	shalt  }
0x44: {  	_ =	shalt  }
0x45: {  	_ =	shalt  }
0x46: {  	_ =	shalt  }
0x47: {  	_ =	shalt  }
0x48: {  	_ =	shalt  }
0x49: {  	_ =	shalt  }
0x4a: {  	_ =	shalt  }
0x4b: {  	_ =	shalt  }
0x4c: {  	_ =	shalt  }
0x4d: {  	_ =	shalt  }
0x4e: {  	_ =	shalt  }
0x4f: {  	_ =	shalt  }
0x50: {  	_ =	shalt  }
0x51: {  	_ =	shalt  }
0x52: {  	_ =	shalt  }
0x53: {  	_ =	shalt  }
0x54: {  	_ =	shalt  }
0x55: {  	_ =	shalt  }
0x56: {  	_ =	shalt  }
0x57: {  	_ =	shalt  }
0x58: {  	_ =	shalt  }
0x59: {  	_ =	shalt  }
0x5a: {  	_ =	shalt  }
0x5b: {  	_ =	shalt  }
0x5c: {  	_ =	shalt  }
0x5d: {  	_ =	shalt  }
0x5e: {  	_ =	shalt  }
0x5f: {  	_ =	shalt  }
0x60: {  	_ =	shalt  }
0x61: {  	_ =	shalt  }
0x62: {  	_ =	shalt  }
0x63: {  	_ =	shalt  }
0x64: {  	_ =	shalt  }
0x65: {  	_ =	shalt  }
0x66: {  	_ =	shalt  }
0x67: {  	_ =	shalt  }
0x68: {  	_ =	shalt  }
0x69: {  	_ =	shalt  }
0x6a: {  	_ =	shalt  }
0x6b: {  	_ =	shalt  }
0x6c: {  	_ =	shalt  }
0x6d: {  	_ =	shalt  }
0x6e: {  	_ =	shalt  }
0x6f: {  	_ =	shalt  }
0x70: {  	_ =	shalt  }
0x71: {  	_ =	shalt  }
0x72: {  	_ =	shalt  }
0x73: {  	_ =	shalt  }
0x74: {  	_ =	shalt  }
0x75: {  	_ =	shalt  }
0x76: {  	_ =	shalt  }
0x77: {  	_ =	shalt  }
0x78: {  	_ =	shalt  }
0x79: {  	_ =	shalt  }
0x7a: {  	_ =	shalt  }
0x7b: {  	_ =	shalt  }
0x7c: {  	_ =	shalt  }
0x7d: {  	_ =	shalt  }
0x7e: {  	_ =	shalt  }
0x7f: {  	_ =	shalt  }
0x80: {  	_ =	shalt  }
0x81: {  	_ =	shalt  }
0x82: {  	_ =	shalt  }
0x83: {  	_ =	shalt  }
0x84: {  	_ =	shalt  }
0x85: {  	_ =	shalt  }
0x86: {  	_ =	shalt  }
0x87: {  	_ =	shalt  }
.Lfunc_end0:
.L_simem_size_0:
called_computation_lowered:
.L_overlay_start_0:
0x88: {  	s2 =	sld [smem:$0x3FD9]  }
0x89: {  	s3 =	sld [smem:$0x3FFE];
	_ =	sdelay $0x1  }
0x8a: {  	s1 =	srdreg.scid  }
0x8b: {  	s0 =	sand.u32 $0x1, s1  }
0x8c: {  	s14 =	sshll.u32 s0, $0xA;
	s2 =	sadd.s32 s3, s2  }
0x8d: {  	s2 =	sadd.s32 s2, s14  }
0x8e: {  	[smem:$0x3FA6] =	sst s2  }
0x8f: {  	_ = 	snop  }
0x90: {  	s2 =	sld [smem:$0x3FD0];
	_ =	sdelay $0x2  }
0x91: {  	s4 =	simm.s32 $0xA;
	s5 =	simm.s32 $0x10;
	s15 =	sld [smem:$0x3FC8]  }
0x92: {  	[smem:s5], [sflag:s4] =	dma.local [hbm:s2], $0x1  }
0x93: {  	_ =	swait.eq [sflag:s4], $0x1  }
0x94: {  	[sflag:s4] =	ssyncset.done $0x0  }
0x95: {  	[sflag:s4] =	ssyncadd.s32 $0xFFFFFFFF  }
0x96: {  	s16 =	sld [smem:$0x10];
	(tm) =	ssettm $0x1  }
0x97: {  	s17 =	sld [smem:$0x3FFB];
	_ =	sdelay $0x3  }
0x98: {  	_ =	strace s17  }
0x99: {  	s4 =	sld [smem:$0x3FFC];
	_ =	sdelay $0x3  }
0x9a: {  	_ =	strace s4  }
0x9b: {  	s4 =	sld [smem:$0x3FFD];
	_ =	sdelay $0x3  }
0x9c: {  	_ =	strace s4  }
0x9d: {  	_ =	strace $0x8FFFFFFF  }
0x9e: {  	s18 =	sld [smem:$0x3FDB];
	_ =	sdelay $0x1  }
0x9f: {  	s19 =	simm.s32 $_scs_section_size  }
0xa0: {  	s6 =	simm.s32 $_size__tile_overlayer_lowered;
	s7 =	simm.s32 $_tile_overlayer_lowered  }
0xa1: {  	s22 =	simm.s32 $0x1BFF;
	s21 =	sshll.u32 s7, $0x1;
	s4 =	sadd.s32 s19, s18  }
0xa2: {  	s8 =	simm.s32 $0x0;
	s20 =	sshll.u32 s6, $0x1;
	s6 =	sadd.s32 s21, s4  }
0xa3: {  	[timem:s8], [sflag:s22] =	dma.local [hbm:s6], s20  }
0xa4: {  	_ =	swait.ge [sflag:s22], s20  }
0xa5: {  	s5 =	ssub.s32 $0x0, s20;
	[sflag:s22] =	ssyncset.done $0x0  }
0xa6: {  	[sflag:s22] =	ssyncadd.s32 s5;
	_ =	sdelay $0x1  }
0xa7: {  	s23 =	simm.s32 $0x1B8B  }
0xa8: {  	_ =	swait.ge [sflag:s23], $0x1  }
0xa9: {  	[sflag:s23] =	ssyncset.done $0x0  }
0xaa: {  	s25 =	simm.s32 $0x1B8E;
	s24 =	sld [smem:$0x3FFE];
	[sflag:s23] =	ssyncadd.s32 $0xFFFFFFFF  }
0xab: {  	s26 =	simm.s32 $execute0_lowered;
	[smem:$0x3FD2] =	sst s25  }
0xac: {  	s6 =	sshll.u32 s26, $0x1;
	_ =	strace $0x80000046;
	[dreg:$0x1] =	wrdreg $0xFFFFFFFF  }
0xad: {  	s28 =	simm.s32 $_size_execute0_lowered;
	s4 =	sadd.s32 s4, s6;
	[dreg:$0x0] =	wrdreg $0x0  }
0xae: {  	s6 =	sshll.u32 s28, $0x1;
	[dreg:$0x2] =	wrdreg s4  }
0xaf: {  	[dreg:$0x3] =	wrdreg s6  }
0xb0: {  	[dreg:$0x4] =	wrdreg $0xC0  }
0xb1: {  	_ =	task [dreg:s8], $0x5FFFF  }
0xb2: {  	[dreg:$0x1] =	wrdreg $0xFFFFFFFF  }
0xb3: {  	[dreg:$0x0] =	wrdreg $0x60  }
0xb4: {  	[dreg:$0x2] =	wrdreg s15  }
0xb5: {  	[dreg:$0x3] =	wrdreg s16  }
0xb6: {  	[dreg:$0x4] =	wrdreg s24  }
0xb7: {  	[dreg:$0x5] =	wrdreg $0x9  }
0xb8: {  	_ =	task.clear_ibuf [dreg:s8], $0x6FFFF;
	_ =	strace $0x90000046  }
0xb9: {  	s29 =	simm.s32 $0x9;
	_ =	strace $0x80000048  }
0xba: {  	_ =	swait.ge [sflag:s29], $0x1  }
0xbb: {  	[sflag:s29] =	ssyncadd.s32 $0xFFFFFFFF  }
0xbc: {  	_ =	strace $0x90000048  }
0xbd: {  	_ =	sfence  }
0xbe: {  	s30 =	sld [smem:$0x0];
	_ =	sdelay $0x2  }
0xbf: {  	s31 =	sshll.u32 s1, $0xD;
	s1 =	sshrl.u32 s1, $0x2  }
0xc0: {  	s3 =	sand.u32 $0x4000, s31;
	s1 =	sadd.s32 s1, s30  }
0xc1: {  	s0 =	sor.u32 s3, s0;
	s1 =	sshll.u32 s1, $0x11  }
0xc2: {  	s0 =	sor.u32 s1, s0  }
0xc3: {  	s0 =	sadd.s32 $0x8F2B, s0  }
0xc4: {  	[sflag:s0] =	ssyncadd.remote.s32 $0x1  }
0xc5: {  	_ =	sfence.sel $0xFFFF  }
0xc6: {  	[dreg:$0x0] =	wrdreg $0xFFFFFFFF;
	(pc) =	sbr.abs _section_cstart, $3  }
0xc7: {  	[dreg:$0x1] =	wrdreg $0xFFFFFFFF  }
0xc8: {  	_ =	task.clear_ibuf [dreg:s8], $0x2FFFF;
	_ =	strace $0x9FFFFFFF  }
0xc9: {  	(tm) =	ssettm $0x7FFFFFFF  }
tec
execute0_lowered:
.L_overlay_start_1:
0x0: {  	(tag) =	ssettag $0x1  }
0x1: {  	s0 =	rddreg [dreg:$0x0]  }
0x2: {  	s1 =	rddreg [dreg:$0x1]  }
0x3: {  	s5 =	rddreg [dreg:$0x2]  }
0x4: {  	s3 =	srdreg.scid;
	s2 =	simm.s32 $0x0;
	s4 =	stileid.u32  }
0x5: {  	s14 =	simm.s32 $0x16A00;
	s15 =	simm.s32 $0x17200;
	s28 =	simm.s32 $0x6  }
0x6: {  	s3 =	sand.u32 $0x1, s3;
	[smem:$0x7FF] =	sst s2;
	s4 =	sshll.u32 s4, $0xD  }
0x7: {  	s6 =	sshll.u32 s3, $0xC;
	_ =	strace $0x80000047;
	s7 =	ssub.s32 $0x2, s3  }
0x8: {  	s3 =	sadd.s32 $0x2000, s5;
	s6 =	sor.u32 s6, s4;
	s17 =	sshrl.u32 s7, $0x1  }
0x9: {  	s8 =	sshrl.u32 s6, $0x3;
	s7 =	ssub.s32 s7, s17;
	s23 =	sor.u32 $0x140, s6  }
0xa: {  	s6 =	sor.u32 $0x100, s6;
	s17 =	simm.s32 $0x17600;
	s9 =	smul.u32 $0x180, s8  }
0xb: {  	s10 =	sor.u32 $0x8, s8;
	s4 =	sadd.s32 s8, s1;
	s12 =	sor.u32 $0x10, s8  }
0xc: {  	s8 =	sor.u32 $0x18, s8;
	s24 =	sshrl.u32 s23, $0x3;
	s6 =	sshrl.u32 s6, $0x3  }
0xd: {  	s26 =	smax.u32 s7, $0x1;
	s7 =	simm.s32 $0x3;
	s11 =	smul.u32 $0x180, s10  }
0xe: {  	s23 =	simm.s32 $0x14200;
	s18 =	sadd.s32 s1, s10;
	s19 =	smul.u32 $0x180, s12  }
0xf: {  	s21 =	sadd.s32 s1, s12;
	s22 =	smul.u32 $0x180, s8;
	s8 =	sadd.s32 s1, s8  }
0x10: {  	s25 =	smul.u32 $0x180, s24;
	s12 =	sadd.s32 $0x2100, s5;
	[dreg:$0xb] =	wrdreg s26  }
0x11: {  	s29 =	smul.u32 $0x180, s6;
	s16 =	sadd.s32 s24, s1;
	[dreg:$0x5] =	wrdreg s18  }
0x12: {  	s26 =	simm.s32 $0x1;
	s10 =	simm.s32 $0x15A00;
	[dreg:$0x7] =	wrdreg s21  }
0x13: {  	s5 =	simm.s32 $0x16600;
	s13 =	sadd.s32 s9, s0;
	[dreg:$0x9] =	wrdreg s8  }
0x14: {  	s18 =	sadd.s32 s6, s1;
	s21 =	simm.s32 $0x6200;
	s8 =	simm.s32 $0x14600  }
0x15: {  	s6 =	simm.s32 $0x0;
	s20 =	sadd.s32 s0, s11;
	[dreg:$0x4] =	wrdreg s13  }
0x16: {  	s9 =	sadd.s32 s0, s19;
	s30 =	sadd.s32 $0x2400, s13;
	[dreg:$0x6] =	wrdreg s20  }
.Ltmp0:
0x17: {  	s31 =	sadd.s32 s25, s0;
	[dreg:$0x8] =	wrdreg s9;
	(pc) =	sbr.rel .LBB2_1-.Ltmp0, $4  }
0x18: {  	s13 =	simm.s32 $0x2;
	s19 =	simm.s32 $0x4;
	[dreg:$0xc] =	wrdreg s30  }
0x19: {  	v2 =	vlaneseq.u32;
	s25 =	simm.s32 $0x14E00;
	s9 =	sadd.s32 s0, s22;
	[dreg:$0xd] =	wrdreg s31  }
0x1a: {  	vm0 =	vmmov $0xffff;
	vm1 =	vmmov $0xff;
	v1 =	vshrl.u32 v2, $0x3;
	s11 =	simm.s32 $0x15E00;
	s0 =	sadd.s32 s29, s0;
	[dreg:$0xa] =	wrdreg s9  }
0x1b: {  	v0 =	vand.u32 $0x7, v2;
	v2 =	vor.u32 $0x8, v2;
	v1 =	vmul.u32 $0x8, v1;
	s20 =	simm.s32 $0x17E00;
	[dreg:$0xe] =	wrdreg s0;
	s9 =	simm.s32 $0x15200  }
.LBB2_4:
0x1c: {  	s0 =	simm.s32 $0x5  }
0x1d: {  	_ =	swait.ge [sflag:s0], $0x6000  }
0x1e: {  	[sflag:s0] =	ssyncset.done $0x0  }
0x1f: {  	[sflag:s0] =	ssyncadd.s32 $0xFFFFA000  }
0x20: {  	_ =	swait.ge [sflag:s28], $0x6000  }
0x21: {  	[sflag:s28] =	ssyncset.done $0x0  }
0x22: {  	s30 =	simm.s32 $0x7;
	[sflag:s28] =	ssyncadd.s32 $0xFFFFA000  }
0x23: {  	_ =	swait.ge [sflag:s30], $0x6000  }
0x24: {  	[sflag:s30] =	ssyncset.done $0x0  }
0x25: {  	s1 =	simm.s32 $0x8;
	[sflag:s30] =	ssyncadd.s32 $0xFFFFA000  }
0x26: {  	_ =	swait.ge [sflag:s1], $0x6000  }
0x27: {  	s6 =	rddreg [dreg:$0xf]  }
0x28: {  	s31 =	rddreg [dreg:$0xb];
	s6 =	sadd.s32 $0x1, s6  }
0x29: {  	p0 =	sne.s32 s6, s31  }
.Ltmp1:
0x2a: {  	_ = 	snop;
	(pc) =	sbr.rel @!p0 .LBB2_5-.Ltmp1, $3  }
0x2b: {  	_ =	sdelay $0x1  }
0x2c: {  	[sflag:s1] =	ssyncset.done $0x0  }
0x2d: {  	[sflag:s1] =	ssyncadd.s32 $0xFFFFA000  }
.LBB2_1:
0x2e: {  	[dreg:$0xf] =	wrdreg s6  }
0x2f: {  	[tilespmem:s2], [sflag:$0x1] =	stream.linear.gather [hbm4b:s4+s2], $0x40, $0x38;
	[tilespmem:$0x18200] =	vst v63  }
0x30: {  	s0 =	rddreg [dreg:$0x4]  }
0x31: {  	s6 =	rddreg [dreg:$0x5]  }
0x32: {  	s24 =	rddreg [dreg:$0x6]  }
0x33: {  	s1 =	simm.s32 $0x200;
	s29 =	rddreg [dreg:$0xe]  }
0x34: {  	[tilespmem:s1], [sflag:$0x1] =	stream.linear.gather [hbm4b:s0+s2], $0x6000, $0x38;
	[tilespmem:$0x18200] =	vst v63  }
0x35: {  	s22 =	simm.s32 $0x80;
	s30 =	rddreg [dreg:$0xd]  }
0x36: {  	[tilespmem:s22], [sflag:$0x2] =	stream.linear.gather [hbm4b:s6+s2], $0x40, $0x38;
	[tilespmem:$0x18200] =	vst v63  }
0x37: {  	s31 =	rddreg [dreg:$0xc]  }
0x38: {  	[tilespmem:s21], [sflag:$0x2] =	stream.linear.gather [hbm4b:s24+s2], $0x6000, $0x38;
	[tilespmem:$0x18200] =	vst v63  }
0x39: {  	s1 =	rddreg [dreg:$0x7];
	s6 =	simm.s32 $0x100  }
0x3a: {  	[tilespmem:s6], [sflag:$0x3] =	stream.linear.gather [hbm4b:s1+s2], $0x40, $0x38;
	[tilespmem:$0x18200] =	vst v63  }
0x3b: {  	s22 =	rddreg [dreg:$0x8];
	s24 =	simm.s32 $0xC200  }
0x3c: {  	[tilespmem:s24], [sflag:$0x3] =	stream.linear.gather [hbm4b:s22+s2], $0x6000, $0x38;
	[tilespmem:$0x18200] =	vst v63  }
0x3d: {  	s1 =	rddreg [dreg:$0x9];
	s6 =	simm.s32 $0x180  }
0x3e: {  	[tilespmem:s6], [sflag:$0x4] =	stream.linear.gather [hbm4b:s1+s2], $0x40, $0x38;
	[tilespmem:$0x18200] =	vst v63  }
0x3f: {  	s0 =	simm.s32 $0x0;
	s22 =	rddreg [dreg:$0xa];
	s24 =	simm.s32 $0x12200  }
0x40: {  	[tilespmem:s24], [sflag:$0x4] =	stream.linear.gather [hbm4b:s22+s2], $0x6000, $0x38;
	[tilespmem:$0x18200] =	vst v63  }
.LBB2_2:
0x41: {  	_ =	swait.ge [sflag:s26], $0x40  }
0x42: {  	[sflag:s26] =	ssyncset.done $0x0  }
0x43: {  	[sflag:s26] =	ssyncadd.s32 $0xFFFFFFC0  }
0x44: {  	_ =	swait.ge [sflag:s26], $0x6000  }
0x45: {  	[sflag:s26] =	ssyncset.done $0x0  }
0x46: {  	[sflag:s26] =	ssyncadd.s32 $0xFFFFA000  }
0x47: {  	v3 =	vld [tilespmem:$0x0];
	_ =	sdelay $0x4  }
0x48: {  	v4 =	vshrl.u32 v3, $0x3  }
0x49: {  	v4 =	vmul.u32 $0x18, v4  }
0x4a: {  	v3 =	vand.u32 $0x7, v3  }
0x4b: {  	v3 =	vor.u32 v3, v4  }
0x4c: {  	v4 =	vperm.xlane v3, v0;
	_ =	sdelay $0x1  }
0x4d: {  	v4 =	vadd.s32 v1, v4;
	_ =	sdelay $0x1  }
0x4e: {  	v3 =	vperm.xlane v3, v2;
	_ =	sdelay $0x1  }
0x4f: {  	s1 =	simm.s32 $0x200;
	v3 =	vadd.s32 v1, v3  }
0x50: {  	[hbm4b:s3+s2] =	stream.indirect_vreg.scatter [tilespmem:s1], [sflag:$0x5], $0x80, v4, vm0, $0xb8;
	[tilespmem:$0x18200] =	vst v63  }
0x51: {  	s24 =	simm.s32 $0xA00  }
0x52: {  	[hbm4b:s12+s2] =	stream.indirect_vreg.scatter [tilespmem:s24], [sflag:$0x5], $0x80, v4, vm1, $0xb8;
	[tilespmem:$0x18200] =	vst v63  }
0x53: {  	s6 =	simm.s32 $0xE00  }
0x54: {  	[hbm4b:s3+s2] =	stream.indirect_vreg.scatter [tilespmem:s6], [sflag:$0x5], $0x80, v3, vm0, $0xb8;
	[tilespmem:$0x18200] =	vst v63  }
0x55: {  	s22 =	simm.s32 $0x1600  }
0x56: {  	[hbm4b:s12+s2] =	stream.indirect_vreg.scatter [tilespmem:s22], [sflag:$0x5], $0x80, v3, vm1, $0xb8;
	[tilespmem:$0x18200] =	vst v63  }
0x57: {  	v3 =	vld [tilespmem:$0x10];
	_ =	sdelay $0x4  }
0x58: {  	v49 =	vshrl.u32 v3, $0x3  }
0x59: {  	v4 =	vmul.u32 $0x18, v49  }
0x5a: {  	v3 =	vand.u32 $0x7, v3  }
0x5b: {  	v3 =	vor.u32 v3, v4  }
0x5c: {  	v4 =	vperm.xlane v3, v0;
	_ =	sdelay $0x1  }
0x5d: {  	v4 =	vadd.s32 v1, v4;
	_ =	sdelay $0x1  }
0x5e: {  	v3 =	vperm.xlane v3, v2;
	_ =	sdelay $0x1  }
0x5f: {  	s24 =	simm.s32 $0x1A00;
	v3 =	vadd.s32 v1, v3  }
0x60: {  	[hbm4b:s3+s2] =	stream.indirect_vreg.scatter [tilespmem:s24], [sflag:$0x5], $0x80, v4, vm0, $0xb8;
	[tilespmem:$0x18200] =	vst v63  }
0x61: {  	s6 =	simm.s32 $0x2200  }
0x62: {  	[hbm4b:s12+s2] =	stream.indirect_vreg.scatter [tilespmem:s6], [sflag:$0x5], $0x80, v4, vm1, $0xb8;
	[tilespmem:$0x18200] =	vst v63  }
0x63: {  	s22 =	simm.s32 $0x2600  }
0x64: {  	[hbm4b:s3+s2] =	stream.indirect_vreg.scatter [tilespmem:s22], [sflag:$0x5], $0x80, v3, vm0, $0xb8;
	[tilespmem:$0x18200] =	vst v63  }
0x65: {  	s24 =	simm.s32 $0x2E00  }
0x66: {  	[hbm4b:s12+s2] =	stream.indirect_vreg.scatter [tilespmem:s24], [sflag:$0x5], $0x80, v3, vm1, $0xb8;
	[tilespmem:$0x18200] =	vst v63  }
0x67: {  	v3 =	vld [tilespmem:$0x20];
	_ =	sdelay $0x4  }
0x68: {  	v50 =	vshrl.u32 v3, $0x3  }
0x69: {  	v4 =	vmul.u32 $0x18, v50  }
0x6a: {  	v3 =	vand.u32 $0x7, v3  }
0x6b: {  	v3 =	vor.u32 v3, v4  }
0x6c: {  	v4 =	vperm.xlane v3, v0;
	_ =	sdelay $0x1  }
0x6d: {  	v4 =	vadd.s32 v1, v4;
	_ =	sdelay $0x1  }
0x6e: {  	v3 =	vperm.xlane v3, v2;
	_ =	sdelay $0x1  }
0x6f: {  	s6 =	simm.s32 $0x3200;
	v3 =	vadd.s32 v1, v3  }
0x70: {  	[hbm4b:s3+s2] =	stream.indirect_vreg.scatter [tilespmem:s6], [sflag:$0x5], $0x80, v4, vm0, $0xb8;
	[tilespmem:$0x18200] =	vst v63  }
0x71: {  	s22 =	simm.s32 $0x3A00  }
0x72: {  	[hbm4b:s12+s2] =	stream.indirect_vreg.scatter [tilespmem:s22], [sflag:$0x5], $0x80, v4, vm1, $0xb8;
	[tilespmem:$0x18200] =	vst v63  }
0x73: {  	s24 =	simm.s32 $0x3E00  }
0x74: {  	[hbm4b:s3+s2] =	stream.indirect_vreg.scatter [tilespmem:s24], [sflag:$0x5], $0x80, v3, vm0, $0xb8;
	[tilespmem:$0x18200] =	vst v63  }
0x75: {  	s6 =	simm.s32 $0x4600  }
0x76: {  	[hbm4b:s12+s2] =	stream.indirect_vreg.scatter [tilespmem:s6], [sflag:$0x5], $0x80, v3, vm1, $0xb8;
	[tilespmem:$0x18200] =	vst v63  }
0x77: {  	v3 =	vld [tilespmem:$0x30];
	_ =	sdelay $0x4  }
0x78: {  	v51 =	vshrl.u32 v3, $0x3  }
0x79: {  	v4 =	vmul.u32 $0x18, v51  }
0x7a: {  	v3 =	vand.u32 $0x7, v3  }
0x7b: {  	v3 =	vor.u32 v3, v4  }
0x7c: {  	v4 =	vperm.xlane v3, v0;
	_ =	sdelay $0x1  }
0x7d: {  	v4 =	vadd.s32 v1, v4;
	_ =	sdelay $0x1  }
0x7e: {  	v3 =	vperm.xlane v3, v2;
	_ =	sdelay $0x1  }
0x7f: {  	s22 =	simm.s32 $0x4A00;
	v3 =	vadd.s32 v1, v3  }
0x80: {  	[hbm4b:s3+s2] =	stream.indirect_vreg.scatter [tilespmem:s22], [sflag:$0x5], $0x80, v4, vm0, $0xb8;
	[tilespmem:$0x18200] =	vst v63  }
0x81: {  	s24 =	simm.s32 $0x5200  }
0x82: {  	[hbm4b:s12+s2] =	stream.indirect_vreg.scatter [tilespmem:s24], [sflag:$0x5], $0x80, v4, vm1, $0xb8;
	[tilespmem:$0x18200] =	vst v63  }
0x83: {  	p0 =	seq.s32 s0, $0x0;
	s6 =	simm.s32 $0x5600  }
0x84: {  	[hbm4b:s3+s2] =	stream.indirect_vreg.scatter [tilespmem:s6], [sflag:$0x5], $0x80, v3, vm0, $0xb8;
	[tilespmem:$0x18200] =	vst v63  }
0x85: {  	s1 =	simm.s32 @!p0 $0x7;
	s22 =	simm.s32 $0x5E00  }
0x86: {  	[hbm4b:s12+s2] =	stream.indirect_vreg.scatter [tilespmem:s22], [sflag:$0x5], $0x80, v3, vm1, $0xb8;
	[tilespmem:$0x18200] =	vst v63  }
0x87: {  	_ =	swait.ge @!p0 [sflag:s1], $0x6000  }
0x88: {  	s6 =	simm.s32 @!p0 $0x100;
	s22 =	sadd.s32 @!p0 s0, s4;
	[sflag:s1] =	ssyncset.done @!p0 $0x0  }
0x89: {  	s24 =	sadd.s32 @!p0 $0x10, s22;
	[sflag:s1] =	ssyncadd.s32 @!p0 $0xFFFFA000;
	s1 =	simm.s32 @!p0 $0x0  }
0x8a: {  	[tilespmem:s6], [sflag:$0x3] =	stream.linear.gather @!p0 [hbm4b:s24+s1], $0x40, $0x38;
	[tilespmem:$0x18200] =	vst v63  }
0x8b: {  	s6 =	sadd.s32 @!p0 $0xFFFFF400, s31;
	s24 =	simm.s32 @!p0 $0xC200  }
0x8c: {  	[tilespmem:s24], [sflag:$0x3] =	stream.linear.gather @!p0 [hbm4b:s6+s1], $0x6000, $0x38;
	[tilespmem:$0x18200] =	vst v63  }
0x8d: {  	_ =	swait.ge [sflag:s13], $0x40  }
0x8e: {  	[sflag:s13] =	ssyncset.done $0x0  }
0x8f: {  	[sflag:s13] =	ssyncadd.s32 $0xFFFFFFC0  }
0x90: {  	_ =	swait.ge [sflag:s13], $0x6000  }
0x91: {  	[sflag:s13] =	ssyncset.done $0x0  }
0x92: {  	[sflag:s13] =	ssyncadd.s32 $0xFFFFA000  }
0x93: {  	v3 =	vld [tilespmem:$0x80];
	_ =	sdelay $0x4  }
0x94: {  	v52 =	vshrl.u32 v3, $0x3  }
0x95: {  	v4 =	vmul.u32 $0x18, v52  }
0x96: {  	v3 =	vand.u32 $0x7, v3  }
0x97: {  	v3 =	vor.u32 v3, v4  }
0x98: {  	v4 =	vperm.xlane v3, v0;
	_ =	sdelay $0x1  }
0x99: {  	v4 =	vadd.s32 v1, v4;
	_ =	sdelay $0x1  }
0x9a: {  	v3 =	vperm.xlane v3, v2;
	_ =	sdelay $0x1  }
0x9b: {  	v3 =	vadd.s32 v1, v3  }
0x9c: {  	[hbm4b:s3+s2] =	stream.indirect_vreg.scatter [tilespmem:s21], [sflag:$0x6], $0x80, v4, vm0, $0xb8;
	[tilespmem:$0x18200] =	vst v63  }
0x9d: {  	s24 =	simm.s32 $0x6A00  }
0x9e: {  	[hbm4b:s12+s2] =	stream.indirect_vreg.scatter [tilespmem:s24], [sflag:$0x6], $0x80, v4, vm1, $0xb8;
	[tilespmem:$0x18200] =	vst v63  }
0x9f: {  	s24 =	simm.s32 $0x6E00  }
0xa0: {  	[hbm4b:s3+s2] =	stream.indirect_vreg.scatter [tilespmem:s24], [sflag:$0x6], $0x80, v3, vm0, $0xb8;
	[tilespmem:$0x18200] =	vst v63  }
0xa1: {  	s24 =	simm.s32 $0x7600  }
0xa2: {  	[hbm4b:s12+s2] =	stream.indirect_vreg.scatter [tilespmem:s24], [sflag:$0x6], $0x80, v3, vm1, $0xb8;
	[tilespmem:$0x18200] =	vst v63  }
0xa3: {  	v3 =	vld [tilespmem:$0x90];
	_ =	sdelay $0x4  }
0xa4: {  	v53 =	vshrl.u32 v3, $0x3  }
0xa5: {  	v4 =	vmul.u32 $0x18, v53  }
0xa6: {  	v3 =	vand.u32 $0x7, v3  }
0xa7: {  	v3 =	vor.u32 v3, v4  }
0xa8: {  	v4 =	vperm.xlane v3, v0;
	_ =	sdelay $0x1  }
0xa9: {  	v4 =	vadd.s32 v1, v4;
	_ =	sdelay $0x1  }
0xaa: {  	v3 =	vperm.xlane v3, v2;
	_ =	sdelay $0x1  }
0xab: {  	s24 =	simm.s32 $0x7A00;
	v3 =	vadd.s32 v1, v3  }
0xac: {  	[hbm4b:s3+s2] =	stream.indirect_vreg.scatter [tilespmem:s24], [sflag:$0x6], $0x80, v4, vm0, $0xb8;
	[tilespmem:$0x18200] =	vst v63  }
0xad: {  	s24 =	simm.s32 $0x8200  }
0xae: {  	[hbm4b:s12+s2] =	stream.indirect_vreg.scatter [tilespmem:s24], [sflag:$0x6], $0x80, v4, vm1, $0xb8;
	[tilespmem:$0x18200] =	vst v63  }
0xaf: {  	s24 =	simm.s32 $0x8600  }
0xb0: {  	[hbm4b:s3+s2] =	stream.indirect_vreg.scatter [tilespmem:s24], [sflag:$0x6], $0x80, v3, vm0, $0xb8;
	[tilespmem:$0x18200] =	vst v63  }
0xb1: {  	s24 =	simm.s32 $0x8E00  }
0xb2: {  	[hbm4b:s12+s2] =	stream.indirect_vreg.scatter [tilespmem:s24], [sflag:$0x6], $0x80, v3, vm1, $0xb8;
	[tilespmem:$0x18200] =	vst v63  }
0xb3: {  	v3 =	vld [tilespmem:$0xA0];
	_ =	sdelay $0x4  }
0xb4: {  	v54 =	vshrl.u32 v3, $0x3  }
0xb5: {  	v4 =	vmul.u32 $0x18, v54  }
0xb6: {  	v3 =	vand.u32 $0x7, v3  }
0xb7: {  	v3 =	vor.u32 v3, v4  }
0xb8: {  	v4 =	vperm.xlane v3, v0;
	_ =	sdelay $0x1  }
0xb9: {  	v4 =	vadd.s32 v1, v4;
	_ =	sdelay $0x1  }
0xba: {  	v3 =	vperm.xlane v3, v2;
	_ =	sdelay $0x1  }
0xbb: {  	s24 =	simm.s32 $0x9200;
	v3 =	vadd.s32 v1, v3  }
0xbc: {  	[hbm4b:s3+s2] =	stream.indirect_vreg.scatter [tilespmem:s24], [sflag:$0x6], $0x80, v4, vm0, $0xb8;
	[tilespmem:$0x18200] =	vst v63  }
0xbd: {  	s24 =	simm.s32 $0x9A00  }
0xbe: {  	[hbm4b:s12+s2] =	stream.indirect_vreg.scatter [tilespmem:s24], [sflag:$0x6], $0x80, v4, vm1, $0xb8;
	[tilespmem:$0x18200] =	vst v63  }
0xbf: {  	s24 =	simm.s32 $0x9E00  }
0xc0: {  	[hbm4b:s3+s2] =	stream.indirect_vreg.scatter [tilespmem:s24], [sflag:$0x6], $0x80, v3, vm0, $0xb8;
	[tilespmem:$0x18200] =	vst v63  }
0xc1: {  	s24 =	simm.s32 $0xA600  }
0xc2: {  	[hbm4b:s12+s2] =	stream.indirect_vreg.scatter [tilespmem:s24], [sflag:$0x6], $0x80, v3, vm1, $0xb8;
	[tilespmem:$0x18200] =	vst v63  }
0xc3: {  	v3 =	vld [tilespmem:$0xB0];
	_ =	sdelay $0x4  }
0xc4: {  	v55 =	vshrl.u32 v3, $0x3  }
0xc5: {  	v4 =	vmul.u32 $0x18, v55  }
0xc6: {  	v3 =	vand.u32 $0x7, v3  }
0xc7: {  	v3 =	vor.u32 v3, v4  }
0xc8: {  	v4 =	vperm.xlane v3, v0;
	_ =	sdelay $0x1  }
0xc9: {  	v4 =	vadd.s32 v1, v4;
	_ =	sdelay $0x1  }
0xca: {  	v3 =	vperm.xlane v3, v2;
	_ =	sdelay $0x1  }
0xcb: {  	s24 =	simm.s32 $0xAA00;
	v3 =	vadd.s32 v1, v3  }
0xcc: {  	[hbm4b:s3+s2] =	stream.indirect_vreg.scatter [tilespmem:s24], [sflag:$0x6], $0x80, v4, vm0, $0xb8;
	[tilespmem:$0x18200] =	vst v63  }
0xcd: {  	s24 =	simm.s32 $0xB200  }
0xce: {  	[hbm4b:s12+s2] =	stream.indirect_vreg.scatter [tilespmem:s24], [sflag:$0x6], $0x80, v4, vm1, $0xb8;
	[tilespmem:$0x18200] =	vst v63  }
0xcf: {  	s24 =	simm.s32 $0xB600  }
0xd0: {  	[hbm4b:s3+s2] =	stream.indirect_vreg.scatter [tilespmem:s24], [sflag:$0x6], $0x80, v3, vm0, $0xb8;
	[tilespmem:$0x18200] =	vst v63  }
0xd1: {  	s6 =	simm.s32 @!p0 $0x8;
	s24 =	simm.s32 $0xBE00  }
0xd2: {  	[hbm4b:s12+s2] =	stream.indirect_vreg.scatter [tilespmem:s24], [sflag:$0x6], $0x80, v3, vm1, $0xb8;
	[tilespmem:$0x18200] =	vst v63  }
0xd3: {  	_ =	swait.ge @!p0 [sflag:s6], $0x6000  }
0xd4: {  	[sflag:s6] =	ssyncset.done @!p0 $0x0  }
0xd5: {  	[sflag:s6] =	ssyncadd.s32 @!p0 $0xFFFFA000;
	s6 =	sadd.s32 @!p0 $0x18, s22;
	s22 =	simm.s32 @!p0 $0x180  }
0xd6: {  	[tilespmem:s22], [sflag:$0x4] =	stream.linear.gather @!p0 [hbm4b:s6+s1], $0x40, $0x38;
	[tilespmem:$0x18200] =	vst v63  }
0xd7: {  	s6 =	simm.s32 @!p0 $0x12200  }
0xd8: {  	[tilespmem:s6], [sflag:$0x4] =	stream.linear.gather @!p0 [hbm4b:s31+s1], $0x6000, $0x38;
	[tilespmem:$0x18200] =	vst v63  }
0xd9: {  	_ =	swait.ge [sflag:s7], $0x40  }
0xda: {  	[sflag:s7] =	ssyncset.done $0x0  }
0xdb: {  	[sflag:s7] =	ssyncadd.s32 $0xFFFFFFC0  }
0xdc: {  	_ =	swait.ge [sflag:s7], $0x6000  }
0xdd: {  	[sflag:s7] =	ssyncset.done $0x0  }
0xde: {  	[sflag:s7] =	ssyncadd.s32 $0xFFFFA000  }
0xdf: {  	v3 =	vld [tilespmem:$0x100];
	_ =	sdelay $0x4  }
0xe0: {  	v56 =	vshrl.u32 v3, $0x3  }
0xe1: {  	v4 =	vmul.u32 $0x18, v56  }
0xe2: {  	v3 =	vand.u32 $0x7, v3  }
0xe3: {  	v3 =	vor.u32 v3, v4  }
0xe4: {  	v4 =	vperm.xlane v3, v0;
	_ =	sdelay $0x1  }
0xe5: {  	v4 =	vadd.s32 v1, v4;
	_ =	sdelay $0x1  }
0xe6: {  	v3 =	vperm.xlane v3, v2;
	_ =	sdelay $0x1  }
0xe7: {  	s6 =	simm.s32 $0xC200;
	v3 =	vadd.s32 v1, v3  }
0xe8: {  	[hbm4b:s3+s2] =	stream.indirect_vreg.scatter [tilespmem:s6], [sflag:$0x7], $0x80, v4, vm0, $0xb8;
	[tilespmem:$0x18200] =	vst v63  }
0xe9: {  	s22 =	simm.s32 $0xCA00  }
0xea: {  	[hbm4b:s12+s2] =	stream.indirect_vreg.scatter [tilespmem:s22], [sflag:$0x7], $0x80, v4, vm1, $0xb8;
	[tilespmem:$0x18200] =	vst v63  }
0xeb: {  	s24 =	simm.s32 $0xCE00  }
0xec: {  	[hbm4b:s3+s2] =	stream.indirect_vreg.scatter [tilespmem:s24], [sflag:$0x7], $0x80, v3, vm0, $0xb8;
	[tilespmem:$0x18200] =	vst v63  }
0xed: {  	s6 =	simm.s32 $0xD600  }
0xee: {  	[hbm4b:s12+s2] =	stream.indirect_vreg.scatter [tilespmem:s6], [sflag:$0x7], $0x80, v3, vm1, $0xb8;
	[tilespmem:$0x18200] =	vst v63  }
0xef: {  	v3 =	vld [tilespmem:$0x110];
	_ =	sdelay $0x4  }
0xf0: {  	v57 =	vshrl.u32 v3, $0x3  }
0xf1: {  	v4 =	vmul.u32 $0x18, v57  }
0xf2: {  	v3 =	vand.u32 $0x7, v3  }
0xf3: {  	v3 =	vor.u32 v3, v4  }
0xf4: {  	v4 =	vperm.xlane v3, v0;
	_ =	sdelay $0x1  }
0xf5: {  	v4 =	vadd.s32 v1, v4;
	_ =	sdelay $0x1  }
0xf6: {  	v3 =	vperm.xlane v3, v2;
	_ =	sdelay $0x1  }
0xf7: {  	s22 =	simm.s32 $0xDA00;
	v3 =	vadd.s32 v1, v3  }
0xf8: {  	[hbm4b:s3+s2] =	stream.indirect_vreg.scatter [tilespmem:s22], [sflag:$0x7], $0x80, v4, vm0, $0xb8;
	[tilespmem:$0x18200] =	vst v63  }
0xf9: {  	s24 =	simm.s32 $0xE200  }
0xfa: {  	[hbm4b:s12+s2] =	stream.indirect_vreg.scatter [tilespmem:s24], [sflag:$0x7], $0x80, v4, vm1, $0xb8;
	[tilespmem:$0x18200] =	vst v63  }
0xfb: {  	s6 =	simm.s32 $0xE600  }
0xfc: {  	[hbm4b:s3+s2] =	stream.indirect_vreg.scatter [tilespmem:s6], [sflag:$0x7], $0x80, v3, vm0, $0xb8;
	[tilespmem:$0x18200] =	vst v63  }
0xfd: {  	s22 =	simm.s32 $0xEE00  }
0xfe: {  	[hbm4b:s12+s2] =	stream.indirect_vreg.scatter [tilespmem:s22], [sflag:$0x7], $0x80, v3, vm1, $0xb8;
	[tilespmem:$0x18200] =	vst v63  }
0xff: {  	v3 =	vld [tilespmem:$0x120];
	_ =	sdelay $0x4  }
0x100: {  	v58 =	vshrl.u32 v3, $0x3  }
0x101: {  	v4 =	vmul.u32 $0x18, v58  }
0x102: {  	v3 =	vand.u32 $0x7, v3  }
0x103: {  	v3 =	vor.u32 v3, v4  }
0x104: {  	v4 =	vperm.xlane v3, v0;
	_ =	sdelay $0x1  }
0x105: {  	v4 =	vadd.s32 v1, v4;
	_ =	sdelay $0x1  }
0x106: {  	v3 =	vperm.xlane v3, v2;
	_ =	sdelay $0x1  }
0x107: {  	s24 =	simm.s32 $0xF200;
	v3 =	vadd.s32 v1, v3  }
0x108: {  	[hbm4b:s3+s2] =	stream.indirect_vreg.scatter [tilespmem:s24], [sflag:$0x7], $0x80, v4, vm0, $0xb8;
	[tilespmem:$0x18200] =	vst v63  }
0x109: {  	s6 =	simm.s32 $0xFA00  }
0x10a: {  	[hbm4b:s12+s2] =	stream.indirect_vreg.scatter [tilespmem:s6], [sflag:$0x7], $0x80, v4, vm1, $0xb8;
	[tilespmem:$0x18200] =	vst v63  }
0x10b: {  	s22 =	simm.s32 $0xFE00  }
0x10c: {  	[hbm4b:s3+s2] =	stream.indirect_vreg.scatter [tilespmem:s22], [sflag:$0x7], $0x80, v3, vm0, $0xb8;
	[tilespmem:$0x18200] =	vst v63  }
0x10d: {  	s24 =	simm.s32 $0x10600  }
0x10e: {  	[hbm4b:s12+s2] =	stream.indirect_vreg.scatter [tilespmem:s24], [sflag:$0x7], $0x80, v3, vm1, $0xb8;
	[tilespmem:$0x18200] =	vst v63  }
0x10f: {  	v3 =	vld [tilespmem:$0x130];
	_ =	sdelay $0x4  }
0x110: {  	v59 =	vshrl.u32 v3, $0x3  }
0x111: {  	v4 =	vmul.u32 $0x18, v59  }
0x112: {  	v3 =	vand.u32 $0x7, v3  }
0x113: {  	v3 =	vor.u32 v3, v4  }
0x114: {  	v4 =	vperm.xlane v3, v0;
	_ =	sdelay $0x1  }
0x115: {  	v4 =	vadd.s32 v1, v4;
	_ =	sdelay $0x1  }
0x116: {  	v3 =	vperm.xlane v3, v2;
	_ =	sdelay $0x1  }
0x117: {  	s6 =	simm.s32 $0x10A00;
	v3 =	vadd.s32 v1, v3  }
0x118: {  	[hbm4b:s3+s2] =	stream.indirect_vreg.scatter [tilespmem:s6], [sflag:$0x7], $0x80, v4, vm0, $0xb8;
	[tilespmem:$0x18200] =	vst v63  }
0x119: {  	s22 =	simm.s32 $0x11200  }
0x11a: {  	[hbm4b:s12+s2] =	stream.indirect_vreg.scatter [tilespmem:s22], [sflag:$0x7], $0x80, v4, vm1, $0xb8;
	[tilespmem:$0x18200] =	vst v63  }
0x11b: {  	p0 =	seq.s32 s0, $0x1E0;
	s24 =	simm.s32 $0x11600  }
0x11c: {  	[hbm4b:s3+s2] =	stream.indirect_vreg.scatter [tilespmem:s24], [sflag:$0x7], $0x80, v3, vm0, $0xb8;
	[tilespmem:$0x18200] =	vst v63  }
0x11d: {  	s1 =	simm.s32 @!p0 $0x5;
	s6 =	simm.s32 $0x11E00  }
0x11e: {  	[hbm4b:s12+s2] =	stream.indirect_vreg.scatter [tilespmem:s6], [sflag:$0x7], $0x80, v3, vm1, $0xb8;
	[tilespmem:$0x18200] =	vst v63  }
0x11f: {  	_ =	swait.ge @!p0 [sflag:s1], $0x6000  }
0x120: {  	[sflag:s1] =	ssyncset.done @!p0 $0x0  }
0x121: {  	s6 =	simm.s32 @!p0 $0x0;
	[sflag:s1] =	ssyncadd.s32 @!p0 $0xFFFFA000;
	s1 =	sadd.s32 @!p0 s0, s18  }
0x122: {  	[tilespmem:s6], [sflag:$0x1] =	stream.linear.gather @!p0 [hbm4b:s1+s6], $0x40, $0x38;
	[tilespmem:$0x18200] =	vst v63  }
0x123: {  	s1 =	simm.s32 @!p0 $0x200  }
0x124: {  	[tilespmem:s1], [sflag:$0x1] =	stream.linear.gather @!p0 [hbm4b:s29+s6], $0x6000, $0x38;
	[tilespmem:$0x18200] =	vst v63  }
0x125: {  	_ =	swait.ge [sflag:s19], $0x40  }
0x126: {  	[sflag:s19] =	ssyncset.done $0x0  }
0x127: {  	[sflag:s19] =	ssyncadd.s32 $0xFFFFFFC0  }
0x128: {  	_ =	swait.ge [sflag:s19], $0x6000  }
0x129: {  	[sflag:s19] =	ssyncset.done $0x0  }
0x12a: {  	[sflag:s19] =	ssyncadd.s32 $0xFFFFA000  }
0x12b: {  	v3 =	vld [tilespmem:$0x180];
	_ =	sdelay $0x4  }
0x12c: {  	v60 =	vshrl.u32 v3, $0x3  }
0x12d: {  	v4 =	vmul.u32 $0x18, v60  }
0x12e: {  	v3 =	vand.u32 $0x7, v3  }
0x12f: {  	v3 =	vor.u32 v3, v4  }
0x130: {  	v4 =	vperm.xlane v3, v0;
	_ =	sdelay $0x1  }
0x131: {  	v4 =	vadd.s32 v1, v4;
	_ =	sdelay $0x1  }
0x132: {  	v3 =	vperm.xlane v3, v2;
	_ =	sdelay $0x1  }
0x133: {  	s22 =	simm.s32 $0x12200;
	v3 =	vadd.s32 v1, v3  }
0x134: {  	[hbm4b:s3+s2] =	stream.indirect_vreg.scatter [tilespmem:s22], [sflag:$0x8], $0x80, v4, vm0, $0xb8;
	[tilespmem:$0x18200] =	vst v63  }
0x135: {  	s24 =	simm.s32 $0x12A00  }
0x136: {  	[hbm4b:s12+s2] =	stream.indirect_vreg.scatter [tilespmem:s24], [sflag:$0x8], $0x80, v4, vm1, $0xb8;
	[tilespmem:$0x18200] =	vst v63  }
0x137: {  	s6 =	simm.s32 $0x12E00  }
0x138: {  	[hbm4b:s3+s2] =	stream.indirect_vreg.scatter [tilespmem:s6], [sflag:$0x8], $0x80, v3, vm0, $0xb8;
	[tilespmem:$0x18200] =	vst v63  }
0x139: {  	s22 =	simm.s32 $0x13600  }
0x13a: {  	[hbm4b:s12+s2] =	stream.indirect_vreg.scatter [tilespmem:s22], [sflag:$0x8], $0x80, v3, vm1, $0xb8;
	[tilespmem:$0x18200] =	vst v63  }
0x13b: {  	v3 =	vld [tilespmem:$0x190];
	_ =	sdelay $0x4  }
0x13c: {  	v61 =	vshrl.u32 v3, $0x3  }
0x13d: {  	v4 =	vmul.u32 $0x18, v61  }
0x13e: {  	v3 =	vand.u32 $0x7, v3  }
0x13f: {  	v3 =	vor.u32 v3, v4  }
0x140: {  	v4 =	vperm.xlane v3, v0;
	_ =	sdelay $0x1  }
0x141: {  	v4 =	vadd.s32 v1, v4;
	_ =	sdelay $0x1  }
0x142: {  	v3 =	vperm.xlane v3, v2;
	_ =	sdelay $0x1  }
0x143: {  	s24 =	simm.s32 $0x13A00;
	v3 =	vadd.s32 v1, v3  }
0x144: {  	[hbm4b:s3+s2] =	stream.indirect_vreg.scatter [tilespmem:s24], [sflag:$0x8], $0x80, v4, vm0, $0xb8;
	[tilespmem:$0x18200] =	vst v63  }
0x145: {  	_ = 	snop  }
0x146: {  	[hbm4b:s12+s2] =	stream.indirect_vreg.scatter [tilespmem:s23], [sflag:$0x8], $0x80, v4, vm1, $0xb8;
	[tilespmem:$0x18200] =	vst v63  }
0x147: {  	_ = 	snop  }
0x148: {  	[hbm4b:s3+s2] =	stream.indirect_vreg.scatter [tilespmem:s8], [sflag:$0x8], $0x80, v3, vm0, $0xb8;
	[tilespmem:$0x18200] =	vst v63  }
0x149: {  	_ = 	snop  }
0x14a: {  	[hbm4b:s12+s2] =	stream.indirect_vreg.scatter [tilespmem:s25], [sflag:$0x8], $0x80, v3, vm1, $0xb8;
	[tilespmem:$0x18200] =	vst v63  }
0x14b: {  	v3 =	vld [tilespmem:$0x1A0];
	_ =	sdelay $0x4  }
0x14c: {  	v62 =	vshrl.u32 v3, $0x3  }
0x14d: {  	v4 =	vmul.u32 $0x18, v62  }
0x14e: {  	v3 =	vand.u32 $0x7, v3  }
0x14f: {  	v3 =	vor.u32 v3, v4  }
0x150: {  	v4 =	vperm.xlane v3, v0;
	_ =	sdelay $0x1  }
0x151: {  	v4 =	vadd.s32 v1, v4;
	_ =	sdelay $0x1  }
0x152: {  	v3 =	vperm.xlane v3, v2;
	_ =	sdelay $0x1  }
0x153: {  	v3 =	vadd.s32 v1, v3  }
0x154: {  	[hbm4b:s3+s2] =	stream.indirect_vreg.scatter [tilespmem:s9], [sflag:$0x8], $0x80, v4, vm0, $0xb8;
	[tilespmem:$0x18200] =	vst v63  }
0x155: {  	_ = 	snop  }
0x156: {  	[hbm4b:s12+s2] =	stream.indirect_vreg.scatter [tilespmem:s10], [sflag:$0x8], $0x80, v4, vm1, $0xb8;
	[tilespmem:$0x18200] =	vst v63  }
0x157: {  	_ = 	snop  }
0x158: {  	[hbm4b:s3+s2] =	stream.indirect_vreg.scatter [tilespmem:s11], [sflag:$0x8], $0x80, v3, vm0, $0xb8;
	[tilespmem:$0x18200] =	vst v63  }
0x159: {  	_ = 	snop  }
0x15a: {  	[hbm4b:s12+s2] =	stream.indirect_vreg.scatter [tilespmem:s5], [sflag:$0x8], $0x80, v3, vm1, $0xb8;
	[tilespmem:$0x18200] =	vst v63  }
0x15b: {  	v3 =	vld [tilespmem:$0x1B0];
	_ =	sdelay $0x4  }
0x15c: {  	v63 =	vshrl.u32 v3, $0x3  }
0x15d: {  	v4 =	vmul.u32 $0x18, v63  }
0x15e: {  	v3 =	vand.u32 $0x7, v3  }
0x15f: {  	v3 =	vor.u32 v3, v4  }
0x160: {  	v4 =	vperm.xlane v3, v0;
	_ =	sdelay $0x1  }
0x161: {  	v4 =	vadd.s32 v1, v4;
	_ =	sdelay $0x2  }
0x162: {  	v3 =	vperm.xlane v3, v2;
	_ =	sdelay $0x1  }
0x163: {  	v3 =	vadd.s32 v1, v3;
	[hbm4b:s3+s2] =	stream.indirect_vreg.scatter [tilespmem:s14], [sflag:$0x8], $0x80, v4, vm0, $0xb8;
	[tilespmem:$0x18200] =	vst v63  }
0x164: {  	_ = 	snop  }
0x165: {  	[hbm4b:s12+s2] =	stream.indirect_vreg.scatter [tilespmem:s15], [sflag:$0x8], $0x80, v4, vm1, $0xb8;
	[tilespmem:$0x18200] =	vst v63  }
.Ltmp2:
0x166: {  	_ = 	snop;
	(pc) =	sbr.rel @p0 .LBB2_4-.Ltmp2, $4  }
0x167: {  	_ = 	snop  }
0x168: {  	[hbm4b:s3+s2] =	stream.indirect_vreg.scatter [tilespmem:s17], [sflag:$0x8], $0x80, v3, vm0, $0xb8;
	[tilespmem:$0x18200] =	vst v63  }
0x169: {  	_ = 	snop  }
0x16a: {  	[hbm4b:s12+s2] =	stream.indirect_vreg.scatter [tilespmem:s20], [sflag:$0x8], $0x80, v3, vm1, $0xb8;
	[tilespmem:$0x18200] =	vst v63  }
0x16b: {  	_ =	swait.ge [sflag:s28], $0x6000  }
0x16c: {  	s1 =	sadd.s32 s0, s16;
	[sflag:s28] =	ssyncset.done $0x0  }
.Ltmp3:
0x16d: {  	s6 =	simm.s32 $0x80;
	[sflag:s28] =	ssyncadd.s32 $0xFFFFA000;
	(pc) =	sbr.rel .LBB2_2-.Ltmp3, $4  }
0x16e: {  	[tilespmem:s6], [sflag:$0x2] =	stream.linear.gather [hbm4b:s1+s2], $0x40, $0x38;
	[tilespmem:$0x18200] =	vst v63  }
0x16f: {  	s0 =	sadd.s32 $0x20, s0  }
0x170: {  	[tilespmem:s21], [sflag:$0x2] =	stream.linear.gather [hbm4b:s30+s2], $0x6000, $0x38;
	[tilespmem:$0x18200] =	vst v63  }
0x171: {  	s31 =	sadd.s32 $0x3000, s31;
	s29 =	sadd.s32 $0x3000, s29;
	s30 =	sadd.s32 $0x3000, s30  }
.LBB2_5:
0x172: {  	_ =	sfence.sel $0x180000  }
0x173: {  	[bflag:$0x0] =	sbarrier.arrive $0xFFFF  }
0x174: {  	_ =	strace $0x90000047  }
0x175: {  	s0 =	stileid.u32;
	[bflag:$0x2] =	sbarrier.arrive $0xFFFF  }
0x176: {  	p0 =	sne.s32 s0, $0x0;
	s0 =	rddreg [dreg:$0x3]  }
0x177: {  	s0 =	sadd.s32 @!p0 $0x100000, s0  }
0x178: {  	[sflag:s0] =	ssyncadd.tile.s32 @!p0 $0x1;
	_ =	shalt  }
.Lfunc_end2:
_tile_overlayer_lowered:
.L_overlay_start_2:
0x179: {  	(tag) =	ssettag $0x2  }
0x17a: {  	s0 =	rddreg [dreg:$0x0];
	s2 =	stileid.u32  }
0x17b: {  	s1 =	rddreg [dreg:$0x1];
	p0 =	sne.s32 s2, $0x0  }
0x17c: {  	s3 =	rddreg [dreg:$0x2];
	[bflag:$0x3] =	sbarrier.arrive $0xFFFF;
	s2 =	simm.s32 @!p0 $0x1C09  }
0x17d: {  	[timem:s3], [sflag:s2] =	dma.local @!p0 [hbm:s0], s1  }
0x17e: {  	s0 =	simm.s32 @!p0 $0x9  }
0x17f: {  	_ =	swait.ge @!p0 [sflag:s0], s1  }
0x180: {  	s1 =	ssub.s32 @!p0 $0x0, s1;
	[sflag:s0] =	ssyncset.done @!p0 $0x0  }
0x181: {  	[sflag:s0] =	ssyncadd.s32 @!p0 s1  }
0x182: {  	[bflag:$0x3] =	sbarrier.arrive $0xFFFF  }
0x183: {  	_ =	shalt  }

// kernel: kernel.9.cloned.1.call-start
scs
__scs_entry_jumppad:
0x0: {  	(pc) =	sbr.rel $0x88, $3  }
0x1: {  	(tag) =	ssettag $0x0;
	lr =	simm.s32 $0x1  }
0x2: {  	[smem:$0x3F7F] =	sst lr;
	_ =	strace $0xD0000000  }
0x3: {  	_ = 	snop  }
0x4: {  	_ = 	snop  }
0x5: {  	_ = 	snop  }
0x6: {  	_ = 	snop  }
0x7: {  	_ = 	snop  }
__scs_overlays_trampoline_lowered:
0x8: {  	[smem:$0x3F8E] =	sst s0  }
0x9: {  	[smem:$0x3F8F] =	sst s1  }
0xa: {  	[smem:$0x3F90] =	sst s2  }
0xb: {  	[smem:$0x3F91] =	sst s3  }
0xc: {  	[smem:$0x3F92] =	sst s4  }
0xd: {  	[smem:$0x3F93] =	sst s5  }
0xe: {  	[smem:$0x3F94] =	sst s6  }
0xf: {  	[smem:$0x3F95] =	sst s7  }
0x10: {  	[smem:$0x3F96] =	sst s8  }
0x11: {  	[smem:$0x3F97] =	sst s9;
	s0 =	simm.s32 @!p0 $0x0  }
0x12: {  	s1 =	sld [smem:$0x3F7D];
	s0 =	simm.s32 @p0 $0x1  }
0x13: {  	[smem:$0x3F98] =	sst s0;
	s0 =	simm.s32 @!p1 $0x0  }
0x14: {  	s2 =	sld [smem:$0x3F7C];
	s0 =	simm.s32 @p1 $0x1  }
0x15: {  	[smem:$0x3F99] =	sst s0;
	s0 =	simm.s32 @!p2 $0x0  }
0x16: {  	s3 =	sld [smem:$0x3FDB];
	s0 =	simm.s32 @p2 $0x1  }
0x17: {  	s4 =	simm.s32 $0x1BF5;
	[smem:$0x3F9B] =	sst s0  }
0x18: {  	s0 =	sld [smem:$0x3F7E];
	_ =	swait.ge [sflag:s4], $0x0  }
0x19: {  	s7 =	sld [smem:$0x3F7F]  }
0x1a: {  	s8 =	sadd.s32 $0xFFFFE003, lr  }
0x1b: {  	s9 =	sadd.s32 $0xFFFFFEF7, lr;
	s5 =	simm.s32 $0xFFFFFFFF;
	p2 =	slt.u32 s8, $0xFFFFF086  }
0x1c: {  	p1 =	slt.u32 s9, $0xF7A;
	s5 =	simm.s32 @!p2 $0x0  }
0x1d: {  	s5 =	simm.s32 @p1 $0x1;
	p0 =	seq.s32 s7, s2  }
0x1e: {  	s7 =	smul.u32 @!p0 $0xF7A, s2;
	p2 =	seq.s32 @!p0 s5, $0x0  }
0x1f: {  	s9 =	smul.u32 $0xF7A, s1;
	s8 =	simm.s32 @!p0 $0x1BF5;
	p2 =	por !p2, p0  }
0x20: {  	[sflag:s8] =	ssyncset.s32 @!p0 $0xFFFFF086;
	s6 =	sadd.s32 @!p0 s3, s7;
	s7 =	simm.s32 @!p0 $0x108  }
0x21: {  	s3 =	sadd.s32 s3, s9;
	s6 =	sadd.s32 @!p0 $0x88, s6;
	s7 =	simm.s32 @p2 $0x1082  }
0x22: {  	[simem:s7], [sflag:s8] =	dma.local @!p0 [hbm:s6], $0xF7A  }
0x23: {  	s9 =	sor.u32 $0xD0000000, s2;
	s6 =	simm.s32 $0x108;
	_ =	swait.ge @!p0 [sflag:s8], $0x0  }
0x24: {  	s3 =	sadd.s32 $0x88, s3;
	s6 =	simm.s32 @!p1 $0x1082;
	[sflag:s4] =	ssyncset.s32 $0xFFFFF086  }
0x25: {  	[simem:s6], [sflag:s4] =	dma.local [hbm:s3], $0xF7A  }
0x26: {  	[smem:$0x3F7F] =	sst s1;
	(tag) =	ssettag s2;
	_ =	strace s9  }
0x27: {  	s1 =	sld [smem:$0x3F8F]  }
0x28: {  	s2 =	sld [smem:$0x3F90]  }
0x29: {  	s4 =	sld [smem:$0x3F92]  }
0x2a: {  	p0 =	seq.s32 s5, $0x0;
	s5 =	sld [smem:$0x3F93]  }
0x2b: {  	s6 =	sld [smem:$0x3F94]  }
0x2c: {  	s7 =	sld [smem:$0x3F95]  }
0x2d: {  	s3 =	simm.s32 $0x108;
	s8 =	sld [smem:$0x3F96]  }
0x2e: {  	s3 =	simm.s32 @!p0 $0x1082;
	s9 =	sld [smem:$0x3F97]  }
0x2f: {  	lr =	sadd.s32 s0, s3;
	s0 =	sld [smem:$0x3F8E]  }
0x30: {  	s3 =	sld [smem:$0x3F91]  }
0x31: {  	[smem:$0x3F9A] =	sst s10  }
0x32: {  	s10 =	sld [smem:$0x3F98];
	_ =	sdelay $0x3  }
0x33: {  	p0 =	seq.s32 s10, $0x1;
	s10 =	sld [smem:$0x3F9A];
	_ =	sdelay $0x3  }
0x34: {  	[smem:$0x3F9A] =	sst s10  }
0x35: {  	s10 =	sld [smem:$0x3F99];
	_ =	sdelay $0x3  }
0x36: {  	p1 =	seq.s32 s10, $0x1;
	s10 =	sld [smem:$0x3F9A];
	_ =	sdelay $0x3  }
0x37: {  	[smem:$0x3F9A] =	sst s10  }
0x38: {  	s10 =	sld [smem:$0x3F9B]  }
0x39: {  	_ = 	snop;
	(pc) =	sbr.ind lr, $3  }
0x3a: {  	_ = 	snop  }
0x3b: {  	_ = 	snop  }
0x3c: {  	p2 =	seq.s32 s10, $0x1;
	s10 =	sld [smem:$0x3F9A]  }
0x3d: {  	_ =	shalt  }
0x3e: {  	_ =	shalt  }
0x3f: {  	_ =	shalt  }
0x40: {  	_ =	shalt  }
0x41: {  	_ =	shalt  }
0x42: {  	_ =	shalt  }
0x43: {  	_ =	shalt  }
0x44: {  	_ =	shalt  }
0x45: {  	_ =	shalt  }
0x46: {  	_ =	shalt  }
0x47: {  	_ =	shalt  }
0x48: {  	_ =	shalt  }
0x49: {  	_ =	shalt  }
0x4a: {  	_ =	shalt  }
0x4b: {  	_ =	shalt  }
0x4c: {  	_ =	shalt  }
0x4d: {  	_ =	shalt  }
0x4e: {  	_ =	shalt  }
0x4f: {  	_ =	shalt  }
0x50: {  	_ =	shalt  }
0x51: {  	_ =	shalt  }
0x52: {  	_ =	shalt  }
0x53: {  	_ =	shalt  }
0x54: {  	_ =	shalt  }
0x55: {  	_ =	shalt  }
0x56: {  	_ =	shalt  }
0x57: {  	_ =	shalt  }
0x58: {  	_ =	shalt  }
0x59: {  	_ =	shalt  }
0x5a: {  	_ =	shalt  }
0x5b: {  	_ =	shalt  }
0x5c: {  	_ =	shalt  }
0x5d: {  	_ =	shalt  }
0x5e: {  	_ =	shalt  }
0x5f: {  	_ =	shalt  }
0x60: {  	_ =	shalt  }
0x61: {  	_ =	shalt  }
0x62: {  	_ =	shalt  }
0x63: {  	_ =	shalt  }
0x64: {  	_ =	shalt  }
0x65: {  	_ =	shalt  }
0x66: {  	_ =	shalt  }
0x67: {  	_ =	shalt  }
0x68: {  	_ =	shalt  }
0x69: {  	_ =	shalt  }
0x6a: {  	_ =	shalt  }
0x6b: {  	_ =	shalt  }
0x6c: {  	_ =	shalt  }
0x6d: {  	_ =	shalt  }
0x6e: {  	_ =	shalt  }
0x6f: {  	_ =	shalt  }
0x70: {  	_ =	shalt  }
0x71: {  	_ =	shalt  }
0x72: {  	_ =	shalt  }
0x73: {  	_ =	shalt  }
0x74: {  	_ =	shalt  }
0x75: {  	_ =	shalt  }
0x76: {  	_ =	shalt  }
0x77: {  	_ =	shalt  }
0x78: {  	_ =	shalt  }
0x79: {  	_ =	shalt  }
0x7a: {  	_ =	shalt  }
0x7b: {  	_ =	shalt  }
0x7c: {  	_ =	shalt  }
0x7d: {  	_ =	shalt  }
0x7e: {  	_ =	shalt  }
0x7f: {  	_ =	shalt  }
0x80: {  	_ =	shalt  }
0x81: {  	_ =	shalt  }
0x82: {  	_ =	shalt  }
0x83: {  	_ =	shalt  }
0x84: {  	_ =	shalt  }
0x85: {  	_ =	shalt  }
0x86: {  	_ =	shalt  }
0x87: {  	_ =	shalt  }
.Lfunc_end0:
.L_simem_size_0:
called_computation.1_lowered:
.L_overlay_start_0:
0x88: {  	s2 =	sld [smem:$0x3FD9]  }
0x89: {  	s3 =	sld [smem:$0x3FFE];
	_ =	sdelay $0x1  }
0x8a: {  	s1 =	srdreg.scid  }
0x8b: {  	s0 =	sand.u32 $0x1, s1  }
0x8c: {  	s14 =	sshll.u32 s0, $0xA;
	s2 =	sadd.s32 s3, s2  }
0x8d: {  	s2 =	sadd.s32 s2, s14  }
0x8e: {  	[smem:$0x3FA6] =	sst s2  }
0x8f: {  	_ = 	snop  }
0x90: {  	s2 =	sld [smem:$0x3FD0];
	_ =	sdelay $0x2  }
0x91: {  	s15 =	simm.s32 $0xA;
	s4 =	simm.s32 $0x10  }
0x92: {  	[smem:s4], [sflag:s15] =	dma.local [hbm:s2], $0x1  }
0x93: {  	_ =	swait.eq [sflag:s15], $0x1  }
0x94: {  	[sflag:s15] =	ssyncset.done $0x0  }
0x95: {  	[sflag:s15] =	ssyncadd.s32 $0xFFFFFFFF  }
0x96: {  	s16 =	sld [smem:$0x10];
	(tm) =	ssettm $0x1  }
0x97: {  	s17 =	sld [smem:$0x3FFB];
	_ =	sdelay $0x3  }
0x98: {  	_ =	strace s17  }
0x99: {  	s3 =	sld [smem:$0x3FFC];
	_ =	sdelay $0x3  }
0x9a: {  	_ =	strace s3  }
0x9b: {  	s3 =	sld [smem:$0x3FFD];
	_ =	sdelay $0x3  }
0x9c: {  	_ =	strace s3  }
0x9d: {  	_ =	strace $0x8FFFFFFF  }
0x9e: {  	s18 =	sld [smem:$0x3FDB];
	_ =	sdelay $0x1  }
0x9f: {  	s19 =	simm.s32 $_scs_section_size  }
0xa0: {  	s5 =	simm.s32 $_size__tile_overlayer_lowered;
	s6 =	simm.s32 $_tile_overlayer_lowered  }
0xa1: {  	s22 =	simm.s32 $0x1BFF;
	s21 =	sshll.u32 s6, $0x1;
	s3 =	sadd.s32 s19, s18  }
0xa2: {  	s7 =	simm.s32 $0x0;
	s20 =	sshll.u32 s5, $0x1;
	s5 =	sadd.s32 s21, s3  }
0xa3: {  	[timem:s7], [sflag:s22] =	dma.local [hbm:s5], s20  }
0xa4: {  	_ =	swait.ge [sflag:s22], s20  }
0xa5: {  	s4 =	ssub.s32 $0x0, s20;
	[sflag:s22] =	ssyncset.done $0x0  }
0xa6: {  	[sflag:s22] =	ssyncadd.s32 s4;
	_ =	sdelay $0x1  }
0xa7: {  	s23 =	simm.s32 $0x1B8B  }
0xa8: {  	_ =	swait.ge [sflag:s23], $0x1  }
0xa9: {  	[sflag:s23] =	ssyncset.done $0x0  }
0xaa: {  	s25 =	simm.s32 $0x1B8E;
	s24 =	sld [smem:$0x3FFE];
	[sflag:s23] =	ssyncadd.s32 $0xFFFFFFFF  }
0xab: {  	s26 =	simm.s32 $execute0_lowered;
	[smem:$0x3FD2] =	sst s25  }
0xac: {  	s5 =	sshll.u32 s26, $0x1;
	_ =	strace $0x80000049;
	[dreg:$0x1] =	wrdreg $0xFFFFFFFF  }
0xad: {  	s28 =	simm.s32 $_size_execute0_lowered;
	s3 =	sadd.s32 s3, s5;
	[dreg:$0x0] =	wrdreg $0x0  }
0xae: {  	s5 =	sshll.u32 s28, $0x1;
	[dreg:$0x2] =	wrdreg s3  }
0xaf: {  	[dreg:$0x3] =	wrdreg s5  }
0xb0: {  	[dreg:$0x4] =	wrdreg $0xC0  }
0xb1: {  	_ =	task [dreg:s7], $0x5FFFF  }
0xb2: {  	[dreg:$0x1] =	wrdreg $0xFFFFFFFF  }
0xb3: {  	[dreg:$0x0] =	wrdreg $0x60  }
0xb4: {  	[dreg:$0x2] =	wrdreg s24  }
0xb5: {  	[dreg:$0x3] =	wrdreg s16  }
0xb6: {  	[dreg:$0x4] =	wrdreg $0x9  }
0xb7: {  	_ =	task.clear_ibuf [dreg:s7], $0x5FFFF;
	_ =	strace $0x90000049  }
0xb8: {  	s29 =	simm.s32 $0x9;
	_ =	strace $0x8000004B  }
0xb9: {  	_ =	swait.ge [sflag:s29], $0x1  }
0xba: {  	[sflag:s29] =	ssyncadd.s32 $0xFFFFFFFF  }
0xbb: {  	_ =	strace $0x9000004B  }
0xbc: {  	_ =	sfence  }
0xbd: {  	s30 =	sld [smem:$0x0];
	_ =	sdelay $0x2  }
0xbe: {  	s31 =	sshll.u32 s1, $0xD;
	s1 =	sshrl.u32 s1, $0x2  }
0xbf: {  	s3 =	sand.u32 $0x4000, s31;
	s1 =	sadd.s32 s1, s30  }
0xc0: {  	s0 =	sor.u32 s3, s0;
	s1 =	sshll.u32 s1, $0x11  }
0xc1: {  	s0 =	sor.u32 s1, s0  }
0xc2: {  	s0 =	sadd.s32 $0x8F2B, s0  }
0xc3: {  	[sflag:s0] =	ssyncadd.remote.s32 $0x1  }
0xc4: {  	_ =	sfence.sel $0xFFFF  }
0xc5: {  	[dreg:$0x0] =	wrdreg $0xFFFFFFFF;
	(pc) =	sbr.abs _section_cstart, $3  }
0xc6: {  	[dreg:$0x1] =	wrdreg $0xFFFFFFFF  }
0xc7: {  	_ =	task.clear_ibuf [dreg:s7], $0x2FFFF;
	_ =	strace $0x9FFFFFFF  }
0xc8: {  	(tm) =	ssettm $0x7FFFFFFF  }
0xc9: {  	_ =	shalt  }
tec
execute0_lowered:
.L_overlay_start_1:
0x0: {  	(tag) =	ssettag $0x1  }
0x1: {  	s1 =	srdreg.scid;
	s0 =	stileid.u32  }
0x2: {  	s5 =	rddreg [dreg:$0x0];
	s1 =	sand.u32 $0x1, s1;
	s2 =	sshll.u32 s0, $0x1  }
0x3: {  	s3 =	rddreg [dreg:$0x1];
	s28 =	simm.s32 $0x100;
	s6 =	sor.u32 s1, s2  }
0x4: {  	s29 =	simm.s32 $0x180;
	s30 =	simm.s32 $0x1;
	s4 =	sshll.u32 s6, $0x9  }
0x5: {  	s31 =	simm.s32 $0x2;
	s2 =	simm.s32 $0x0;
	s3 =	sadd.s32 s3, s4  }
0x6: {  	s1 =	ssub.s32 $0x2, s1;
	[smem:$0x7FF] =	sst s2;
	s4 =	sadd.s32 $0x10, s3  }
0x7: {  	_ =	strace $0x8000004A;
	s16 =	sadd.s32 $0x20, s3;
	[dreg:$0x3] =	wrdreg s4  }
0x8: {  	s6 =	sshll.u32 s6, $0xA;
	s17 =	sadd.s32 $0x30, s3;
	[dreg:$0x4] =	wrdreg s16  }
0x9: {  	s8 =	sshrl.u32 s1, $0x1;
	s18 =	sadd.s32 $0x40, s3;
	[dreg:$0x5] =	wrdreg s17  }
0xa: {  	s1 =	ssub.s32 s1, s8;
	s19 =	sadd.s32 $0x50, s3;
	[dreg:$0x6] =	wrdreg s18  }
0xb: {  	s20 =	sadd.s32 $0x60, s3;
	s21 =	sadd.s32 $0x70, s3;
	[dreg:$0x7] =	wrdreg s19  }
0xc: {  	s22 =	sadd.s32 $0x80, s3;
	s7 =	sadd.s32 $0x90, s3;
	[dreg:$0x8] =	wrdreg s20  }
0xd: {  	s23 =	sadd.s32 $0xA0, s3;
	s24 =	sadd.s32 $0xB0, s3;
	[dreg:$0x9] =	wrdreg s21  }
0xe: {  	s25 =	sadd.s32 $0xC0, s3;
	s26 =	sadd.s32 $0xD0, s3;
	[dreg:$0xa] =	wrdreg s22  }
0xf: {  	s8 =	sadd.s32 $0x110, s3;
	s9 =	sadd.s32 $0x120, s3;
	[dreg:$0xb] =	wrdreg s7  }
0x10: {  	s10 =	sadd.s32 $0x130, s3;
	s11 =	sadd.s32 $0x140, s3;
	[dreg:$0xc] =	wrdreg s23  }
0x11: {  	s12 =	sadd.s32 $0x150, s3;
	s13 =	sadd.s32 $0x160, s3;
	[dreg:$0xd] =	wrdreg s24  }
0x12: {  	s14 =	sadd.s32 $0x170, s3;
	s15 =	sadd.s32 $0x180, s3;
	[dreg:$0xe] =	wrdreg s25  }
0x13: {  	s4 =	sadd.s32 $0x2000, s5;
	s23 =	sadd.s32 s6, s5;
	[dreg:$0xf] =	wrdreg s26  }
0x14: {  	s5 =	sadd.s32 $0xE0, s3;
	s6 =	sadd.s32 $0xF0, s3;
	s7 =	sadd.s32 $0x100, s3  }
0x15: {  	s16 =	sadd.s32 $0x190, s3;
	s17 =	sadd.s32 $0x1A0, s3;
	s18 =	sadd.s32 $0x1B0, s3  }
0x16: {  	s19 =	sadd.s32 $0x1C0, s3;
	s20 =	sadd.s32 $0x1D0, s3;
	s21 =	sadd.s32 $0x1E0, s3  }
0x17: {  	s22 =	sadd.s32 $0x1F0, s3;
	s24 =	smax.u32 s1, $0x1;
	s25 =	simm.s32 $0x3  }
0x18: {  	s26 =	simm.s32 $0x80;
	s1 =	simm.s32 $0x200;
	s23 =	sadd.s32 $0x6400, s23  }
.LBB2_1:
0x19: {  	[tilespmem:s2], [sflag:$0x3] =	stream.linear.gather [hbm4b:s3+s2], $0x80, $0x38;
	[tilespmem:$0x2200] =	vst v63  }
0x1a: {  	_ =	swait.ge [sflag:s25], $0x80  }
0x1b: {  	[sflag:s25] =	ssyncset.done $0x0  }
0x1c: {  	[sflag:s25] =	ssyncadd.s32 $0xFFFFFF80  }
0x1d: {  	[tilespmem:s28], [sflag:$0x1] =	stream.indirect.gather [hbm4b:s4+s26], $0x1, s2, s26, $0xb8;
	[tilespmem:$0x2200] =	vst v63  }
0x1e: {  	s0 =	rddreg [dreg:$0x3]  }
0x1f: {  	[tilespmem:s26], [sflag:$0x3] =	stream.linear.gather [hbm4b:s0+s2], $0x80, $0x38;
	[tilespmem:$0x2200] =	vst v63  }
0x20: {  	_ =	swait.ge [sflag:s25], $0x80  }
0x21: {  	[sflag:s25] =	ssyncset.done $0x0  }
0x22: {  	[sflag:s25] =	ssyncadd.s32 $0xFFFFFF80  }
0x23: {  	[tilespmem:s29], [sflag:$0x2] =	stream.indirect.gather [hbm4b:s4+s26], $0x1, s26, s26, $0xb8;
	[tilespmem:$0x2200] =	vst v63  }
0x24: {  	_ =	swait.ge [sflag:s30], $0x80  }
0x25: {  	[sflag:s30] =	ssyncset.done $0x0  }
0x26: {  	[sflag:s30] =	ssyncadd.s32 $0xFFFFFF80  }
0x27: {  	v0 =	vld [tilespmem:$0x100]  }
0x28: {  	v1 =	vld [tilespmem:$0x110]  }
0x29: {  	v2 =	vld [tilespmem:$0x140]  }
0x2a: {  	v3 =	vld [tilespmem:$0x150]  }
0x2b: {  	v4 =	vld [tilespmem:$0x120]  }
0x2c: {  	v5 =	vld [tilespmem:$0x160]  }
0x2d: {  	v6 =	vld [tilespmem:$0x130]  }
0x2e: {  	v35 =	vld [tilespmem:$0x170];
	v0 =	vadd.f32 v1, v0  }
0x2f: {  	v2 =	vadd.f32 v3, v2  }
0x30: {  	v0 =	vadd.f32 v4, v0  }
0x31: {  	v2 =	vadd.f32 v5, v2  }
0x32: {  	v0 =	vadd.f32 v6, v0  }
0x33: {  	v1 =	vadd.f32 v35, v2  }
0x34: {  	[tilespmem:$0x200] =	vst v0  }
0x35: {  	s0 =	rddreg [dreg:$0x4];
	[tilespmem:$0x280] =	vst v1  }
0x36: {  	[tilespmem:s2], [sflag:$0x3] =	stream.linear.gather [hbm4b:s0+s2], $0x80, $0x38;
	[tilespmem:$0x2200] =	vst v63  }
0x37: {  	_ =	swait.ge [sflag:s25], $0x80  }
0x38: {  	[sflag:s25] =	ssyncset.done $0x0  }
0x39: {  	[sflag:s25] =	ssyncadd.s32 $0xFFFFFF80  }
0x3a: {  	[tilespmem:s28], [sflag:$0x1] =	stream.indirect.gather [hbm4b:s4+s26], $0x1, s2, s26, $0xb8;
	[tilespmem:$0x2200] =	vst v63  }
0x3b: {  	_ =	swait.ge [sflag:s31], $0x80  }
0x3c: {  	[sflag:s31] =	ssyncset.done $0x0  }
0x3d: {  	[sflag:s31] =	ssyncadd.s32 $0xFFFFFF80  }
0x3e: {  	v36 =	vld [tilespmem:$0x180]  }
0x3f: {  	v37 =	vld [tilespmem:$0x190]  }
0x40: {  	v38 =	vld [tilespmem:$0x1C0]  }
0x41: {  	v39 =	vld [tilespmem:$0x1D0]  }
0x42: {  	v40 =	vld [tilespmem:$0x1A0]  }
0x43: {  	v41 =	vld [tilespmem:$0x1E0]  }
0x44: {  	v42 =	vld [tilespmem:$0x1B0]  }
0x45: {  	v43 =	vld [tilespmem:$0x1F0];
	v0 =	vadd.f32 v37, v36  }
0x46: {  	v2 =	vadd.f32 v39, v38  }
0x47: {  	v0 =	vadd.f32 v40, v0  }
0x48: {  	v2 =	vadd.f32 v41, v2  }
0x49: {  	v0 =	vadd.f32 v42, v0  }
0x4a: {  	v1 =	vadd.f32 v43, v2  }
0x4b: {  	[tilespmem:$0x300] =	vst v0  }
0x4c: {  	s0 =	rddreg [dreg:$0x5];
	[tilespmem:$0x380] =	vst v1  }
0x4d: {  	[tilespmem:s26], [sflag:$0x3] =	stream.linear.gather [hbm4b:s0+s2], $0x80, $0x38;
	[tilespmem:$0x2200] =	vst v63  }
0x4e: {  	_ =	swait.ge [sflag:s25], $0x80  }
0x4f: {  	[sflag:s25] =	ssyncset.done $0x0  }
0x50: {  	[sflag:s25] =	ssyncadd.s32 $0xFFFFFF80  }
0x51: {  	[tilespmem:s29], [sflag:$0x2] =	stream.indirect.gather [hbm4b:s4+s26], $0x1, s26, s26, $0xb8;
	[tilespmem:$0x2200] =	vst v63  }
0x52: {  	_ =	swait.ge [sflag:s30], $0x80  }
0x53: {  	[sflag:s30] =	ssyncset.done $0x0  }
0x54: {  	[sflag:s30] =	ssyncadd.s32 $0xFFFFFF80  }
0x55: {  	v44 =	vld [tilespmem:$0x100]  }
0x56: {  	v45 =	vld [tilespmem:$0x110]  }
0x57: {  	v46 =	vld [tilespmem:$0x140]  }
0x58: {  	v47 =	vld [tilespmem:$0x150]  }
0x59: {  	v48 =	vld [tilespmem:$0x120]  }
0x5a: {  	v49 =	vld [tilespmem:$0x160]  }
0x5b: {  	v50 =	vld [tilespmem:$0x130]  }
0x5c: {  	v51 =	vld [tilespmem:$0x170];
	v0 =	vadd.f32 v45, v44  }
0x5d: {  	v2 =	vadd.f32 v47, v46  }
0x5e: {  	v0 =	vadd.f32 v48, v0  }
0x5f: {  	v2 =	vadd.f32 v49, v2  }
0x60: {  	v0 =	vadd.f32 v50, v0  }
0x61: {  	v1 =	vadd.f32 v51, v2  }
0x62: {  	[tilespmem:$0x400] =	vst v0  }
0x63: {  	s0 =	rddreg [dreg:$0x6];
	[tilespmem:$0x480] =	vst v1  }
0x64: {  	[tilespmem:s2], [sflag:$0x3] =	stream.linear.gather [hbm4b:s0+s2], $0x80, $0x38;
	[tilespmem:$0x2200] =	vst v63  }
0x65: {  	_ =	swait.ge [sflag:s25], $0x80  }
0x66: {  	[sflag:s25] =	ssyncset.done $0x0  }
0x67: {  	[sflag:s25] =	ssyncadd.s32 $0xFFFFFF80  }
0x68: {  	[tilespmem:s28], [sflag:$0x1] =	stream.indirect.gather [hbm4b:s4+s26], $0x1, s2, s26, $0xb8;
	[tilespmem:$0x2200] =	vst v63  }
0x69: {  	_ =	swait.ge [sflag:s31], $0x80  }
0x6a: {  	[sflag:s31] =	ssyncset.done $0x0  }
0x6b: {  	[sflag:s31] =	ssyncadd.s32 $0xFFFFFF80  }
0x6c: {  	v52 =	vld [tilespmem:$0x180]  }
0x6d: {  	v53 =	vld [tilespmem:$0x190]  }
0x6e: {  	v54 =	vld [tilespmem:$0x1C0]  }
0x6f: {  	v55 =	vld [tilespmem:$0x1D0]  }
0x70: {  	v56 =	vld [tilespmem:$0x1A0]  }
0x71: {  	v57 =	vld [tilespmem:$0x1E0]  }
0x72: {  	v58 =	vld [tilespmem:$0x1B0]  }
0x73: {  	v59 =	vld [tilespmem:$0x1F0];
	v0 =	vadd.f32 v53, v52  }
0x74: {  	v2 =	vadd.f32 v55, v54  }
0x75: {  	v0 =	vadd.f32 v56, v0  }
0x76: {  	v2 =	vadd.f32 v57, v2  }
0x77: {  	v0 =	vadd.f32 v58, v0  }
0x78: {  	v1 =	vadd.f32 v59, v2  }
0x79: {  	[tilespmem:$0x500] =	vst v0  }
0x7a: {  	s0 =	rddreg [dreg:$0x7];
	[tilespmem:$0x580] =	vst v1  }
0x7b: {  	[tilespmem:s26], [sflag:$0x3] =	stream.linear.gather [hbm4b:s0+s2], $0x80, $0x38;
	[tilespmem:$0x2200] =	vst v63  }
0x7c: {  	_ =	swait.ge [sflag:s25], $0x80  }
0x7d: {  	[sflag:s25] =	ssyncset.done $0x0  }
0x7e: {  	[sflag:s25] =	ssyncadd.s32 $0xFFFFFF80  }
0x7f: {  	[tilespmem:s29], [sflag:$0x2] =	stream.indirect.gather [hbm4b:s4+s26], $0x1, s26, s26, $0xb8;
	[tilespmem:$0x2200] =	vst v63  }
0x80: {  	_ =	swait.ge [sflag:s30], $0x80  }
0x81: {  	[sflag:s30] =	ssyncset.done $0x0  }
0x82: {  	[sflag:s30] =	ssyncadd.s32 $0xFFFFFF80  }
0x83: {  	v60 =	vld [tilespmem:$0x100]  }
0x84: {  	v61 =	vld [tilespmem:$0x110]  }
0x85: {  	v62 =	vld [tilespmem:$0x140]  }
0x86: {  	v63 =	vld [tilespmem:$0x150]  }
0x87: {  	v9 =	vld [tilespmem:$0x120]  }
0x88: {  	v10 =	vld [tilespmem:$0x160]  }
0x89: {  	v11 =	vld [tilespmem:$0x130]  }
0x8a: {  	v12 =	vld [tilespmem:$0x170];
	v0 =	vadd.f32 v61, v60  }
0x8b: {  	v2 =	vadd.f32 v63, v62  }
0x8c: {  	v0 =	vadd.f32 v9, v0  }
0x8d: {  	v2 =	vadd.f32 v10, v2  }
0x8e: {  	v0 =	vadd.f32 v11, v0  }
0x8f: {  	v1 =	vadd.f32 v12, v2  }
0x90: {  	[tilespmem:$0x600] =	vst v0  }
0x91: {  	s0 =	rddreg [dreg:$0x8];
	[tilespmem:$0x680] =	vst v1  }
0x92: {  	[tilespmem:s2], [sflag:$0x3] =	stream.linear.gather [hbm4b:s0+s2], $0x80, $0x38;
	[tilespmem:$0x2200] =	vst v63  }
0x93: {  	_ =	swait.ge [sflag:s25], $0x80  }
0x94: {  	[sflag:s25] =	ssyncset.done $0x0  }
0x95: {  	[sflag:s25] =	ssyncadd.s32 $0xFFFFFF80  }
0x96: {  	[tilespmem:s28], [sflag:$0x1] =	stream.indirect.gather [hbm4b:s4+s26], $0x1, s2, s26, $0xb8;
	[tilespmem:$0x2200] =	vst v63  }
0x97: {  	_ =	swait.ge [sflag:s31], $0x80  }
0x98: {  	[sflag:s31] =	ssyncset.done $0x0  }
0x99: {  	[sflag:s31] =	ssyncadd.s32 $0xFFFFFF80  }
0x9a: {  	v13 =	vld [tilespmem:$0x180]  }
0x9b: {  	v14 =	vld [tilespmem:$0x190]  }
0x9c: {  	v15 =	vld [tilespmem:$0x1C0]  }
0x9d: {  	v16 =	vld [tilespmem:$0x1D0]  }
0x9e: {  	v17 =	vld [tilespmem:$0x1A0]  }
0x9f: {  	v18 =	vld [tilespmem:$0x1E0]  }
0xa0: {  	v19 =	vld [tilespmem:$0x1B0]  }
0xa1: {  	v20 =	vld [tilespmem:$0x1F0];
	v0 =	vadd.f32 v14, v13  }
0xa2: {  	v2 =	vadd.f32 v16, v15  }
0xa3: {  	v0 =	vadd.f32 v17, v0  }
0xa4: {  	v2 =	vadd.f32 v18, v2  }
0xa5: {  	v0 =	vadd.f32 v19, v0  }
0xa6: {  	v1 =	vadd.f32 v20, v2  }
0xa7: {  	[tilespmem:$0x700] =	vst v0  }
0xa8: {  	s0 =	rddreg [dreg:$0x9];
	[tilespmem:$0x780] =	vst v1  }
0xa9: {  	[tilespmem:s26], [sflag:$0x3] =	stream.linear.gather [hbm4b:s0+s2], $0x80, $0x38;
	[tilespmem:$0x2200] =	vst v63  }
0xaa: {  	_ =	swait.ge [sflag:s25], $0x80  }
0xab: {  	[sflag:s25] =	ssyncset.done $0x0  }
0xac: {  	[sflag:s25] =	ssyncadd.s32 $0xFFFFFF80  }
0xad: {  	[tilespmem:s29], [sflag:$0x2] =	stream.indirect.gather [hbm4b:s4+s26], $0x1, s26, s26, $0xb8;
	[tilespmem:$0x2200] =	vst v63  }
0xae: {  	_ =	swait.ge [sflag:s30], $0x80  }
0xaf: {  	[sflag:s30] =	ssyncset.done $0x0  }
0xb0: {  	[sflag:s30] =	ssyncadd.s32 $0xFFFFFF80  }
0xb1: {  	v21 =	vld [tilespmem:$0x100]  }
0xb2: {  	v22 =	vld [tilespmem:$0x110]  }
0xb3: {  	v23 =	vld [tilespmem:$0x140]  }
0xb4: {  	v24 =	vld [tilespmem:$0x150]  }
0xb5: {  	v25 =	vld [tilespmem:$0x120]  }
0xb6: {  	v26 =	vld [tilespmem:$0x160]  }
0xb7: {  	v27 =	vld [tilespmem:$0x130]  }
0xb8: {  	v28 =	vld [tilespmem:$0x170];
	v0 =	vadd.f32 v22, v21  }
0xb9: {  	v2 =	vadd.f32 v24, v23  }
0xba: {  	v0 =	vadd.f32 v25, v0  }
0xbb: {  	v2 =	vadd.f32 v26, v2  }
0xbc: {  	v0 =	vadd.f32 v27, v0  }
0xbd: {  	v1 =	vadd.f32 v28, v2  }
0xbe: {  	[tilespmem:$0x800] =	vst v0  }
0xbf: {  	s0 =	rddreg [dreg:$0xa];
	[tilespmem:$0x880] =	vst v1  }
0xc0: {  	[tilespmem:s2], [sflag:$0x3] =	stream.linear.gather [hbm4b:s0+s2], $0x80, $0x38;
	[tilespmem:$0x2200] =	vst v63  }
0xc1: {  	_ =	swait.ge [sflag:s25], $0x80  }
0xc2: {  	[sflag:s25] =	ssyncset.done $0x0  }
0xc3: {  	[sflag:s25] =	ssyncadd.s32 $0xFFFFFF80  }
0xc4: {  	[tilespmem:s28], [sflag:$0x1] =	stream.indirect.gather [hbm4b:s4+s26], $0x1, s2, s26, $0xb8;
	[tilespmem:$0x2200] =	vst v63  }
0xc5: {  	_ =	swait.ge [sflag:s31], $0x80  }
0xc6: {  	[sflag:s31] =	ssyncset.done $0x0  }
0xc7: {  	[sflag:s31] =	ssyncadd.s32 $0xFFFFFF80  }
0xc8: {  	v29 =	vld [tilespmem:$0x180]  }
0xc9: {  	v30 =	vld [tilespmem:$0x190]  }
0xca: {  	v31 =	vld [tilespmem:$0x1C0]  }
0xcb: {  	v32 =	vld [tilespmem:$0x1D0]  }
0xcc: {  	v33 =	vld [tilespmem:$0x1A0]  }
0xcd: {  	v34 =	vld [tilespmem:$0x1E0]  }
0xce: {  	v35 =	vld [tilespmem:$0x1B0]  }
0xcf: {  	v36 =	vld [tilespmem:$0x1F0];
	v0 =	vadd.f32 v30, v29  }
0xd0: {  	v2 =	vadd.f32 v32, v31  }
0xd1: {  	v0 =	vadd.f32 v33, v0  }
0xd2: {  	v2 =	vadd.f32 v34, v2  }
0xd3: {  	v0 =	vadd.f32 v35, v0  }
0xd4: {  	v1 =	vadd.f32 v36, v2  }
0xd5: {  	[tilespmem:$0x900] =	vst v0  }
0xd6: {  	s0 =	rddreg [dreg:$0xb];
	[tilespmem:$0x980] =	vst v1  }
0xd7: {  	[tilespmem:s26], [sflag:$0x3] =	stream.linear.gather [hbm4b:s0+s2], $0x80, $0x38;
	[tilespmem:$0x2200] =	vst v63  }
0xd8: {  	_ =	swait.ge [sflag:s25], $0x80  }
0xd9: {  	[sflag:s25] =	ssyncset.done $0x0  }
0xda: {  	[sflag:s25] =	ssyncadd.s32 $0xFFFFFF80  }
0xdb: {  	[tilespmem:s29], [sflag:$0x2] =	stream.indirect.gather [hbm4b:s4+s26], $0x1, s26, s26, $0xb8;
	[tilespmem:$0x2200] =	vst v63  }
0xdc: {  	_ =	swait.ge [sflag:s30], $0x80  }
0xdd: {  	[sflag:s30] =	ssyncset.done $0x0  }
0xde: {  	[sflag:s30] =	ssyncadd.s32 $0xFFFFFF80  }
0xdf: {  	v37 =	vld [tilespmem:$0x100]  }
0xe0: {  	v38 =	vld [tilespmem:$0x110]  }
0xe1: {  	v39 =	vld [tilespmem:$0x140]  }
0xe2: {  	v40 =	vld [tilespmem:$0x150]  }
0xe3: {  	v41 =	vld [tilespmem:$0x120]  }
0xe4: {  	v42 =	vld [tilespmem:$0x160]  }
0xe5: {  	v43 =	vld [tilespmem:$0x130]  }
0xe6: {  	v44 =	vld [tilespmem:$0x170];
	v0 =	vadd.f32 v38, v37  }
0xe7: {  	v2 =	vadd.f32 v40, v39  }
0xe8: {  	v0 =	vadd.f32 v41, v0  }
0xe9: {  	v2 =	vadd.f32 v42, v2  }
0xea: {  	v0 =	vadd.f32 v43, v0  }
0xeb: {  	v1 =	vadd.f32 v44, v2  }
0xec: {  	[tilespmem:$0xA00] =	vst v0  }
0xed: {  	s0 =	rddreg [dreg:$0xc];
	[tilespmem:$0xA80] =	vst v1  }
0xee: {  	[tilespmem:s2], [sflag:$0x3] =	stream.linear.gather [hbm4b:s0+s2], $0x80, $0x38;
	[tilespmem:$0x2200] =	vst v63  }
0xef: {  	_ =	swait.ge [sflag:s25], $0x80  }
0xf0: {  	[sflag:s25] =	ssyncset.done $0x0  }
0xf1: {  	[sflag:s25] =	ssyncadd.s32 $0xFFFFFF80  }
0xf2: {  	[tilespmem:s28], [sflag:$0x1] =	stream.indirect.gather [hbm4b:s4+s26], $0x1, s2, s26, $0xb8;
	[tilespmem:$0x2200] =	vst v63  }
0xf3: {  	_ =	swait.ge [sflag:s31], $0x80  }
0xf4: {  	[sflag:s31] =	ssyncset.done $0x0  }
0xf5: {  	[sflag:s31] =	ssyncadd.s32 $0xFFFFFF80  }
0xf6: {  	v45 =	vld [tilespmem:$0x180]  }
0xf7: {  	v46 =	vld [tilespmem:$0x190]  }
0xf8: {  	v47 =	vld [tilespmem:$0x1C0]  }
0xf9: {  	v48 =	vld [tilespmem:$0x1D0]  }
0xfa: {  	v49 =	vld [tilespmem:$0x1A0]  }
0xfb: {  	v50 =	vld [tilespmem:$0x1E0]  }
0xfc: {  	v51 =	vld [tilespmem:$0x1B0]  }
0xfd: {  	v52 =	vld [tilespmem:$0x1F0];
	v0 =	vadd.f32 v46, v45  }
0xfe: {  	v2 =	vadd.f32 v48, v47  }
0xff: {  	v0 =	vadd.f32 v49, v0  }
0x100: {  	v2 =	vadd.f32 v50, v2  }
0x101: {  	v0 =	vadd.f32 v51, v0  }
0x102: {  	v1 =	vadd.f32 v52, v2  }
0x103: {  	[tilespmem:$0xB00] =	vst v0  }
0x104: {  	s0 =	rddreg [dreg:$0xd];
	[tilespmem:$0xB80] =	vst v1  }
0x105: {  	[tilespmem:s26], [sflag:$0x3] =	stream.linear.gather [hbm4b:s0+s2], $0x80, $0x38;
	[tilespmem:$0x2200] =	vst v63  }
0x106: {  	_ =	swait.ge [sflag:s25], $0x80  }
0x107: {  	[sflag:s25] =	ssyncset.done $0x0  }
0x108: {  	[sflag:s25] =	ssyncadd.s32 $0xFFFFFF80  }
0x109: {  	[tilespmem:s29], [sflag:$0x2] =	stream.indirect.gather [hbm4b:s4+s26], $0x1, s26, s26, $0xb8;
	[tilespmem:$0x2200] =	vst v63  }
0x10a: {  	_ =	swait.ge [sflag:s30], $0x80  }
0x10b: {  	[sflag:s30] =	ssyncset.done $0x0  }
0x10c: {  	[sflag:s30] =	ssyncadd.s32 $0xFFFFFF80  }
0x10d: {  	v53 =	vld [tilespmem:$0x100]  }
0x10e: {  	v54 =	vld [tilespmem:$0x110]  }
0x10f: {  	v55 =	vld [tilespmem:$0x140]  }
0x110: {  	v56 =	vld [tilespmem:$0x150]  }
0x111: {  	v57 =	vld [tilespmem:$0x120]  }
0x112: {  	v58 =	vld [tilespmem:$0x160]  }
0x113: {  	v59 =	vld [tilespmem:$0x130]  }
0x114: {  	v60 =	vld [tilespmem:$0x170];
	v0 =	vadd.f32 v54, v53  }
0x115: {  	v2 =	vadd.f32 v56, v55  }
0x116: {  	v0 =	vadd.f32 v57, v0  }
0x117: {  	v2 =	vadd.f32 v58, v2  }
0x118: {  	v0 =	vadd.f32 v59, v0  }
0x119: {  	v1 =	vadd.f32 v60, v2  }
0x11a: {  	[tilespmem:$0xC00] =	vst v0  }
0x11b: {  	s0 =	rddreg [dreg:$0xe];
	[tilespmem:$0xC80] =	vst v1  }
0x11c: {  	[tilespmem:s2], [sflag:$0x3] =	stream.linear.gather [hbm4b:s0+s2], $0x80, $0x38;
	[tilespmem:$0x2200] =	vst v63  }
0x11d: {  	_ =	swait.ge [sflag:s25], $0x80  }
0x11e: {  	[sflag:s25] =	ssyncset.done $0x0  }
0x11f: {  	[sflag:s25] =	ssyncadd.s32 $0xFFFFFF80  }
0x120: {  	[tilespmem:s28], [sflag:$0x1] =	stream.indirect.gather [hbm4b:s4+s26], $0x1, s2, s26, $0xb8;
	[tilespmem:$0x2200] =	vst v63  }
0x121: {  	_ =	swait.ge [sflag:s31], $0x80  }
0x122: {  	[sflag:s31] =	ssyncset.done $0x0  }
0x123: {  	[sflag:s31] =	ssyncadd.s32 $0xFFFFFF80  }
0x124: {  	v61 =	vld [tilespmem:$0x180]  }
0x125: {  	v62 =	vld [tilespmem:$0x190]  }
0x126: {  	v63 =	vld [tilespmem:$0x1C0]  }
0x127: {  	v9 =	vld [tilespmem:$0x1D0]  }
0x128: {  	v10 =	vld [tilespmem:$0x1A0]  }
0x129: {  	v11 =	vld [tilespmem:$0x1E0]  }
0x12a: {  	v12 =	vld [tilespmem:$0x1B0]  }
0x12b: {  	v13 =	vld [tilespmem:$0x1F0];
	v0 =	vadd.f32 v62, v61  }
0x12c: {  	v2 =	vadd.f32 v9, v63  }
0x12d: {  	v0 =	vadd.f32 v10, v0  }
0x12e: {  	v2 =	vadd.f32 v11, v2  }
0x12f: {  	v0 =	vadd.f32 v12, v0  }
0x130: {  	v1 =	vadd.f32 v13, v2  }
0x131: {  	[tilespmem:$0xD00] =	vst v0  }
0x132: {  	s0 =	rddreg [dreg:$0xf];
	[tilespmem:$0xD80] =	vst v1  }
0x133: {  	[tilespmem:s26], [sflag:$0x3] =	stream.linear.gather [hbm4b:s0+s2], $0x80, $0x38;
	[tilespmem:$0x2200] =	vst v63  }
0x134: {  	_ =	swait.ge [sflag:s25], $0x80  }
0x135: {  	[sflag:s25] =	ssyncset.done $0x0  }
0x136: {  	[sflag:s25] =	ssyncadd.s32 $0xFFFFFF80  }
0x137: {  	[tilespmem:s29], [sflag:$0x2] =	stream.indirect.gather [hbm4b:s4+s26], $0x1, s26, s26, $0xb8;
	[tilespmem:$0x2200] =	vst v63  }
0x138: {  	_ =	swait.ge [sflag:s30], $0x80  }
0x139: {  	[sflag:s30] =	ssyncset.done $0x0  }
0x13a: {  	[sflag:s30] =	ssyncadd.s32 $0xFFFFFF80  }
0x13b: {  	v14 =	vld [tilespmem:$0x100]  }
0x13c: {  	v15 =	vld [tilespmem:$0x110]  }
0x13d: {  	v16 =	vld [tilespmem:$0x140]  }
0x13e: {  	v17 =	vld [tilespmem:$0x150]  }
0x13f: {  	v18 =	vld [tilespmem:$0x120]  }
0x140: {  	v19 =	vld [tilespmem:$0x160]  }
0x141: {  	v20 =	vld [tilespmem:$0x130]  }
0x142: {  	v21 =	vld [tilespmem:$0x170];
	v0 =	vadd.f32 v15, v14  }
0x143: {  	v2 =	vadd.f32 v17, v16  }
0x144: {  	v0 =	vadd.f32 v18, v0  }
0x145: {  	v2 =	vadd.f32 v19, v2  }
0x146: {  	v0 =	vadd.f32 v20, v0  }
0x147: {  	v1 =	vadd.f32 v21, v2  }
0x148: {  	[tilespmem:$0xE00] =	vst v0  }
0x149: {  	[tilespmem:$0xE80] =	vst v1  }
0x14a: {  	[tilespmem:s2], [sflag:$0x3] =	stream.linear.gather [hbm4b:s5+s2], $0x80, $0x38;
	[tilespmem:$0x2200] =	vst v63  }
0x14b: {  	_ =	swait.ge [sflag:s25], $0x80  }
0x14c: {  	[sflag:s25] =	ssyncset.done $0x0  }
0x14d: {  	[sflag:s25] =	ssyncadd.s32 $0xFFFFFF80  }
0x14e: {  	[tilespmem:s28], [sflag:$0x1] =	stream.indirect.gather [hbm4b:s4+s26], $0x1, s2, s26, $0xb8;
	[tilespmem:$0x2200] =	vst v63  }
0x14f: {  	_ =	swait.ge [sflag:s31], $0x80  }
0x150: {  	[sflag:s31] =	ssyncset.done $0x0  }
0x151: {  	[sflag:s31] =	ssyncadd.s32 $0xFFFFFF80  }
0x152: {  	v22 =	vld [tilespmem:$0x180]  }
0x153: {  	v23 =	vld [tilespmem:$0x190]  }
0x154: {  	v24 =	vld [tilespmem:$0x1C0]  }
0x155: {  	v25 =	vld [tilespmem:$0x1D0]  }
0x156: {  	v26 =	vld [tilespmem:$0x1A0]  }
0x157: {  	v27 =	vld [tilespmem:$0x1E0]  }
0x158: {  	v28 =	vld [tilespmem:$0x1B0]  }
0x159: {  	v29 =	vld [tilespmem:$0x1F0];
	v0 =	vadd.f32 v23, v22  }
0x15a: {  	v2 =	vadd.f32 v25, v24  }
0x15b: {  	v0 =	vadd.f32 v26, v0  }
0x15c: {  	v2 =	vadd.f32 v27, v2  }
0x15d: {  	v0 =	vadd.f32 v28, v0  }
0x15e: {  	v1 =	vadd.f32 v29, v2  }
0x15f: {  	[tilespmem:$0xF00] =	vst v0  }
0x160: {  	[tilespmem:$0xF80] =	vst v1  }
0x161: {  	[tilespmem:s26], [sflag:$0x3] =	stream.linear.gather [hbm4b:s6+s2], $0x80, $0x38;
	[tilespmem:$0x2200] =	vst v63  }
0x162: {  	_ =	swait.ge [sflag:s25], $0x80  }
0x163: {  	[sflag:s25] =	ssyncset.done $0x0  }
0x164: {  	[sflag:s25] =	ssyncadd.s32 $0xFFFFFF80  }
0x165: {  	[tilespmem:s29], [sflag:$0x2] =	stream.indirect.gather [hbm4b:s4+s26], $0x1, s26, s26, $0xb8;
	[tilespmem:$0x2200] =	vst v63  }
0x166: {  	_ =	swait.ge [sflag:s30], $0x80  }
0x167: {  	[sflag:s30] =	ssyncset.done $0x0  }
0x168: {  	[sflag:s30] =	ssyncadd.s32 $0xFFFFFF80  }
0x169: {  	v30 =	vld [tilespmem:$0x100]  }
0x16a: {  	v31 =	vld [tilespmem:$0x110]  }
0x16b: {  	v32 =	vld [tilespmem:$0x140]  }
0x16c: {  	v33 =	vld [tilespmem:$0x150]  }
0x16d: {  	v34 =	vld [tilespmem:$0x120]  }
0x16e: {  	v35 =	vld [tilespmem:$0x160]  }
0x16f: {  	v36 =	vld [tilespmem:$0x130]  }
0x170: {  	v37 =	vld [tilespmem:$0x170];
	v0 =	vadd.f32 v31, v30  }
0x171: {  	v2 =	vadd.f32 v33, v32  }
0x172: {  	v0 =	vadd.f32 v34, v0  }
0x173: {  	v2 =	vadd.f32 v35, v2  }
0x174: {  	v0 =	vadd.f32 v36, v0  }
0x175: {  	v1 =	vadd.f32 v37, v2  }
0x176: {  	[tilespmem:$0x1000] =	vst v0  }
0x177: {  	[tilespmem:$0x1080] =	vst v1  }
0x178: {  	[tilespmem:s2], [sflag:$0x3] =	stream.linear.gather [hbm4b:s7+s2], $0x80, $0x38;
	[tilespmem:$0x2200] =	vst v63  }
0x179: {  	_ =	swait.ge [sflag:s25], $0x80  }
0x17a: {  	[sflag:s25] =	ssyncset.done $0x0  }
0x17b: {  	[sflag:s25] =	ssyncadd.s32 $0xFFFFFF80  }
0x17c: {  	[tilespmem:s28], [sflag:$0x1] =	stream.indirect.gather [hbm4b:s4+s26], $0x1, s2, s26, $0xb8;
	[tilespmem:$0x2200] =	vst v63  }
0x17d: {  	_ =	swait.ge [sflag:s31], $0x80  }
0x17e: {  	[sflag:s31] =	ssyncset.done $0x0  }
0x17f: {  	[sflag:s31] =	ssyncadd.s32 $0xFFFFFF80  }
0x180: {  	v38 =	vld [tilespmem:$0x180]  }
0x181: {  	v39 =	vld [tilespmem:$0x190]  }
0x182: {  	v40 =	vld [tilespmem:$0x1C0]  }
0x183: {  	v41 =	vld [tilespmem:$0x1D0]  }
0x184: {  	v42 =	vld [tilespmem:$0x1A0]  }
0x185: {  	v43 =	vld [tilespmem:$0x1E0]  }
0x186: {  	v44 =	vld [tilespmem:$0x1B0]  }
0x187: {  	v45 =	vld [tilespmem:$0x1F0];
	v0 =	vadd.f32 v39, v38  }
0x188: {  	v2 =	vadd.f32 v41, v40  }
0x189: {  	v0 =	vadd.f32 v42, v0  }
0x18a: {  	v2 =	vadd.f32 v43, v2  }
0x18b: {  	v0 =	vadd.f32 v44, v0  }
0x18c: {  	v1 =	vadd.f32 v45, v2  }
0x18d: {  	[tilespmem:$0x1100] =	vst v0  }
0x18e: {  	[tilespmem:$0x1180] =	vst v1  }
0x18f: {  	[tilespmem:s26], [sflag:$0x3] =	stream.linear.gather [hbm4b:s8+s2], $0x80, $0x38;
	[tilespmem:$0x2200] =	vst v63  }
0x190: {  	_ =	swait.ge [sflag:s25], $0x80  }
0x191: {  	[sflag:s25] =	ssyncset.done $0x0  }
0x192: {  	[sflag:s25] =	ssyncadd.s32 $0xFFFFFF80  }
0x193: {  	[tilespmem:s29], [sflag:$0x2] =	stream.indirect.gather [hbm4b:s4+s26], $0x1, s26, s26, $0xb8;
	[tilespmem:$0x2200] =	vst v63  }
0x194: {  	_ =	swait.ge [sflag:s30], $0x80  }
0x195: {  	[sflag:s30] =	ssyncset.done $0x0  }
0x196: {  	[sflag:s30] =	ssyncadd.s32 $0xFFFFFF80  }
0x197: {  	v46 =	vld [tilespmem:$0x100]  }
0x198: {  	v47 =	vld [tilespmem:$0x110]  }
0x199: {  	v48 =	vld [tilespmem:$0x140]  }
0x19a: {  	v49 =	vld [tilespmem:$0x150]  }
0x19b: {  	v50 =	vld [tilespmem:$0x120]  }
0x19c: {  	v51 =	vld [tilespmem:$0x160]  }
0x19d: {  	v52 =	vld [tilespmem:$0x130]  }
0x19e: {  	v53 =	vld [tilespmem:$0x170];
	v0 =	vadd.f32 v47, v46  }
0x19f: {  	v2 =	vadd.f32 v49, v48  }
0x1a0: {  	v0 =	vadd.f32 v50, v0  }
0x1a1: {  	v2 =	vadd.f32 v51, v2  }
0x1a2: {  	v0 =	vadd.f32 v52, v0  }
0x1a3: {  	v1 =	vadd.f32 v53, v2  }
0x1a4: {  	[tilespmem:$0x1200] =	vst v0  }
0x1a5: {  	[tilespmem:$0x1280] =	vst v1  }
0x1a6: {  	[tilespmem:s2], [sflag:$0x3] =	stream.linear.gather [hbm4b:s9+s2], $0x80, $0x38;
	[tilespmem:$0x2200] =	vst v63  }
0x1a7: {  	_ =	swait.ge [sflag:s25], $0x80  }
0x1a8: {  	[sflag:s25] =	ssyncset.done $0x0  }
0x1a9: {  	[sflag:s25] =	ssyncadd.s32 $0xFFFFFF80  }
0x1aa: {  	[tilespmem:s28], [sflag:$0x1] =	stream.indirect.gather [hbm4b:s4+s26], $0x1, s2, s26, $0xb8;
	[tilespmem:$0x2200] =	vst v63  }
0x1ab: {  	_ =	swait.ge [sflag:s31], $0x80  }
0x1ac: {  	[sflag:s31] =	ssyncset.done $0x0  }
0x1ad: {  	[sflag:s31] =	ssyncadd.s32 $0xFFFFFF80  }
0x1ae: {  	v54 =	vld [tilespmem:$0x180]  }
0x1af: {  	v55 =	vld [tilespmem:$0x190]  }
0x1b0: {  	v56 =	vld [tilespmem:$0x1C0]  }
0x1b1: {  	v57 =	vld [tilespmem:$0x1D0]  }
0x1b2: {  	v58 =	vld [tilespmem:$0x1A0]  }
0x1b3: {  	v59 =	vld [tilespmem:$0x1E0]  }
0x1b4: {  	v60 =	vld [tilespmem:$0x1B0]  }
0x1b5: {  	v61 =	vld [tilespmem:$0x1F0];
	v0 =	vadd.f32 v55, v54  }
0x1b6: {  	v2 =	vadd.f32 v57, v56  }
0x1b7: {  	v0 =	vadd.f32 v58, v0  }
0x1b8: {  	v2 =	vadd.f32 v59, v2  }
0x1b9: {  	v0 =	vadd.f32 v60, v0  }
0x1ba: {  	v1 =	vadd.f32 v61, v2  }
0x1bb: {  	[tilespmem:$0x1300] =	vst v0  }
0x1bc: {  	[tilespmem:$0x1380] =	vst v1  }
0x1bd: {  	[tilespmem:s26], [sflag:$0x3] =	stream.linear.gather [hbm4b:s10+s2], $0x80, $0x38;
	[tilespmem:$0x2200] =	vst v63  }
0x1be: {  	_ =	swait.ge [sflag:s25], $0x80  }
0x1bf: {  	[sflag:s25] =	ssyncset.done $0x0  }
0x1c0: {  	[sflag:s25] =	ssyncadd.s32 $0xFFFFFF80  }
0x1c1: {  	[tilespmem:s29], [sflag:$0x2] =	stream.indirect.gather [hbm4b:s4+s26], $0x1, s26, s26, $0xb8;
	[tilespmem:$0x2200] =	vst v63  }
0x1c2: {  	_ =	swait.ge [sflag:s30], $0x80  }
0x1c3: {  	[sflag:s30] =	ssyncset.done $0x0  }
0x1c4: {  	[sflag:s30] =	ssyncadd.s32 $0xFFFFFF80  }
0x1c5: {  	v62 =	vld [tilespmem:$0x100]  }
0x1c6: {  	v63 =	vld [tilespmem:$0x110]  }
0x1c7: {  	v9 =	vld [tilespmem:$0x140]  }
0x1c8: {  	v10 =	vld [tilespmem:$0x150]  }
0x1c9: {  	v11 =	vld [tilespmem:$0x120]  }
0x1ca: {  	v12 =	vld [tilespmem:$0x160]  }
0x1cb: {  	v13 =	vld [tilespmem:$0x130]  }
0x1cc: {  	v14 =	vld [tilespmem:$0x170];
	v0 =	vadd.f32 v63, v62  }
0x1cd: {  	v2 =	vadd.f32 v10, v9  }
0x1ce: {  	v0 =	vadd.f32 v11, v0  }
0x1cf: {  	v2 =	vadd.f32 v12, v2  }
0x1d0: {  	v0 =	vadd.f32 v13, v0  }
0x1d1: {  	v1 =	vadd.f32 v14, v2  }
0x1d2: {  	[tilespmem:$0x1400] =	vst v0  }
0x1d3: {  	[tilespmem:$0x1480] =	vst v1  }
0x1d4: {  	[tilespmem:s2], [sflag:$0x3] =	stream.linear.gather [hbm4b:s11+s2], $0x80, $0x38;
	[tilespmem:$0x2200] =	vst v63  }
0x1d5: {  	_ =	swait.ge [sflag:s25], $0x80  }
0x1d6: {  	[sflag:s25] =	ssyncset.done $0x0  }
0x1d7: {  	[sflag:s25] =	ssyncadd.s32 $0xFFFFFF80  }
0x1d8: {  	[tilespmem:s28], [sflag:$0x1] =	stream.indirect.gather [hbm4b:s4+s26], $0x1, s2, s26, $0xb8;
	[tilespmem:$0x2200] =	vst v63  }
0x1d9: {  	_ =	swait.ge [sflag:s31], $0x80  }
0x1da: {  	[sflag:s31] =	ssyncset.done $0x0  }
0x1db: {  	[sflag:s31] =	ssyncadd.s32 $0xFFFFFF80  }
0x1dc: {  	v15 =	vld [tilespmem:$0x180]  }
0x1dd: {  	v16 =	vld [tilespmem:$0x190]  }
0x1de: {  	v17 =	vld [tilespmem:$0x1C0]  }
0x1df: {  	v18 =	vld [tilespmem:$0x1D0]  }
0x1e0: {  	v19 =	vld [tilespmem:$0x1A0]  }
0x1e1: {  	v20 =	vld [tilespmem:$0x1E0]  }
0x1e2: {  	v21 =	vld [tilespmem:$0x1B0]  }
0x1e3: {  	v22 =	vld [tilespmem:$0x1F0];
	v0 =	vadd.f32 v16, v15  }
0x1e4: {  	v2 =	vadd.f32 v18, v17  }
0x1e5: {  	v0 =	vadd.f32 v19, v0  }
0x1e6: {  	v2 =	vadd.f32 v20, v2  }
0x1e7: {  	v0 =	vadd.f32 v21, v0  }
0x1e8: {  	v1 =	vadd.f32 v22, v2  }
0x1e9: {  	[tilespmem:$0x1500] =	vst v0  }
0x1ea: {  	[tilespmem:$0x1580] =	vst v1  }
0x1eb: {  	[tilespmem:s26], [sflag:$0x3] =	stream.linear.gather [hbm4b:s12+s2], $0x80, $0x38;
	[tilespmem:$0x2200] =	vst v63  }
0x1ec: {  	_ =	swait.ge [sflag:s25], $0x80  }
0x1ed: {  	[sflag:s25] =	ssyncset.done $0x0  }
0x1ee: {  	[sflag:s25] =	ssyncadd.s32 $0xFFFFFF80  }
0x1ef: {  	[tilespmem:s29], [sflag:$0x2] =	stream.indirect.gather [hbm4b:s4+s26], $0x1, s26, s26, $0xb8;
	[tilespmem:$0x2200] =	vst v63  }
0x1f0: {  	_ =	swait.ge [sflag:s30], $0x80  }
0x1f1: {  	[sflag:s30] =	ssyncset.done $0x0  }
0x1f2: {  	[sflag:s30] =	ssyncadd.s32 $0xFFFFFF80  }
0x1f3: {  	v23 =	vld [tilespmem:$0x100]  }
0x1f4: {  	v24 =	vld [tilespmem:$0x110]  }
0x1f5: {  	v25 =	vld [tilespmem:$0x140]  }
0x1f6: {  	v26 =	vld [tilespmem:$0x150]  }
0x1f7: {  	v27 =	vld [tilespmem:$0x120]  }
0x1f8: {  	v28 =	vld [tilespmem:$0x160]  }
0x1f9: {  	v29 =	vld [tilespmem:$0x130]  }
0x1fa: {  	v30 =	vld [tilespmem:$0x170];
	v0 =	vadd.f32 v24, v23  }
0x1fb: {  	v2 =	vadd.f32 v26, v25  }
0x1fc: {  	v0 =	vadd.f32 v27, v0  }
0x1fd: {  	v2 =	vadd.f32 v28, v2  }
0x1fe: {  	v0 =	vadd.f32 v29, v0  }
0x1ff: {  	v1 =	vadd.f32 v30, v2  }
0x200: {  	[tilespmem:$0x1600] =	vst v0  }
0x201: {  	[tilespmem:$0x1680] =	vst v1  }
0x202: {  	[tilespmem:s2], [sflag:$0x3] =	stream.linear.gather [hbm4b:s13+s2], $0x80, $0x38;
	[tilespmem:$0x2200] =	vst v63  }
0x203: {  	_ =	swait.ge [sflag:s25], $0x80  }
0x204: {  	[sflag:s25] =	ssyncset.done $0x0  }
0x205: {  	[sflag:s25] =	ssyncadd.s32 $0xFFFFFF80  }
0x206: {  	[tilespmem:s28], [sflag:$0x1] =	stream.indirect.gather [hbm4b:s4+s26], $0x1, s2, s26, $0xb8;
	[tilespmem:$0x2200] =	vst v63  }
0x207: {  	_ =	swait.ge [sflag:s31], $0x80  }
0x208: {  	[sflag:s31] =	ssyncset.done $0x0  }
0x209: {  	[sflag:s31] =	ssyncadd.s32 $0xFFFFFF80  }
0x20a: {  	v31 =	vld [tilespmem:$0x180]  }
0x20b: {  	v32 =	vld [tilespmem:$0x190]  }
0x20c: {  	v33 =	vld [tilespmem:$0x1C0]  }
0x20d: {  	v34 =	vld [tilespmem:$0x1D0]  }
0x20e: {  	v35 =	vld [tilespmem:$0x1A0]  }
0x20f: {  	v36 =	vld [tilespmem:$0x1E0]  }
0x210: {  	v37 =	vld [tilespmem:$0x1B0]  }
0x211: {  	v38 =	vld [tilespmem:$0x1F0];
	v0 =	vadd.f32 v32, v31  }
0x212: {  	v2 =	vadd.f32 v34, v33  }
0x213: {  	v0 =	vadd.f32 v35, v0  }
0x214: {  	v2 =	vadd.f32 v36, v2  }
0x215: {  	v0 =	vadd.f32 v37, v0  }
0x216: {  	v1 =	vadd.f32 v38, v2  }
0x217: {  	[tilespmem:$0x1700] =	vst v0  }
0x218: {  	[tilespmem:$0x1780] =	vst v1  }
0x219: {  	[tilespmem:s26], [sflag:$0x3] =	stream.linear.gather [hbm4b:s14+s2], $0x80, $0x38;
	[tilespmem:$0x2200] =	vst v63  }
0x21a: {  	_ =	swait.ge [sflag:s25], $0x80  }
0x21b: {  	[sflag:s25] =	ssyncset.done $0x0  }
0x21c: {  	[sflag:s25] =	ssyncadd.s32 $0xFFFFFF80  }
0x21d: {  	[tilespmem:s29], [sflag:$0x2] =	stream.indirect.gather [hbm4b:s4+s26], $0x1, s26, s26, $0xb8;
	[tilespmem:$0x2200] =	vst v63  }
0x21e: {  	_ =	swait.ge [sflag:s30], $0x80  }
0x21f: {  	[sflag:s30] =	ssyncset.done $0x0  }
0x220: {  	[sflag:s30] =	ssyncadd.s32 $0xFFFFFF80  }
0x221: {  	v39 =	vld [tilespmem:$0x100]  }
0x222: {  	v40 =	vld [tilespmem:$0x110]  }
0x223: {  	v41 =	vld [tilespmem:$0x140]  }
0x224: {  	v42 =	vld [tilespmem:$0x150]  }
0x225: {  	v43 =	vld [tilespmem:$0x120]  }
0x226: {  	v44 =	vld [tilespmem:$0x160]  }
0x227: {  	v45 =	vld [tilespmem:$0x130]  }
0x228: {  	v46 =	vld [tilespmem:$0x170];
	v0 =	vadd.f32 v40, v39  }
0x229: {  	v2 =	vadd.f32 v42, v41  }
0x22a: {  	v0 =	vadd.f32 v43, v0  }
0x22b: {  	v2 =	vadd.f32 v44, v2  }
0x22c: {  	v0 =	vadd.f32 v45, v0  }
0x22d: {  	v1 =	vadd.f32 v46, v2  }
0x22e: {  	[tilespmem:$0x1800] =	vst v0  }
0x22f: {  	[tilespmem:$0x1880] =	vst v1  }
0x230: {  	[tilespmem:s2], [sflag:$0x3] =	stream.linear.gather [hbm4b:s15+s2], $0x80, $0x38;
	[tilespmem:$0x2200] =	vst v63  }
0x231: {  	_ =	swait.ge [sflag:s25], $0x80  }
0x232: {  	[sflag:s25] =	ssyncset.done $0x0  }
0x233: {  	[sflag:s25] =	ssyncadd.s32 $0xFFFFFF80  }
0x234: {  	[tilespmem:s28], [sflag:$0x1] =	stream.indirect.gather [hbm4b:s4+s26], $0x1, s2, s26, $0xb8;
	[tilespmem:$0x2200] =	vst v63  }
0x235: {  	_ =	swait.ge [sflag:s31], $0x80  }
0x236: {  	[sflag:s31] =	ssyncset.done $0x0  }
0x237: {  	[sflag:s31] =	ssyncadd.s32 $0xFFFFFF80  }
0x238: {  	v47 =	vld [tilespmem:$0x180]  }
0x239: {  	v48 =	vld [tilespmem:$0x190]  }
0x23a: {  	v49 =	vld [tilespmem:$0x1C0]  }
0x23b: {  	v50 =	vld [tilespmem:$0x1D0]  }
0x23c: {  	v51 =	vld [tilespmem:$0x1A0]  }
0x23d: {  	v52 =	vld [tilespmem:$0x1E0]  }
0x23e: {  	v53 =	vld [tilespmem:$0x1B0]  }
0x23f: {  	v54 =	vld [tilespmem:$0x1F0];
	v0 =	vadd.f32 v48, v47  }
0x240: {  	v2 =	vadd.f32 v50, v49  }
0x241: {  	v0 =	vadd.f32 v51, v0  }
0x242: {  	v2 =	vadd.f32 v52, v2  }
0x243: {  	v0 =	vadd.f32 v53, v0  }
0x244: {  	v1 =	vadd.f32 v54, v2  }
0x245: {  	[tilespmem:$0x1900] =	vst v0  }
0x246: {  	[tilespmem:$0x1980] =	vst v1  }
0x247: {  	[tilespmem:s26], [sflag:$0x3] =	stream.linear.gather [hbm4b:s16+s2], $0x80, $0x38;
	[tilespmem:$0x2200] =	vst v63  }
0x248: {  	_ =	swait.ge [sflag:s25], $0x80  }
0x249: {  	[sflag:s25] =	ssyncset.done $0x0  }
0x24a: {  	[sflag:s25] =	ssyncadd.s32 $0xFFFFFF80  }
0x24b: {  	[tilespmem:s29], [sflag:$0x2] =	stream.indirect.gather [hbm4b:s4+s26], $0x1, s26, s26, $0xb8;
	[tilespmem:$0x2200] =	vst v63  }
0x24c: {  	_ =	swait.ge [sflag:s30], $0x80  }
0x24d: {  	[sflag:s30] =	ssyncset.done $0x0  }
0x24e: {  	[sflag:s30] =	ssyncadd.s32 $0xFFFFFF80  }
0x24f: {  	v55 =	vld [tilespmem:$0x100]  }
0x250: {  	v56 =	vld [tilespmem:$0x110]  }
0x251: {  	v57 =	vld [tilespmem:$0x140]  }
0x252: {  	v58 =	vld [tilespmem:$0x150]  }
0x253: {  	v59 =	vld [tilespmem:$0x120]  }
0x254: {  	v60 =	vld [tilespmem:$0x160]  }
0x255: {  	v61 =	vld [tilespmem:$0x130]  }
0x256: {  	v62 =	vld [tilespmem:$0x170];
	v0 =	vadd.f32 v56, v55  }
0x257: {  	v2 =	vadd.f32 v58, v57  }
0x258: {  	v0 =	vadd.f32 v59, v0  }
0x259: {  	v2 =	vadd.f32 v60, v2  }
0x25a: {  	v0 =	vadd.f32 v61, v0  }
0x25b: {  	v1 =	vadd.f32 v62, v2  }
0x25c: {  	[tilespmem:$0x1A00] =	vst v0  }
0x25d: {  	[tilespmem:$0x1A80] =	vst v1  }
0x25e: {  	[tilespmem:s2], [sflag:$0x3] =	stream.linear.gather [hbm4b:s17+s2], $0x80, $0x38;
	[tilespmem:$0x2200] =	vst v63  }
0x25f: {  	_ =	swait.ge [sflag:s25], $0x80  }
0x260: {  	[sflag:s25] =	ssyncset.done $0x0  }
0x261: {  	[sflag:s25] =	ssyncadd.s32 $0xFFFFFF80  }
0x262: {  	[tilespmem:s28], [sflag:$0x1] =	stream.indirect.gather [hbm4b:s4+s26], $0x1, s2, s26, $0xb8;
	[tilespmem:$0x2200] =	vst v63  }
0x263: {  	_ =	swait.ge [sflag:s31], $0x80  }
0x264: {  	[sflag:s31] =	ssyncset.done $0x0  }
0x265: {  	[sflag:s31] =	ssyncadd.s32 $0xFFFFFF80  }
0x266: {  	v63 =	vld [tilespmem:$0x180]  }
0x267: {  	v9 =	vld [tilespmem:$0x190]  }
0x268: {  	v10 =	vld [tilespmem:$0x1C0]  }
0x269: {  	v11 =	vld [tilespmem:$0x1D0]  }
0x26a: {  	v12 =	vld [tilespmem:$0x1A0]  }
0x26b: {  	v13 =	vld [tilespmem:$0x1E0]  }
0x26c: {  	v14 =	vld [tilespmem:$0x1B0]  }
0x26d: {  	v15 =	vld [tilespmem:$0x1F0];
	v0 =	vadd.f32 v9, v63  }
0x26e: {  	v2 =	vadd.f32 v11, v10  }
0x26f: {  	v0 =	vadd.f32 v12, v0  }
0x270: {  	v2 =	vadd.f32 v13, v2  }
0x271: {  	v0 =	vadd.f32 v14, v0  }
0x272: {  	v1 =	vadd.f32 v15, v2  }
0x273: {  	[tilespmem:$0x1B00] =	vst v0  }
0x274: {  	[tilespmem:$0x1B80] =	vst v1  }
0x275: {  	[tilespmem:s26], [sflag:$0x3] =	stream.linear.gather [hbm4b:s18+s2], $0x80, $0x38;
	[tilespmem:$0x2200] =	vst v63  }
0x276: {  	_ =	swait.ge [sflag:s25], $0x80  }
0x277: {  	[sflag:s25] =	ssyncset.done $0x0  }
0x278: {  	[sflag:s25] =	ssyncadd.s32 $0xFFFFFF80  }
0x279: {  	[tilespmem:s29], [sflag:$0x2] =	stream.indirect.gather [hbm4b:s4+s26], $0x1, s26, s26, $0xb8;
	[tilespmem:$0x2200] =	vst v63  }
0x27a: {  	_ =	swait.ge [sflag:s30], $0x80  }
0x27b: {  	[sflag:s30] =	ssyncset.done $0x0  }
0x27c: {  	[sflag:s30] =	ssyncadd.s32 $0xFFFFFF80  }
0x27d: {  	v16 =	vld [tilespmem:$0x100]  }
0x27e: {  	v17 =	vld [tilespmem:$0x110]  }
0x27f: {  	v18 =	vld [tilespmem:$0x140]  }
0x280: {  	v19 =	vld [tilespmem:$0x150]  }
0x281: {  	v20 =	vld [tilespmem:$0x120]  }
0x282: {  	v21 =	vld [tilespmem:$0x160]  }
0x283: {  	v22 =	vld [tilespmem:$0x130]  }
0x284: {  	v23 =	vld [tilespmem:$0x170];
	v0 =	vadd.f32 v17, v16  }
0x285: {  	v2 =	vadd.f32 v19, v18  }
0x286: {  	v0 =	vadd.f32 v20, v0  }
0x287: {  	v2 =	vadd.f32 v21, v2  }
0x288: {  	v0 =	vadd.f32 v22, v0  }
0x289: {  	v1 =	vadd.f32 v23, v2  }
0x28a: {  	[tilespmem:$0x1C00] =	vst v0  }
0x28b: {  	[tilespmem:$0x1C80] =	vst v1  }
0x28c: {  	[tilespmem:s2], [sflag:$0x3] =	stream.linear.gather [hbm4b:s19+s2], $0x80, $0x38;
	[tilespmem:$0x2200] =	vst v63  }
0x28d: {  	_ =	swait.ge [sflag:s25], $0x80  }
0x28e: {  	[sflag:s25] =	ssyncset.done $0x0  }
0x28f: {  	[sflag:s25] =	ssyncadd.s32 $0xFFFFFF80  }
0x290: {  	[tilespmem:s28], [sflag:$0x1] =	stream.indirect.gather [hbm4b:s4+s26], $0x1, s2, s26, $0xb8;
	[tilespmem:$0x2200] =	vst v63  }
0x291: {  	_ =	swait.ge [sflag:s31], $0x80  }
0x292: {  	[sflag:s31] =	ssyncset.done $0x0  }
0x293: {  	[sflag:s31] =	ssyncadd.s32 $0xFFFFFF80  }
0x294: {  	v24 =	vld [tilespmem:$0x180]  }
0x295: {  	v25 =	vld [tilespmem:$0x190]  }
0x296: {  	v26 =	vld [tilespmem:$0x1C0]  }
0x297: {  	v27 =	vld [tilespmem:$0x1D0]  }
0x298: {  	v28 =	vld [tilespmem:$0x1A0]  }
0x299: {  	v29 =	vld [tilespmem:$0x1E0]  }
0x29a: {  	v30 =	vld [tilespmem:$0x1B0]  }
0x29b: {  	v31 =	vld [tilespmem:$0x1F0];
	v0 =	vadd.f32 v25, v24  }
0x29c: {  	v2 =	vadd.f32 v27, v26  }
0x29d: {  	v0 =	vadd.f32 v28, v0  }
0x29e: {  	v2 =	vadd.f32 v29, v2  }
0x29f: {  	v0 =	vadd.f32 v30, v0  }
0x2a0: {  	v1 =	vadd.f32 v31, v2  }
0x2a1: {  	[tilespmem:$0x1D00] =	vst v0  }
0x2a2: {  	[tilespmem:$0x1D80] =	vst v1  }
0x2a3: {  	[tilespmem:s26], [sflag:$0x3] =	stream.linear.gather [hbm4b:s20+s2], $0x80, $0x38;
	[tilespmem:$0x2200] =	vst v63  }
0x2a4: {  	_ =	swait.ge [sflag:s25], $0x80  }
0x2a5: {  	[sflag:s25] =	ssyncset.done $0x0  }
0x2a6: {  	[sflag:s25] =	ssyncadd.s32 $0xFFFFFF80  }
0x2a7: {  	[tilespmem:s29], [sflag:$0x2] =	stream.indirect.gather [hbm4b:s4+s26], $0x1, s26, s26, $0xb8;
	[tilespmem:$0x2200] =	vst v63  }
0x2a8: {  	_ =	swait.ge [sflag:s30], $0x80  }
0x2a9: {  	[sflag:s30] =	ssyncset.done $0x0  }
0x2aa: {  	[sflag:s30] =	ssyncadd.s32 $0xFFFFFF80  }
0x2ab: {  	v32 =	vld [tilespmem:$0x100]  }
0x2ac: {  	v33 =	vld [tilespmem:$0x110]  }
0x2ad: {  	v34 =	vld [tilespmem:$0x140]  }
0x2ae: {  	v35 =	vld [tilespmem:$0x150]  }
0x2af: {  	v36 =	vld [tilespmem:$0x120]  }
0x2b0: {  	v37 =	vld [tilespmem:$0x160]  }
0x2b1: {  	v38 =	vld [tilespmem:$0x130]  }
0x2b2: {  	v39 =	vld [tilespmem:$0x170];
	v0 =	vadd.f32 v33, v32  }
0x2b3: {  	v2 =	vadd.f32 v35, v34  }
0x2b4: {  	v0 =	vadd.f32 v36, v0  }
0x2b5: {  	v2 =	vadd.f32 v37, v2  }
0x2b6: {  	v0 =	vadd.f32 v38, v0  }
0x2b7: {  	v1 =	vadd.f32 v39, v2  }
0x2b8: {  	[tilespmem:$0x1E00] =	vst v0  }
0x2b9: {  	[tilespmem:$0x1E80] =	vst v1  }
0x2ba: {  	[tilespmem:s2], [sflag:$0x3] =	stream.linear.gather [hbm4b:s21+s2], $0x80, $0x38;
	[tilespmem:$0x2200] =	vst v63  }
0x2bb: {  	_ =	swait.ge [sflag:s25], $0x80  }
0x2bc: {  	[sflag:s25] =	ssyncset.done $0x0  }
0x2bd: {  	[sflag:s25] =	ssyncadd.s32 $0xFFFFFF80  }
0x2be: {  	[tilespmem:s28], [sflag:$0x1] =	stream.indirect.gather [hbm4b:s4+s26], $0x1, s2, s26, $0xb8;
	[tilespmem:$0x2200] =	vst v63  }
0x2bf: {  	_ =	swait.ge [sflag:s31], $0x80  }
0x2c0: {  	[sflag:s31] =	ssyncset.done $0x0  }
0x2c1: {  	[sflag:s31] =	ssyncadd.s32 $0xFFFFFF80  }
0x2c2: {  	v40 =	vld [tilespmem:$0x180]  }
0x2c3: {  	v41 =	vld [tilespmem:$0x190]  }
0x2c4: {  	v42 =	vld [tilespmem:$0x1C0]  }
0x2c5: {  	v43 =	vld [tilespmem:$0x1D0]  }
0x2c6: {  	v44 =	vld [tilespmem:$0x1A0]  }
0x2c7: {  	v45 =	vld [tilespmem:$0x1E0]  }
0x2c8: {  	v46 =	vld [tilespmem:$0x1B0]  }
0x2c9: {  	v47 =	vld [tilespmem:$0x1F0];
	v0 =	vadd.f32 v41, v40  }
0x2ca: {  	v2 =	vadd.f32 v43, v42  }
0x2cb: {  	v0 =	vadd.f32 v44, v0  }
0x2cc: {  	v2 =	vadd.f32 v45, v2  }
0x2cd: {  	v0 =	vadd.f32 v46, v0  }
0x2ce: {  	v1 =	vadd.f32 v47, v2  }
0x2cf: {  	[tilespmem:$0x1F00] =	vst v0  }
0x2d0: {  	[tilespmem:$0x1F80] =	vst v1  }
0x2d1: {  	[tilespmem:s26], [sflag:$0x3] =	stream.linear.gather [hbm4b:s22+s2], $0x80, $0x38;
	[tilespmem:$0x2200] =	vst v63  }
0x2d2: {  	_ =	swait.ge [sflag:s25], $0x80  }
0x2d3: {  	[sflag:s25] =	ssyncset.done $0x0  }
0x2d4: {  	[sflag:s25] =	ssyncadd.s32 $0xFFFFFF80  }
0x2d5: {  	[tilespmem:s29], [sflag:$0x2] =	stream.indirect.gather [hbm4b:s4+s26], $0x1, s26, s26, $0xb8;
	[tilespmem:$0x2200] =	vst v63  }
0x2d6: {  	_ =	swait.ge [sflag:s30], $0x80  }
0x2d7: {  	[sflag:s30] =	ssyncset.done $0x0  }
0x2d8: {  	[sflag:s30] =	ssyncadd.s32 $0xFFFFFF80  }
0x2d9: {  	v48 =	vld [tilespmem:$0x100]  }
0x2da: {  	v49 =	vld [tilespmem:$0x110]  }
0x2db: {  	v50 =	vld [tilespmem:$0x140]  }
0x2dc: {  	v51 =	vld [tilespmem:$0x150]  }
0x2dd: {  	v52 =	vld [tilespmem:$0x120]  }
0x2de: {  	v53 =	vld [tilespmem:$0x160]  }
0x2df: {  	v54 =	vld [tilespmem:$0x130]  }
0x2e0: {  	v55 =	vld [tilespmem:$0x170];
	v0 =	vadd.f32 v49, v48  }
0x2e1: {  	v2 =	vadd.f32 v51, v50  }
0x2e2: {  	v0 =	vadd.f32 v52, v0  }
0x2e3: {  	v2 =	vadd.f32 v53, v2  }
0x2e4: {  	v0 =	vadd.f32 v54, v0  }
0x2e5: {  	v1 =	vadd.f32 v55, v2  }
0x2e6: {  	[tilespmem:$0x2000] =	vst v0  }
0x2e7: {  	[tilespmem:$0x2080] =	vst v1  }
0x2e8: {  	_ =	swait.ge [sflag:s31], $0x80  }
0x2e9: {  	[sflag:s31] =	ssyncset.done $0x0  }
0x2ea: {  	[sflag:s31] =	ssyncadd.s32 $0xFFFFFF80  }
0x2eb: {  	v56 =	vld [tilespmem:$0x180]  }
0x2ec: {  	v57 =	vld [tilespmem:$0x190]  }
0x2ed: {  	v58 =	vld [tilespmem:$0x1C0]  }
0x2ee: {  	v59 =	vld [tilespmem:$0x1D0]  }
0x2ef: {  	v60 =	vld [tilespmem:$0x1A0]  }
0x2f0: {  	v61 =	vld [tilespmem:$0x1E0]  }
0x2f1: {  	v62 =	vld [tilespmem:$0x1B0]  }
0x2f2: {  	v63 =	vld [tilespmem:$0x1F0];
	v0 =	vadd.f32 v57, v56  }
0x2f3: {  	v2 =	vadd.f32 v59, v58  }
0x2f4: {  	v0 =	vadd.f32 v60, v0  }
0x2f5: {  	v2 =	vadd.f32 v61, v2  }
0x2f6: {  	v0 =	vadd.f32 v62, v0  }
0x2f7: {  	v1 =	vadd.f32 v63, v2  }
0x2f8: {  	p0 =	sne.s32 s24, $0x1;
	[tilespmem:$0x2100] =	vst v0  }
.Ltmp0:
0x2f9: {  	[tilespmem:$0x2180] =	vst v1;
	(pc) =	sbr.rel @p0 .LBB2_1-.Ltmp0, $4  }
0x2fa: {  	[hbm4b:s23+s2] =	stream.linear.scatter [tilespmem:s1], [sflag:$0x3], $0x2000, $0x38;
	[tilespmem:$0x2200] =	vst v63  }
0x2fb: {  	_ =	swait.ge [sflag:s25], $0x2000  }
0x2fc: {  	[sflag:s25] =	ssyncset.done $0x0  }
0x2fd: {  	s24 =	sadd.s32 $0xFFFFFFFF, s24;
	[sflag:s25] =	ssyncadd.s32 $0xFFFFE000  }
0x2fe: {  	_ =	sfence.sel $0x180000  }
0x2ff: {  	[bflag:$0x0] =	sbarrier.arrive $0xFFFF  }
0x300: {  	_ =	strace $0x9000004A  }
0x301: {  	s0 =	stileid.u32;
	[bflag:$0x2] =	sbarrier.arrive $0xFFFF  }
0x302: {  	p0 =	sne.s32 s0, $0x0;
	s0 =	rddreg [dreg:$0x2]  }
0x303: {  	s0 =	sadd.s32 @!p0 $0x100000, s0  }
0x304: {  	[sflag:s0] =	ssyncadd.tile.s32 @!p0 $0x1;
	_ =	shalt  }
.Lfunc_end2:
_tile_overlayer_lowered:
.L_overlay_start_2:
0x305: {  	(tag) =	ssettag $0x2  }
0x306: {  	s0 =	rddreg [dreg:$0x0];
	s2 =	stileid.u32  }
0x307: {  	s1 =	rddreg [dreg:$0x1];
	p0 =	sne.s32 s2, $0x0  }
0x308: {  	s3 =	rddreg [dreg:$0x2];
	[bflag:$0x3] =	sbarrier.arrive $0xFFFF;
	s2 =	simm.s32 @!p0 $0x1C03  }
0x309: {  	[timem:s3], [sflag:s2] =	dma.local @!p0 [hbm:s0], s1  }
0x30a: {  	s0 =	simm.s32 @!p0 $0x3  }
0x30b: {  	_ =	swait.ge @!p0 [sflag:s0], s1  }
0x30c: {  	s1 =	ssub.s32 @!p0 $0x0, s1;
	[sflag:s0] =	ssyncset.done @!p0 $0x0  }
0x30d: {  	[sflag:s0] =	ssyncadd.s32 @!p0 s1  }
0x30e: {  	[bflag:$0x3] =	sbarrier.arrive $0xFFFF  }
0x30f: {  	_ =	shalt  }

</sc_bundles>
